<compile_context>
chip_gen: v7x
topology: tpu7x:2x2x1
jax: 0.10.2.dev20260603
libtpu: 0.0.44.dev20260713+nightly
codegen_flags: <defaults>
</compile_context>

<pallas_src>
import functools

import jax
import jax.numpy as jnp
from jax import lax
from jax.experimental import pallas as pl
from jax.experimental.pallas import tpu as pltpu
from jax.experimental.pallas import tpu_sc as plsc

N = 10000
D = 128
NC = 2
NS = 16
NW = NC * NS
EPT = 10000
CH = 128
NCH = 80
NBLK = 10
ACC_ROWS = 10112
STRIPE = ACC_ROWS // NS


def _prep_edges(edge_index):
    src = edge_index[0].reshape(NW, EPT)
    dst = edge_index[1].reshape(NW, EPT)
    pad = NCH * CH - EPT
    src_p = jnp.concatenate(
        [src, jnp.zeros((NW, pad), jnp.int32)], axis=1).reshape(NW, NCH, CH)
    dst_p = jnp.concatenate(
        [dst, jnp.full((NW, pad), N, jnp.int32)], axis=1).reshape(NW, NCH, CH)
    return src_p, dst_p


def _sc_agg(h, src_p, dst_p, zeros):

    @functools.partial(
        pl.kernel,
        out_type=jax.ShapeDtypeStruct((NC, ACC_ROWS, D), jnp.float32),
        mesh=plsc.VectorSubcoreMesh(core_axis_name="c", subcore_axis_name="s"),
        scratch_types=[
            pltpu.VMEM((NCH, CH), jnp.int32),
            [pltpu.VMEM((8, CH), jnp.int32)] * 2,
            [pltpu.VMEM((CH, D), jnp.float32)] * 2,
            pltpu.VMEM_SHARED((ACC_ROWS, D), jnp.float32),
            [pltpu.SemaphoreType.DMA] * 2,
            [pltpu.SemaphoreType.DMA] * 2,
            [pltpu.SemaphoreType.DMA] * 2,
        ],
    )
    def k(h_hbm, src_hbm, dst_hbm, z_hbm, out_hbm, dst_v, sblk, rows, acc,
          gsem, ssem, bsem):
        c = lax.axis_index("c")
        s = lax.axis_index("s")
        w = c * NS + s
        pltpu.sync_copy(z_hbm.at[pl.ds(s * STRIPE, STRIPE)],
                        acc.at[pl.ds(s * STRIPE, STRIPE)])
        pltpu.sync_copy(dst_hbm.at[w], dst_v)
        pltpu.sync_copy(src_hbm.at[w, pl.ds(0, 8)], sblk[0])
        plsc.subcore_barrier()

        def _wait(sem, buf):
            if buf.dtype == jnp.int32:
                src = src_hbm.at[0, pl.ds(0, buf.shape[0])]
            else:
                src = h_hbm.at[pl.ds(0, buf.shape[0])]
            pltpu.make_async_copy(src, buf, sem).wait()

        def _wait_scatter(sem):
            pltpu.make_async_copy(rows[0], acc.at[dst_v.at[0]], sem).wait()

        def _gather(idx_row, buf, sem):
            pltpu.async_copy(h_hbm.at[idx_row.at[pl.ds(0, CH // 2)]],
                             buf.at[pl.ds(0, CH // 2)], sem)
            pltpu.async_copy(h_hbm.at[idx_row.at[pl.ds(CH // 2, CH // 2)]],
                             buf.at[pl.ds(CH // 2, CH // 2)], sem)

        _gather(sblk[0].at[0], rows[0], gsem[0])

        def body(t, carry):
            for b in range(16):
                j = t * 16 + b
                p = b % 2
                q = 1 - p
                if b == 0:
                    pltpu.async_copy(src_hbm.at[w, pl.ds((t * 2 + 1) * 8, 8)],
                                     sblk[1], bsem[1])
                if b == 8:
                    @pl.when(t < (NBLK // 2) - 1)
                    def _():
                        pltpu.async_copy(
                            src_hbm.at[w, pl.ds((t * 2 + 2) * 8, 8)],
                            sblk[0], bsem[0])
                _wait(gsem[p], rows[p])
                pltpu.async_copy(rows[p], acc.at[dst_v.at[j]], ssem[p],
                                 add=True)
                if b == 7:
                    _wait(bsem[1], sblk[1])
                nxt = sblk[(b + 1) // 8 % 2].at[(b + 1) % 8]

                def _issue_next():
                    _wait_scatter(ssem[q])
                    _gather(nxt, rows[q], gsem[q])

                if b == 15:
                    @pl.when(t < (NCH // 16) - 1)
                    def _():
                        _wait(bsem[0], sblk[0])
                        _issue_next()
                elif b == 0:
                    @pl.when(t > 0)
                    def _():
                        _issue_next()

                    @pl.when(t == 0)
                    def _():
                        _gather(nxt, rows[q], gsem[q])
                else:
                    _issue_next()
            return carry

        lax.fori_loop(0, NCH // 16, body, 0)
        _wait_scatter(ssem[0])
        _wait_scatter(ssem[1])
        plsc.subcore_barrier()
        pltpu.sync_copy(acc.at[pl.ds(s * STRIPE, STRIPE)],
                        out_hbm.at[c, pl.ds(s * STRIPE, STRIPE)])

    return k(h, src_p, dst_p, zeros)


def _layernorm(h, g, b):
    m = jnp.mean(h, axis=-1, keepdims=True)
    v = jnp.mean((h - m) ** 2, axis=-1, keepdims=True)
    return (h - m) / jnp.sqrt(v + 1e-5) * g + b


ROWS_BLK = 1000
_row_spec = pl.BlockSpec((ROWS_BLK, D), lambda i: (i, 0))
_w_spec = pl.BlockSpec((D, D), lambda i: (0, 0))
_v_spec = pl.BlockSpec((1, D), lambda i: (0, 0))


def _mlp_body(x_ref, p0_ref, p1_ref, w1_ref, b1_ref, w2_ref, b2_ref, g_ref,
              bn_ref, o_ref):
    h = x_ref[...] + p0_ref[...] + p1_ref[...]
    h = jnp.maximum(
        jnp.dot(h, w1_ref[...], preferred_element_type=jnp.float32)
        + b1_ref[...], 0.0)
    h = jnp.maximum(
        jnp.dot(h, w2_ref[...], preferred_element_type=jnp.float32)
        + b2_ref[...], 0.0)
    o_ref[...] = _layernorm(h, g_ref[...], bn_ref[...])


def _tc_mlp(x, p0, p1, w1, b1, w2, b2, g, bn):
    return pl.pallas_call(
        _mlp_body,
        out_shape=jax.ShapeDtypeStruct((N, D), jnp.float32),
        grid=(N // ROWS_BLK,),
        in_specs=[_row_spec, _row_spec, _row_spec,
                  _w_spec, _v_spec, _w_spec, _v_spec, _v_spec, _v_spec],
        out_specs=_row_spec,
    )(x, p0, p1, w1, b1.reshape(1, D), w2, b2.reshape(1, D),
      g.reshape(1, D), bn.reshape(1, D))


def _final_body(x_ref, p0_ref, p1_ref, w1_ref, b1_ref, w2_ref, b2_ref, g_ref,
                bn_ref, l1w_ref, l1b_ref, l2w_ref, l2b_ref, mu_ref, lv_ref):
    h = x_ref[...] + p0_ref[...] + p1_ref[...]
    h = jnp.maximum(
        jnp.dot(h, w1_ref[...], preferred_element_type=jnp.float32)
        + b1_ref[...], 0.0)
    h = jnp.maximum(
        jnp.dot(h, w2_ref[...], preferred_element_type=jnp.float32)
        + b2_ref[...], 0.0)
    h = jnp.maximum(_layernorm(h, g_ref[...], bn_ref[...]), 0.0)
    mu_ref[...] = jnp.dot(
        h, l1w_ref[...], preferred_element_type=jnp.float32) + l1b_ref[...]
    lv_ref[...] = jnp.dot(
        h, l2w_ref[...], preferred_element_type=jnp.float32) + l2b_ref[...]


def _tc_final(x, p0, p1, w1, b1, w2, b2, g, bn, l1w, l1b, l2w, l2b):
    return pl.pallas_call(
        _final_body,
        out_shape=(jax.ShapeDtypeStruct((N, D), jnp.float32),
                   jax.ShapeDtypeStruct((N, D), jnp.float32)),
        grid=(N // ROWS_BLK,),
        in_specs=[_row_spec, _row_spec, _row_spec,
                  _w_spec, _v_spec, _w_spec, _v_spec, _v_spec, _v_spec,
                  _w_spec, _v_spec, _w_spec, _v_spec],
        out_specs=(_row_spec, _row_spec),
    )(x, p0, p1, w1, b1.reshape(1, D), w2, b2.reshape(1, D),
      g.reshape(1, D), bn.reshape(1, D),
      l1w, l1b.reshape(1, D), l2w, l2b.reshape(1, D))


def kernel(x, edge_index,
           c1_W1, c1_b1, c1_W2, c1_b2, c1_g, c1_bn,
           c2_W1, c2_b1, c2_W2, c2_b2, c2_g, c2_bn,
           c3_W1, c3_b1, c3_W2, c3_b2, c3_g, c3_bn,
           lin1_W, lin1_b, lin2_W, lin2_b):
    src_p, dst_p = _prep_edges(edge_index)
    zeros = jnp.zeros((ACC_ROWS, D), jnp.float32)

    p = _sc_agg(x, src_p, dst_p, zeros)
    h = _tc_mlp(x, p[0], p[1], c1_W1, c1_b1, c1_W2, c1_b2, c1_g, c1_bn)
    p = _sc_agg(h, src_p, dst_p, zeros)
    h = _tc_mlp(h, p[0], p[1], c2_W1, c2_b1, c2_W2, c2_b2, c2_g, c2_bn)
    p = _sc_agg(h, src_p, dst_p, zeros)
    mu, logvar = _tc_final(h, p[0], p[1], c3_W1, c3_b1, c3_W2, c3_b2, c3_g,
                           c3_bn, lin1_W, lin1_b, lin2_W, lin2_b)
    return (mu, logvar)

# --- scband reference (transcript-rebuilt; emitter-appended) ---
"""Pipeline reference for scband-gin-encoder-33397665693785 (READ-ONLY COPY).

The authoritative reference and input builder live on the scoring server;
editing this copy changes nothing except your own understanding.
"""

import jax, jax.numpy as jnp
import numpy as np

N = 10000
E = 320000
D = 128
H = 128
L = 128


def _layernorm(h, g, b):
    m = jnp.mean(h, axis=-1, keepdims=True)
    v = jnp.mean((h - m) ** 2, axis=-1, keepdims=True)
    return (h - m) / jnp.sqrt(v + 1e-5) * g + b


def _mlp(h, W1, b1, W2, b2, g, bb):
    h = jax.nn.relu(h @ W1 + b1)
    h = jax.nn.relu(h @ W2 + b2)
    return _layernorm(h, g, bb)


def _gin(x, src, dst, W1, b1, W2, b2, g, bb):
    # GINConv with train_eps=False, eps=0: out = mlp((1+0)*x + sum_{j in N(i)} x_j)
    agg = jax.ops.segment_sum(x[src], dst, num_segments=N)
    return _mlp(x + agg, W1, b1, W2, b2, g, bb)


def setup_inputs(seed: int = 0) -> dict:
    key = jax.random.key(seed)
    ks = jax.random.split(key, 30)

    def lin(k, i, o):
        s = 1.0 / np.sqrt(i)
        return jax.random.uniform(k, (i, o), minval=-s, maxval=s, dtype=jnp.float32)

    inp = {}
    inp["x"] = jax.random.normal(ks[0], (N, D), dtype=jnp.float32)
    inp["edge_index"] = jax.random.randint(ks[1], (2, E), 0, N, dtype=jnp.int32)
    dims = [(D, H), (H, H), (H, H)]
    for li, (di, do) in enumerate(dims, start=1):
        inp[f"c{li}_W1"] = lin(ks[2 + li * 6], di, do)
        inp[f"c{li}_b1"] = jnp.zeros((do,), jnp.float32)
        inp[f"c{li}_W2"] = lin(ks[3 + li * 6], do, do)
        inp[f"c{li}_b2"] = jnp.zeros((do,), jnp.float32)
        inp[f"c{li}_g"] = jnp.ones((do,), jnp.float32)
        inp[f"c{li}_bn"] = jnp.zeros((do,), jnp.float32)
    inp["lin1_W"] = lin(ks[26], H, L)
    inp["lin1_b"] = jnp.zeros((L,), jnp.float32)
    inp["lin2_W"] = lin(ks[27], H, L)
    inp["lin2_b"] = jnp.zeros((L,), jnp.float32)
    return inp


def reference(x, edge_index,
              c1_W1, c1_b1, c1_W2, c1_b2, c1_g, c1_bn,
              c2_W1, c2_b1, c2_W2, c2_b2, c2_g, c2_bn,
              c3_W1, c3_b1, c3_W2, c3_b2, c3_g, c3_bn,
              lin1_W, lin1_b, lin2_W, lin2_b):
    src = edge_index[0]
    dst = edge_index[1]
    h = _gin(x, src, dst, c1_W1, c1_b1, c1_W2, c1_b2, c1_g, c1_bn)
    h = _gin(h, src, dst, c2_W1, c2_b1, c2_W2, c2_b2, c2_g, c2_bn)
    h = _gin(h, src, dst, c3_W1, c3_b1, c3_W2, c3_b2, c3_g, c3_bn)
    h = jax.nn.relu(h)
    mu = h @ lin1_W + lin1_b
    logvar = h @ lin2_W + lin2_b
    return (mu, logvar)

if __name__ == "__main__":
    import jax
    _d = setup_inputs()
    print(jax.jit(kernel)(*tuple(_d.values())))

</pallas_src>

<mosaic_0001>
#map = affine_map<(d0, d1) -> (0, 0)>
#map1 = affine_map<(d0, d1) -> (0, 0, 0)>
module attributes {stable_mosaic.version = 14 : i64} {
  func.func @k(%arg0: i32, %arg1: i32, %arg2: memref<10000x128xf32, #tpu.memory_space<hbm>>, %arg3: memref<32x80x128xi32, #tpu.memory_space<hbm>>, %arg4: memref<32x80x128xi32, #tpu.memory_space<hbm>>, %arg5: memref<10112x128xf32, #tpu.memory_space<hbm>>, %arg6: memref<2x10112x128xf32, #tpu.memory_space<hbm>>, %arg7: memref<80x128xi32, #tpu.memory_space<vmem>>, %arg8: memref<8x128xi32, #tpu.memory_space<vmem>>, %arg9: memref<8x128xi32, #tpu.memory_space<vmem>>, %arg10: memref<128x128xf32, #tpu.memory_space<vmem>>, %arg11: memref<128x128xf32, #tpu.memory_space<vmem>>, %arg12: memref<10112x128xf32, #tpu.memory_space<vmem_shared>>, %arg13: memref<!tpu.dma_semaphore, #tpu.memory_space<semaphore_mem>>, %arg14: memref<!tpu.dma_semaphore, #tpu.memory_space<semaphore_mem>>, %arg15: memref<!tpu.dma_semaphore, #tpu.memory_space<semaphore_mem>>, %arg16: memref<!tpu.dma_semaphore, #tpu.memory_space<semaphore_mem>>, %arg17: memref<!tpu.dma_semaphore, #tpu.memory_space<semaphore_mem>>, %arg18: memref<!tpu.dma_semaphore, #tpu.memory_space<semaphore_mem>>) attributes {dimension_semantics = [#tpu.dimension_semantics<core_parallel>, #tpu.dimension_semantics<subcore_parallel>], iteration_bounds = array<i64: 2, 16>, scalar_prefetch = 0 : i64, scratch_operands = 12 : i64, tpu.core_type = #tpu.core_type<sc_vector_subcore>, window_params = [{transform_indices = #map}, {transform_indices = #map1}, {transform_indices = #map1}, {transform_indices = #map}, {transform_indices = #map1}]} {
    %mul3A = arith.constant 16 : i32
    %mul3A_0 = arith.muli %arg0, %mul3A : i32
    %add3A = arith.addi %mul3A_0, %arg1 : i32
    %mul3A_1 = arith.constant 632 : i32
    %mul3A_2 = arith.muli %arg1, %mul3A_1 : i32
    %mul3A_3 = arith.constant 632 : i32
    %mul3A_4 = arith.muli %arg1, %mul3A_3 : i32
    "tpu.region"() ({
      %run_scoped3A = tpu.sem_alloc : memref<!tpu.dma_semaphore, #tpu.memory_space<semaphore_mem>>
      %dma_start3A_51 = arith.constant 0 : i32
      %dma_start3A_52 = tpu.memref_slice %arg12[%mul3A_4, %dma_start3A_51] : memref<10112x128xf32, #tpu.memory_space<vmem_shared>> -> memref<632x128xf32, #tpu.memory_space<vmem_shared>>
      %dma_start3A_53 = arith.constant 0 : i32
      %dma_start3A_54 = tpu.memref_slice %arg5[%mul3A_2, %dma_start3A_53] : memref<10112x128xf32, #tpu.memory_space<hbm>> -> memref<632x128xf32, #tpu.memory_space<hbm>>
      tpu.enqueue_dma source(%dma_start3A_54 : memref<632x128xf32, #tpu.memory_space<hbm>>) target(%dma_start3A_52 : memref<632x128xf32, #tpu.memory_space<vmem_shared>>) target_semaphore(%run_scoped3A : memref<!tpu.dma_semaphore, #tpu.memory_space<semaphore_mem>>)
      %dma_wait3A_55 = arith.constant 0 : i32
      %dma_wait3A_56 = tpu.memref_slice %arg12[%mul3A_4, %dma_wait3A_55] : memref<10112x128xf32, #tpu.memory_space<vmem_shared>> -> memref<632x128xf32, #tpu.memory_space<vmem_shared>>
      %dma_wait3A_57 = arith.constant 0 : i32
      %dma_wait3A_58 = tpu.memref_slice %arg5[%mul3A_2, %dma_wait3A_57] : memref<10112x128xf32, #tpu.memory_space<hbm>> -> memref<632x128xf32, #tpu.memory_space<hbm>>
      tpu.wait_dma2 semaphore(%run_scoped3A : memref<!tpu.dma_semaphore, #tpu.memory_space<semaphore_mem>>) src(%dma_wait3A_58 : memref<632x128xf32, #tpu.memory_space<hbm>>) dst(%dma_wait3A_56 : memref<632x128xf32, #tpu.memory_space<vmem_shared>>)
      tpu.yield
    }) : () -> ()
    "tpu.region"() ({
      %run_scoped3A = tpu.sem_alloc : memref<!tpu.dma_semaphore, #tpu.memory_space<semaphore_mem>>
      %dma_start3A_51 = arith.constant 0 : i32
      %dma_start3A_52 = arith.constant 0 : i32
      %dma_start3A_53 = tpu.memref_slice %arg4[%add3A, %dma_start3A_51, %dma_start3A_52] : memref<32x80x128xi32, #tpu.memory_space<hbm>> -> memref<1x80x128xi32, #tpu.memory_space<hbm>>
      %dma_start3A_54 = tpu.memref_squeeze %dma_start3A_53 : memref<1x80x128xi32, #tpu.memory_space<hbm>> -> memref<80x128xi32, #tpu.memory_space<hbm>>
      %dma_start3A_55 = arith.constant 0 : i32
      %dma_start3A_56 = arith.constant 0 : i32
      %dma_start3A_57 = tpu.memref_slice %arg4[%add3A, %dma_start3A_55, %dma_start3A_56] : memref<32x80x128xi32, #tpu.memory_space<hbm>> -> memref<1x80x128xi32, #tpu.memory_space<hbm>>
      %dma_start3A_58 = tpu.memref_squeeze %dma_start3A_57 : memref<1x80x128xi32, #tpu.memory_space<hbm>> -> memref<80x128xi32, #tpu.memory_space<hbm>>
      tpu.enqueue_dma source(%dma_start3A_58 : memref<80x128xi32, #tpu.memory_space<hbm>>) target(%arg7 : memref<80x128xi32, #tpu.memory_space<vmem>>) target_semaphore(%run_scoped3A : memref<!tpu.dma_semaphore, #tpu.memory_space<semaphore_mem>>)
      %dma_wait3A_59 = arith.constant 0 : i32
      %dma_wait3A_60 = arith.constant 0 : i32
      %dma_wait3A_61 = tpu.memref_slice %arg4[%add3A, %dma_wait3A_59, %dma_wait3A_60] : memref<32x80x128xi32, #tpu.memory_space<hbm>> -> memref<1x80x128xi32, #tpu.memory_space<hbm>>
      %dma_wait3A_62 = tpu.memref_squeeze %dma_wait3A_61 : memref<1x80x128xi32, #tpu.memory_space<hbm>> -> memref<80x128xi32, #tpu.memory_space<hbm>>
      %dma_wait3A_63 = arith.constant 0 : i32
      %dma_wait3A_64 = arith.constant 0 : i32
      %dma_wait3A_65 = tpu.memref_slice %arg4[%add3A, %dma_wait3A_63, %dma_wait3A_64] : memref<32x80x128xi32, #tpu.memory_space<hbm>> -> memref<1x80x128xi32, #tpu.memory_space<hbm>>
      %dma_wait3A_66 = tpu.memref_squeeze %dma_wait3A_65 : memref<1x80x128xi32, #tpu.memory_space<hbm>> -> memref<80x128xi32, #tpu.memory_space<hbm>>
      tpu.wait_dma2 semaphore(%run_scoped3A : memref<!tpu.dma_semaphore, #tpu.memory_space<semaphore_mem>>) src(%dma_wait3A_66 : memref<80x128xi32, #tpu.memory_space<hbm>>) dst(%arg7 : memref<80x128xi32, #tpu.memory_space<vmem>>)
      tpu.yield
    }) : () -> ()
    "tpu.region"() ({
      %run_scoped3A = tpu.sem_alloc : memref<!tpu.dma_semaphore, #tpu.memory_space<semaphore_mem>>
      %dma_start3A_51 = arith.constant 0 : i32
      %dma_start3A_52 = arith.constant 0 : i32
      %dma_start3A_53 = tpu.memref_slice %arg3[%add3A, %dma_start3A_51, %dma_start3A_52] : memref<32x80x128xi32, #tpu.memory_space<hbm>> -> memref<1x8x128xi32, #tpu.memory_space<hbm>>
      %dma_start3A_54 = tpu.memref_squeeze %dma_start3A_53 : memref<1x8x128xi32, #tpu.memory_space<hbm>> -> memref<8x128xi32, #tpu.memory_space<hbm>>
      %dma_start3A_55 = arith.constant 0 : i32
      %dma_start3A_56 = arith.constant 0 : i32
      %dma_start3A_57 = tpu.memref_slice %arg3[%add3A, %dma_start3A_55, %dma_start3A_56] : memref<32x80x128xi32, #tpu.memory_space<hbm>> -> memref<1x8x128xi32, #tpu.memory_space<hbm>>
      %dma_start3A_58 = tpu.memref_squeeze %dma_start3A_57 : memref<1x8x128xi32, #tpu.memory_space<hbm>> -> memref<8x128xi32, #tpu.memory_space<hbm>>
      tpu.enqueue_dma source(%dma_start3A_58 : memref<8x128xi32, #tpu.memory_space<hbm>>) target(%arg8 : memref<8x128xi32, #tpu.memory_space<vmem>>) target_semaphore(%run_scoped3A : memref<!tpu.dma_semaphore, #tpu.memory_space<semaphore_mem>>)
      %dma_wait3A_59 = arith.constant 0 : i32
      %dma_wait3A_60 = arith.constant 0 : i32
      %dma_wait3A_61 = tpu.memref_slice %arg3[%add3A, %dma_wait3A_59, %dma_wait3A_60] : memref<32x80x128xi32, #tpu.memory_space<hbm>> -> memref<1x8x128xi32, #tpu.memory_space<hbm>>
      %dma_wait3A_62 = tpu.memref_squeeze %dma_wait3A_61 : memref<1x8x128xi32, #tpu.memory_space<hbm>> -> memref<8x128xi32, #tpu.memory_space<hbm>>
      %dma_wait3A_63 = arith.constant 0 : i32
      %dma_wait3A_64 = arith.constant 0 : i32
      %dma_wait3A_65 = tpu.memref_slice %arg3[%add3A, %dma_wait3A_63, %dma_wait3A_64] : memref<32x80x128xi32, #tpu.memory_space<hbm>> -> memref<1x8x128xi32, #tpu.memory_space<hbm>>
      %dma_wait3A_66 = tpu.memref_squeeze %dma_wait3A_65 : memref<1x8x128xi32, #tpu.memory_space<hbm>> -> memref<8x128xi32, #tpu.memory_space<hbm>>
      tpu.wait_dma2 semaphore(%run_scoped3A : memref<!tpu.dma_semaphore, #tpu.memory_space<semaphore_mem>>) src(%dma_wait3A_66 : memref<8x128xi32, #tpu.memory_space<hbm>>) dst(%arg8 : memref<8x128xi32, #tpu.memory_space<vmem>>)
      tpu.yield
    }) : () -> ()
    %barrier3A = arith.constant 0 : index
    tpu.barrier barrier_id(%barrier3A)
    %dma_start3A = arith.constant 0 : i32
    %dma_start3A_5 = arith.constant 0 : i32
    %dma_start3A_6 = arith.constant 0 : i32
    %dma_start3A_7 = tpu.memref_slice %arg10[%dma_start3A_5, %dma_start3A_6] : memref<128x128xf32, #tpu.memory_space<vmem>> -> memref<64x128xf32, #tpu.memory_space<vmem>>
    %dma_start3A_8 = arith.constant 0 : i32
    %dma_start3A_9 = tpu.memref_slice %arg8[%dma_start3A, %dma_start3A_8] : memref<8x128xi32, #tpu.memory_space<vmem>> -> memref<1x128xi32, #tpu.memory_space<vmem>>
    %dma_start3A_10 = tpu.memref_squeeze %dma_start3A_9 : memref<1x128xi32, #tpu.memory_space<vmem>> -> memref<128xi32, #tpu.memory_space<vmem>>
    %dma_start3A_11 = arith.constant 0 : i32
    %dma_start3A_12 = tpu.memref_slice %dma_start3A_10[%dma_start3A_11] : memref<128xi32, #tpu.memory_space<vmem>> -> memref<64xi32, #tpu.memory_space<vmem>>
    %dma_start3A_13 = arith.constant 0 : i32
    %dma_start3A_14 = arith.constant 0 : i32
    %dma_start3A_15 = tpu.memref_slice %arg2[%dma_start3A_13, %dma_start3A_14] : memref<10000x128xf32, #tpu.memory_space<hbm>> -> memref<10000x128xf32, #tpu.memory_space<hbm>>
    tpu.enqueue_indirect_dma source(%dma_start3A_15 : memref<10000x128xf32, #tpu.memory_space<hbm>>) target(%dma_start3A_7 : memref<64x128xf32, #tpu.memory_space<vmem>>) offsets(%dma_start3A_12 : memref<64xi32, #tpu.memory_space<vmem>>) semaphore(%arg13 : memref<!tpu.dma_semaphore, #tpu.memory_space<semaphore_mem>>)
    %dma_start3A_16 = arith.constant 0 : i32
    %dma_start3A_17 = arith.constant 64 : i32
    %dma_start3A_18 = arith.constant 0 : i32
    %dma_start3A_19 = tpu.memref_slice %arg10[%dma_start3A_17, %dma_start3A_18] : memref<128x128xf32, #tpu.memory_space<vmem>> -> memref<64x128xf32, #tpu.memory_space<vmem>>
    %dma_start3A_20 = arith.constant 0 : i32
    %dma_start3A_21 = tpu.memref_slice %arg8[%dma_start3A_16, %dma_start3A_20] : memref<8x128xi32, #tpu.memory_space<vmem>> -> memref<1x128xi32, #tpu.memory_space<vmem>>
    %dma_start3A_22 = tpu.memref_squeeze %dma_start3A_21 : memref<1x128xi32, #tpu.memory_space<vmem>> -> memref<128xi32, #tpu.memory_space<vmem>>
    %dma_start3A_23 = arith.constant 64 : i32
    %dma_start3A_24 = tpu.memref_slice %dma_start3A_22[%dma_start3A_23] : memref<128xi32, #tpu.memory_space<vmem>> -> memref<64xi32, #tpu.memory_space<vmem>>
    %dma_start3A_25 = arith.constant 0 : i32
    %dma_start3A_26 = arith.constant 0 : i32
    %dma_start3A_27 = tpu.memref_slice %arg2[%dma_start3A_25, %dma_start3A_26] : memref<10000x128xf32, #tpu.memory_space<hbm>> -> memref<10000x128xf32, #tpu.memory_space<hbm>>
    tpu.enqueue_indirect_dma source(%dma_start3A_27 : memref<10000x128xf32, #tpu.memory_space<hbm>>) target(%dma_start3A_19 : memref<64x128xf32, #tpu.memory_space<vmem>>) offsets(%dma_start3A_24 : memref<64xi32, #tpu.memory_space<vmem>>) semaphore(%arg13 : memref<!tpu.dma_semaphore, #tpu.memory_space<semaphore_mem>>)
    %scan3A = arith.constant 0 : i32
    %scan3A_28 = arith.constant 0 : i32
    %scan3A_29 = arith.constant 5 : i32
    %scan3A_30 = arith.addi %scan3A_28, %scan3A_29 : i32
    %scan3A_31 = arith.constant 1 : i32
    scf.for %scan3A_51 = %scan3A_28 to %scan3A_30 step %scan3A_31  : i32 {
      %mul3A_52 = arith.constant 16 : i32
      %mul3A_53 = arith.muli %scan3A_51, %mul3A_52 : i32
      %add3A_54 = arith.constant 0 : i32
      %add3A_55 = arith.addi %mul3A_53, %add3A_54 : i32
      %mul3A_56 = arith.constant 2 : i32
      %mul3A_57 = arith.muli %scan3A_51, %mul3A_56 : i32
      %add3A_58 = arith.constant 1 : i32
      %add3A_59 = arith.addi %mul3A_57, %add3A_58 : i32
      %mul3A_60 = arith.constant 8 : i32
      %mul3A_61 = arith.muli %add3A_59, %mul3A_60 : i32
      %dma_start3A_62 = arith.constant 0 : i32
      %dma_start3A_63 = tpu.memref_slice %arg3[%add3A, %mul3A_61, %dma_start3A_62] : memref<32x80x128xi32, #tpu.memory_space<hbm>> -> memref<1x8x128xi32, #tpu.memory_space<hbm>>
      %dma_start3A_64 = tpu.memref_squeeze %dma_start3A_63 : memref<1x8x128xi32, #tpu.memory_space<hbm>> -> memref<8x128xi32, #tpu.memory_space<hbm>>
      %dma_start3A_65 = arith.constant 0 : i32
      %dma_start3A_66 = tpu.memref_slice %arg3[%add3A, %mul3A_61, %dma_start3A_65] : memref<32x80x128xi32, #tpu.memory_space<hbm>> -> memref<1x8x128xi32, #tpu.memory_space<hbm>>
      %dma_start3A_67 = tpu.memref_squeeze %dma_start3A_66 : memref<1x8x128xi32, #tpu.memory_space<hbm>> -> memref<8x128xi32, #tpu.memory_space<hbm>>
      tpu.enqueue_dma source(%dma_start3A_67 : memref<8x128xi32, #tpu.memory_space<hbm>>) target(%arg9 : memref<8x128xi32, #tpu.memory_space<vmem>>) target_semaphore(%arg18 : memref<!tpu.dma_semaphore, #tpu.memory_space<semaphore_mem>>)
      %dma_wait3A_68 = arith.constant 0 : i32
      %dma_wait3A_69 = arith.constant 0 : i32
      %dma_wait3A_70 = tpu.memref_slice %arg2[%dma_wait3A_68, %dma_wait3A_69] : memref<10000x128xf32, #tpu.memory_space<hbm>> -> memref<128x128xf32, #tpu.memory_space<hbm>>
      %dma_wait3A_71 = arith.constant 0 : i32
      %dma_wait3A_72 = arith.constant 0 : i32
      %dma_wait3A_73 = tpu.memref_slice %arg2[%dma_wait3A_71, %dma_wait3A_72] : memref<10000x128xf32, #tpu.memory_space<hbm>> -> memref<128x128xf32, #tpu.memory_space<hbm>>
      tpu.wait_dma2 semaphore(%arg13 : memref<!tpu.dma_semaphore, #tpu.memory_space<semaphore_mem>>) src(%dma_wait3A_73 : memref<128x128xf32, #tpu.memory_space<hbm>>) dst(%arg10 : memref<128x128xf32, #tpu.memory_space<vmem>>)
      %dma_start3A_74 = arith.constant 0 : i32
      %dma_start3A_75 = tpu.memref_slice %arg7[%add3A_55, %dma_start3A_74] : memref<80x128xi32, #tpu.memory_space<vmem>> -> memref<1x128xi32, #tpu.memory_space<vmem>>
      %dma_start3A_76 = tpu.memref_squeeze %dma_start3A_75 : memref<1x128xi32, #tpu.memory_space<vmem>> -> memref<128xi32, #tpu.memory_space<vmem>>
      %dma_start3A_77 = arith.constant 0 : i32
      %dma_start3A_78 = arith.constant 0 : i32
      %dma_start3A_79 = tpu.memref_slice %arg12[%dma_start3A_77, %dma_start3A_78] : memref<10112x128xf32, #tpu.memory_space<vmem_shared>> -> memref<10112x128xf32, #tpu.memory_space<vmem_shared>>
      tpu.enqueue_indirect_dma source(%arg10 : memref<128x128xf32, #tpu.memory_space<vmem>>) target(%dma_start3A_79 : memref<10112x128xf32, #tpu.memory_space<vmem_shared>>) offsets(%dma_start3A_76 : memref<128xi32, #tpu.memory_space<vmem>>) semaphore(%arg15 : memref<!tpu.dma_semaphore, #tpu.memory_space<semaphore_mem>>) {add = true}
      %gt3A = arith.constant 0 : i32
      %gt3A_80 = arith.cmpi sgt, %scan3A_51, %gt3A : i32
      %convert_element_type3A = arith.extui %gt3A_80 : i1 to i32
      %cond3A = arith.constant 1 : i32
      %cond3A_81 = arith.constant 0 : i32
      %cond3A_82 = arith.cmpi ne, %convert_element_type3A, %cond3A_81 : i32
      scf.if %cond3A_82 {
        %dma_wait3A_781 = arith.constant 0 : i32
        %dma_wait3A_782 = arith.constant 0 : i32
        %dma_wait3A_783 = tpu.memref_slice %arg7[%dma_wait3A_781, %dma_wait3A_782] : memref<80x128xi32, #tpu.memory_space<vmem>> -> memref<1x128xi32, #tpu.memory_space<vmem>>
        %dma_wait3A_784 = tpu.memref_squeeze %dma_wait3A_783 : memref<1x128xi32, #tpu.memory_space<vmem>> -> memref<128xi32, #tpu.memory_space<vmem>>
        %dma_wait3A_785 = arith.constant 0 : i32
        %dma_wait3A_786 = arith.constant 0 : i32
        %dma_wait3A_787 = tpu.memref_slice %arg12[%dma_wait3A_785, %dma_wait3A_786] : memref<10112x128xf32, #tpu.memory_space<vmem_shared>> -> memref<10112x128xf32, #tpu.memory_space<vmem_shared>>
        tpu.wait_indirect_dma semaphore(%arg16 : memref<!tpu.dma_semaphore, #tpu.memory_space<semaphore_mem>>) src(%arg10 : memref<128x128xf32, #tpu.memory_space<vmem>>) dst(%dma_wait3A_787 : memref<10112x128xf32, #tpu.memory_space<vmem_shared>>)
        %dma_start3A_788 = arith.constant 0 : i32
        %dma_start3A_789 = arith.constant 0 : i32
        %dma_start3A_790 = tpu.memref_slice %arg11[%dma_start3A_788, %dma_start3A_789] : memref<128x128xf32, #tpu.memory_space<vmem>> -> memref<64x128xf32, #tpu.memory_space<vmem>>
        %dma_start3A_791 = arith.constant 0 : i32
        %dma_start3A_792 = tpu.memref_slice %arg8[%cond3A, %dma_start3A_791] : memref<8x128xi32, #tpu.memory_space<vmem>> -> memref<1x128xi32, #tpu.memory_space<vmem>>
        %dma_start3A_793 = tpu.memref_squeeze %dma_start3A_792 : memref<1x128xi32, #tpu.memory_space<vmem>> -> memref<128xi32, #tpu.memory_space<vmem>>
        %dma_start3A_794 = arith.constant 0 : i32
        %dma_start3A_795 = tpu.memref_slice %dma_start3A_793[%dma_start3A_794] : memref<128xi32, #tpu.memory_space<vmem>> -> memref<64xi32, #tpu.memory_space<vmem>>
        %dma_start3A_796 = arith.constant 0 : i32
        %dma_start3A_797 = arith.constant 0 : i32
        %dma_start3A_798 = tpu.memref_slice %arg2[%dma_start3A_796, %dma_start3A_797] : memref<10000x128xf32, #tpu.memory_space<hbm>> -> memref<10000x128xf32, #tpu.memory_space<hbm>>
        tpu.enqueue_indirect_dma source(%dma_start3A_798 : memref<10000x128xf32, #tpu.memory_space<hbm>>) target(%dma_start3A_790 : memref<64x128xf32, #tpu.memory_space<vmem>>) offsets(%dma_start3A_795 : memref<64xi32, #tpu.memory_space<vmem>>) semaphore(%arg14 : memref<!tpu.dma_semaphore, #tpu.memory_space<semaphore_mem>>)
        %dma_start3A_799 = arith.constant 64 : i32
        %dma_start3A_800 = arith.constant 0 : i32
        %dma_start3A_801 = tpu.memref_slice %arg11[%dma_start3A_799, %dma_start3A_800] : memref<128x128xf32, #tpu.memory_space<vmem>> -> memref<64x128xf32, #tpu.memory_space<vmem>>
        %dma_start3A_802 = arith.constant 0 : i32
        %dma_start3A_803 = tpu.memref_slice %arg8[%cond3A, %dma_start3A_802] : memref<8x128xi32, #tpu.memory_space<vmem>> -> memref<1x128xi32, #tpu.memory_space<vmem>>
        %dma_start3A_804 = tpu.memref_squeeze %dma_start3A_803 : memref<1x128xi32, #tpu.memory_space<vmem>> -> memref<128xi32, #tpu.memory_space<vmem>>
        %dma_start3A_805 = arith.constant 64 : i32
        %dma_start3A_806 = tpu.memref_slice %dma_start3A_804[%dma_start3A_805] : memref<128xi32, #tpu.memory_space<vmem>> -> memref<64xi32, #tpu.memory_space<vmem>>
        %dma_start3A_807 = arith.constant 0 : i32
        %dma_start3A_808 = arith.constant 0 : i32
        %dma_start3A_809 = tpu.memref_slice %arg2[%dma_start3A_807, %dma_start3A_808] : memref<10000x128xf32, #tpu.memory_space<hbm>> -> memref<10000x128xf32, #tpu.memory_space<hbm>>
        tpu.enqueue_indirect_dma source(%dma_start3A_809 : memref<10000x128xf32, #tpu.memory_space<hbm>>) target(%dma_start3A_801 : memref<64x128xf32, #tpu.memory_space<vmem>>) offsets(%dma_start3A_806 : memref<64xi32, #tpu.memory_space<vmem>>) semaphore(%arg14 : memref<!tpu.dma_semaphore, #tpu.memory_space<semaphore_mem>>)
      } else {
      }
      %eq3A = arith.constant 0 : i32
      %eq3A_83 = arith.cmpi eq, %scan3A_51, %eq3A : i32
      %convert_element_type3A_84 = arith.extui %eq3A_83 : i1 to i32
      %cond3A_85 = arith.constant 1 : i32
      %cond3A_86 = arith.constant 0 : i32
      %cond3A_87 = arith.cmpi ne, %convert_element_type3A_84, %cond3A_86 : i32
      scf.if %cond3A_87 {
        %dma_start3A_781 = arith.constant 0 : i32
        %dma_start3A_782 = arith.constant 0 : i32
        %dma_start3A_783 = tpu.memref_slice %arg11[%dma_start3A_781, %dma_start3A_782] : memref<128x128xf32, #tpu.memory_space<vmem>> -> memref<64x128xf32, #tpu.memory_space<vmem>>
        %dma_start3A_784 = arith.constant 0 : i32
        %dma_start3A_785 = tpu.memref_slice %arg8[%cond3A_85, %dma_start3A_784] : memref<8x128xi32, #tpu.memory_space<vmem>> -> memref<1x128xi32, #tpu.memory_space<vmem>>
        %dma_start3A_786 = tpu.memref_squeeze %dma_start3A_785 : memref<1x128xi32, #tpu.memory_space<vmem>> -> memref<128xi32, #tpu.memory_space<vmem>>
        %dma_start3A_787 = arith.constant 0 : i32
        %dma_start3A_788 = tpu.memref_slice %dma_start3A_786[%dma_start3A_787] : memref<128xi32, #tpu.memory_space<vmem>> -> memref<64xi32, #tpu.memory_space<vmem>>
        %dma_start3A_789 = arith.constant 0 : i32
        %dma_start3A_790 = arith.constant 0 : i32
        %dma_start3A_791 = tpu.memref_slice %arg2[%dma_start3A_789, %dma_start3A_790] : memref<10000x128xf32, #tpu.memory_space<hbm>> -> memref<10000x128xf32, #tpu.memory_space<hbm>>
        tpu.enqueue_indirect_dma source(%dma_start3A_791 : memref<10000x128xf32, #tpu.memory_space<hbm>>) target(%dma_start3A_783 : memref<64x128xf32, #tpu.memory_space<vmem>>) offsets(%dma_start3A_788 : memref<64xi32, #tpu.memory_space<vmem>>) semaphore(%arg14 : memref<!tpu.dma_semaphore, #tpu.memory_space<semaphore_mem>>)
        %dma_start3A_792 = arith.constant 64 : i32
        %dma_start3A_793 = arith.constant 0 : i32
        %dma_start3A_794 = tpu.memref_slice %arg11[%dma_start3A_792, %dma_start3A_793] : memref<128x128xf32, #tpu.memory_space<vmem>> -> memref<64x128xf32, #tpu.memory_space<vmem>>
        %dma_start3A_795 = arith.constant 0 : i32
        %dma_start3A_796 = tpu.memref_slice %arg8[%cond3A_85, %dma_start3A_795] : memref<8x128xi32, #tpu.memory_space<vmem>> -> memref<1x128xi32, #tpu.memory_space<vmem>>
        %dma_start3A_797 = tpu.memref_squeeze %dma_start3A_796 : memref<1x128xi32, #tpu.memory_space<vmem>> -> memref<128xi32, #tpu.memory_space<vmem>>
        %dma_start3A_798 = arith.constant 64 : i32
        %dma_start3A_799 = tpu.memref_slice %dma_start3A_797[%dma_start3A_798] : memref<128xi32, #tpu.memory_space<vmem>> -> memref<64xi32, #tpu.memory_space<vmem>>
        %dma_start3A_800 = arith.constant 0 : i32
        %dma_start3A_801 = arith.constant 0 : i32
        %dma_start3A_802 = tpu.memref_slice %arg2[%dma_start3A_800, %dma_start3A_801] : memref<10000x128xf32, #tpu.memory_space<hbm>> -> memref<10000x128xf32, #tpu.memory_space<hbm>>
        tpu.enqueue_indirect_dma source(%dma_start3A_802 : memref<10000x128xf32, #tpu.memory_space<hbm>>) target(%dma_start3A_794 : memref<64x128xf32, #tpu.memory_space<vmem>>) offsets(%dma_start3A_799 : memref<64xi32, #tpu.memory_space<vmem>>) semaphore(%arg14 : memref<!tpu.dma_semaphore, #tpu.memory_space<semaphore_mem>>)
      } else {
      }
      %mul3A_88 = arith.constant 16 : i32
      %mul3A_89 = arith.muli %scan3A_51, %mul3A_88 : i32
      %add3A_90 = arith.constant 1 : i32
      %add3A_91 = arith.addi %mul3A_89, %add3A_90 : i32
      %dma_wait3A_92 = arith.constant 0 : i32
      %dma_wait3A_93 = arith.constant 0 : i32
      %dma_wait3A_94 = tpu.memref_slice %arg2[%dma_wait3A_92, %dma_wait3A_93] : memref<10000x128xf32, #tpu.memory_space<hbm>> -> memref<128x128xf32, #tpu.memory_space<hbm>>
      %dma_wait3A_95 = arith.constant 0 : i32
      %dma_wait3A_96 = arith.constant 0 : i32
      %dma_wait3A_97 = tpu.memref_slice %arg2[%dma_wait3A_95, %dma_wait3A_96] : memref<10000x128xf32, #tpu.memory_space<hbm>> -> memref<128x128xf32, #tpu.memory_space<hbm>>
      tpu.wait_dma2 semaphore(%arg14 : memref<!tpu.dma_semaphore, #tpu.memory_space<semaphore_mem>>) src(%dma_wait3A_97 : memref<128x128xf32, #tpu.memory_space<hbm>>) dst(%arg11 : memref<128x128xf32, #tpu.memory_space<vmem>>)
      %dma_start3A_98 = arith.constant 0 : i32
      %dma_start3A_99 = tpu.memref_slice %arg7[%add3A_91, %dma_start3A_98] : memref<80x128xi32, #tpu.memory_space<vmem>> -> memref<1x128xi32, #tpu.memory_space<vmem>>
      %dma_start3A_100 = tpu.memref_squeeze %dma_start3A_99 : memref<1x128xi32, #tpu.memory_space<vmem>> -> memref<128xi32, #tpu.memory_space<vmem>>
      %dma_start3A_101 = arith.constant 0 : i32
      %dma_start3A_102 = arith.constant 0 : i32
      %dma_start3A_103 = tpu.memref_slice %arg12[%dma_start3A_101, %dma_start3A_102] : memref<10112x128xf32, #tpu.memory_space<vmem_shared>> -> memref<10112x128xf32, #tpu.memory_space<vmem_shared>>
      tpu.enqueue_indirect_dma source(%arg11 : memref<128x128xf32, #tpu.memory_space<vmem>>) target(%dma_start3A_103 : memref<10112x128xf32, #tpu.memory_space<vmem_shared>>) offsets(%dma_start3A_100 : memref<128xi32, #tpu.memory_space<vmem>>) semaphore(%arg16 : memref<!tpu.dma_semaphore, #tpu.memory_space<semaphore_mem>>) {add = true}
      %dma_wait3A_104 = arith.constant 0 : i32
      %dma_wait3A_105 = arith.constant 0 : i32
      %dma_wait3A_106 = tpu.memref_slice %arg7[%dma_wait3A_104, %dma_wait3A_105] : memref<80x128xi32, #tpu.memory_space<vmem>> -> memref<1x128xi32, #tpu.memory_space<vmem>>
      %dma_wait3A_107 = tpu.memref_squeeze %dma_wait3A_106 : memref<1x128xi32, #tpu.memory_space<vmem>> -> memref<128xi32, #tpu.memory_space<vmem>>
      %dma_wait3A_108 = arith.constant 0 : i32
      %dma_wait3A_109 = arith.constant 0 : i32
      %dma_wait3A_110 = tpu.memref_slice %arg12[%dma_wait3A_108, %dma_wait3A_109] : memref<10112x128xf32, #tpu.memory_space<vmem_shared>> -> memref<10112x128xf32, #tpu.memory_space<vmem_shared>>
      tpu.wait_indirect_dma semaphore(%arg15 : memref<!tpu.dma_semaphore, #tpu.memory_space<semaphore_mem>>) src(%arg10 : memref<128x128xf32, #tpu.memory_space<vmem>>) dst(%dma_wait3A_110 : memref<10112x128xf32, #tpu.memory_space<vmem_shared>>)
      %dma_start3A_111 = arith.constant 2 : i32
      %dma_start3A_112 = arith.constant 0 : i32
      %dma_start3A_113 = arith.constant 0 : i32
      %dma_start3A_114 = tpu.memref_slice %arg10[%dma_start3A_112, %dma_start3A_113] : memref<128x128xf32, #tpu.memory_space<vmem>> -> memref<64x128xf32, #tpu.memory_space<vmem>>
      %dma_start3A_115 = arith.constant 0 : i32
      %dma_start3A_116 = tpu.memref_slice %arg8[%dma_start3A_111, %dma_start3A_115] : memref<8x128xi32, #tpu.memory_space<vmem>> -> memref<1x128xi32, #tpu.memory_space<vmem>>
      %dma_start3A_117 = tpu.memref_squeeze %dma_start3A_116 : memref<1x128xi32, #tpu.memory_space<vmem>> -> memref<128xi32, #tpu.memory_space<vmem>>
      %dma_start3A_118 = arith.constant 0 : i32
      %dma_start3A_119 = tpu.memref_slice %dma_start3A_117[%dma_start3A_118] : memref<128xi32, #tpu.memory_space<vmem>> -> memref<64xi32, #tpu.memory_space<vmem>>
      %dma_start3A_120 = arith.constant 0 : i32
      %dma_start3A_121 = arith.constant 0 : i32
      %dma_start3A_122 = tpu.memref_slice %arg2[%dma_start3A_120, %dma_start3A_121] : memref<10000x128xf32, #tpu.memory_space<hbm>> -> memref<10000x128xf32, #tpu.memory_space<hbm>>
      tpu.enqueue_indirect_dma source(%dma_start3A_122 : memref<10000x128xf32, #tpu.memory_space<hbm>>) target(%dma_start3A_114 : memref<64x128xf32, #tpu.memory_space<vmem>>) offsets(%dma_start3A_119 : memref<64xi32, #tpu.memory_space<vmem>>) semaphore(%arg13 : memref<!tpu.dma_semaphore, #tpu.memory_space<semaphore_mem>>)
      %dma_start3A_123 = arith.constant 2 : i32
      %dma_start3A_124 = arith.constant 64 : i32
      %dma_start3A_125 = arith.constant 0 : i32
      %dma_start3A_126 = tpu.memref_slice %arg10[%dma_start3A_124, %dma_start3A_125] : memref<128x128xf32, #tpu.memory_space<vmem>> -> memref<64x128xf32, #tpu.memory_space<vmem>>
      %dma_start3A_127 = arith.constant 0 : i32
      %dma_start3A_128 = tpu.memref_slice %arg8[%dma_start3A_123, %dma_start3A_127] : memref<8x128xi32, #tpu.memory_space<vmem>> -> memref<1x128xi32, #tpu.memory_space<vmem>>
      %dma_start3A_129 = tpu.memref_squeeze %dma_start3A_128 : memref<1x128xi32, #tpu.memory_space<vmem>> -> memref<128xi32, #tpu.memory_space<vmem>>
      %dma_start3A_130 = arith.constant 64 : i32
      %dma_start3A_131 = tpu.memref_slice %dma_start3A_129[%dma_start3A_130] : memref<128xi32, #tpu.memory_space<vmem>> -> memref<64xi32, #tpu.memory_space<vmem>>
      %dma_start3A_132 = arith.constant 0 : i32
      %dma_start3A_133 = arith.constant 0 : i32
      %dma_start3A_134 = tpu.memref_slice %arg2[%dma_start3A_132, %dma_start3A_133] : memref<10000x128xf32, #tpu.memory_space<hbm>> -> memref<10000x128xf32, #tpu.memory_space<hbm>>
      tpu.enqueue_indirect_dma source(%dma_start3A_134 : memref<10000x128xf32, #tpu.memory_space<hbm>>) target(%dma_start3A_126 : memref<64x128xf32, #tpu.memory_space<vmem>>) offsets(%dma_start3A_131 : memref<64xi32, #tpu.memory_space<vmem>>) semaphore(%arg13 : memref<!tpu.dma_semaphore, #tpu.memory_space<semaphore_mem>>)
      %mul3A_135 = arith.constant 16 : i32
      %mul3A_136 = arith.muli %scan3A_51, %mul3A_135 : i32
      %add3A_137 = arith.constant 2 : i32
      %add3A_138 = arith.addi %mul3A_136, %add3A_137 : i32
      %dma_wait3A_139 = arith.constant 0 : i32
      %dma_wait3A_140 = arith.constant 0 : i32
      %dma_wait3A_141 = tpu.memref_slice %arg2[%dma_wait3A_139, %dma_wait3A_140] : memref<10000x128xf32, #tpu.memory_space<hbm>> -> memref<128x128xf32, #tpu.memory_space<hbm>>
      %dma_wait3A_142 = arith.constant 0 : i32
      %dma_wait3A_143 = arith.constant 0 : i32
      %dma_wait3A_144 = tpu.memref_slice %arg2[%dma_wait3A_142, %dma_wait3A_143] : memref<10000x128xf32, #tpu.memory_space<hbm>> -> memref<128x128xf32, #tpu.memory_space<hbm>>
      tpu.wait_dma2 semaphore(%arg13 : memref<!tpu.dma_semaphore, #tpu.memory_space<semaphore_mem>>) src(%dma_wait3A_144 : memref<128x128xf32, #tpu.memory_space<hbm>>) dst(%arg10 : memref<128x128xf32, #tpu.memory_space<vmem>>)
      %dma_start3A_145 = arith.constant 0 : i32
      %dma_start3A_146 = tpu.memref_slice %arg7[%add3A_138, %dma_start3A_145] : memref<80x128xi32, #tpu.memory_space<vmem>> -> memref<1x128xi32, #tpu.memory_space<vmem>>
      %dma_start3A_147 = tpu.memref_squeeze %dma_start3A_146 : memref<1x128xi32, #tpu.memory_space<vmem>> -> memref<128xi32, #tpu.memory_space<vmem>>
      %dma_start3A_148 = arith.constant 0 : i32
      %dma_start3A_149 = arith.constant 0 : i32
      %dma_start3A_150 = tpu.memref_slice %arg12[%dma_start3A_148, %dma_start3A_149] : memref<10112x128xf32, #tpu.memory_space<vmem_shared>> -> memref<10112x128xf32, #tpu.memory_space<vmem_shared>>
      tpu.enqueue_indirect_dma source(%arg10 : memref<128x128xf32, #tpu.memory_space<vmem>>) target(%dma_start3A_150 : memref<10112x128xf32, #tpu.memory_space<vmem_shared>>) offsets(%dma_start3A_147 : memref<128xi32, #tpu.memory_space<vmem>>) semaphore(%arg15 : memref<!tpu.dma_semaphore, #tpu.memory_space<semaphore_mem>>) {add = true}
      %dma_wait3A_151 = arith.constant 0 : i32
      %dma_wait3A_152 = arith.constant 0 : i32
      %dma_wait3A_153 = tpu.memref_slice %arg7[%dma_wait3A_151, %dma_wait3A_152] : memref<80x128xi32, #tpu.memory_space<vmem>> -> memref<1x128xi32, #tpu.memory_space<vmem>>
      %dma_wait3A_154 = tpu.memref_squeeze %dma_wait3A_153 : memref<1x128xi32, #tpu.memory_space<vmem>> -> memref<128xi32, #tpu.memory_space<vmem>>
      %dma_wait3A_155 = arith.constant 0 : i32
      %dma_wait3A_156 = arith.constant 0 : i32
      %dma_wait3A_157 = tpu.memref_slice %arg12[%dma_wait3A_155, %dma_wait3A_156] : memref<10112x128xf32, #tpu.memory_space<vmem_shared>> -> memref<10112x128xf32, #tpu.memory_space<vmem_shared>>
      tpu.wait_indirect_dma semaphore(%arg16 : memref<!tpu.dma_semaphore, #tpu.memory_space<semaphore_mem>>) src(%arg10 : memref<128x128xf32, #tpu.memory_space<vmem>>) dst(%dma_wait3A_157 : memref<10112x128xf32, #tpu.memory_space<vmem_shared>>)
      %dma_start3A_158 = arith.constant 3 : i32
      %dma_start3A_159 = arith.constant 0 : i32
      %dma_start3A_160 = arith.constant 0 : i32
      %dma_start3A_161 = tpu.memref_slice %arg11[%dma_start3A_159, %dma_start3A_160] : memref<128x128xf32, #tpu.memory_space<vmem>> -> memref<64x128xf32, #tpu.memory_space<vmem>>
      %dma_start3A_162 = arith.constant 0 : i32
      %dma_start3A_163 = tpu.memref_slice %arg8[%dma_start3A_158, %dma_start3A_162] : memref<8x128xi32, #tpu.memory_space<vmem>> -> memref<1x128xi32, #tpu.memory_space<vmem>>
      %dma_start3A_164 = tpu.memref_squeeze %dma_start3A_163 : memref<1x128xi32, #tpu.memory_space<vmem>> -> memref<128xi32, #tpu.memory_space<vmem>>
      %dma_start3A_165 = arith.constant 0 : i32
      %dma_start3A_166 = tpu.memref_slice %dma_start3A_164[%dma_start3A_165] : memref<128xi32, #tpu.memory_space<vmem>> -> memref<64xi32, #tpu.memory_space<vmem>>
      %dma_start3A_167 = arith.constant 0 : i32
      %dma_start3A_168 = arith.constant 0 : i32
      %dma_start3A_169 = tpu.memref_slice %arg2[%dma_start3A_167, %dma_start3A_168] : memref<10000x128xf32, #tpu.memory_space<hbm>> -> memref<10000x128xf32, #tpu.memory_space<hbm>>
      tpu.enqueue_indirect_dma source(%dma_start3A_169 : memref<10000x128xf32, #tpu.memory_space<hbm>>) target(%dma_start3A_161 : memref<64x128xf32, #tpu.memory_space<vmem>>) offsets(%dma_start3A_166 : memref<64xi32, #tpu.memory_space<vmem>>) semaphore(%arg14 : memref<!tpu.dma_semaphore, #tpu.memory_space<semaphore_mem>>)
      %dma_start3A_170 = arith.constant 3 : i32
      %dma_start3A_171 = arith.constant 64 : i32
      %dma_start3A_172 = arith.constant 0 : i32
      %dma_start3A_173 = tpu.memref_slice %arg11[%dma_start3A_171, %dma_start3A_172] : memref<128x128xf32, #tpu.memory_space<vmem>> -> memref<64x128xf32, #tpu.memory_space<vmem>>
      %dma_start3A_174 = arith.constant 0 : i32
      %dma_start3A_175 = tpu.memref_slice %arg8[%dma_start3A_170, %dma_start3A_174] : memref<8x128xi32, #tpu.memory_space<vmem>> -> memref<1x128xi32, #tpu.memory_space<vmem>>
      %dma_start3A_176 = tpu.memref_squeeze %dma_start3A_175 : memref<1x128xi32, #tpu.memory_space<vmem>> -> memref<128xi32, #tpu.memory_space<vmem>>
      %dma_start3A_177 = arith.constant 64 : i32
      %dma_start3A_178 = tpu.memref_slice %dma_start3A_176[%dma_start3A_177] : memref<128xi32, #tpu.memory_space<vmem>> -> memref<64xi32, #tpu.memory_space<vmem>>
      %dma_start3A_179 = arith.constant 0 : i32
      %dma_start3A_180 = arith.constant 0 : i32
      %dma_start3A_181 = tpu.memref_slice %arg2[%dma_start3A_179, %dma_start3A_180] : memref<10000x128xf32, #tpu.memory_space<hbm>> -> memref<10000x128xf32, #tpu.memory_space<hbm>>
      tpu.enqueue_indirect_dma source(%dma_start3A_181 : memref<10000x128xf32, #tpu.memory_space<hbm>>) target(%dma_start3A_173 : memref<64x128xf32, #tpu.memory_space<vmem>>) offsets(%dma_start3A_178 : memref<64xi32, #tpu.memory_space<vmem>>) semaphore(%arg14 : memref<!tpu.dma_semaphore, #tpu.memory_space<semaphore_mem>>)
      %mul3A_182 = arith.constant 16 : i32
      %mul3A_183 = arith.muli %scan3A_51, %mul3A_182 : i32
      %add3A_184 = arith.constant 3 : i32
      %add3A_185 = arith.addi %mul3A_183, %add3A_184 : i32
      %dma_wait3A_186 = arith.constant 0 : i32
      %dma_wait3A_187 = arith.constant 0 : i32
      %dma_wait3A_188 = tpu.memref_slice %arg2[%dma_wait3A_186, %dma_wait3A_187] : memref<10000x128xf32, #tpu.memory_space<hbm>> -> memref<128x128xf32, #tpu.memory_space<hbm>>
      %dma_wait3A_189 = arith.constant 0 : i32
      %dma_wait3A_190 = arith.constant 0 : i32
      %dma_wait3A_191 = tpu.memref_slice %arg2[%dma_wait3A_189, %dma_wait3A_190] : memref<10000x128xf32, #tpu.memory_space<hbm>> -> memref<128x128xf32, #tpu.memory_space<hbm>>
      tpu.wait_dma2 semaphore(%arg14 : memref<!tpu.dma_semaphore, #tpu.memory_space<semaphore_mem>>) src(%dma_wait3A_191 : memref<128x128xf32, #tpu.memory_space<hbm>>) dst(%arg11 : memref<128x128xf32, #tpu.memory_space<vmem>>)
      %dma_start3A_192 = arith.constant 0 : i32
      %dma_start3A_193 = tpu.memref_slice %arg7[%add3A_185, %dma_start3A_192] : memref<80x128xi32, #tpu.memory_space<vmem>> -> memref<1x128xi32, #tpu.memory_space<vmem>>
      %dma_start3A_194 = tpu.memref_squeeze %dma_start3A_193 : memref<1x128xi32, #tpu.memory_space<vmem>> -> memref<128xi32, #tpu.memory_space<vmem>>
      %dma_start3A_195 = arith.constant 0 : i32
      %dma_start3A_196 = arith.constant 0 : i32
      %dma_start3A_197 = tpu.memref_slice %arg12[%dma_start3A_195, %dma_start3A_196] : memref<10112x128xf32, #tpu.memory_space<vmem_shared>> -> memref<10112x128xf32, #tpu.memory_space<vmem_shared>>
      tpu.enqueue_indirect_dma source(%arg11 : memref<128x128xf32, #tpu.memory_space<vmem>>) target(%dma_start3A_197 : memref<10112x128xf32, #tpu.memory_space<vmem_shared>>) offsets(%dma_start3A_194 : memref<128xi32, #tpu.memory_space<vmem>>) semaphore(%arg16 : memref<!tpu.dma_semaphore, #tpu.memory_space<semaphore_mem>>) {add = true}
      %dma_wait3A_198 = arith.constant 0 : i32
      %dma_wait3A_199 = arith.constant 0 : i32
      %dma_wait3A_200 = tpu.memref_slice %arg7[%dma_wait3A_198, %dma_wait3A_199] : memref<80x128xi32, #tpu.memory_space<vmem>> -> memref<1x128xi32, #tpu.memory_space<vmem>>
      %dma_wait3A_201 = tpu.memref_squeeze %dma_wait3A_200 : memref<1x128xi32, #tpu.memory_space<vmem>> -> memref<128xi32, #tpu.memory_space<vmem>>
      %dma_wait3A_202 = arith.constant 0 : i32
      %dma_wait3A_203 = arith.constant 0 : i32
      %dma_wait3A_204 = tpu.memref_slice %arg12[%dma_wait3A_202, %dma_wait3A_203] : memref<10112x128xf32, #tpu.memory_space<vmem_shared>> -> memref<10112x128xf32, #tpu.memory_space<vmem_shared>>
      tpu.wait_indirect_dma semaphore(%arg15 : memref<!tpu.dma_semaphore, #tpu.memory_space<semaphore_mem>>) src(%arg10 : memref<128x128xf32, #tpu.memory_space<vmem>>) dst(%dma_wait3A_204 : memref<10112x128xf32, #tpu.memory_space<vmem_shared>>)
      %dma_start3A_205 = arith.constant 4 : i32
      %dma_start3A_206 = arith.constant 0 : i32
      %dma_start3A_207 = arith.constant 0 : i32
      %dma_start3A_208 = tpu.memref_slice %arg10[%dma_start3A_206, %dma_start3A_207] : memref<128x128xf32, #tpu.memory_space<vmem>> -> memref<64x128xf32, #tpu.memory_space<vmem>>
      %dma_start3A_209 = arith.constant 0 : i32
      %dma_start3A_210 = tpu.memref_slice %arg8[%dma_start3A_205, %dma_start3A_209] : memref<8x128xi32, #tpu.memory_space<vmem>> -> memref<1x128xi32, #tpu.memory_space<vmem>>
      %dma_start3A_211 = tpu.memref_squeeze %dma_start3A_210 : memref<1x128xi32, #tpu.memory_space<vmem>> -> memref<128xi32, #tpu.memory_space<vmem>>
      %dma_start3A_212 = arith.constant 0 : i32
      %dma_start3A_213 = tpu.memref_slice %dma_start3A_211[%dma_start3A_212] : memref<128xi32, #tpu.memory_space<vmem>> -> memref<64xi32, #tpu.memory_space<vmem>>
      %dma_start3A_214 = arith.constant 0 : i32
      %dma_start3A_215 = arith.constant 0 : i32
      %dma_start3A_216 = tpu.memref_slice %arg2[%dma_start3A_214, %dma_start3A_215] : memref<10000x128xf32, #tpu.memory_space<hbm>> -> memref<10000x128xf32, #tpu.memory_space<hbm>>
      tpu.enqueue_indirect_dma source(%dma_start3A_216 : memref<10000x128xf32, #tpu.memory_space<hbm>>) target(%dma_start3A_208 : memref<64x128xf32, #tpu.memory_space<vmem>>) offsets(%dma_start3A_213 : memref<64xi32, #tpu.memory_space<vmem>>) semaphore(%arg13 : memref<!tpu.dma_semaphore, #tpu.memory_space<semaphore_mem>>)
      %dma_start3A_217 = arith.constant 4 : i32
      %dma_start3A_218 = arith.constant 64 : i32
      %dma_start3A_219 = arith.constant 0 : i32
      %dma_start3A_220 = tpu.memref_slice %arg10[%dma_start3A_218, %dma_start3A_219] : memref<128x128xf32, #tpu.memory_space<vmem>> -> memref<64x128xf32, #tpu.memory_space<vmem>>
      %dma_start3A_221 = arith.constant 0 : i32
      %dma_start3A_222 = tpu.memref_slice %arg8[%dma_start3A_217, %dma_start3A_221] : memref<8x128xi32, #tpu.memory_space<vmem>> -> memref<1x128xi32, #tpu.memory_space<vmem>>
      %dma_start3A_223 = tpu.memref_squeeze %dma_start3A_222 : memref<1x128xi32, #tpu.memory_space<vmem>> -> memref<128xi32, #tpu.memory_space<vmem>>
      %dma_start3A_224 = arith.constant 64 : i32
      %dma_start3A_225 = tpu.memref_slice %dma_start3A_223[%dma_start3A_224] : memref<128xi32, #tpu.memory_space<vmem>> -> memref<64xi32, #tpu.memory_space<vmem>>
      %dma_start3A_226 = arith.constant 0 : i32
      %dma_start3A_227 = arith.constant 0 : i32
      %dma_start3A_228 = tpu.memref_slice %arg2[%dma_start3A_226, %dma_start3A_227] : memref<10000x128xf32, #tpu.memory_space<hbm>> -> memref<10000x128xf32, #tpu.memory_space<hbm>>
      tpu.enqueue_indirect_dma source(%dma_start3A_228 : memref<10000x128xf32, #tpu.memory_space<hbm>>) target(%dma_start3A_220 : memref<64x128xf32, #tpu.memory_space<vmem>>) offsets(%dma_start3A_225 : memref<64xi32, #tpu.memory_space<vmem>>) semaphore(%arg13 : memref<!tpu.dma_semaphore, #tpu.memory_space<semaphore_mem>>)
      %mul3A_229 = arith.constant 16 : i32
      %mul3A_230 = arith.muli %scan3A_51, %mul3A_229 : i32
      %add3A_231 = arith.constant 4 : i32
      %add3A_232 = arith.addi %mul3A_230, %add3A_231 : i32
      %dma_wait3A_233 = arith.constant 0 : i32
      %dma_wait3A_234 = arith.constant 0 : i32
      %dma_wait3A_235 = tpu.memref_slice %arg2[%dma_wait3A_233, %dma_wait3A_234] : memref<10000x128xf32, #tpu.memory_space<hbm>> -> memref<128x128xf32, #tpu.memory_space<hbm>>
      %dma_wait3A_236 = arith.constant 0 : i32
      %dma_wait3A_237 = arith.constant 0 : i32
      %dma_wait3A_238 = tpu.memref_slice %arg2[%dma_wait3A_236, %dma_wait3A_237] : memref<10000x128xf32, #tpu.memory_space<hbm>> -> memref<128x128xf32, #tpu.memory_space<hbm>>
      tpu.wait_dma2 semaphore(%arg13 : memref<!tpu.dma_semaphore, #tpu.memory_space<semaphore_mem>>) src(%dma_wait3A_238 : memref<128x128xf32, #tpu.memory_space<hbm>>) dst(%arg10 : memref<128x128xf32, #tpu.memory_space<vmem>>)
      %dma_start3A_239 = arith.constant 0 : i32
      %dma_start3A_240 = tpu.memref_slice %arg7[%add3A_232, %dma_start3A_239] : memref<80x128xi32, #tpu.memory_space<vmem>> -> memref<1x128xi32, #tpu.memory_space<vmem>>
      %dma_start3A_241 = tpu.memref_squeeze %dma_start3A_240 : memref<1x128xi32, #tpu.memory_space<vmem>> -> memref<128xi32, #tpu.memory_space<vmem>>
      %dma_start3A_242 = arith.constant 0 : i32
      %dma_start3A_243 = arith.constant 0 : i32
      %dma_start3A_244 = tpu.memref_slice %arg12[%dma_start3A_242, %dma_start3A_243] : memref<10112x128xf32, #tpu.memory_space<vmem_shared>> -> memref<10112x128xf32, #tpu.memory_space<vmem_shared>>
      tpu.enqueue_indirect_dma source(%arg10 : memref<128x128xf32, #tpu.memory_space<vmem>>) target(%dma_start3A_244 : memref<10112x128xf32, #tpu.memory_space<vmem_shared>>) offsets(%dma_start3A_241 : memref<128xi32, #tpu.memory_space<vmem>>) semaphore(%arg15 : memref<!tpu.dma_semaphore, #tpu.memory_space<semaphore_mem>>) {add = true}
      %dma_wait3A_245 = arith.constant 0 : i32
      %dma_wait3A_246 = arith.constant 0 : i32
      %dma_wait3A_247 = tpu.memref_slice %arg7[%dma_wait3A_245, %dma_wait3A_246] : memref<80x128xi32, #tpu.memory_space<vmem>> -> memref<1x128xi32, #tpu.memory_space<vmem>>
      %dma_wait3A_248 = tpu.memref_squeeze %dma_wait3A_247 : memref<1x128xi32, #tpu.memory_space<vmem>> -> memref<128xi32, #tpu.memory_space<vmem>>
      %dma_wait3A_249 = arith.constant 0 : i32
      %dma_wait3A_250 = arith.constant 0 : i32
      %dma_wait3A_251 = tpu.memref_slice %arg12[%dma_wait3A_249, %dma_wait3A_250] : memref<10112x128xf32, #tpu.memory_space<vmem_shared>> -> memref<10112x128xf32, #tpu.memory_space<vmem_shared>>
      tpu.wait_indirect_dma semaphore(%arg16 : memref<!tpu.dma_semaphore, #tpu.memory_space<semaphore_mem>>) src(%arg10 : memref<128x128xf32, #tpu.memory_space<vmem>>) dst(%dma_wait3A_251 : memref<10112x128xf32, #tpu.memory_space<vmem_shared>>)
      %dma_start3A_252 = arith.constant 5 : i32
      %dma_start3A_253 = arith.constant 0 : i32
      %dma_start3A_254 = arith.constant 0 : i32
      %dma_start3A_255 = tpu.memref_slice %arg11[%dma_start3A_253, %dma_start3A_254] : memref<128x128xf32, #tpu.memory_space<vmem>> -> memref<64x128xf32, #tpu.memory_space<vmem>>
      %dma_start3A_256 = arith.constant 0 : i32
      %dma_start3A_257 = tpu.memref_slice %arg8[%dma_start3A_252, %dma_start3A_256] : memref<8x128xi32, #tpu.memory_space<vmem>> -> memref<1x128xi32, #tpu.memory_space<vmem>>
      %dma_start3A_258 = tpu.memref_squeeze %dma_start3A_257 : memref<1x128xi32, #tpu.memory_space<vmem>> -> memref<128xi32, #tpu.memory_space<vmem>>
      %dma_start3A_259 = arith.constant 0 : i32
      %dma_start3A_260 = tpu.memref_slice %dma_start3A_258[%dma_start3A_259] : memref<128xi32, #tpu.memory_space<vmem>> -> memref<64xi32, #tpu.memory_space<vmem>>
      %dma_start3A_261 = arith.constant 0 : i32
      %dma_start3A_262 = arith.constant 0 : i32
      %dma_start3A_263 = tpu.memref_slice %arg2[%dma_start3A_261, %dma_start3A_262] : memref<10000x128xf32, #tpu.memory_space<hbm>> -> memref<10000x128xf32, #tpu.memory_space<hbm>>
      tpu.enqueue_indirect_dma source(%dma_start3A_263 : memref<10000x128xf32, #tpu.memory_space<hbm>>) target(%dma_start3A_255 : memref<64x128xf32, #tpu.memory_space<vmem>>) offsets(%dma_start3A_260 : memref<64xi32, #tpu.memory_space<vmem>>) semaphore(%arg14 : memref<!tpu.dma_semaphore, #tpu.memory_space<semaphore_mem>>)
      %dma_start3A_264 = arith.constant 5 : i32
      %dma_start3A_265 = arith.constant 64 : i32
      %dma_start3A_266 = arith.constant 0 : i32
      %dma_start3A_267 = tpu.memref_slice %arg11[%dma_start3A_265, %dma_start3A_266] : memref<128x128xf32, #tpu.memory_space<vmem>> -> memref<64x128xf32, #tpu.memory_space<vmem>>
      %dma_start3A_268 = arith.constant 0 : i32
      %dma_start3A_269 = tpu.memref_slice %arg8[%dma_start3A_264, %dma_start3A_268] : memref<8x128xi32, #tpu.memory_space<vmem>> -> memref<1x128xi32, #tpu.memory_space<vmem>>
      %dma_start3A_270 = tpu.memref_squeeze %dma_start3A_269 : memref<1x128xi32, #tpu.memory_space<vmem>> -> memref<128xi32, #tpu.memory_space<vmem>>
      %dma_start3A_271 = arith.constant 64 : i32
      %dma_start3A_272 = tpu.memref_slice %dma_start3A_270[%dma_start3A_271] : memref<128xi32, #tpu.memory_space<vmem>> -> memref<64xi32, #tpu.memory_space<vmem>>
      %dma_start3A_273 = arith.constant 0 : i32
      %dma_start3A_274 = arith.constant 0 : i32
      %dma_start3A_275 = tpu.memref_slice %arg2[%dma_start3A_273, %dma_start3A_274] : memref<10000x128xf32, #tpu.memory_space<hbm>> -> memref<10000x128xf32, #tpu.memory_space<hbm>>
      tpu.enqueue_indirect_dma source(%dma_start3A_275 : memref<10000x128xf32, #tpu.memory_space<hbm>>) target(%dma_start3A_267 : memref<64x128xf32, #tpu.memory_space<vmem>>) offsets(%dma_start3A_272 : memref<64xi32, #tpu.memory_space<vmem>>) semaphore(%arg14 : memref<!tpu.dma_semaphore, #tpu.memory_space<semaphore_mem>>)
      %mul3A_276 = arith.constant 16 : i32
      %mul3A_277 = arith.muli %scan3A_51, %mul3A_276 : i32
      %add3A_278 = arith.constant 5 : i32
      %add3A_279 = arith.addi %mul3A_277, %add3A_278 : i32
      %dma_wait3A_280 = arith.constant 0 : i32
      %dma_wait3A_281 = arith.constant 0 : i32
      %dma_wait3A_282 = tpu.memref_slice %arg2[%dma_wait3A_280, %dma_wait3A_281] : memref<10000x128xf32, #tpu.memory_space<hbm>> -> memref<128x128xf32, #tpu.memory_space<hbm>>
      %dma_wait3A_283 = arith.constant 0 : i32
      %dma_wait3A_284 = arith.constant 0 : i32
      %dma_wait3A_285 = tpu.memref_slice %arg2[%dma_wait3A_283, %dma_wait3A_284] : memref<10000x128xf32, #tpu.memory_space<hbm>> -> memref<128x128xf32, #tpu.memory_space<hbm>>
      tpu.wait_dma2 semaphore(%arg14 : memref<!tpu.dma_semaphore, #tpu.memory_space<semaphore_mem>>) src(%dma_wait3A_285 : memref<128x128xf32, #tpu.memory_space<hbm>>) dst(%arg11 : memref<128x128xf32, #tpu.memory_space<vmem>>)
      %dma_start3A_286 = arith.constant 0 : i32
      %dma_start3A_287 = tpu.memref_slice %arg7[%add3A_279, %dma_start3A_286] : memref<80x128xi32, #tpu.memory_space<vmem>> -> memref<1x128xi32, #tpu.memory_space<vmem>>
      %dma_start3A_288 = tpu.memref_squeeze %dma_start3A_287 : memref<1x128xi32, #tpu.memory_space<vmem>> -> memref<128xi32, #tpu.memory_space<vmem>>
      %dma_start3A_289 = arith.constant 0 : i32
      %dma_start3A_290 = arith.constant 0 : i32
      %dma_start3A_291 = tpu.memref_slice %arg12[%dma_start3A_289, %dma_start3A_290] : memref<10112x128xf32, #tpu.memory_space<vmem_shared>> -> memref<10112x128xf32, #tpu.memory_space<vmem_shared>>
      tpu.enqueue_indirect_dma source(%arg11 : memref<128x128xf32, #tpu.memory_space<vmem>>) target(%dma_start3A_291 : memref<10112x128xf32, #tpu.memory_space<vmem_shared>>) offsets(%dma_start3A_288 : memref<128xi32, #tpu.memory_space<vmem>>) semaphore(%arg16 : memref<!tpu.dma_semaphore, #tpu.memory_space<semaphore_mem>>) {add = true}
      %dma_wait3A_292 = arith.constant 0 : i32
      %dma_wait3A_293 = arith.constant 0 : i32
      %dma_wait3A_294 = tpu.memref_slice %arg7[%dma_wait3A_292, %dma_wait3A_293] : memref<80x128xi32, #tpu.memory_space<vmem>> -> memref<1x128xi32, #tpu.memory_space<vmem>>
      %dma_wait3A_295 = tpu.memref_squeeze %dma_wait3A_294 : memref<1x128xi32, #tpu.memory_space<vmem>> -> memref<128xi32, #tpu.memory_space<vmem>>
      %dma_wait3A_296 = arith.constant 0 : i32
      %dma_wait3A_297 = arith.constant 0 : i32
      %dma_wait3A_298 = tpu.memref_slice %arg12[%dma_wait3A_296, %dma_wait3A_297] : memref<10112x128xf32, #tpu.memory_space<vmem_shared>> -> memref<10112x128xf32, #tpu.memory_space<vmem_shared>>
      tpu.wait_indirect_dma semaphore(%arg15 : memref<!tpu.dma_semaphore, #tpu.memory_space<semaphore_mem>>) src(%arg10 : memref<128x128xf32, #tpu.memory_space<vmem>>) dst(%dma_wait3A_298 : memref<10112x128xf32, #tpu.memory_space<vmem_shared>>)
      %dma_start3A_299 = arith.constant 6 : i32
      %dma_start3A_300 = arith.constant 0 : i32
      %dma_start3A_301 = arith.constant 0 : i32
      %dma_start3A_302 = tpu.memref_slice %arg10[%dma_start3A_300, %dma_start3A_301] : memref<128x128xf32, #tpu.memory_space<vmem>> -> memref<64x128xf32, #tpu.memory_space<vmem>>
      %dma_start3A_303 = arith.constant 0 : i32
      %dma_start3A_304 = tpu.memref_slice %arg8[%dma_start3A_299, %dma_start3A_303] : memref<8x128xi32, #tpu.memory_space<vmem>> -> memref<1x128xi32, #tpu.memory_space<vmem>>
      %dma_start3A_305 = tpu.memref_squeeze %dma_start3A_304 : memref<1x128xi32, #tpu.memory_space<vmem>> -> memref<128xi32, #tpu.memory_space<vmem>>
      %dma_start3A_306 = arith.constant 0 : i32
      %dma_start3A_307 = tpu.memref_slice %dma_start3A_305[%dma_start3A_306] : memref<128xi32, #tpu.memory_space<vmem>> -> memref<64xi32, #tpu.memory_space<vmem>>
      %dma_start3A_308 = arith.constant 0 : i32
      %dma_start3A_309 = arith.constant 0 : i32
      %dma_start3A_310 = tpu.memref_slice %arg2[%dma_start3A_308, %dma_start3A_309] : memref<10000x128xf32, #tpu.memory_space<hbm>> -> memref<10000x128xf32, #tpu.memory_space<hbm>>
      tpu.enqueue_indirect_dma source(%dma_start3A_310 : memref<10000x128xf32, #tpu.memory_space<hbm>>) target(%dma_start3A_302 : memref<64x128xf32, #tpu.memory_space<vmem>>) offsets(%dma_start3A_307 : memref<64xi32, #tpu.memory_space<vmem>>) semaphore(%arg13 : memref<!tpu.dma_semaphore, #tpu.memory_space<semaphore_mem>>)
      %dma_start3A_311 = arith.constant 6 : i32
      %dma_start3A_312 = arith.constant 64 : i32
      %dma_start3A_313 = arith.constant 0 : i32
      %dma_start3A_314 = tpu.memref_slice %arg10[%dma_start3A_312, %dma_start3A_313] : memref<128x128xf32, #tpu.memory_space<vmem>> -> memref<64x128xf32, #tpu.memory_space<vmem>>
      %dma_start3A_315 = arith.constant 0 : i32
      %dma_start3A_316 = tpu.memref_slice %arg8[%dma_start3A_311, %dma_start3A_315] : memref<8x128xi32, #tpu.memory_space<vmem>> -> memref<1x128xi32, #tpu.memory_space<vmem>>
      %dma_start3A_317 = tpu.memref_squeeze %dma_start3A_316 : memref<1x128xi32, #tpu.memory_space<vmem>> -> memref<128xi32, #tpu.memory_space<vmem>>
      %dma_start3A_318 = arith.constant 64 : i32
      %dma_start3A_319 = tpu.memref_slice %dma_start3A_317[%dma_start3A_318] : memref<128xi32, #tpu.memory_space<vmem>> -> memref<64xi32, #tpu.memory_space<vmem>>
      %dma_start3A_320 = arith.constant 0 : i32
      %dma_start3A_321 = arith.constant 0 : i32
      %dma_start3A_322 = tpu.memref_slice %arg2[%dma_start3A_320, %dma_start3A_321] : memref<10000x128xf32, #tpu.memory_space<hbm>> -> memref<10000x128xf32, #tpu.memory_space<hbm>>
      tpu.enqueue_indirect_dma source(%dma_start3A_322 : memref<10000x128xf32, #tpu.memory_space<hbm>>) target(%dma_start3A_314 : memref<64x128xf32, #tpu.memory_space<vmem>>) offsets(%dma_start3A_319 : memref<64xi32, #tpu.memory_space<vmem>>) semaphore(%arg13 : memref<!tpu.dma_semaphore, #tpu.memory_space<semaphore_mem>>)
      %mul3A_323 = arith.constant 16 : i32
      %mul3A_324 = arith.muli %scan3A_51, %mul3A_323 : i32
      %add3A_325 = arith.constant 6 : i32
      %add3A_326 = arith.addi %mul3A_324, %add3A_325 : i32
      %dma_wait3A_327 = arith.constant 0 : i32
      %dma_wait3A_328 = arith.constant 0 : i32
      %dma_wait3A_329 = tpu.memref_slice %arg2[%dma_wait3A_327, %dma_wait3A_328] : memref<10000x128xf32, #tpu.memory_space<hbm>> -> memref<128x128xf32, #tpu.memory_space<hbm>>
      %dma_wait3A_330 = arith.constant 0 : i32
      %dma_wait3A_331 = arith.constant 0 : i32
      %dma_wait3A_332 = tpu.memref_slice %arg2[%dma_wait3A_330, %dma_wait3A_331] : memref<10000x128xf32, #tpu.memory_space<hbm>> -> memref<128x128xf32, #tpu.memory_space<hbm>>
      tpu.wait_dma2 semaphore(%arg13 : memref<!tpu.dma_semaphore, #tpu.memory_space<semaphore_mem>>) src(%dma_wait3A_332 : memref<128x128xf32, #tpu.memory_space<hbm>>) dst(%arg10 : memref<128x128xf32, #tpu.memory_space<vmem>>)
      %dma_start3A_333 = arith.constant 0 : i32
      %dma_start3A_334 = tpu.memref_slice %arg7[%add3A_326, %dma_start3A_333] : memref<80x128xi32, #tpu.memory_space<vmem>> -> memref<1x128xi32, #tpu.memory_space<vmem>>
      %dma_start3A_335 = tpu.memref_squeeze %dma_start3A_334 : memref<1x128xi32, #tpu.memory_space<vmem>> -> memref<128xi32, #tpu.memory_space<vmem>>
      %dma_start3A_336 = arith.constant 0 : i32
      %dma_start3A_337 = arith.constant 0 : i32
      %dma_start3A_338 = tpu.memref_slice %arg12[%dma_start3A_336, %dma_start3A_337] : memref<10112x128xf32, #tpu.memory_space<vmem_shared>> -> memref<10112x128xf32, #tpu.memory_space<vmem_shared>>
      tpu.enqueue_indirect_dma source(%arg10 : memref<128x128xf32, #tpu.memory_space<vmem>>) target(%dma_start3A_338 : memref<10112x128xf32, #tpu.memory_space<vmem_shared>>) offsets(%dma_start3A_335 : memref<128xi32, #tpu.memory_space<vmem>>) semaphore(%arg15 : memref<!tpu.dma_semaphore, #tpu.memory_space<semaphore_mem>>) {add = true}
      %dma_wait3A_339 = arith.constant 0 : i32
      %dma_wait3A_340 = arith.constant 0 : i32
      %dma_wait3A_341 = tpu.memref_slice %arg7[%dma_wait3A_339, %dma_wait3A_340] : memref<80x128xi32, #tpu.memory_space<vmem>> -> memref<1x128xi32, #tpu.memory_space<vmem>>
      %dma_wait3A_342 = tpu.memref_squeeze %dma_wait3A_341 : memref<1x128xi32, #tpu.memory_space<vmem>> -> memref<128xi32, #tpu.memory_space<vmem>>
      %dma_wait3A_343 = arith.constant 0 : i32
      %dma_wait3A_344 = arith.constant 0 : i32
      %dma_wait3A_345 = tpu.memref_slice %arg12[%dma_wait3A_343, %dma_wait3A_344] : memref<10112x128xf32, #tpu.memory_space<vmem_shared>> -> memref<10112x128xf32, #tpu.memory_space<vmem_shared>>
      tpu.wait_indirect_dma semaphore(%arg16 : memref<!tpu.dma_semaphore, #tpu.memory_space<semaphore_mem>>) src(%arg10 : memref<128x128xf32, #tpu.memory_space<vmem>>) dst(%dma_wait3A_345 : memref<10112x128xf32, #tpu.memory_space<vmem_shared>>)
      %dma_start3A_346 = arith.constant 7 : i32
      %dma_start3A_347 = arith.constant 0 : i32
      %dma_start3A_348 = arith.constant 0 : i32
      %dma_start3A_349 = tpu.memref_slice %arg11[%dma_start3A_347, %dma_start3A_348] : memref<128x128xf32, #tpu.memory_space<vmem>> -> memref<64x128xf32, #tpu.memory_space<vmem>>
      %dma_start3A_350 = arith.constant 0 : i32
      %dma_start3A_351 = tpu.memref_slice %arg8[%dma_start3A_346, %dma_start3A_350] : memref<8x128xi32, #tpu.memory_space<vmem>> -> memref<1x128xi32, #tpu.memory_space<vmem>>
      %dma_start3A_352 = tpu.memref_squeeze %dma_start3A_351 : memref<1x128xi32, #tpu.memory_space<vmem>> -> memref<128xi32, #tpu.memory_space<vmem>>
      %dma_start3A_353 = arith.constant 0 : i32
      %dma_start3A_354 = tpu.memref_slice %dma_start3A_352[%dma_start3A_353] : memref<128xi32, #tpu.memory_space<vmem>> -> memref<64xi32, #tpu.memory_space<vmem>>
      %dma_start3A_355 = arith.constant 0 : i32
      %dma_start3A_356 = arith.constant 0 : i32
      %dma_start3A_357 = tpu.memref_slice %arg2[%dma_start3A_355, %dma_start3A_356] : memref<10000x128xf32, #tpu.memory_space<hbm>> -> memref<10000x128xf32, #tpu.memory_space<hbm>>
      tpu.enqueue_indirect_dma source(%dma_start3A_357 : memref<10000x128xf32, #tpu.memory_space<hbm>>) target(%dma_start3A_349 : memref<64x128xf32, #tpu.memory_space<vmem>>) offsets(%dma_start3A_354 : memref<64xi32, #tpu.memory_space<vmem>>) semaphore(%arg14 : memref<!tpu.dma_semaphore, #tpu.memory_space<semaphore_mem>>)
      %dma_start3A_358 = arith.constant 7 : i32
      %dma_start3A_359 = arith.constant 64 : i32
      %dma_start3A_360 = arith.constant 0 : i32
      %dma_start3A_361 = tpu.memref_slice %arg11[%dma_start3A_359, %dma_start3A_360] : memref<128x128xf32, #tpu.memory_space<vmem>> -> memref<64x128xf32, #tpu.memory_space<vmem>>
      %dma_start3A_362 = arith.constant 0 : i32
      %dma_start3A_363 = tpu.memref_slice %arg8[%dma_start3A_358, %dma_start3A_362] : memref<8x128xi32, #tpu.memory_space<vmem>> -> memref<1x128xi32, #tpu.memory_space<vmem>>
      %dma_start3A_364 = tpu.memref_squeeze %dma_start3A_363 : memref<1x128xi32, #tpu.memory_space<vmem>> -> memref<128xi32, #tpu.memory_space<vmem>>
      %dma_start3A_365 = arith.constant 64 : i32
      %dma_start3A_366 = tpu.memref_slice %dma_start3A_364[%dma_start3A_365] : memref<128xi32, #tpu.memory_space<vmem>> -> memref<64xi32, #tpu.memory_space<vmem>>
      %dma_start3A_367 = arith.constant 0 : i32
      %dma_start3A_368 = arith.constant 0 : i32
      %dma_start3A_369 = tpu.memref_slice %arg2[%dma_start3A_367, %dma_start3A_368] : memref<10000x128xf32, #tpu.memory_space<hbm>> -> memref<10000x128xf32, #tpu.memory_space<hbm>>
      tpu.enqueue_indirect_dma source(%dma_start3A_369 : memref<10000x128xf32, #tpu.memory_space<hbm>>) target(%dma_start3A_361 : memref<64x128xf32, #tpu.memory_space<vmem>>) offsets(%dma_start3A_366 : memref<64xi32, #tpu.memory_space<vmem>>) semaphore(%arg14 : memref<!tpu.dma_semaphore, #tpu.memory_space<semaphore_mem>>)
      %mul3A_370 = arith.constant 16 : i32
      %mul3A_371 = arith.muli %scan3A_51, %mul3A_370 : i32
      %add3A_372 = arith.constant 7 : i32
      %add3A_373 = arith.addi %mul3A_371, %add3A_372 : i32
      %dma_wait3A_374 = arith.constant 0 : i32
      %dma_wait3A_375 = arith.constant 0 : i32
      %dma_wait3A_376 = tpu.memref_slice %arg2[%dma_wait3A_374, %dma_wait3A_375] : memref<10000x128xf32, #tpu.memory_space<hbm>> -> memref<128x128xf32, #tpu.memory_space<hbm>>
      %dma_wait3A_377 = arith.constant 0 : i32
      %dma_wait3A_378 = arith.constant 0 : i32
      %dma_wait3A_379 = tpu.memref_slice %arg2[%dma_wait3A_377, %dma_wait3A_378] : memref<10000x128xf32, #tpu.memory_space<hbm>> -> memref<128x128xf32, #tpu.memory_space<hbm>>
      tpu.wait_dma2 semaphore(%arg14 : memref<!tpu.dma_semaphore, #tpu.memory_space<semaphore_mem>>) src(%dma_wait3A_379 : memref<128x128xf32, #tpu.memory_space<hbm>>) dst(%arg11 : memref<128x128xf32, #tpu.memory_space<vmem>>)
      %dma_start3A_380 = arith.constant 0 : i32
      %dma_start3A_381 = tpu.memref_slice %arg7[%add3A_373, %dma_start3A_380] : memref<80x128xi32, #tpu.memory_space<vmem>> -> memref<1x128xi32, #tpu.memory_space<vmem>>
      %dma_start3A_382 = tpu.memref_squeeze %dma_start3A_381 : memref<1x128xi32, #tpu.memory_space<vmem>> -> memref<128xi32, #tpu.memory_space<vmem>>
      %dma_start3A_383 = arith.constant 0 : i32
      %dma_start3A_384 = arith.constant 0 : i32
      %dma_start3A_385 = tpu.memref_slice %arg12[%dma_start3A_383, %dma_start3A_384] : memref<10112x128xf32, #tpu.memory_space<vmem_shared>> -> memref<10112x128xf32, #tpu.memory_space<vmem_shared>>
      tpu.enqueue_indirect_dma source(%arg11 : memref<128x128xf32, #tpu.memory_space<vmem>>) target(%dma_start3A_385 : memref<10112x128xf32, #tpu.memory_space<vmem_shared>>) offsets(%dma_start3A_382 : memref<128xi32, #tpu.memory_space<vmem>>) semaphore(%arg16 : memref<!tpu.dma_semaphore, #tpu.memory_space<semaphore_mem>>) {add = true}
      %dma_wait3A_386 = arith.constant 0 : i32
      %dma_wait3A_387 = arith.constant 0 : i32
      %dma_wait3A_388 = arith.constant 0 : i32
      %dma_wait3A_389 = tpu.memref_slice %arg3[%dma_wait3A_386, %dma_wait3A_387, %dma_wait3A_388] : memref<32x80x128xi32, #tpu.memory_space<hbm>> -> memref<1x8x128xi32, #tpu.memory_space<hbm>>
      %dma_wait3A_390 = tpu.memref_squeeze %dma_wait3A_389 : memref<1x8x128xi32, #tpu.memory_space<hbm>> -> memref<8x128xi32, #tpu.memory_space<hbm>>
      %dma_wait3A_391 = arith.constant 0 : i32
      %dma_wait3A_392 = arith.constant 0 : i32
      %dma_wait3A_393 = tpu.memref_slice %arg3[%dma_wait3A_386, %dma_wait3A_391, %dma_wait3A_392] : memref<32x80x128xi32, #tpu.memory_space<hbm>> -> memref<1x8x128xi32, #tpu.memory_space<hbm>>
      %dma_wait3A_394 = tpu.memref_squeeze %dma_wait3A_393 : memref<1x8x128xi32, #tpu.memory_space<hbm>> -> memref<8x128xi32, #tpu.memory_space<hbm>>
      tpu.wait_dma2 semaphore(%arg18 : memref<!tpu.dma_semaphore, #tpu.memory_space<semaphore_mem>>) src(%dma_wait3A_394 : memref<8x128xi32, #tpu.memory_space<hbm>>) dst(%arg9 : memref<8x128xi32, #tpu.memory_space<vmem>>)
      %dma_wait3A_395 = arith.constant 0 : i32
      %dma_wait3A_396 = arith.constant 0 : i32
      %dma_wait3A_397 = tpu.memref_slice %arg7[%dma_wait3A_395, %dma_wait3A_396] : memref<80x128xi32, #tpu.memory_space<vmem>> -> memref<1x128xi32, #tpu.memory_space<vmem>>
      %dma_wait3A_398 = tpu.memref_squeeze %dma_wait3A_397 : memref<1x128xi32, #tpu.memory_space<vmem>> -> memref<128xi32, #tpu.memory_space<vmem>>
      %dma_wait3A_399 = arith.constant 0 : i32
      %dma_wait3A_400 = arith.constant 0 : i32
      %dma_wait3A_401 = tpu.memref_slice %arg12[%dma_wait3A_399, %dma_wait3A_400] : memref<10112x128xf32, #tpu.memory_space<vmem_shared>> -> memref<10112x128xf32, #tpu.memory_space<vmem_shared>>
      tpu.wait_indirect_dma semaphore(%arg15 : memref<!tpu.dma_semaphore, #tpu.memory_space<semaphore_mem>>) src(%arg10 : memref<128x128xf32, #tpu.memory_space<vmem>>) dst(%dma_wait3A_401 : memref<10112x128xf32, #tpu.memory_space<vmem_shared>>)
      %dma_start3A_402 = arith.constant 0 : i32
      %dma_start3A_403 = arith.constant 0 : i32
      %dma_start3A_404 = arith.constant 0 : i32
      %dma_start3A_405 = tpu.memref_slice %arg10[%dma_start3A_403, %dma_start3A_404] : memref<128x128xf32, #tpu.memory_space<vmem>> -> memref<64x128xf32, #tpu.memory_space<vmem>>
      %dma_start3A_406 = arith.constant 0 : i32
      %dma_start3A_407 = tpu.memref_slice %arg9[%dma_start3A_402, %dma_start3A_406] : memref<8x128xi32, #tpu.memory_space<vmem>> -> memref<1x128xi32, #tpu.memory_space<vmem>>
      %dma_start3A_408 = tpu.memref_squeeze %dma_start3A_407 : memref<1x128xi32, #tpu.memory_space<vmem>> -> memref<128xi32, #tpu.memory_space<vmem>>
      %dma_start3A_409 = arith.constant 0 : i32
      %dma_start3A_410 = tpu.memref_slice %dma_start3A_408[%dma_start3A_409] : memref<128xi32, #tpu.memory_space<vmem>> -> memref<64xi32, #tpu.memory_space<vmem>>
      %dma_start3A_411 = arith.constant 0 : i32
      %dma_start3A_412 = arith.constant 0 : i32
      %dma_start3A_413 = tpu.memref_slice %arg2[%dma_start3A_411, %dma_start3A_412] : memref<10000x128xf32, #tpu.memory_space<hbm>> -> memref<10000x128xf32, #tpu.memory_space<hbm>>
      tpu.enqueue_indirect_dma source(%dma_start3A_413 : memref<10000x128xf32, #tpu.memory_space<hbm>>) target(%dma_start3A_405 : memref<64x128xf32, #tpu.memory_space<vmem>>) offsets(%dma_start3A_410 : memref<64xi32, #tpu.memory_space<vmem>>) semaphore(%arg13 : memref<!tpu.dma_semaphore, #tpu.memory_space<semaphore_mem>>)
      %dma_start3A_414 = arith.constant 0 : i32
      %dma_start3A_415 = arith.constant 64 : i32
      %dma_start3A_416 = arith.constant 0 : i32
      %dma_start3A_417 = tpu.memref_slice %arg10[%dma_start3A_415, %dma_start3A_416] : memref<128x128xf32, #tpu.memory_space<vmem>> -> memref<64x128xf32, #tpu.memory_space<vmem>>
      %dma_start3A_418 = arith.constant 0 : i32
      %dma_start3A_419 = tpu.memref_slice %arg9[%dma_start3A_414, %dma_start3A_418] : memref<8x128xi32, #tpu.memory_space<vmem>> -> memref<1x128xi32, #tpu.memory_space<vmem>>
      %dma_start3A_420 = tpu.memref_squeeze %dma_start3A_419 : memref<1x128xi32, #tpu.memory_space<vmem>> -> memref<128xi32, #tpu.memory_space<vmem>>
      %dma_start3A_421 = arith.constant 64 : i32
      %dma_start3A_422 = tpu.memref_slice %dma_start3A_420[%dma_start3A_421] : memref<128xi32, #tpu.memory_space<vmem>> -> memref<64xi32, #tpu.memory_space<vmem>>
      %dma_start3A_423 = arith.constant 0 : i32
      %dma_start3A_424 = arith.constant 0 : i32
      %dma_start3A_425 = tpu.memref_slice %arg2[%dma_start3A_423, %dma_start3A_424] : memref<10000x128xf32, #tpu.memory_space<hbm>> -> memref<10000x128xf32, #tpu.memory_space<hbm>>
      tpu.enqueue_indirect_dma source(%dma_start3A_425 : memref<10000x128xf32, #tpu.memory_space<hbm>>) target(%dma_start3A_417 : memref<64x128xf32, #tpu.memory_space<vmem>>) offsets(%dma_start3A_422 : memref<64xi32, #tpu.memory_space<vmem>>) semaphore(%arg13 : memref<!tpu.dma_semaphore, #tpu.memory_space<semaphore_mem>>)
      %mul3A_426 = arith.constant 16 : i32
      %mul3A_427 = arith.muli %scan3A_51, %mul3A_426 : i32
      %add3A_428 = arith.constant 8 : i32
      %add3A_429 = arith.addi %mul3A_427, %add3A_428 : i32
      %lt3A = arith.constant 4 : i32
      %lt3A_430 = arith.cmpi slt, %scan3A_51, %lt3A : i32
      %convert_element_type3A_431 = arith.extui %lt3A_430 : i1 to i32
      %cond3A_432 = arith.constant 0 : i32
      %cond3A_433 = arith.cmpi ne, %convert_element_type3A_431, %cond3A_432 : i32
      scf.if %cond3A_433 {
        %mul3A_781 = arith.constant 2 : i32
        %mul3A_782 = arith.muli %scan3A_51, %mul3A_781 : i32
        %add3A_783 = arith.constant 2 : i32
        %add3A_784 = arith.addi %mul3A_782, %add3A_783 : i32
        %mul3A_785 = arith.constant 8 : i32
        %mul3A_786 = arith.muli %add3A_784, %mul3A_785 : i32
        %dma_start3A_787 = arith.constant 0 : i32
        %dma_start3A_788 = tpu.memref_slice %arg3[%add3A, %mul3A_786, %dma_start3A_787] : memref<32x80x128xi32, #tpu.memory_space<hbm>> -> memref<1x8x128xi32, #tpu.memory_space<hbm>>
        %dma_start3A_789 = tpu.memref_squeeze %dma_start3A_788 : memref<1x8x128xi32, #tpu.memory_space<hbm>> -> memref<8x128xi32, #tpu.memory_space<hbm>>
        %dma_start3A_790 = arith.constant 0 : i32
        %dma_start3A_791 = tpu.memref_slice %arg3[%add3A, %mul3A_786, %dma_start3A_790] : memref<32x80x128xi32, #tpu.memory_space<hbm>> -> memref<1x8x128xi32, #tpu.memory_space<hbm>>
        %dma_start3A_792 = tpu.memref_squeeze %dma_start3A_791 : memref<1x8x128xi32, #tpu.memory_space<hbm>> -> memref<8x128xi32, #tpu.memory_space<hbm>>
        tpu.enqueue_dma source(%dma_start3A_792 : memref<8x128xi32, #tpu.memory_space<hbm>>) target(%arg8 : memref<8x128xi32, #tpu.memory_space<vmem>>) target_semaphore(%arg17 : memref<!tpu.dma_semaphore, #tpu.memory_space<semaphore_mem>>)
      } else {
      }
      %dma_wait3A_434 = arith.constant 0 : i32
      %dma_wait3A_435 = arith.constant 0 : i32
      %dma_wait3A_436 = tpu.memref_slice %arg2[%dma_wait3A_434, %dma_wait3A_435] : memref<10000x128xf32, #tpu.memory_space<hbm>> -> memref<128x128xf32, #tpu.memory_space<hbm>>
      %dma_wait3A_437 = arith.constant 0 : i32
      %dma_wait3A_438 = arith.constant 0 : i32
      %dma_wait3A_439 = tpu.memref_slice %arg2[%dma_wait3A_437, %dma_wait3A_438] : memref<10000x128xf32, #tpu.memory_space<hbm>> -> memref<128x128xf32, #tpu.memory_space<hbm>>
      tpu.wait_dma2 semaphore(%arg13 : memref<!tpu.dma_semaphore, #tpu.memory_space<semaphore_mem>>) src(%dma_wait3A_439 : memref<128x128xf32, #tpu.memory_space<hbm>>) dst(%arg10 : memref<128x128xf32, #tpu.memory_space<vmem>>)
      %dma_start3A_440 = arith.constant 0 : i32
      %dma_start3A_441 = tpu.memref_slice %arg7[%add3A_429, %dma_start3A_440] : memref<80x128xi32, #tpu.memory_space<vmem>> -> memref<1x128xi32, #tpu.memory_space<vmem>>
      %dma_start3A_442 = tpu.memref_squeeze %dma_start3A_441 : memref<1x128xi32, #tpu.memory_space<vmem>> -> memref<128xi32, #tpu.memory_space<vmem>>
      %dma_start3A_443 = arith.constant 0 : i32
      %dma_start3A_444 = arith.constant 0 : i32
      %dma_start3A_445 = tpu.memref_slice %arg12[%dma_start3A_443, %dma_start3A_444] : memref<10112x128xf32, #tpu.memory_space<vmem_shared>> -> memref<10112x128xf32, #tpu.memory_space<vmem_shared>>
      tpu.enqueue_indirect_dma source(%arg10 : memref<128x128xf32, #tpu.memory_space<vmem>>) target(%dma_start3A_445 : memref<10112x128xf32, #tpu.memory_space<vmem_shared>>) offsets(%dma_start3A_442 : memref<128xi32, #tpu.memory_space<vmem>>) semaphore(%arg15 : memref<!tpu.dma_semaphore, #tpu.memory_space<semaphore_mem>>) {add = true}
      %dma_wait3A_446 = arith.constant 0 : i32
      %dma_wait3A_447 = arith.constant 0 : i32
      %dma_wait3A_448 = tpu.memref_slice %arg7[%dma_wait3A_446, %dma_wait3A_447] : memref<80x128xi32, #tpu.memory_space<vmem>> -> memref<1x128xi32, #tpu.memory_space<vmem>>
      %dma_wait3A_449 = tpu.memref_squeeze %dma_wait3A_448 : memref<1x128xi32, #tpu.memory_space<vmem>> -> memref<128xi32, #tpu.memory_space<vmem>>
      %dma_wait3A_450 = arith.constant 0 : i32
      %dma_wait3A_451 = arith.constant 0 : i32
      %dma_wait3A_452 = tpu.memref_slice %arg12[%dma_wait3A_450, %dma_wait3A_451] : memref<10112x128xf32, #tpu.memory_space<vmem_shared>> -> memref<10112x128xf32, #tpu.memory_space<vmem_shared>>
      tpu.wait_indirect_dma semaphore(%arg16 : memref<!tpu.dma_semaphore, #tpu.memory_space<semaphore_mem>>) src(%arg10 : memref<128x128xf32, #tpu.memory_space<vmem>>) dst(%dma_wait3A_452 : memref<10112x128xf32, #tpu.memory_space<vmem_shared>>)
      %dma_start3A_453 = arith.constant 1 : i32
      %dma_start3A_454 = arith.constant 0 : i32
      %dma_start3A_455 = arith.constant 0 : i32
      %dma_start3A_456 = tpu.memref_slice %arg11[%dma_start3A_454, %dma_start3A_455] : memref<128x128xf32, #tpu.memory_space<vmem>> -> memref<64x128xf32, #tpu.memory_space<vmem>>
      %dma_start3A_457 = arith.constant 0 : i32
      %dma_start3A_458 = tpu.memref_slice %arg9[%dma_start3A_453, %dma_start3A_457] : memref<8x128xi32, #tpu.memory_space<vmem>> -> memref<1x128xi32, #tpu.memory_space<vmem>>
      %dma_start3A_459 = tpu.memref_squeeze %dma_start3A_458 : memref<1x128xi32, #tpu.memory_space<vmem>> -> memref<128xi32, #tpu.memory_space<vmem>>
      %dma_start3A_460 = arith.constant 0 : i32
      %dma_start3A_461 = tpu.memref_slice %dma_start3A_459[%dma_start3A_460] : memref<128xi32, #tpu.memory_space<vmem>> -> memref<64xi32, #tpu.memory_space<vmem>>
      %dma_start3A_462 = arith.constant 0 : i32
      %dma_start3A_463 = arith.constant 0 : i32
      %dma_start3A_464 = tpu.memref_slice %arg2[%dma_start3A_462, %dma_start3A_463] : memref<10000x128xf32, #tpu.memory_space<hbm>> -> memref<10000x128xf32, #tpu.memory_space<hbm>>
      tpu.enqueue_indirect_dma source(%dma_start3A_464 : memref<10000x128xf32, #tpu.memory_space<hbm>>) target(%dma_start3A_456 : memref<64x128xf32, #tpu.memory_space<vmem>>) offsets(%dma_start3A_461 : memref<64xi32, #tpu.memory_space<vmem>>) semaphore(%arg14 : memref<!tpu.dma_semaphore, #tpu.memory_space<semaphore_mem>>)
      %dma_start3A_465 = arith.constant 1 : i32
      %dma_start3A_466 = arith.constant 64 : i32
      %dma_start3A_467 = arith.constant 0 : i32
      %dma_start3A_468 = tpu.memref_slice %arg11[%dma_start3A_466, %dma_start3A_467] : memref<128x128xf32, #tpu.memory_space<vmem>> -> memref<64x128xf32, #tpu.memory_space<vmem>>
      %dma_start3A_469 = arith.constant 0 : i32
      %dma_start3A_470 = tpu.memref_slice %arg9[%dma_start3A_465, %dma_start3A_469] : memref<8x128xi32, #tpu.memory_space<vmem>> -> memref<1x128xi32, #tpu.memory_space<vmem>>
      %dma_start3A_471 = tpu.memref_squeeze %dma_start3A_470 : memref<1x128xi32, #tpu.memory_space<vmem>> -> memref<128xi32, #tpu.memory_space<vmem>>
      %dma_start3A_472 = arith.constant 64 : i32
      %dma_start3A_473 = tpu.memref_slice %dma_start3A_471[%dma_start3A_472] : memref<128xi32, #tpu.memory_space<vmem>> -> memref<64xi32, #tpu.memory_space<vmem>>
      %dma_start3A_474 = arith.constant 0 : i32
      %dma_start3A_475 = arith.constant 0 : i32
      %dma_start3A_476 = tpu.memref_slice %arg2[%dma_start3A_474, %dma_start3A_475] : memref<10000x128xf32, #tpu.memory_space<hbm>> -> memref<10000x128xf32, #tpu.memory_space<hbm>>
      tpu.enqueue_indirect_dma source(%dma_start3A_476 : memref<10000x128xf32, #tpu.memory_space<hbm>>) target(%dma_start3A_468 : memref<64x128xf32, #tpu.memory_space<vmem>>) offsets(%dma_start3A_473 : memref<64xi32, #tpu.memory_space<vmem>>) semaphore(%arg14 : memref<!tpu.dma_semaphore, #tpu.memory_space<semaphore_mem>>)
      %mul3A_477 = arith.constant 16 : i32
      %mul3A_478 = arith.muli %scan3A_51, %mul3A_477 : i32
      %add3A_479 = arith.constant 9 : i32
      %add3A_480 = arith.addi %mul3A_478, %add3A_479 : i32
      %dma_wait3A_481 = arith.constant 0 : i32
      %dma_wait3A_482 = arith.constant 0 : i32
      %dma_wait3A_483 = tpu.memref_slice %arg2[%dma_wait3A_481, %dma_wait3A_482] : memref<10000x128xf32, #tpu.memory_space<hbm>> -> memref<128x128xf32, #tpu.memory_space<hbm>>
      %dma_wait3A_484 = arith.constant 0 : i32
      %dma_wait3A_485 = arith.constant 0 : i32
      %dma_wait3A_486 = tpu.memref_slice %arg2[%dma_wait3A_484, %dma_wait3A_485] : memref<10000x128xf32, #tpu.memory_space<hbm>> -> memref<128x128xf32, #tpu.memory_space<hbm>>
      tpu.wait_dma2 semaphore(%arg14 : memref<!tpu.dma_semaphore, #tpu.memory_space<semaphore_mem>>) src(%dma_wait3A_486 : memref<128x128xf32, #tpu.memory_space<hbm>>) dst(%arg11 : memref<128x128xf32, #tpu.memory_space<vmem>>)
      %dma_start3A_487 = arith.constant 0 : i32
      %dma_start3A_488 = tpu.memref_slice %arg7[%add3A_480, %dma_start3A_487] : memref<80x128xi32, #tpu.memory_space<vmem>> -> memref<1x128xi32, #tpu.memory_space<vmem>>
      %dma_start3A_489 = tpu.memref_squeeze %dma_start3A_488 : memref<1x128xi32, #tpu.memory_space<vmem>> -> memref<128xi32, #tpu.memory_space<vmem>>
      %dma_start3A_490 = arith.constant 0 : i32
      %dma_start3A_491 = arith.constant 0 : i32
      %dma_start3A_492 = tpu.memref_slice %arg12[%dma_start3A_490, %dma_start3A_491] : memref<10112x128xf32, #tpu.memory_space<vmem_shared>> -> memref<10112x128xf32, #tpu.memory_space<vmem_shared>>
      tpu.enqueue_indirect_dma source(%arg11 : memref<128x128xf32, #tpu.memory_space<vmem>>) target(%dma_start3A_492 : memref<10112x128xf32, #tpu.memory_space<vmem_shared>>) offsets(%dma_start3A_489 : memref<128xi32, #tpu.memory_space<vmem>>) semaphore(%arg16 : memref<!tpu.dma_semaphore, #tpu.memory_space<semaphore_mem>>) {add = true}
      %dma_wait3A_493 = arith.constant 0 : i32
      %dma_wait3A_494 = arith.constant 0 : i32
      %dma_wait3A_495 = tpu.memref_slice %arg7[%dma_wait3A_493, %dma_wait3A_494] : memref<80x128xi32, #tpu.memory_space<vmem>> -> memref<1x128xi32, #tpu.memory_space<vmem>>
      %dma_wait3A_496 = tpu.memref_squeeze %dma_wait3A_495 : memref<1x128xi32, #tpu.memory_space<vmem>> -> memref<128xi32, #tpu.memory_space<vmem>>
      %dma_wait3A_497 = arith.constant 0 : i32
      %dma_wait3A_498 = arith.constant 0 : i32
      %dma_wait3A_499 = tpu.memref_slice %arg12[%dma_wait3A_497, %dma_wait3A_498] : memref<10112x128xf32, #tpu.memory_space<vmem_shared>> -> memref<10112x128xf32, #tpu.memory_space<vmem_shared>>
      tpu.wait_indirect_dma semaphore(%arg15 : memref<!tpu.dma_semaphore, #tpu.memory_space<semaphore_mem>>) src(%arg10 : memref<128x128xf32, #tpu.memory_space<vmem>>) dst(%dma_wait3A_499 : memref<10112x128xf32, #tpu.memory_space<vmem_shared>>)
      %dma_start3A_500 = arith.constant 2 : i32
      %dma_start3A_501 = arith.constant 0 : i32
      %dma_start3A_502 = arith.constant 0 : i32
      %dma_start3A_503 = tpu.memref_slice %arg10[%dma_start3A_501, %dma_start3A_502] : memref<128x128xf32, #tpu.memory_space<vmem>> -> memref<64x128xf32, #tpu.memory_space<vmem>>
      %dma_start3A_504 = arith.constant 0 : i32
      %dma_start3A_505 = tpu.memref_slice %arg9[%dma_start3A_500, %dma_start3A_504] : memref<8x128xi32, #tpu.memory_space<vmem>> -> memref<1x128xi32, #tpu.memory_space<vmem>>
      %dma_start3A_506 = tpu.memref_squeeze %dma_start3A_505 : memref<1x128xi32, #tpu.memory_space<vmem>> -> memref<128xi32, #tpu.memory_space<vmem>>
      %dma_start3A_507 = arith.constant 0 : i32
      %dma_start3A_508 = tpu.memref_slice %dma_start3A_506[%dma_start3A_507] : memref<128xi32, #tpu.memory_space<vmem>> -> memref<64xi32, #tpu.memory_space<vmem>>
      %dma_start3A_509 = arith.constant 0 : i32
      %dma_start3A_510 = arith.constant 0 : i32
      %dma_start3A_511 = tpu.memref_slice %arg2[%dma_start3A_509, %dma_start3A_510] : memref<10000x128xf32, #tpu.memory_space<hbm>> -> memref<10000x128xf32, #tpu.memory_space<hbm>>
      tpu.enqueue_indirect_dma source(%dma_start3A_511 : memref<10000x128xf32, #tpu.memory_space<hbm>>) target(%dma_start3A_503 : memref<64x128xf32, #tpu.memory_space<vmem>>) offsets(%dma_start3A_508 : memref<64xi32, #tpu.memory_space<vmem>>) semaphore(%arg13 : memref<!tpu.dma_semaphore, #tpu.memory_space<semaphore_mem>>)
      %dma_start3A_512 = arith.constant 2 : i32
      %dma_start3A_513 = arith.constant 64 : i32
      %dma_start3A_514 = arith.constant 0 : i32
      %dma_start3A_515 = tpu.memref_slice %arg10[%dma_start3A_513, %dma_start3A_514] : memref<128x128xf32, #tpu.memory_space<vmem>> -> memref<64x128xf32, #tpu.memory_space<vmem>>
      %dma_start3A_516 = arith.constant 0 : i32
      %dma_start3A_517 = tpu.memref_slice %arg9[%dma_start3A_512, %dma_start3A_516] : memref<8x128xi32, #tpu.memory_space<vmem>> -> memref<1x128xi32, #tpu.memory_space<vmem>>
      %dma_start3A_518 = tpu.memref_squeeze %dma_start3A_517 : memref<1x128xi32, #tpu.memory_space<vmem>> -> memref<128xi32, #tpu.memory_space<vmem>>
      %dma_start3A_519 = arith.constant 64 : i32
      %dma_start3A_520 = tpu.memref_slice %dma_start3A_518[%dma_start3A_519] : memref<128xi32, #tpu.memory_space<vmem>> -> memref<64xi32, #tpu.memory_space<vmem>>
      %dma_start3A_521 = arith.constant 0 : i32
      %dma_start3A_522 = arith.constant 0 : i32
      %dma_start3A_523 = tpu.memref_slice %arg2[%dma_start3A_521, %dma_start3A_522] : memref<10000x128xf32, #tpu.memory_space<hbm>> -> memref<10000x128xf32, #tpu.memory_space<hbm>>
      tpu.enqueue_indirect_dma source(%dma_start3A_523 : memref<10000x128xf32, #tpu.memory_space<hbm>>) target(%dma_start3A_515 : memref<64x128xf32, #tpu.memory_space<vmem>>) offsets(%dma_start3A_520 : memref<64xi32, #tpu.memory_space<vmem>>) semaphore(%arg13 : memref<!tpu.dma_semaphore, #tpu.memory_space<semaphore_mem>>)
      %mul3A_524 = arith.constant 16 : i32
      %mul3A_525 = arith.muli %scan3A_51, %mul3A_524 : i32
      %add3A_526 = arith.constant 10 : i32
      %add3A_527 = arith.addi %mul3A_525, %add3A_526 : i32
      %dma_wait3A_528 = arith.constant 0 : i32
      %dma_wait3A_529 = arith.constant 0 : i32
      %dma_wait3A_530 = tpu.memref_slice %arg2[%dma_wait3A_528, %dma_wait3A_529] : memref<10000x128xf32, #tpu.memory_space<hbm>> -> memref<128x128xf32, #tpu.memory_space<hbm>>
      %dma_wait3A_531 = arith.constant 0 : i32
      %dma_wait3A_532 = arith.constant 0 : i32
      %dma_wait3A_533 = tpu.memref_slice %arg2[%dma_wait3A_531, %dma_wait3A_532] : memref<10000x128xf32, #tpu.memory_space<hbm>> -> memref<128x128xf32, #tpu.memory_space<hbm>>
      tpu.wait_dma2 semaphore(%arg13 : memref<!tpu.dma_semaphore, #tpu.memory_space<semaphore_mem>>) src(%dma_wait3A_533 : memref<128x128xf32, #tpu.memory_space<hbm>>) dst(%arg10 : memref<128x128xf32, #tpu.memory_space<vmem>>)
      %dma_start3A_534 = arith.constant 0 : i32
      %dma_start3A_535 = tpu.memref_slice %arg7[%add3A_527, %dma_start3A_534] : memref<80x128xi32, #tpu.memory_space<vmem>> -> memref<1x128xi32, #tpu.memory_space<vmem>>
      %dma_start3A_536 = tpu.memref_squeeze %dma_start3A_535 : memref<1x128xi32, #tpu.memory_space<vmem>> -> memref<128xi32, #tpu.memory_space<vmem>>
      %dma_start3A_537 = arith.constant 0 : i32
      %dma_start3A_538 = arith.constant 0 : i32
      %dma_start3A_539 = tpu.memref_slice %arg12[%dma_start3A_537, %dma_start3A_538] : memref<10112x128xf32, #tpu.memory_space<vmem_shared>> -> memref<10112x128xf32, #tpu.memory_space<vmem_shared>>
      tpu.enqueue_indirect_dma source(%arg10 : memref<128x128xf32, #tpu.memory_space<vmem>>) target(%dma_start3A_539 : memref<10112x128xf32, #tpu.memory_space<vmem_shared>>) offsets(%dma_start3A_536 : memref<128xi32, #tpu.memory_space<vmem>>) semaphore(%arg15 : memref<!tpu.dma_semaphore, #tpu.memory_space<semaphore_mem>>) {add = true}
      %dma_wait3A_540 = arith.constant 0 : i32
      %dma_wait3A_541 = arith.constant 0 : i32
      %dma_wait3A_542 = tpu.memref_slice %arg7[%dma_wait3A_540, %dma_wait3A_541] : memref<80x128xi32, #tpu.memory_space<vmem>> -> memref<1x128xi32, #tpu.memory_space<vmem>>
      %dma_wait3A_543 = tpu.memref_squeeze %dma_wait3A_542 : memref<1x128xi32, #tpu.memory_space<vmem>> -> memref<128xi32, #tpu.memory_space<vmem>>
      %dma_wait3A_544 = arith.constant 0 : i32
      %dma_wait3A_545 = arith.constant 0 : i32
      %dma_wait3A_546 = tpu.memref_slice %arg12[%dma_wait3A_544, %dma_wait3A_545] : memref<10112x128xf32, #tpu.memory_space<vmem_shared>> -> memref<10112x128xf32, #tpu.memory_space<vmem_shared>>
      tpu.wait_indirect_dma semaphore(%arg16 : memref<!tpu.dma_semaphore, #tpu.memory_space<semaphore_mem>>) src(%arg10 : memref<128x128xf32, #tpu.memory_space<vmem>>) dst(%dma_wait3A_546 : memref<10112x128xf32, #tpu.memory_space<vmem_shared>>)
      %dma_start3A_547 = arith.constant 3 : i32
      %dma_start3A_548 = arith.constant 0 : i32
      %dma_start3A_549 = arith.constant 0 : i32
      %dma_start3A_550 = tpu.memref_slice %arg11[%dma_start3A_548, %dma_start3A_549] : memref<128x128xf32, #tpu.memory_space<vmem>> -> memref<64x128xf32, #tpu.memory_space<vmem>>
      %dma_start3A_551 = arith.constant 0 : i32
      %dma_start3A_552 = tpu.memref_slice %arg9[%dma_start3A_547, %dma_start3A_551] : memref<8x128xi32, #tpu.memory_space<vmem>> -> memref<1x128xi32, #tpu.memory_space<vmem>>
      %dma_start3A_553 = tpu.memref_squeeze %dma_start3A_552 : memref<1x128xi32, #tpu.memory_space<vmem>> -> memref<128xi32, #tpu.memory_space<vmem>>
      %dma_start3A_554 = arith.constant 0 : i32
      %dma_start3A_555 = tpu.memref_slice %dma_start3A_553[%dma_start3A_554] : memref<128xi32, #tpu.memory_space<vmem>> -> memref<64xi32, #tpu.memory_space<vmem>>
      %dma_start3A_556 = arith.constant 0 : i32
      %dma_start3A_557 = arith.constant 0 : i32
      %dma_start3A_558 = tpu.memref_slice %arg2[%dma_start3A_556, %dma_start3A_557] : memref<10000x128xf32, #tpu.memory_space<hbm>> -> memref<10000x128xf32, #tpu.memory_space<hbm>>
      tpu.enqueue_indirect_dma source(%dma_start3A_558 : memref<10000x128xf32, #tpu.memory_space<hbm>>) target(%dma_start3A_550 : memref<64x128xf32, #tpu.memory_space<vmem>>) offsets(%dma_start3A_555 : memref<64xi32, #tpu.memory_space<vmem>>) semaphore(%arg14 : memref<!tpu.dma_semaphore, #tpu.memory_space<semaphore_mem>>)
      %dma_start3A_559 = arith.constant 3 : i32
      %dma_start3A_560 = arith.constant 64 : i32
      %dma_start3A_561 = arith.constant 0 : i32
      %dma_start3A_562 = tpu.memref_slice %arg11[%dma_start3A_560, %dma_start3A_561] : memref<128x128xf32, #tpu.memory_space<vmem>> -> memref<64x128xf32, #tpu.memory_space<vmem>>
      %dma_start3A_563 = arith.constant 0 : i32
      %dma_start3A_564 = tpu.memref_slice %arg9[%dma_start3A_559, %dma_start3A_563] : memref<8x128xi32, #tpu.memory_space<vmem>> -> memref<1x128xi32, #tpu.memory_space<vmem>>
      %dma_start3A_565 = tpu.memref_squeeze %dma_start3A_564 : memref<1x128xi32, #tpu.memory_space<vmem>> -> memref<128xi32, #tpu.memory_space<vmem>>
      %dma_start3A_566 = arith.constant 64 : i32
      %dma_start3A_567 = tpu.memref_slice %dma_start3A_565[%dma_start3A_566] : memref<128xi32, #tpu.memory_space<vmem>> -> memref<64xi32, #tpu.memory_space<vmem>>
      %dma_start3A_568 = arith.constant 0 : i32
      %dma_start3A_569 = arith.constant 0 : i32
      %dma_start3A_570 = tpu.memref_slice %arg2[%dma_start3A_568, %dma_start3A_569] : memref<10000x128xf32, #tpu.memory_space<hbm>> -> memref<10000x128xf32, #tpu.memory_space<hbm>>
      tpu.enqueue_indirect_dma source(%dma_start3A_570 : memref<10000x128xf32, #tpu.memory_space<hbm>>) target(%dma_start3A_562 : memref<64x128xf32, #tpu.memory_space<vmem>>) offsets(%dma_start3A_567 : memref<64xi32, #tpu.memory_space<vmem>>) semaphore(%arg14 : memref<!tpu.dma_semaphore, #tpu.memory_space<semaphore_mem>>)
      %mul3A_571 = arith.constant 16 : i32
      %mul3A_572 = arith.muli %scan3A_51, %mul3A_571 : i32
      %add3A_573 = arith.constant 11 : i32
      %add3A_574 = arith.addi %mul3A_572, %add3A_573 : i32
      %dma_wait3A_575 = arith.constant 0 : i32
      %dma_wait3A_576 = arith.constant 0 : i32
      %dma_wait3A_577 = tpu.memref_slice %arg2[%dma_wait3A_575, %dma_wait3A_576] : memref<10000x128xf32, #tpu.memory_space<hbm>> -> memref<128x128xf32, #tpu.memory_space<hbm>>
      %dma_wait3A_578 = arith.constant 0 : i32
      %dma_wait3A_579 = arith.constant 0 : i32
      %dma_wait3A_580 = tpu.memref_slice %arg2[%dma_wait3A_578, %dma_wait3A_579] : memref<10000x128xf32, #tpu.memory_space<hbm>> -> memref<128x128xf32, #tpu.memory_space<hbm>>
      tpu.wait_dma2 semaphore(%arg14 : memref<!tpu.dma_semaphore, #tpu.memory_space<semaphore_mem>>) src(%dma_wait3A_580 : memref<128x128xf32, #tpu.memory_space<hbm>>) dst(%arg11 : memref<128x128xf32, #tpu.memory_space<vmem>>)
      %dma_start3A_581 = arith.constant 0 : i32
      %dma_start3A_582 = tpu.memref_slice %arg7[%add3A_574, %dma_start3A_581] : memref<80x128xi32, #tpu.memory_space<vmem>> -> memref<1x128xi32, #tpu.memory_space<vmem>>
      %dma_start3A_583 = tpu.memref_squeeze %dma_start3A_582 : memref<1x128xi32, #tpu.memory_space<vmem>> -> memref<128xi32, #tpu.memory_space<vmem>>
      %dma_start3A_584 = arith.constant 0 : i32
      %dma_start3A_585 = arith.constant 0 : i32
      %dma_start3A_586 = tpu.memref_slice %arg12[%dma_start3A_584, %dma_start3A_585] : memref<10112x128xf32, #tpu.memory_space<vmem_shared>> -> memref<10112x128xf32, #tpu.memory_space<vmem_shared>>
      tpu.enqueue_indirect_dma source(%arg11 : memref<128x128xf32, #tpu.memory_space<vmem>>) target(%dma_start3A_586 : memref<10112x128xf32, #tpu.memory_space<vmem_shared>>) offsets(%dma_start3A_583 : memref<128xi32, #tpu.memory_space<vmem>>) semaphore(%arg16 : memref<!tpu.dma_semaphore, #tpu.memory_space<semaphore_mem>>) {add = true}
      %dma_wait3A_587 = arith.constant 0 : i32
      %dma_wait3A_588 = arith.constant 0 : i32
      %dma_wait3A_589 = tpu.memref_slice %arg7[%dma_wait3A_587, %dma_wait3A_588] : memref<80x128xi32, #tpu.memory_space<vmem>> -> memref<1x128xi32, #tpu.memory_space<vmem>>
      %dma_wait3A_590 = tpu.memref_squeeze %dma_wait3A_589 : memref<1x128xi32, #tpu.memory_space<vmem>> -> memref<128xi32, #tpu.memory_space<vmem>>
      %dma_wait3A_591 = arith.constant 0 : i32
      %dma_wait3A_592 = arith.constant 0 : i32
      %dma_wait3A_593 = tpu.memref_slice %arg12[%dma_wait3A_591, %dma_wait3A_592] : memref<10112x128xf32, #tpu.memory_space<vmem_shared>> -> memref<10112x128xf32, #tpu.memory_space<vmem_shared>>
      tpu.wait_indirect_dma semaphore(%arg15 : memref<!tpu.dma_semaphore, #tpu.memory_space<semaphore_mem>>) src(%arg10 : memref<128x128xf32, #tpu.memory_space<vmem>>) dst(%dma_wait3A_593 : memref<10112x128xf32, #tpu.memory_space<vmem_shared>>)
      %dma_start3A_594 = arith.constant 4 : i32
      %dma_start3A_595 = arith.constant 0 : i32
      %dma_start3A_596 = arith.constant 0 : i32
      %dma_start3A_597 = tpu.memref_slice %arg10[%dma_start3A_595, %dma_start3A_596] : memref<128x128xf32, #tpu.memory_space<vmem>> -> memref<64x128xf32, #tpu.memory_space<vmem>>
      %dma_start3A_598 = arith.constant 0 : i32
      %dma_start3A_599 = tpu.memref_slice %arg9[%dma_start3A_594, %dma_start3A_598] : memref<8x128xi32, #tpu.memory_space<vmem>> -> memref<1x128xi32, #tpu.memory_space<vmem>>
      %dma_start3A_600 = tpu.memref_squeeze %dma_start3A_599 : memref<1x128xi32, #tpu.memory_space<vmem>> -> memref<128xi32, #tpu.memory_space<vmem>>
      %dma_start3A_601 = arith.constant 0 : i32
      %dma_start3A_602 = tpu.memref_slice %dma_start3A_600[%dma_start3A_601] : memref<128xi32, #tpu.memory_space<vmem>> -> memref<64xi32, #tpu.memory_space<vmem>>
      %dma_start3A_603 = arith.constant 0 : i32
      %dma_start3A_604 = arith.constant 0 : i32
      %dma_start3A_605 = tpu.memref_slice %arg2[%dma_start3A_603, %dma_start3A_604] : memref<10000x128xf32, #tpu.memory_space<hbm>> -> memref<10000x128xf32, #tpu.memory_space<hbm>>
      tpu.enqueue_indirect_dma source(%dma_start3A_605 : memref<10000x128xf32, #tpu.memory_space<hbm>>) target(%dma_start3A_597 : memref<64x128xf32, #tpu.memory_space<vmem>>) offsets(%dma_start3A_602 : memref<64xi32, #tpu.memory_space<vmem>>) semaphore(%arg13 : memref<!tpu.dma_semaphore, #tpu.memory_space<semaphore_mem>>)
      %dma_start3A_606 = arith.constant 4 : i32
      %dma_start3A_607 = arith.constant 64 : i32
      %dma_start3A_608 = arith.constant 0 : i32
      %dma_start3A_609 = tpu.memref_slice %arg10[%dma_start3A_607, %dma_start3A_608] : memref<128x128xf32, #tpu.memory_space<vmem>> -> memref<64x128xf32, #tpu.memory_space<vmem>>
      %dma_start3A_610 = arith.constant 0 : i32
      %dma_start3A_611 = tpu.memref_slice %arg9[%dma_start3A_606, %dma_start3A_610] : memref<8x128xi32, #tpu.memory_space<vmem>> -> memref<1x128xi32, #tpu.memory_space<vmem>>
      %dma_start3A_612 = tpu.memref_squeeze %dma_start3A_611 : memref<1x128xi32, #tpu.memory_space<vmem>> -> memref<128xi32, #tpu.memory_space<vmem>>
      %dma_start3A_613 = arith.constant 64 : i32
      %dma_start3A_614 = tpu.memref_slice %dma_start3A_612[%dma_start3A_613] : memref<128xi32, #tpu.memory_space<vmem>> -> memref<64xi32, #tpu.memory_space<vmem>>
      %dma_start3A_615 = arith.constant 0 : i32
      %dma_start3A_616 = arith.constant 0 : i32
      %dma_start3A_617 = tpu.memref_slice %arg2[%dma_start3A_615, %dma_start3A_616] : memref<10000x128xf32, #tpu.memory_space<hbm>> -> memref<10000x128xf32, #tpu.memory_space<hbm>>
      tpu.enqueue_indirect_dma source(%dma_start3A_617 : memref<10000x128xf32, #tpu.memory_space<hbm>>) target(%dma_start3A_609 : memref<64x128xf32, #tpu.memory_space<vmem>>) offsets(%dma_start3A_614 : memref<64xi32, #tpu.memory_space<vmem>>) semaphore(%arg13 : memref<!tpu.dma_semaphore, #tpu.memory_space<semaphore_mem>>)
      %mul3A_618 = arith.constant 16 : i32
      %mul3A_619 = arith.muli %scan3A_51, %mul3A_618 : i32
      %add3A_620 = arith.constant 12 : i32
      %add3A_621 = arith.addi %mul3A_619, %add3A_620 : i32
      %dma_wait3A_622 = arith.constant 0 : i32
      %dma_wait3A_623 = arith.constant 0 : i32
      %dma_wait3A_624 = tpu.memref_slice %arg2[%dma_wait3A_622, %dma_wait3A_623] : memref<10000x128xf32, #tpu.memory_space<hbm>> -> memref<128x128xf32, #tpu.memory_space<hbm>>
      %dma_wait3A_625 = arith.constant 0 : i32
      %dma_wait3A_626 = arith.constant 0 : i32
      %dma_wait3A_627 = tpu.memref_slice %arg2[%dma_wait3A_625, %dma_wait3A_626] : memref<10000x128xf32, #tpu.memory_space<hbm>> -> memref<128x128xf32, #tpu.memory_space<hbm>>
      tpu.wait_dma2 semaphore(%arg13 : memref<!tpu.dma_semaphore, #tpu.memory_space<semaphore_mem>>) src(%dma_wait3A_627 : memref<128x128xf32, #tpu.memory_space<hbm>>) dst(%arg10 : memref<128x128xf32, #tpu.memory_space<vmem>>)
      %dma_start3A_628 = arith.constant 0 : i32
      %dma_start3A_629 = tpu.memref_slice %arg7[%add3A_621, %dma_start3A_628] : memref<80x128xi32, #tpu.memory_space<vmem>> -> memref<1x128xi32, #tpu.memory_space<vmem>>
      %dma_start3A_630 = tpu.memref_squeeze %dma_start3A_629 : memref<1x128xi32, #tpu.memory_space<vmem>> -> memref<128xi32, #tpu.memory_space<vmem>>
      %dma_start3A_631 = arith.constant 0 : i32
      %dma_start3A_632 = arith.constant 0 : i32
      %dma_start3A_633 = tpu.memref_slice %arg12[%dma_start3A_631, %dma_start3A_632] : memref<10112x128xf32, #tpu.memory_space<vmem_shared>> -> memref<10112x128xf32, #tpu.memory_space<vmem_shared>>
      tpu.enqueue_indirect_dma source(%arg10 : memref<128x128xf32, #tpu.memory_space<vmem>>) target(%dma_start3A_633 : memref<10112x128xf32, #tpu.memory_space<vmem_shared>>) offsets(%dma_start3A_630 : memref<128xi32, #tpu.memory_space<vmem>>) semaphore(%arg15 : memref<!tpu.dma_semaphore, #tpu.memory_space<semaphore_mem>>) {add = true}
      %dma_wait3A_634 = arith.constant 0 : i32
      %dma_wait3A_635 = arith.constant 0 : i32
      %dma_wait3A_636 = tpu.memref_slice %arg7[%dma_wait3A_634, %dma_wait3A_635] : memref<80x128xi32, #tpu.memory_space<vmem>> -> memref<1x128xi32, #tpu.memory_space<vmem>>
      %dma_wait3A_637 = tpu.memref_squeeze %dma_wait3A_636 : memref<1x128xi32, #tpu.memory_space<vmem>> -> memref<128xi32, #tpu.memory_space<vmem>>
      %dma_wait3A_638 = arith.constant 0 : i32
      %dma_wait3A_639 = arith.constant 0 : i32
      %dma_wait3A_640 = tpu.memref_slice %arg12[%dma_wait3A_638, %dma_wait3A_639] : memref<10112x128xf32, #tpu.memory_space<vmem_shared>> -> memref<10112x128xf32, #tpu.memory_space<vmem_shared>>
      tpu.wait_indirect_dma semaphore(%arg16 : memref<!tpu.dma_semaphore, #tpu.memory_space<semaphore_mem>>) src(%arg10 : memref<128x128xf32, #tpu.memory_space<vmem>>) dst(%dma_wait3A_640 : memref<10112x128xf32, #tpu.memory_space<vmem_shared>>)
      %dma_start3A_641 = arith.constant 5 : i32
      %dma_start3A_642 = arith.constant 0 : i32
      %dma_start3A_643 = arith.constant 0 : i32
      %dma_start3A_644 = tpu.memref_slice %arg11[%dma_start3A_642, %dma_start3A_643] : memref<128x128xf32, #tpu.memory_space<vmem>> -> memref<64x128xf32, #tpu.memory_space<vmem>>
      %dma_start3A_645 = arith.constant 0 : i32
      %dma_start3A_646 = tpu.memref_slice %arg9[%dma_start3A_641, %dma_start3A_645] : memref<8x128xi32, #tpu.memory_space<vmem>> -> memref<1x128xi32, #tpu.memory_space<vmem>>
      %dma_start3A_647 = tpu.memref_squeeze %dma_start3A_646 : memref<1x128xi32, #tpu.memory_space<vmem>> -> memref<128xi32, #tpu.memory_space<vmem>>
      %dma_start3A_648 = arith.constant 0 : i32
      %dma_start3A_649 = tpu.memref_slice %dma_start3A_647[%dma_start3A_648] : memref<128xi32, #tpu.memory_space<vmem>> -> memref<64xi32, #tpu.memory_space<vmem>>
      %dma_start3A_650 = arith.constant 0 : i32
      %dma_start3A_651 = arith.constant 0 : i32
      %dma_start3A_652 = tpu.memref_slice %arg2[%dma_start3A_650, %dma_start3A_651] : memref<10000x128xf32, #tpu.memory_space<hbm>> -> memref<10000x128xf32, #tpu.memory_space<hbm>>
      tpu.enqueue_indirect_dma source(%dma_start3A_652 : memref<10000x128xf32, #tpu.memory_space<hbm>>) target(%dma_start3A_644 : memref<64x128xf32, #tpu.memory_space<vmem>>) offsets(%dma_start3A_649 : memref<64xi32, #tpu.memory_space<vmem>>) semaphore(%arg14 : memref<!tpu.dma_semaphore, #tpu.memory_space<semaphore_mem>>)
      %dma_start3A_653 = arith.constant 5 : i32
      %dma_start3A_654 = arith.constant 64 : i32
      %dma_start3A_655 = arith.constant 0 : i32
      %dma_start3A_656 = tpu.memref_slice %arg11[%dma_start3A_654, %dma_start3A_655] : memref<128x128xf32, #tpu.memory_space<vmem>> -> memref<64x128xf32, #tpu.memory_space<vmem>>
      %dma_start3A_657 = arith.constant 0 : i32
      %dma_start3A_658 = tpu.memref_slice %arg9[%dma_start3A_653, %dma_start3A_657] : memref<8x128xi32, #tpu.memory_space<vmem>> -> memref<1x128xi32, #tpu.memory_space<vmem>>
      %dma_start3A_659 = tpu.memref_squeeze %dma_start3A_658 : memref<1x128xi32, #tpu.memory_space<vmem>> -> memref<128xi32, #tpu.memory_space<vmem>>
      %dma_start3A_660 = arith.constant 64 : i32
      %dma_start3A_661 = tpu.memref_slice %dma_start3A_659[%dma_start3A_660] : memref<128xi32, #tpu.memory_space<vmem>> -> memref<64xi32, #tpu.memory_space<vmem>>
      %dma_start3A_662 = arith.constant 0 : i32
      %dma_start3A_663 = arith.constant 0 : i32
      %dma_start3A_664 = tpu.memref_slice %arg2[%dma_start3A_662, %dma_start3A_663] : memref<10000x128xf32, #tpu.memory_space<hbm>> -> memref<10000x128xf32, #tpu.memory_space<hbm>>
      tpu.enqueue_indirect_dma source(%dma_start3A_664 : memref<10000x128xf32, #tpu.memory_space<hbm>>) target(%dma_start3A_656 : memref<64x128xf32, #tpu.memory_space<vmem>>) offsets(%dma_start3A_661 : memref<64xi32, #tpu.memory_space<vmem>>) semaphore(%arg14 : memref<!tpu.dma_semaphore, #tpu.memory_space<semaphore_mem>>)
      %mul3A_665 = arith.constant 16 : i32
      %mul3A_666 = arith.muli %scan3A_51, %mul3A_665 : i32
      %add3A_667 = arith.constant 13 : i32
      %add3A_668 = arith.addi %mul3A_666, %add3A_667 : i32
      %dma_wait3A_669 = arith.constant 0 : i32
      %dma_wait3A_670 = arith.constant 0 : i32
      %dma_wait3A_671 = tpu.memref_slice %arg2[%dma_wait3A_669, %dma_wait3A_670] : memref<10000x128xf32, #tpu.memory_space<hbm>> -> memref<128x128xf32, #tpu.memory_space<hbm>>
      %dma_wait3A_672 = arith.constant 0 : i32
      %dma_wait3A_673 = arith.constant 0 : i32
      %dma_wait3A_674 = tpu.memref_slice %arg2[%dma_wait3A_672, %dma_wait3A_673] : memref<10000x128xf32, #tpu.memory_space<hbm>> -> memref<128x128xf32, #tpu.memory_space<hbm>>
      tpu.wait_dma2 semaphore(%arg14 : memref<!tpu.dma_semaphore, #tpu.memory_space<semaphore_mem>>) src(%dma_wait3A_674 : memref<128x128xf32, #tpu.memory_space<hbm>>) dst(%arg11 : memref<128x128xf32, #tpu.memory_space<vmem>>)
      %dma_start3A_675 = arith.constant 0 : i32
      %dma_start3A_676 = tpu.memref_slice %arg7[%add3A_668, %dma_start3A_675] : memref<80x128xi32, #tpu.memory_space<vmem>> -> memref<1x128xi32, #tpu.memory_space<vmem>>
      %dma_start3A_677 = tpu.memref_squeeze %dma_start3A_676 : memref<1x128xi32, #tpu.memory_space<vmem>> -> memref<128xi32, #tpu.memory_space<vmem>>
      %dma_start3A_678 = arith.constant 0 : i32
      %dma_start3A_679 = arith.constant 0 : i32
      %dma_start3A_680 = tpu.memref_slice %arg12[%dma_start3A_678, %dma_start3A_679] : memref<10112x128xf32, #tpu.memory_space<vmem_shared>> -> memref<10112x128xf32, #tpu.memory_space<vmem_shared>>
      tpu.enqueue_indirect_dma source(%arg11 : memref<128x128xf32, #tpu.memory_space<vmem>>) target(%dma_start3A_680 : memref<10112x128xf32, #tpu.memory_space<vmem_shared>>) offsets(%dma_start3A_677 : memref<128xi32, #tpu.memory_space<vmem>>) semaphore(%arg16 : memref<!tpu.dma_semaphore, #tpu.memory_space<semaphore_mem>>) {add = true}
      %dma_wait3A_681 = arith.constant 0 : i32
      %dma_wait3A_682 = arith.constant 0 : i32
      %dma_wait3A_683 = tpu.memref_slice %arg7[%dma_wait3A_681, %dma_wait3A_682] : memref<80x128xi32, #tpu.memory_space<vmem>> -> memref<1x128xi32, #tpu.memory_space<vmem>>
      %dma_wait3A_684 = tpu.memref_squeeze %dma_wait3A_683 : memref<1x128xi32, #tpu.memory_space<vmem>> -> memref<128xi32, #tpu.memory_space<vmem>>
      %dma_wait3A_685 = arith.constant 0 : i32
      %dma_wait3A_686 = arith.constant 0 : i32
      %dma_wait3A_687 = tpu.memref_slice %arg12[%dma_wait3A_685, %dma_wait3A_686] : memref<10112x128xf32, #tpu.memory_space<vmem_shared>> -> memref<10112x128xf32, #tpu.memory_space<vmem_shared>>
      tpu.wait_indirect_dma semaphore(%arg15 : memref<!tpu.dma_semaphore, #tpu.memory_space<semaphore_mem>>) src(%arg10 : memref<128x128xf32, #tpu.memory_space<vmem>>) dst(%dma_wait3A_687 : memref<10112x128xf32, #tpu.memory_space<vmem_shared>>)
      %dma_start3A_688 = arith.constant 6 : i32
      %dma_start3A_689 = arith.constant 0 : i32
      %dma_start3A_690 = arith.constant 0 : i32
      %dma_start3A_691 = tpu.memref_slice %arg10[%dma_start3A_689, %dma_start3A_690] : memref<128x128xf32, #tpu.memory_space<vmem>> -> memref<64x128xf32, #tpu.memory_space<vmem>>
      %dma_start3A_692 = arith.constant 0 : i32
      %dma_start3A_693 = tpu.memref_slice %arg9[%dma_start3A_688, %dma_start3A_692] : memref<8x128xi32, #tpu.memory_space<vmem>> -> memref<1x128xi32, #tpu.memory_space<vmem>>
      %dma_start3A_694 = tpu.memref_squeeze %dma_start3A_693 : memref<1x128xi32, #tpu.memory_space<vmem>> -> memref<128xi32, #tpu.memory_space<vmem>>
      %dma_start3A_695 = arith.constant 0 : i32
      %dma_start3A_696 = tpu.memref_slice %dma_start3A_694[%dma_start3A_695] : memref<128xi32, #tpu.memory_space<vmem>> -> memref<64xi32, #tpu.memory_space<vmem>>
      %dma_start3A_697 = arith.constant 0 : i32
      %dma_start3A_698 = arith.constant 0 : i32
      %dma_start3A_699 = tpu.memref_slice %arg2[%dma_start3A_697, %dma_start3A_698] : memref<10000x128xf32, #tpu.memory_space<hbm>> -> memref<10000x128xf32, #tpu.memory_space<hbm>>
      tpu.enqueue_indirect_dma source(%dma_start3A_699 : memref<10000x128xf32, #tpu.memory_space<hbm>>) target(%dma_start3A_691 : memref<64x128xf32, #tpu.memory_space<vmem>>) offsets(%dma_start3A_696 : memref<64xi32, #tpu.memory_space<vmem>>) semaphore(%arg13 : memref<!tpu.dma_semaphore, #tpu.memory_space<semaphore_mem>>)
      %dma_start3A_700 = arith.constant 6 : i32
      %dma_start3A_701 = arith.constant 64 : i32
      %dma_start3A_702 = arith.constant 0 : i32
      %dma_start3A_703 = tpu.memref_slice %arg10[%dma_start3A_701, %dma_start3A_702] : memref<128x128xf32, #tpu.memory_space<vmem>> -> memref<64x128xf32, #tpu.memory_space<vmem>>
      %dma_start3A_704 = arith.constant 0 : i32
      %dma_start3A_705 = tpu.memref_slice %arg9[%dma_start3A_700, %dma_start3A_704] : memref<8x128xi32, #tpu.memory_space<vmem>> -> memref<1x128xi32, #tpu.memory_space<vmem>>
      %dma_start3A_706 = tpu.memref_squeeze %dma_start3A_705 : memref<1x128xi32, #tpu.memory_space<vmem>> -> memref<128xi32, #tpu.memory_space<vmem>>
      %dma_start3A_707 = arith.constant 64 : i32
      %dma_start3A_708 = tpu.memref_slice %dma_start3A_706[%dma_start3A_707] : memref<128xi32, #tpu.memory_space<vmem>> -> memref<64xi32, #tpu.memory_space<vmem>>
      %dma_start3A_709 = arith.constant 0 : i32
      %dma_start3A_710 = arith.constant 0 : i32
      %dma_start3A_711 = tpu.memref_slice %arg2[%dma_start3A_709, %dma_start3A_710] : memref<10000x128xf32, #tpu.memory_space<hbm>> -> memref<10000x128xf32, #tpu.memory_space<hbm>>
      tpu.enqueue_indirect_dma source(%dma_start3A_711 : memref<10000x128xf32, #tpu.memory_space<hbm>>) target(%dma_start3A_703 : memref<64x128xf32, #tpu.memory_space<vmem>>) offsets(%dma_start3A_708 : memref<64xi32, #tpu.memory_space<vmem>>) semaphore(%arg13 : memref<!tpu.dma_semaphore, #tpu.memory_space<semaphore_mem>>)
      %mul3A_712 = arith.constant 16 : i32
      %mul3A_713 = arith.muli %scan3A_51, %mul3A_712 : i32
      %add3A_714 = arith.constant 14 : i32
      %add3A_715 = arith.addi %mul3A_713, %add3A_714 : i32
      %dma_wait3A_716 = arith.constant 0 : i32
      %dma_wait3A_717 = arith.constant 0 : i32
      %dma_wait3A_718 = tpu.memref_slice %arg2[%dma_wait3A_716, %dma_wait3A_717] : memref<10000x128xf32, #tpu.memory_space<hbm>> -> memref<128x128xf32, #tpu.memory_space<hbm>>
      %dma_wait3A_719 = arith.constant 0 : i32
      %dma_wait3A_720 = arith.constant 0 : i32
      %dma_wait3A_721 = tpu.memref_slice %arg2[%dma_wait3A_719, %dma_wait3A_720] : memref<10000x128xf32, #tpu.memory_space<hbm>> -> memref<128x128xf32, #tpu.memory_space<hbm>>
      tpu.wait_dma2 semaphore(%arg13 : memref<!tpu.dma_semaphore, #tpu.memory_space<semaphore_mem>>) src(%dma_wait3A_721 : memref<128x128xf32, #tpu.memory_space<hbm>>) dst(%arg10 : memref<128x128xf32, #tpu.memory_space<vmem>>)
      %dma_start3A_722 = arith.constant 0 : i32
      %dma_start3A_723 = tpu.memref_slice %arg7[%add3A_715, %dma_start3A_722] : memref<80x128xi32, #tpu.memory_space<vmem>> -> memref<1x128xi32, #tpu.memory_space<vmem>>
      %dma_start3A_724 = tpu.memref_squeeze %dma_start3A_723 : memref<1x128xi32, #tpu.memory_space<vmem>> -> memref<128xi32, #tpu.memory_space<vmem>>
      %dma_start3A_725 = arith.constant 0 : i32
      %dma_start3A_726 = arith.constant 0 : i32
      %dma_start3A_727 = tpu.memref_slice %arg12[%dma_start3A_725, %dma_start3A_726] : memref<10112x128xf32, #tpu.memory_space<vmem_shared>> -> memref<10112x128xf32, #tpu.memory_space<vmem_shared>>
      tpu.enqueue_indirect_dma source(%arg10 : memref<128x128xf32, #tpu.memory_space<vmem>>) target(%dma_start3A_727 : memref<10112x128xf32, #tpu.memory_space<vmem_shared>>) offsets(%dma_start3A_724 : memref<128xi32, #tpu.memory_space<vmem>>) semaphore(%arg15 : memref<!tpu.dma_semaphore, #tpu.memory_space<semaphore_mem>>) {add = true}
      %dma_wait3A_728 = arith.constant 0 : i32
      %dma_wait3A_729 = arith.constant 0 : i32
      %dma_wait3A_730 = tpu.memref_slice %arg7[%dma_wait3A_728, %dma_wait3A_729] : memref<80x128xi32, #tpu.memory_space<vmem>> -> memref<1x128xi32, #tpu.memory_space<vmem>>
      %dma_wait3A_731 = tpu.memref_squeeze %dma_wait3A_730 : memref<1x128xi32, #tpu.memory_space<vmem>> -> memref<128xi32, #tpu.memory_space<vmem>>
      %dma_wait3A_732 = arith.constant 0 : i32
      %dma_wait3A_733 = arith.constant 0 : i32
      %dma_wait3A_734 = tpu.memref_slice %arg12[%dma_wait3A_732, %dma_wait3A_733] : memref<10112x128xf32, #tpu.memory_space<vmem_shared>> -> memref<10112x128xf32, #tpu.memory_space<vmem_shared>>
      tpu.wait_indirect_dma semaphore(%arg16 : memref<!tpu.dma_semaphore, #tpu.memory_space<semaphore_mem>>) src(%arg10 : memref<128x128xf32, #tpu.memory_space<vmem>>) dst(%dma_wait3A_734 : memref<10112x128xf32, #tpu.memory_space<vmem_shared>>)
      %dma_start3A_735 = arith.constant 7 : i32
      %dma_start3A_736 = arith.constant 0 : i32
      %dma_start3A_737 = arith.constant 0 : i32
      %dma_start3A_738 = tpu.memref_slice %arg11[%dma_start3A_736, %dma_start3A_737] : memref<128x128xf32, #tpu.memory_space<vmem>> -> memref<64x128xf32, #tpu.memory_space<vmem>>
      %dma_start3A_739 = arith.constant 0 : i32
      %dma_start3A_740 = tpu.memref_slice %arg9[%dma_start3A_735, %dma_start3A_739] : memref<8x128xi32, #tpu.memory_space<vmem>> -> memref<1x128xi32, #tpu.memory_space<vmem>>
      %dma_start3A_741 = tpu.memref_squeeze %dma_start3A_740 : memref<1x128xi32, #tpu.memory_space<vmem>> -> memref<128xi32, #tpu.memory_space<vmem>>
      %dma_start3A_742 = arith.constant 0 : i32
      %dma_start3A_743 = tpu.memref_slice %dma_start3A_741[%dma_start3A_742] : memref<128xi32, #tpu.memory_space<vmem>> -> memref<64xi32, #tpu.memory_space<vmem>>
      %dma_start3A_744 = arith.constant 0 : i32
      %dma_start3A_745 = arith.constant 0 : i32
      %dma_start3A_746 = tpu.memref_slice %arg2[%dma_start3A_744, %dma_start3A_745] : memref<10000x128xf32, #tpu.memory_space<hbm>> -> memref<10000x128xf32, #tpu.memory_space<hbm>>
      tpu.enqueue_indirect_dma source(%dma_start3A_746 : memref<10000x128xf32, #tpu.memory_space<hbm>>) target(%dma_start3A_738 : memref<64x128xf32, #tpu.memory_space<vmem>>) offsets(%dma_start3A_743 : memref<64xi32, #tpu.memory_space<vmem>>) semaphore(%arg14 : memref<!tpu.dma_semaphore, #tpu.memory_space<semaphore_mem>>)
      %dma_start3A_747 = arith.constant 7 : i32
      %dma_start3A_748 = arith.constant 64 : i32
      %dma_start3A_749 = arith.constant 0 : i32
      %dma_start3A_750 = tpu.memref_slice %arg11[%dma_start3A_748, %dma_start3A_749] : memref<128x128xf32, #tpu.memory_space<vmem>> -> memref<64x128xf32, #tpu.memory_space<vmem>>
      %dma_start3A_751 = arith.constant 0 : i32
      %dma_start3A_752 = tpu.memref_slice %arg9[%dma_start3A_747, %dma_start3A_751] : memref<8x128xi32, #tpu.memory_space<vmem>> -> memref<1x128xi32, #tpu.memory_space<vmem>>
      %dma_start3A_753 = tpu.memref_squeeze %dma_start3A_752 : memref<1x128xi32, #tpu.memory_space<vmem>> -> memref<128xi32, #tpu.memory_space<vmem>>
      %dma_start3A_754 = arith.constant 64 : i32
      %dma_start3A_755 = tpu.memref_slice %dma_start3A_753[%dma_start3A_754] : memref<128xi32, #tpu.memory_space<vmem>> -> memref<64xi32, #tpu.memory_space<vmem>>
      %dma_start3A_756 = arith.constant 0 : i32
      %dma_start3A_757 = arith.constant 0 : i32
      %dma_start3A_758 = tpu.memref_slice %arg2[%dma_start3A_756, %dma_start3A_757] : memref<10000x128xf32, #tpu.memory_space<hbm>> -> memref<10000x128xf32, #tpu.memory_space<hbm>>
      tpu.enqueue_indirect_dma source(%dma_start3A_758 : memref<10000x128xf32, #tpu.memory_space<hbm>>) target(%dma_start3A_750 : memref<64x128xf32, #tpu.memory_space<vmem>>) offsets(%dma_start3A_755 : memref<64xi32, #tpu.memory_space<vmem>>) semaphore(%arg14 : memref<!tpu.dma_semaphore, #tpu.memory_space<semaphore_mem>>)
      %mul3A_759 = arith.constant 16 : i32
      %mul3A_760 = arith.muli %scan3A_51, %mul3A_759 : i32
      %add3A_761 = arith.constant 15 : i32
      %add3A_762 = arith.addi %mul3A_760, %add3A_761 : i32
      %dma_wait3A_763 = arith.constant 0 : i32
      %dma_wait3A_764 = arith.constant 0 : i32
      %dma_wait3A_765 = tpu.memref_slice %arg2[%dma_wait3A_763, %dma_wait3A_764] : memref<10000x128xf32, #tpu.memory_space<hbm>> -> memref<128x128xf32, #tpu.memory_space<hbm>>
      %dma_wait3A_766 = arith.constant 0 : i32
      %dma_wait3A_767 = arith.constant 0 : i32
      %dma_wait3A_768 = tpu.memref_slice %arg2[%dma_wait3A_766, %dma_wait3A_767] : memref<10000x128xf32, #tpu.memory_space<hbm>> -> memref<128x128xf32, #tpu.memory_space<hbm>>
      tpu.wait_dma2 semaphore(%arg14 : memref<!tpu.dma_semaphore, #tpu.memory_space<semaphore_mem>>) src(%dma_wait3A_768 : memref<128x128xf32, #tpu.memory_space<hbm>>) dst(%arg11 : memref<128x128xf32, #tpu.memory_space<vmem>>)
      %dma_start3A_769 = arith.constant 0 : i32
      %dma_start3A_770 = tpu.memref_slice %arg7[%add3A_762, %dma_start3A_769] : memref<80x128xi32, #tpu.memory_space<vmem>> -> memref<1x128xi32, #tpu.memory_space<vmem>>
      %dma_start3A_771 = tpu.memref_squeeze %dma_start3A_770 : memref<1x128xi32, #tpu.memory_space<vmem>> -> memref<128xi32, #tpu.memory_space<vmem>>
      %dma_start3A_772 = arith.constant 0 : i32
      %dma_start3A_773 = arith.constant 0 : i32
      %dma_start3A_774 = tpu.memref_slice %arg12[%dma_start3A_772, %dma_start3A_773] : memref<10112x128xf32, #tpu.memory_space<vmem_shared>> -> memref<10112x128xf32, #tpu.memory_space<vmem_shared>>
      tpu.enqueue_indirect_dma source(%arg11 : memref<128x128xf32, #tpu.memory_space<vmem>>) target(%dma_start3A_774 : memref<10112x128xf32, #tpu.memory_space<vmem_shared>>) offsets(%dma_start3A_771 : memref<128xi32, #tpu.memory_space<vmem>>) semaphore(%arg16 : memref<!tpu.dma_semaphore, #tpu.memory_space<semaphore_mem>>) {add = true}
      %lt3A_775 = arith.constant 4 : i32
      %lt3A_776 = arith.cmpi slt, %scan3A_51, %lt3A_775 : i32
      %convert_element_type3A_777 = arith.extui %lt3A_776 : i1 to i32
      %cond3A_778 = arith.constant 0 : i32
      %cond3A_779 = arith.constant 0 : i32
      %cond3A_780 = arith.cmpi ne, %convert_element_type3A_777, %cond3A_779 : i32
      scf.if %cond3A_780 {
        %dma_wait3A_781 = arith.constant 0 : i32
        %dma_wait3A_782 = arith.constant 0 : i32
        %dma_wait3A_783 = arith.constant 0 : i32
        %dma_wait3A_784 = tpu.memref_slice %arg3[%dma_wait3A_781, %dma_wait3A_782, %dma_wait3A_783] : memref<32x80x128xi32, #tpu.memory_space<hbm>> -> memref<1x8x128xi32, #tpu.memory_space<hbm>>
        %dma_wait3A_785 = tpu.memref_squeeze %dma_wait3A_784 : memref<1x8x128xi32, #tpu.memory_space<hbm>> -> memref<8x128xi32, #tpu.memory_space<hbm>>
        %dma_wait3A_786 = arith.constant 0 : i32
        %dma_wait3A_787 = arith.constant 0 : i32
        %dma_wait3A_788 = tpu.memref_slice %arg3[%dma_wait3A_781, %dma_wait3A_786, %dma_wait3A_787] : memref<32x80x128xi32, #tpu.memory_space<hbm>> -> memref<1x8x128xi32, #tpu.memory_space<hbm>>
        %dma_wait3A_789 = tpu.memref_squeeze %dma_wait3A_788 : memref<1x8x128xi32, #tpu.memory_space<hbm>> -> memref<8x128xi32, #tpu.memory_space<hbm>>
        tpu.wait_dma2 semaphore(%arg17 : memref<!tpu.dma_semaphore, #tpu.memory_space<semaphore_mem>>) src(%dma_wait3A_789 : memref<8x128xi32, #tpu.memory_space<hbm>>) dst(%arg8 : memref<8x128xi32, #tpu.memory_space<vmem>>)
        %dma_wait3A_790 = arith.constant 0 : i32
        %dma_wait3A_791 = arith.constant 0 : i32
        %dma_wait3A_792 = tpu.memref_slice %arg7[%dma_wait3A_790, %dma_wait3A_791] : memref<80x128xi32, #tpu.memory_space<vmem>> -> memref<1x128xi32, #tpu.memory_space<vmem>>
        %dma_wait3A_793 = tpu.memref_squeeze %dma_wait3A_792 : memref<1x128xi32, #tpu.memory_space<vmem>> -> memref<128xi32, #tpu.memory_space<vmem>>
        %dma_wait3A_794 = arith.constant 0 : i32
        %dma_wait3A_795 = arith.constant 0 : i32
        %dma_wait3A_796 = tpu.memref_slice %arg12[%dma_wait3A_794, %dma_wait3A_795] : memref<10112x128xf32, #tpu.memory_space<vmem_shared>> -> memref<10112x128xf32, #tpu.memory_space<vmem_shared>>
        tpu.wait_indirect_dma semaphore(%arg15 : memref<!tpu.dma_semaphore, #tpu.memory_space<semaphore_mem>>) src(%arg10 : memref<128x128xf32, #tpu.memory_space<vmem>>) dst(%dma_wait3A_796 : memref<10112x128xf32, #tpu.memory_space<vmem_shared>>)
        %dma_start3A_797 = arith.constant 0 : i32
        %dma_start3A_798 = arith.constant 0 : i32
        %dma_start3A_799 = tpu.memref_slice %arg10[%dma_start3A_797, %dma_start3A_798] : memref<128x128xf32, #tpu.memory_space<vmem>> -> memref<64x128xf32, #tpu.memory_space<vmem>>
        %dma_start3A_800 = arith.constant 0 : i32
        %dma_start3A_801 = tpu.memref_slice %arg8[%cond3A_778, %dma_start3A_800] : memref<8x128xi32, #tpu.memory_space<vmem>> -> memref<1x128xi32, #tpu.memory_space<vmem>>
        %dma_start3A_802 = tpu.memref_squeeze %dma_start3A_801 : memref<1x128xi32, #tpu.memory_space<vmem>> -> memref<128xi32, #tpu.memory_space<vmem>>
        %dma_start3A_803 = arith.constant 0 : i32
        %dma_start3A_804 = tpu.memref_slice %dma_start3A_802[%dma_start3A_803] : memref<128xi32, #tpu.memory_space<vmem>> -> memref<64xi32, #tpu.memory_space<vmem>>
        %dma_start3A_805 = arith.constant 0 : i32
        %dma_start3A_806 = arith.constant 0 : i32
        %dma_start3A_807 = tpu.memref_slice %arg2[%dma_start3A_805, %dma_start3A_806] : memref<10000x128xf32, #tpu.memory_space<hbm>> -> memref<10000x128xf32, #tpu.memory_space<hbm>>
        tpu.enqueue_indirect_dma source(%dma_start3A_807 : memref<10000x128xf32, #tpu.memory_space<hbm>>) target(%dma_start3A_799 : memref<64x128xf32, #tpu.memory_space<vmem>>) offsets(%dma_start3A_804 : memref<64xi32, #tpu.memory_space<vmem>>) semaphore(%arg13 : memref<!tpu.dma_semaphore, #tpu.memory_space<semaphore_mem>>)
        %dma_start3A_808 = arith.constant 64 : i32
        %dma_start3A_809 = arith.constant 0 : i32
        %dma_start3A_810 = tpu.memref_slice %arg10[%dma_start3A_808, %dma_start3A_809] : memref<128x128xf32, #tpu.memory_space<vmem>> -> memref<64x128xf32, #tpu.memory_space<vmem>>
        %dma_start3A_811 = arith.constant 0 : i32
        %dma_start3A_812 = tpu.memref_slice %arg8[%cond3A_778, %dma_start3A_811] : memref<8x128xi32, #tpu.memory_space<vmem>> -> memref<1x128xi32, #tpu.memory_space<vmem>>
        %dma_start3A_813 = tpu.memref_squeeze %dma_start3A_812 : memref<1x128xi32, #tpu.memory_space<vmem>> -> memref<128xi32, #tpu.memory_space<vmem>>
        %dma_start3A_814 = arith.constant 64 : i32
        %dma_start3A_815 = tpu.memref_slice %dma_start3A_813[%dma_start3A_814] : memref<128xi32, #tpu.memory_space<vmem>> -> memref<64xi32, #tpu.memory_space<vmem>>
        %dma_start3A_816 = arith.constant 0 : i32
        %dma_start3A_817 = arith.constant 0 : i32
        %dma_start3A_818 = tpu.memref_slice %arg2[%dma_start3A_816, %dma_start3A_817] : memref<10000x128xf32, #tpu.memory_space<hbm>> -> memref<10000x128xf32, #tpu.memory_space<hbm>>
        tpu.enqueue_indirect_dma source(%dma_start3A_818 : memref<10000x128xf32, #tpu.memory_space<hbm>>) target(%dma_start3A_810 : memref<64x128xf32, #tpu.memory_space<vmem>>) offsets(%dma_start3A_815 : memref<64xi32, #tpu.memory_space<vmem>>) semaphore(%arg13 : memref<!tpu.dma_semaphore, #tpu.memory_space<semaphore_mem>>)
      } else {
      }
    }
    %scan3A_32 = arith.constant 5 : i32
    %dma_wait3A = arith.constant 0 : i32
    %dma_wait3A_33 = arith.constant 0 : i32
    %dma_wait3A_34 = tpu.memref_slice %arg7[%dma_wait3A, %dma_wait3A_33] : memref<80x128xi32, #tpu.memory_space<vmem>> -> memref<1x128xi32, #tpu.memory_space<vmem>>
    %dma_wait3A_35 = tpu.memref_squeeze %dma_wait3A_34 : memref<1x128xi32, #tpu.memory_space<vmem>> -> memref<128xi32, #tpu.memory_space<vmem>>
    %dma_wait3A_36 = arith.constant 0 : i32
    %dma_wait3A_37 = arith.constant 0 : i32
    %dma_wait3A_38 = tpu.memref_slice %arg12[%dma_wait3A_36, %dma_wait3A_37] : memref<10112x128xf32, #tpu.memory_space<vmem_shared>> -> memref<10112x128xf32, #tpu.memory_space<vmem_shared>>
    tpu.wait_indirect_dma semaphore(%arg15 : memref<!tpu.dma_semaphore, #tpu.memory_space<semaphore_mem>>) src(%arg10 : memref<128x128xf32, #tpu.memory_space<vmem>>) dst(%dma_wait3A_38 : memref<10112x128xf32, #tpu.memory_space<vmem_shared>>)
    %dma_wait3A_39 = arith.constant 0 : i32
    %dma_wait3A_40 = arith.constant 0 : i32
    %dma_wait3A_41 = tpu.memref_slice %arg7[%dma_wait3A_39, %dma_wait3A_40] : memref<80x128xi32, #tpu.memory_space<vmem>> -> memref<1x128xi32, #tpu.memory_space<vmem>>
    %dma_wait3A_42 = tpu.memref_squeeze %dma_wait3A_41 : memref<1x128xi32, #tpu.memory_space<vmem>> -> memref<128xi32, #tpu.memory_space<vmem>>
    %dma_wait3A_43 = arith.constant 0 : i32
    %dma_wait3A_44 = arith.constant 0 : i32
    %dma_wait3A_45 = tpu.memref_slice %arg12[%dma_wait3A_43, %dma_wait3A_44] : memref<10112x128xf32, #tpu.memory_space<vmem_shared>> -> memref<10112x128xf32, #tpu.memory_space<vmem_shared>>
    tpu.wait_indirect_dma semaphore(%arg16 : memref<!tpu.dma_semaphore, #tpu.memory_space<semaphore_mem>>) src(%arg10 : memref<128x128xf32, #tpu.memory_space<vmem>>) dst(%dma_wait3A_45 : memref<10112x128xf32, #tpu.memory_space<vmem_shared>>)
    %barrier3A_46 = arith.constant 0 : index
    tpu.barrier barrier_id(%barrier3A_46)
    %mul3A_47 = arith.constant 632 : i32
    %mul3A_48 = arith.muli %arg1, %mul3A_47 : i32
    %mul3A_49 = arith.constant 632 : i32
    %mul3A_50 = arith.muli %arg1, %mul3A_49 : i32
    "tpu.region"() ({
      %run_scoped3A = tpu.sem_alloc : memref<!tpu.dma_semaphore, #tpu.memory_space<semaphore_mem>>
      %dma_start3A_51 = arith.constant 0 : i32
      %dma_start3A_52 = tpu.memref_slice %arg6[%arg0, %mul3A_50, %dma_start3A_51] : memref<2x10112x128xf32, #tpu.memory_space<hbm>> -> memref<1x632x128xf32, #tpu.memory_space<hbm>>
      %dma_start3A_53 = tpu.memref_squeeze %dma_start3A_52 : memref<1x632x128xf32, #tpu.memory_space<hbm>> -> memref<632x128xf32, #tpu.memory_space<hbm>>
      %dma_start3A_54 = arith.constant 0 : i32
      %dma_start3A_55 = tpu.memref_slice %arg12[%mul3A_48, %dma_start3A_54] : memref<10112x128xf32, #tpu.memory_space<vmem_shared>> -> memref<632x128xf32, #tpu.memory_space<vmem_shared>>
      tpu.enqueue_dma source(%dma_start3A_55 : memref<632x128xf32, #tpu.memory_space<vmem_shared>>) target(%dma_start3A_53 : memref<632x128xf32, #tpu.memory_space<hbm>>) target_semaphore(%run_scoped3A : memref<!tpu.dma_semaphore, #tpu.memory_space<semaphore_mem>>)
      %dma_wait3A_56 = arith.constant 0 : i32
      %dma_wait3A_57 = tpu.memref_slice %arg6[%arg0, %mul3A_50, %dma_wait3A_56] : memref<2x10112x128xf32, #tpu.memory_space<hbm>> -> memref<1x632x128xf32, #tpu.memory_space<hbm>>
      %dma_wait3A_58 = tpu.memref_squeeze %dma_wait3A_57 : memref<1x632x128xf32, #tpu.memory_space<hbm>> -> memref<632x128xf32, #tpu.memory_space<hbm>>
      %dma_wait3A_59 = arith.constant 0 : i32
      %dma_wait3A_60 = tpu.memref_slice %arg12[%mul3A_48, %dma_wait3A_59] : memref<10112x128xf32, #tpu.memory_space<vmem_shared>> -> memref<632x128xf32, #tpu.memory_space<vmem_shared>>
      tpu.wait_dma2 semaphore(%run_scoped3A : memref<!tpu.dma_semaphore, #tpu.memory_space<semaphore_mem>>) src(%dma_wait3A_60 : memref<632x128xf32, #tpu.memory_space<vmem_shared>>) dst(%dma_wait3A_58 : memref<632x128xf32, #tpu.memory_space<hbm>>)
      tpu.yield
    }) : () -> ()
    return
  }
}

#map = affine_map<(d0, d1) -> (0, 0)>
#map1 = affine_map<(d0, d1) -> (0, 0, 0)>
module attributes {stable_mosaic.version = 14 : i64} {
  func.func @k(%arg0: i32, %arg1: i32, %arg2: memref<10000x128xf32, #tpu.memory_space<hbm>>, %arg3: memref<32x80x128xi32, #tpu.memory_space<hbm>>, %arg4: memref<32x80x128xi32, #tpu.memory_space<hbm>>, %arg5: memref<10112x128xf32, #tpu.memory_space<hbm>>, %arg6: memref<2x10112x128xf32, #tpu.memory_space<hbm>>, %arg7: memref<80x128xi32, #tpu.memory_space<vmem>>, %arg8: memref<8x128xi32, #tpu.memory_space<vmem>>, %arg9: memref<8x128xi32, #tpu.memory_space<vmem>>, %arg10: memref<128x128xf32, #tpu.memory_space<vmem>>, %arg11: memref<128x128xf32, #tpu.memory_space<vmem>>, %arg12: memref<10112x128xf32, #tpu.memory_space<vmem_shared>>, %arg13: memref<!tpu.dma_semaphore, #tpu.memory_space<semaphore_mem>>, %arg14: memref<!tpu.dma_semaphore, #tpu.memory_space<semaphore_mem>>, %arg15: memref<!tpu.dma_semaphore, #tpu.memory_space<semaphore_mem>>, %arg16: memref<!tpu.dma_semaphore, #tpu.memory_space<semaphore_mem>>, %arg17: memref<!tpu.dma_semaphore, #tpu.memory_space<semaphore_mem>>, %arg18: memref<!tpu.dma_semaphore, #tpu.memory_space<semaphore_mem>>) attributes {dimension_semantics = [#tpu.dimension_semantics<core_parallel>, #tpu.dimension_semantics<subcore_parallel>], iteration_bounds = array<i64: 2, 16>, scalar_prefetch = 0 : i64, scratch_operands = 12 : i64, tpu.core_type = #tpu.core_type<sc_vector_subcore>, window_params = [{transform_indices = #map}, {transform_indices = #map1}, {transform_indices = #map1}, {transform_indices = #map}, {transform_indices = #map1}]} {
    %mul3A = arith.constant 16 : i32
    %mul3A_0 = arith.muli %arg0, %mul3A : i32
    %add3A = arith.addi %mul3A_0, %arg1 : i32
    %mul3A_1 = arith.constant 632 : i32
    %mul3A_2 = arith.muli %arg1, %mul3A_1 : i32
    %mul3A_3 = arith.constant 632 : i32
    %mul3A_4 = arith.muli %arg1, %mul3A_3 : i32
    "tpu.region"() ({
      %run_scoped3A = tpu.sem_alloc : memref<!tpu.dma_semaphore, #tpu.memory_space<semaphore_mem>>
      %dma_start3A_51 = arith.constant 0 : i32
      %dma_start3A_52 = tpu.memref_slice %arg12[%mul3A_4, %dma_start3A_51] : memref<10112x128xf32, #tpu.memory_space<vmem_shared>> -> memref<632x128xf32, #tpu.memory_space<vmem_shared>>
      %dma_start3A_53 = arith.constant 0 : i32
      %dma_start3A_54 = tpu.memref_slice %arg5[%mul3A_2, %dma_start3A_53] : memref<10112x128xf32, #tpu.memory_space<hbm>> -> memref<632x128xf32, #tpu.memory_space<hbm>>
      tpu.enqueue_dma source(%dma_start3A_54 : memref<632x128xf32, #tpu.memory_space<hbm>>) target(%dma_start3A_52 : memref<632x128xf32, #tpu.memory_space<vmem_shared>>) target_semaphore(%run_scoped3A : memref<!tpu.dma_semaphore, #tpu.memory_space<semaphore_mem>>)
      %dma_wait3A_55 = arith.constant 0 : i32
      %dma_wait3A_56 = tpu.memref_slice %arg12[%mul3A_4, %dma_wait3A_55] : memref<10112x128xf32, #tpu.memory_space<vmem_shared>> -> memref<632x128xf32, #tpu.memory_space<vmem_shared>>
      %dma_wait3A_57 = arith.constant 0 : i32
      %dma_wait3A_58 = tpu.memref_slice %arg5[%mul3A_2, %dma_wait3A_57] : memref<10112x128xf32, #tpu.memory_space<hbm>> -> memref<632x128xf32, #tpu.memory_space<hbm>>
      tpu.wait_dma2 semaphore(%run_scoped3A : memref<!tpu.dma_semaphore, #tpu.memory_space<semaphore_mem>>) src(%dma_wait3A_58 : memref<632x128xf32, #tpu.memory_space<hbm>>) dst(%dma_wait3A_56 : memref<632x128xf32, #tpu.memory_space<vmem_shared>>)
      tpu.yield
    }) : () -> ()
    "tpu.region"() ({
      %run_scoped3A = tpu.sem_alloc : memref<!tpu.dma_semaphore, #tpu.memory_space<semaphore_mem>>
      %dma_start3A_51 = arith.constant 0 : i32
      %dma_start3A_52 = arith.constant 0 : i32
      %dma_start3A_53 = tpu.memref_slice %arg4[%add3A, %dma_start3A_51, %dma_start3A_52] : memref<32x80x128xi32, #tpu.memory_space<hbm>> -> memref<1x80x128xi32, #tpu.memory_space<hbm>>
      %dma_start3A_54 = tpu.memref_squeeze %dma_start3A_53 : memref<1x80x128xi32, #tpu.memory_space<hbm>> -> memref<80x128xi32, #tpu.memory_space<hbm>>
      %dma_start3A_55 = arith.constant 0 : i32
      %dma_start3A_56 = arith.constant 0 : i32
      %dma_start3A_57 = tpu.memref_slice %arg4[%add3A, %dma_start3A_55, %dma_start3A_56] : memref<32x80x128xi32, #tpu.memory_space<hbm>> -> memref<1x80x128xi32, #tpu.memory_space<hbm>>
      %dma_start3A_58 = tpu.memref_squeeze %dma_start3A_57 : memref<1x80x128xi32, #tpu.memory_space<hbm>> -> memref<80x128xi32, #tpu.memory_space<hbm>>
      tpu.enqueue_dma source(%dma_start3A_58 : memref<80x128xi32, #tpu.memory_space<hbm>>) target(%arg7 : memref<80x128xi32, #tpu.memory_space<vmem>>) target_semaphore(%run_scoped3A : memref<!tpu.dma_semaphore, #tpu.memory_space<semaphore_mem>>)
      %dma_wait3A_59 = arith.constant 0 : i32
      %dma_wait3A_60 = arith.constant 0 : i32
      %dma_wait3A_61 = tpu.memref_slice %arg4[%add3A, %dma_wait3A_59, %dma_wait3A_60] : memref<32x80x128xi32, #tpu.memory_space<hbm>> -> memref<1x80x128xi32, #tpu.memory_space<hbm>>
      %dma_wait3A_62 = tpu.memref_squeeze %dma_wait3A_61 : memref<1x80x128xi32, #tpu.memory_space<hbm>> -> memref<80x128xi32, #tpu.memory_space<hbm>>
      %dma_wait3A_63 = arith.constant 0 : i32
      %dma_wait3A_64 = arith.constant 0 : i32
      %dma_wait3A_65 = tpu.memref_slice %arg4[%add3A, %dma_wait3A_63, %dma_wait3A_64] : memref<32x80x128xi32, #tpu.memory_space<hbm>> -> memref<1x80x128xi32, #tpu.memory_space<hbm>>
      %dma_wait3A_66 = tpu.memref_squeeze %dma_wait3A_65 : memref<1x80x128xi32, #tpu.memory_space<hbm>> -> memref<80x128xi32, #tpu.memory_space<hbm>>
      tpu.wait_dma2 semaphore(%run_scoped3A : memref<!tpu.dma_semaphore, #tpu.memory_space<semaphore_mem>>) src(%dma_wait3A_66 : memref<80x128xi32, #tpu.memory_space<hbm>>) dst(%arg7 : memref<80x128xi32, #tpu.memory_space<vmem>>)
      tpu.yield
    }) : () -> ()
    "tpu.region"() ({
      %run_scoped3A = tpu.sem_alloc : memref<!tpu.dma_semaphore, #tpu.memory_space<semaphore_mem>>
      %dma_start3A_51 = arith.constant 0 : i32
      %dma_start3A_52 = arith.constant 0 : i32
      %dma_start3A_53 = tpu.memref_slice %arg3[%add3A, %dma_start3A_51, %dma_start3A_52] : memref<32x80x128xi32, #tpu.memory_space<hbm>> -> memref<1x8x128xi32, #tpu.memory_space<hbm>>
      %dma_start3A_54 = tpu.memref_squeeze %dma_start3A_53 : memref<1x8x128xi32, #tpu.memory_space<hbm>> -> memref<8x128xi32, #tpu.memory_space<hbm>>
      %dma_start3A_55 = arith.constant 0 : i32
      %dma_start3A_56 = arith.constant 0 : i32
      %dma_start3A_57 = tpu.memref_slice %arg3[%add3A, %dma_start3A_55, %dma_start3A_56] : memref<32x80x128xi32, #tpu.memory_space<hbm>> -> memref<1x8x128xi32, #tpu.memory_space<hbm>>
      %dma_start3A_58 = tpu.memref_squeeze %dma_start3A_57 : memref<1x8x128xi32, #tpu.memory_space<hbm>> -> memref<8x128xi32, #tpu.memory_space<hbm>>
      tpu.enqueue_dma source(%dma_start3A_58 : memref<8x128xi32, #tpu.memory_space<hbm>>) target(%arg8 : memref<8x128xi32, #tpu.memory_space<vmem>>) target_semaphore(%run_scoped3A : memref<!tpu.dma_semaphore, #tpu.memory_space<semaphore_mem>>)
      %dma_wait3A_59 = arith.constant 0 : i32
      %dma_wait3A_60 = arith.constant 0 : i32
      %dma_wait3A_61 = tpu.memref_slice %arg3[%add3A, %dma_wait3A_59, %dma_wait3A_60] : memref<32x80x128xi32, #tpu.memory_space<hbm>> -> memref<1x8x128xi32, #tpu.memory_space<hbm>>
      %dma_wait3A_62 = tpu.memref_squeeze %dma_wait3A_61 : memref<1x8x128xi32, #tpu.memory_space<hbm>> -> memref<8x128xi32, #tpu.memory_space<hbm>>
      %dma_wait3A_63 = arith.constant 0 : i32
      %dma_wait3A_64 = arith.constant 0 : i32
      %dma_wait3A_65 = tpu.memref_slice %arg3[%add3A, %dma_wait3A_63, %dma_wait3A_64] : memref<32x80x128xi32, #tpu.memory_space<hbm>> -> memref<1x8x128xi32, #tpu.memory_space<hbm>>
      %dma_wait3A_66 = tpu.memref_squeeze %dma_wait3A_65 : memref<1x8x128xi32, #tpu.memory_space<hbm>> -> memref<8x128xi32, #tpu.memory_space<hbm>>
      tpu.wait_dma2 semaphore(%run_scoped3A : memref<!tpu.dma_semaphore, #tpu.memory_space<semaphore_mem>>) src(%dma_wait3A_66 : memref<8x128xi32, #tpu.memory_space<hbm>>) dst(%arg8 : memref<8x128xi32, #tpu.memory_space<vmem>>)
      tpu.yield
    }) : () -> ()
    %barrier3A = arith.constant 0 : index
    tpu.barrier barrier_id(%barrier3A)
    %dma_start3A = arith.constant 0 : i32
    %dma_start3A_5 = arith.constant 0 : i32
    %dma_start3A_6 = arith.constant 0 : i32
    %dma_start3A_7 = tpu.memref_slice %arg10[%dma_start3A_5, %dma_start3A_6] : memref<128x128xf32, #tpu.memory_space<vmem>> -> memref<64x128xf32, #tpu.memory_space<vmem>>
    %dma_start3A_8 = arith.constant 0 : i32
    %dma_start3A_9 = tpu.memref_slice %arg8[%dma_start3A, %dma_start3A_8] : memref<8x128xi32, #tpu.memory_space<vmem>> -> memref<1x128xi32, #tpu.memory_space<vmem>>
    %dma_start3A_10 = tpu.memref_squeeze %dma_start3A_9 : memref<1x128xi32, #tpu.memory_space<vmem>> -> memref<128xi32, #tpu.memory_space<vmem>>
    %dma_start3A_11 = arith.constant 0 : i32
    %dma_start3A_12 = tpu.memref_slice %dma_start3A_10[%dma_start3A_11] : memref<128xi32, #tpu.memory_space<vmem>> -> memref<64xi32, #tpu.memory_space<vmem>>
    %dma_start3A_13 = arith.constant 0 : i32
    %dma_start3A_14 = arith.constant 0 : i32
    %dma_start3A_15 = tpu.memref_slice %arg2[%dma_start3A_13, %dma_start3A_14] : memref<10000x128xf32, #tpu.memory_space<hbm>> -> memref<10000x128xf32, #tpu.memory_space<hbm>>
    tpu.enqueue_indirect_dma source(%dma_start3A_15 : memref<10000x128xf32, #tpu.memory_space<hbm>>) target(%dma_start3A_7 : memref<64x128xf32, #tpu.memory_space<vmem>>) offsets(%dma_start3A_12 : memref<64xi32, #tpu.memory_space<vmem>>) semaphore(%arg13 : memref<!tpu.dma_semaphore, #tpu.memory_space<semaphore_mem>>)
    %dma_start3A_16 = arith.constant 0 : i32
    %dma_start3A_17 = arith.constant 64 : i32
    %dma_start3A_18 = arith.constant 0 : i32
    %dma_start3A_19 = tpu.memref_slice %arg10[%dma_start3A_17, %dma_start3A_18] : memref<128x128xf32, #tpu.memory_space<vmem>> -> memref<64x128xf32, #tpu.memory_space<vmem>>
    %dma_start3A_20 = arith.constant 0 : i32
    %dma_start3A_21 = tpu.memref_slice %arg8[%dma_start3A_16, %dma_start3A_20] : memref<8x128xi32, #tpu.memory_space<vmem>> -> memref<1x128xi32, #tpu.memory_space<vmem>>
    %dma_start3A_22 = tpu.memref_squeeze %dma_start3A_21 : memref<1x128xi32, #tpu.memory_space<vmem>> -> memref<128xi32, #tpu.memory_space<vmem>>
    %dma_start3A_23 = arith.constant 64 : i32
    %dma_start3A_24 = tpu.memref_slice %dma_start3A_22[%dma_start3A_23] : memref<128xi32, #tpu.memory_space<vmem>> -> memref<64xi32, #tpu.memory_space<vmem>>
    %dma_start3A_25 = arith.constant 0 : i32
    %dma_start3A_26 = arith.constant 0 : i32
    %dma_start3A_27 = tpu.memref_slice %arg2[%dma_start3A_25, %dma_start3A_26] : memref<10000x128xf32, #tpu.memory_space<hbm>> -> memref<10000x128xf32, #tpu.memory_space<hbm>>
    tpu.enqueue_indirect_dma source(%dma_start3A_27 : memref<10000x128xf32, #tpu.memory_space<hbm>>) target(%dma_start3A_19 : memref<64x128xf32, #tpu.memory_space<vmem>>) offsets(%dma_start3A_24 : memref<64xi32, #tpu.memory_space<vmem>>) semaphore(%arg13 : memref<!tpu.dma_semaphore, #tpu.memory_space<semaphore_mem>>)
    %scan3A = arith.constant 0 : i32
    %scan3A_28 = arith.constant 0 : i32
    %scan3A_29 = arith.constant 5 : i32
    %scan3A_30 = arith.addi %scan3A_28, %scan3A_29 : i32
    %scan3A_31 = arith.constant 1 : i32
    scf.for %scan3A_51 = %scan3A_28 to %scan3A_30 step %scan3A_31  : i32 {
      %mul3A_52 = arith.constant 16 : i32
      %mul3A_53 = arith.muli %scan3A_51, %mul3A_52 : i32
      %add3A_54 = arith.constant 0 : i32
      %add3A_55 = arith.addi %mul3A_53, %add3A_54 : i32
      %mul3A_56 = arith.constant 2 : i32
      %mul3A_57 = arith.muli %scan3A_51, %mul3A_56 : i32
      %add3A_58 = arith.constant 1 : i32
      %add3A_59 = arith.addi %mul3A_57, %add3A_58 : i32
      %mul3A_60 = arith.constant 8 : i32
      %mul3A_61 = arith.muli %add3A_59, %mul3A_60 : i32
      %dma_start3A_62 = arith.constant 0 : i32
      %dma_start3A_63 = tpu.memref_slice %arg3[%add3A, %mul3A_61, %dma_start3A_62] : memref<32x80x128xi32, #tpu.memory_space<hbm>> -> memref<1x8x128xi32, #tpu.memory_space<hbm>>
      %dma_start3A_64 = tpu.memref_squeeze %dma_start3A_63 : memref<1x8x128xi32, #tpu.memory_space<hbm>> -> memref<8x128xi32, #tpu.memory_space<hbm>>
      %dma_start3A_65 = arith.constant 0 : i32
      %dma_start3A_66 = tpu.memref_slice %arg3[%add3A, %mul3A_61, %dma_start3A_65] : memref<32x80x128xi32, #tpu.memory_space<hbm>> -> memref<1x8x128xi32, #tpu.memory_space<hbm>>
      %dma_start3A_67 = tpu.memref_squeeze %dma_start3A_66 : memref<1x8x128xi32, #tpu.memory_space<hbm>> -> memref<8x128xi32, #tpu.memory_space<hbm>>
      tpu.enqueue_dma source(%dma_start3A_67 : memref<8x128xi32, #tpu.memory_space<hbm>>) target(%arg9 : memref<8x128xi32, #tpu.memory_space<vmem>>) target_semaphore(%arg18 : memref<!tpu.dma_semaphore, #tpu.memory_space<semaphore_mem>>)
      %dma_wait3A_68 = arith.constant 0 : i32
      %dma_wait3A_69 = arith.constant 0 : i32
      %dma_wait3A_70 = tpu.memref_slice %arg2[%dma_wait3A_68, %dma_wait3A_69] : memref<10000x128xf32, #tpu.memory_space<hbm>> -> memref<128x128xf32, #tpu.memory_space<hbm>>
      %dma_wait3A_71 = arith.constant 0 : i32
      %dma_wait3A_72 = arith.constant 0 : i32
      %dma_wait3A_73 = tpu.memref_slice %arg2[%dma_wait3A_71, %dma_wait3A_72] : memref<10000x128xf32, #tpu.memory_space<hbm>> -> memref<128x128xf32, #tpu.memory_space<hbm>>
      tpu.wait_dma2 semaphore(%arg13 : memref<!tpu.dma_semaphore, #tpu.memory_space<semaphore_mem>>) src(%dma_wait3A_73 : memref<128x128xf32, #tpu.memory_space<hbm>>) dst(%arg10 : memref<128x128xf32, #tpu.memory_space<vmem>>)
      %dma_start3A_74 = arith.constant 0 : i32
      %dma_start3A_75 = tpu.memref_slice %arg7[%add3A_55, %dma_start3A_74] : memref<80x128xi32, #tpu.memory_space<vmem>> -> memref<1x128xi32, #tpu.memory_space<vmem>>
      %dma_start3A_76 = tpu.memref_squeeze %dma_start3A_75 : memref<1x128xi32, #tpu.memory_space<vmem>> -> memref<128xi32, #tpu.memory_space<vmem>>
      %dma_start3A_77 = arith.constant 0 : i32
      %dma_start3A_78 = arith.constant 0 : i32
      %dma_start3A_79 = tpu.memref_slice %arg12[%dma_start3A_77, %dma_start3A_78] : memref<10112x128xf32, #tpu.memory_space<vmem_shared>> -> memref<10112x128xf32, #tpu.memory_space<vmem_shared>>
      tpu.enqueue_indirect_dma source(%arg10 : memref<128x128xf32, #tpu.memory_space<vmem>>) target(%dma_start3A_79 : memref<10112x128xf32, #tpu.memory_space<vmem_shared>>) offsets(%dma_start3A_76 : memref<128xi32, #tpu.memory_space<vmem>>) semaphore(%arg15 : memref<!tpu.dma_semaphore, #tpu.memory_space<semaphore_mem>>) {add = true}
      %gt3A = arith.constant 0 : i32
      %gt3A_80 = arith.cmpi sgt, %scan3A_51, %gt3A : i32
      %convert_element_type3A = arith.extui %gt3A_80 : i1 to i32
      %cond3A = arith.constant 1 : i32
      %cond3A_81 = arith.constant 0 : i32
      %cond3A_82 = arith.cmpi ne, %convert_element_type3A, %cond3A_81 : i32
      scf.if %cond3A_82 {
        %dma_wait3A_781 = arith.constant 0 : i32
        %dma_wait3A_782 = arith.constant 0 : i32
        %dma_wait3A_783 = tpu.memref_slice %arg7[%dma_wait3A_781, %dma_wait3A_782] : memref<80x128xi32, #tpu.memory_space<vmem>> -> memref<1x128xi32, #tpu.memory_space<vmem>>
        %dma_wait3A_784 = tpu.memref_squeeze %dma_wait3A_783 : memref<1x128xi32, #tpu.memory_space<vmem>> -> memref<128xi32, #tpu.memory_space<vmem>>
        %dma_wait3A_785 = arith.constant 0 : i32
        %dma_wait3A_786 = arith.constant 0 : i32
        %dma_wait3A_787 = tpu.memref_slice %arg12[%dma_wait3A_785, %dma_wait3A_786] : memref<10112x128xf32, #tpu.memory_space<vmem_shared>> -> memref<10112x128xf32, #tpu.memory_space<vmem_shared>>
        tpu.wait_indirect_dma semaphore(%arg16 : memref<!tpu.dma_semaphore, #tpu.memory_space<semaphore_mem>>) src(%arg10 : memref<128x128xf32, #tpu.memory_space<vmem>>) dst(%dma_wait3A_787 : memref<10112x128xf32, #tpu.memory_space<vmem_shared>>)
        %dma_start3A_788 = arith.constant 0 : i32
        %dma_start3A_789 = arith.constant 0 : i32
        %dma_start3A_790 = tpu.memref_slice %arg11[%dma_start3A_788, %dma_start3A_789] : memref<128x128xf32, #tpu.memory_space<vmem>> -> memref<64x128xf32, #tpu.memory_space<vmem>>
        %dma_start3A_791 = arith.constant 0 : i32
        %dma_start3A_792 = tpu.memref_slice %arg8[%cond3A, %dma_start3A_791] : memref<8x128xi32, #tpu.memory_space<vmem>> -> memref<1x128xi32, #tpu.memory_space<vmem>>
        %dma_start3A_793 = tpu.memref_squeeze %dma_start3A_792 : memref<1x128xi32, #tpu.memory_space<vmem>> -> memref<128xi32, #tpu.memory_space<vmem>>
        %dma_start3A_794 = arith.constant 0 : i32
        %dma_start3A_795 = tpu.memref_slice %dma_start3A_793[%dma_start3A_794] : memref<128xi32, #tpu.memory_space<vmem>> -> memref<64xi32, #tpu.memory_space<vmem>>
        %dma_start3A_796 = arith.constant 0 : i32
        %dma_start3A_797 = arith.constant 0 : i32
        %dma_start3A_798 = tpu.memref_slice %arg2[%dma_start3A_796, %dma_start3A_797] : memref<10000x128xf32, #tpu.memory_space<hbm>> -> memref<10000x128xf32, #tpu.memory_space<hbm>>
        tpu.enqueue_indirect_dma source(%dma_start3A_798 : memref<10000x128xf32, #tpu.memory_space<hbm>>) target(%dma_start3A_790 : memref<64x128xf32, #tpu.memory_space<vmem>>) offsets(%dma_start3A_795 : memref<64xi32, #tpu.memory_space<vmem>>) semaphore(%arg14 : memref<!tpu.dma_semaphore, #tpu.memory_space<semaphore_mem>>)
        %dma_start3A_799 = arith.constant 64 : i32
        %dma_start3A_800 = arith.constant 0 : i32
        %dma_start3A_801 = tpu.memref_slice %arg11[%dma_start3A_799, %dma_start3A_800] : memref<128x128xf32, #tpu.memory_space<vmem>> -> memref<64x128xf32, #tpu.memory_space<vmem>>
        %dma_start3A_802 = arith.constant 0 : i32
        %dma_start3A_803 = tpu.memref_slice %arg8[%cond3A, %dma_start3A_802] : memref<8x128xi32, #tpu.memory_space<vmem>> -> memref<1x128xi32, #tpu.memory_space<vmem>>
        %dma_start3A_804 = tpu.memref_squeeze %dma_start3A_803 : memref<1x128xi32, #tpu.memory_space<vmem>> -> memref<128xi32, #tpu.memory_space<vmem>>
        %dma_start3A_805 = arith.constant 64 : i32
        %dma_start3A_806 = tpu.memref_slice %dma_start3A_804[%dma_start3A_805] : memref<128xi32, #tpu.memory_space<vmem>> -> memref<64xi32, #tpu.memory_space<vmem>>
        %dma_start3A_807 = arith.constant 0 : i32
        %dma_start3A_808 = arith.constant 0 : i32
        %dma_start3A_809 = tpu.memref_slice %arg2[%dma_start3A_807, %dma_start3A_808] : memref<10000x128xf32, #tpu.memory_space<hbm>> -> memref<10000x128xf32, #tpu.memory_space<hbm>>
        tpu.enqueue_indirect_dma source(%dma_start3A_809 : memref<10000x128xf32, #tpu.memory_space<hbm>>) target(%dma_start3A_801 : memref<64x128xf32, #tpu.memory_space<vmem>>) offsets(%dma_start3A_806 : memref<64xi32, #tpu.memory_space<vmem>>) semaphore(%arg14 : memref<!tpu.dma_semaphore, #tpu.memory_space<semaphore_mem>>)
      } else {
      }
      %eq3A = arith.constant 0 : i32
      %eq3A_83 = arith.cmpi eq, %scan3A_51, %eq3A : i32
      %convert_element_type3A_84 = arith.extui %eq3A_83 : i1 to i32
      %cond3A_85 = arith.constant 1 : i32
      %cond3A_86 = arith.constant 0 : i32
      %cond3A_87 = arith.cmpi ne, %convert_element_type3A_84, %cond3A_86 : i32
      scf.if %cond3A_87 {
        %dma_start3A_781 = arith.constant 0 : i32
        %dma_start3A_782 = arith.constant 0 : i32
        %dma_start3A_783 = tpu.memref_slice %arg11[%dma_start3A_781, %dma_start3A_782] : memref<128x128xf32, #tpu.memory_space<vmem>> -> memref<64x128xf32, #tpu.memory_space<vmem>>
        %dma_start3A_784 = arith.constant 0 : i32
        %dma_start3A_785 = tpu.memref_slice %arg8[%cond3A_85, %dma_start3A_784] : memref<8x128xi32, #tpu.memory_space<vmem>> -> memref<1x128xi32, #tpu.memory_space<vmem>>
        %dma_start3A_786 = tpu.memref_squeeze %dma_start3A_785 : memref<1x128xi32, #tpu.memory_space<vmem>> -> memref<128xi32, #tpu.memory_space<vmem>>
        %dma_start3A_787 = arith.constant 0 : i32
        %dma_start3A_788 = tpu.memref_slice %dma_start3A_786[%dma_start3A_787] : memref<128xi32, #tpu.memory_space<vmem>> -> memref<64xi32, #tpu.memory_space<vmem>>
        %dma_start3A_789 = arith.constant 0 : i32
        %dma_start3A_790 = arith.constant 0 : i32
        %dma_start3A_791 = tpu.memref_slice %arg2[%dma_start3A_789, %dma_start3A_790] : memref<10000x128xf32, #tpu.memory_space<hbm>> -> memref<10000x128xf32, #tpu.memory_space<hbm>>
        tpu.enqueue_indirect_dma source(%dma_start3A_791 : memref<10000x128xf32, #tpu.memory_space<hbm>>) target(%dma_start3A_783 : memref<64x128xf32, #tpu.memory_space<vmem>>) offsets(%dma_start3A_788 : memref<64xi32, #tpu.memory_space<vmem>>) semaphore(%arg14 : memref<!tpu.dma_semaphore, #tpu.memory_space<semaphore_mem>>)
        %dma_start3A_792 = arith.constant 64 : i32
        %dma_start3A_793 = arith.constant 0 : i32
        %dma_start3A_794 = tpu.memref_slice %arg11[%dma_start3A_792, %dma_start3A_793] : memref<128x128xf32, #tpu.memory_space<vmem>> -> memref<64x128xf32, #tpu.memory_space<vmem>>
        %dma_start3A_795 = arith.constant 0 : i32
        %dma_start3A_796 = tpu.memref_slice %arg8[%cond3A_85, %dma_start3A_795] : memref<8x128xi32, #tpu.memory_space<vmem>> -> memref<1x128xi32, #tpu.memory_space<vmem>>
        %dma_start3A_797 = tpu.memref_squeeze %dma_start3A_796 : memref<1x128xi32, #tpu.memory_space<vmem>> -> memref<128xi32, #tpu.memory_space<vmem>>
        %dma_start3A_798 = arith.constant 64 : i32
        %dma_start3A_799 = tpu.memref_slice %dma_start3A_797[%dma_start3A_798] : memref<128xi32, #tpu.memory_space<vmem>> -> memref<64xi32, #tpu.memory_space<vmem>>
        %dma_start3A_800 = arith.constant 0 : i32
        %dma_start3A_801 = arith.constant 0 : i32
        %dma_start3A_802 = tpu.memref_slice %arg2[%dma_start3A_800, %dma_start3A_801] : memref<10000x128xf32, #tpu.memory_space<hbm>> -> memref<10000x128xf32, #tpu.memory_space<hbm>>
        tpu.enqueue_indirect_dma source(%dma_start3A_802 : memref<10000x128xf32, #tpu.memory_space<hbm>>) target(%dma_start3A_794 : memref<64x128xf32, #tpu.memory_space<vmem>>) offsets(%dma_start3A_799 : memref<64xi32, #tpu.memory_space<vmem>>) semaphore(%arg14 : memref<!tpu.dma_semaphore, #tpu.memory_space<semaphore_mem>>)
      } else {
      }
      %mul3A_88 = arith.constant 16 : i32
      %mul3A_89 = arith.muli %scan3A_51, %mul3A_88 : i32
      %add3A_90 = arith.constant 1 : i32
      %add3A_91 = arith.addi %mul3A_89, %add3A_90 : i32
      %dma_wait3A_92 = arith.constant 0 : i32
      %dma_wait3A_93 = arith.constant 0 : i32
      %dma_wait3A_94 = tpu.memref_slice %arg2[%dma_wait3A_92, %dma_wait3A_93] : memref<10000x128xf32, #tpu.memory_space<hbm>> -> memref<128x128xf32, #tpu.memory_space<hbm>>
      %dma_wait3A_95 = arith.constant 0 : i32
      %dma_wait3A_96 = arith.constant 0 : i32
      %dma_wait3A_97 = tpu.memref_slice %arg2[%dma_wait3A_95, %dma_wait3A_96] : memref<10000x128xf32, #tpu.memory_space<hbm>> -> memref<128x128xf32, #tpu.memory_space<hbm>>
      tpu.wait_dma2 semaphore(%arg14 : memref<!tpu.dma_semaphore, #tpu.memory_space<semaphore_mem>>) src(%dma_wait3A_97 : memref<128x128xf32, #tpu.memory_space<hbm>>) dst(%arg11 : memref<128x128xf32, #tpu.memory_space<vmem>>)
      %dma_start3A_98 = arith.constant 0 : i32
      %dma_start3A_99 = tpu.memref_slice %arg7[%add3A_91, %dma_start3A_98] : memref<80x128xi32, #tpu.memory_space<vmem>> -> memref<1x128xi32, #tpu.memory_space<vmem>>
      %dma_start3A_100 = tpu.memref_squeeze %dma_start3A_99 : memref<1x128xi32, #tpu.memory_space<vmem>> -> memref<128xi32, #tpu.memory_space<vmem>>
      %dma_start3A_101 = arith.constant 0 : i32
      %dma_start3A_102 = arith.constant 0 : i32
      %dma_start3A_103 = tpu.memref_slice %arg12[%dma_start3A_101, %dma_start3A_102] : memref<10112x128xf32, #tpu.memory_space<vmem_shared>> -> memref<10112x128xf32, #tpu.memory_space<vmem_shared>>
      tpu.enqueue_indirect_dma source(%arg11 : memref<128x128xf32, #tpu.memory_space<vmem>>) target(%dma_start3A_103 : memref<10112x128xf32, #tpu.memory_space<vmem_shared>>) offsets(%dma_start3A_100 : memref<128xi32, #tpu.memory_space<vmem>>) semaphore(%arg16 : memref<!tpu.dma_semaphore, #tpu.memory_space<semaphore_mem>>) {add = true}
      %dma_wait3A_104 = arith.constant 0 : i32
      %dma_wait3A_105 = arith.constant 0 : i32
      %dma_wait3A_106 = tpu.memref_slice %arg7[%dma_wait3A_104, %dma_wait3A_105] : memref<80x128xi32, #tpu.memory_space<vmem>> -> memref<1x128xi32, #tpu.memory_space<vmem>>
      %dma_wait3A_107 = tpu.memref_squeeze %dma_wait3A_106 : memref<1x128xi32, #tpu.memory_space<vmem>> -> memref<128xi32, #tpu.memory_space<vmem>>
      %dma_wait3A_108 = arith.constant 0 : i32
      %dma_wait3A_109 = arith.constant 0 : i32
      %dma_wait3A_110 = tpu.memref_slice %arg12[%dma_wait3A_108, %dma_wait3A_109] : memref<10112x128xf32, #tpu.memory_space<vmem_shared>> -> memref<10112x128xf32, #tpu.memory_space<vmem_shared>>
      tpu.wait_indirect_dma semaphore(%arg15 : memref<!tpu.dma_semaphore, #tpu.memory_space<semaphore_mem>>) src(%arg10 : memref<128x128xf32, #tpu.memory_space<vmem>>) dst(%dma_wait3A_110 : memref<10112x128xf32, #tpu.memory_space<vmem_shared>>)
      %dma_start3A_111 = arith.constant 2 : i32
      %dma_start3A_112 = arith.constant 0 : i32
      %dma_start3A_113 = arith.constant 0 : i32
      %dma_start3A_114 = tpu.memref_slice %arg10[%dma_start3A_112, %dma_start3A_113] : memref<128x128xf32, #tpu.memory_space<vmem>> -> memref<64x128xf32, #tpu.memory_space<vmem>>
      %dma_start3A_115 = arith.constant 0 : i32
      %dma_start3A_116 = tpu.memref_slice %arg8[%dma_start3A_111, %dma_start3A_115] : memref<8x128xi32, #tpu.memory_space<vmem>> -> memref<1x128xi32, #tpu.memory_space<vmem>>
      %dma_start3A_117 = tpu.memref_squeeze %dma_start3A_116 : memref<1x128xi32, #tpu.memory_space<vmem>> -> memref<128xi32, #tpu.memory_space<vmem>>
      %dma_start3A_118 = arith.constant 0 : i32
      %dma_start3A_119 = tpu.memref_slice %dma_start3A_117[%dma_start3A_118] : memref<128xi32, #tpu.memory_space<vmem>> -> memref<64xi32, #tpu.memory_space<vmem>>
      %dma_start3A_120 = arith.constant 0 : i32
      %dma_start3A_121 = arith.constant 0 : i32
      %dma_start3A_122 = tpu.memref_slice %arg2[%dma_start3A_120, %dma_start3A_121] : memref<10000x128xf32, #tpu.memory_space<hbm>> -> memref<10000x128xf32, #tpu.memory_space<hbm>>
      tpu.enqueue_indirect_dma source(%dma_start3A_122 : memref<10000x128xf32, #tpu.memory_space<hbm>>) target(%dma_start3A_114 : memref<64x128xf32, #tpu.memory_space<vmem>>) offsets(%dma_start3A_119 : memref<64xi32, #tpu.memory_space<vmem>>) semaphore(%arg13 : memref<!tpu.dma_semaphore, #tpu.memory_space<semaphore_mem>>)
      %dma_start3A_123 = arith.constant 2 : i32
      %dma_start3A_124 = arith.constant 64 : i32
      %dma_start3A_125 = arith.constant 0 : i32
      %dma_start3A_126 = tpu.memref_slice %arg10[%dma_start3A_124, %dma_start3A_125] : memref<128x128xf32, #tpu.memory_space<vmem>> -> memref<64x128xf32, #tpu.memory_space<vmem>>
      %dma_start3A_127 = arith.constant 0 : i32
      %dma_start3A_128 = tpu.memref_slice %arg8[%dma_start3A_123, %dma_start3A_127] : memref<8x128xi32, #tpu.memory_space<vmem>> -> memref<1x128xi32, #tpu.memory_space<vmem>>
      %dma_start3A_129 = tpu.memref_squeeze %dma_start3A_128 : memref<1x128xi32, #tpu.memory_space<vmem>> -> memref<128xi32, #tpu.memory_space<vmem>>
      %dma_start3A_130 = arith.constant 64 : i32
      %dma_start3A_131 = tpu.memref_slice %dma_start3A_129[%dma_start3A_130] : memref<128xi32, #tpu.memory_space<vmem>> -> memref<64xi32, #tpu.memory_space<vmem>>
      %dma_start3A_132 = arith.constant 0 : i32
      %dma_start3A_133 = arith.constant 0 : i32
      %dma_start3A_134 = tpu.memref_slice %arg2[%dma_start3A_132, %dma_start3A_133] : memref<10000x128xf32, #tpu.memory_space<hbm>> -> memref<10000x128xf32, #tpu.memory_space<hbm>>
      tpu.enqueue_indirect_dma source(%dma_start3A_134 : memref<10000x128xf32, #tpu.memory_space<hbm>>) target(%dma_start3A_126 : memref<64x128xf32, #tpu.memory_space<vmem>>) offsets(%dma_start3A_131 : memref<64xi32, #tpu.memory_space<vmem>>) semaphore(%arg13 : memref<!tpu.dma_semaphore, #tpu.memory_space<semaphore_mem>>)
      %mul3A_135 = arith.constant 16 : i32
      %mul3A_136 = arith.muli %scan3A_51, %mul3A_135 : i32
      %add3A_137 = arith.constant 2 : i32
      %add3A_138 = arith.addi %mul3A_136, %add3A_137 : i32
      %dma_wait3A_139 = arith.constant 0 : i32
      %dma_wait3A_140 = arith.constant 0 : i32
      %dma_wait3A_141 = tpu.memref_slice %arg2[%dma_wait3A_139, %dma_wait3A_140] : memref<10000x128xf32, #tpu.memory_space<hbm>> -> memref<128x128xf32, #tpu.memory_space<hbm>>
      %dma_wait3A_142 = arith.constant 0 : i32
      %dma_wait3A_143 = arith.constant 0 : i32
      %dma_wait3A_144 = tpu.memref_slice %arg2[%dma_wait3A_142, %dma_wait3A_143] : memref<10000x128xf32, #tpu.memory_space<hbm>> -> memref<128x128xf32, #tpu.memory_space<hbm>>
      tpu.wait_dma2 semaphore(%arg13 : memref<!tpu.dma_semaphore, #tpu.memory_space<semaphore_mem>>) src(%dma_wait3A_144 : memref<128x128xf32, #tpu.memory_space<hbm>>) dst(%arg10 : memref<128x128xf32, #tpu.memory_space<vmem>>)
      %dma_start3A_145 = arith.constant 0 : i32
      %dma_start3A_146 = tpu.memref_slice %arg7[%add3A_138, %dma_start3A_145] : memref<80x128xi32, #tpu.memory_space<vmem>> -> memref<1x128xi32, #tpu.memory_space<vmem>>
      %dma_start3A_147 = tpu.memref_squeeze %dma_start3A_146 : memref<1x128xi32, #tpu.memory_space<vmem>> -> memref<128xi32, #tpu.memory_space<vmem>>
      %dma_start3A_148 = arith.constant 0 : i32
      %dma_start3A_149 = arith.constant 0 : i32
      %dma_start3A_150 = tpu.memref_slice %arg12[%dma_start3A_148, %dma_start3A_149] : memref<10112x128xf32, #tpu.memory_space<vmem_shared>> -> memref<10112x128xf32, #tpu.memory_space<vmem_shared>>
      tpu.enqueue_indirect_dma source(%arg10 : memref<128x128xf32, #tpu.memory_space<vmem>>) target(%dma_start3A_150 : memref<10112x128xf32, #tpu.memory_space<vmem_shared>>) offsets(%dma_start3A_147 : memref<128xi32, #tpu.memory_space<vmem>>) semaphore(%arg15 : memref<!tpu.dma_semaphore, #tpu.memory_space<semaphore_mem>>) {add = true}
      %dma_wait3A_151 = arith.constant 0 : i32
      %dma_wait3A_152 = arith.constant 0 : i32
      %dma_wait3A_153 = tpu.memref_slice %arg7[%dma_wait3A_151, %dma_wait3A_152] : memref<80x128xi32, #tpu.memory_space<vmem>> -> memref<1x128xi32, #tpu.memory_space<vmem>>
      %dma_wait3A_154 = tpu.memref_squeeze %dma_wait3A_153 : memref<1x128xi32, #tpu.memory_space<vmem>> -> memref<128xi32, #tpu.memory_space<vmem>>
      %dma_wait3A_155 = arith.constant 0 : i32
      %dma_wait3A_156 = arith.constant 0 : i32
      %dma_wait3A_157 = tpu.memref_slice %arg12[%dma_wait3A_155, %dma_wait3A_156] : memref<10112x128xf32, #tpu.memory_space<vmem_shared>> -> memref<10112x128xf32, #tpu.memory_space<vmem_shared>>
      tpu.wait_indirect_dma semaphore(%arg16 : memref<!tpu.dma_semaphore, #tpu.memory_space<semaphore_mem>>) src(%arg10 : memref<128x128xf32, #tpu.memory_space<vmem>>) dst(%dma_wait3A_157 : memref<10112x128xf32, #tpu.memory_space<vmem_shared>>)
      %dma_start3A_158 = arith.constant 3 : i32
      %dma_start3A_159 = arith.constant 0 : i32
      %dma_start3A_160 = arith.constant 0 : i32
      %dma_start3A_161 = tpu.memref_slice %arg11[%dma_start3A_159, %dma_start3A_160] : memref<128x128xf32, #tpu.memory_space<vmem>> -> memref<64x128xf32, #tpu.memory_space<vmem>>
      %dma_start3A_162 = arith.constant 0 : i32
      %dma_start3A_163 = tpu.memref_slice %arg8[%dma_start3A_158, %dma_start3A_162] : memref<8x128xi32, #tpu.memory_space<vmem>> -> memref<1x128xi32, #tpu.memory_space<vmem>>
      %dma_start3A_164 = tpu.memref_squeeze %dma_start3A_163 : memref<1x128xi32, #tpu.memory_space<vmem>> -> memref<128xi32, #tpu.memory_space<vmem>>
      %dma_start3A_165 = arith.constant 0 : i32
      %dma_start3A_166 = tpu.memref_slice %dma_start3A_164[%dma_start3A_165] : memref<128xi32, #tpu.memory_space<vmem>> -> memref<64xi32, #tpu.memory_space<vmem>>
      %dma_start3A_167 = arith.constant 0 : i32
      %dma_start3A_168 = arith.constant 0 : i32
      %dma_start3A_169 = tpu.memref_slice %arg2[%dma_start3A_167, %dma_start3A_168] : memref<10000x128xf32, #tpu.memory_space<hbm>> -> memref<10000x128xf32, #tpu.memory_space<hbm>>
      tpu.enqueue_indirect_dma source(%dma_start3A_169 : memref<10000x128xf32, #tpu.memory_space<hbm>>) target(%dma_start3A_161 : memref<64x128xf32, #tpu.memory_space<vmem>>) offsets(%dma_start3A_166 : memref<64xi32, #tpu.memory_space<vmem>>) semaphore(%arg14 : memref<!tpu.dma_semaphore, #tpu.memory_space<semaphore_mem>>)
      %dma_start3A_170 = arith.constant 3 : i32
      %dma_start3A_171 = arith.constant 64 : i32
      %dma_start3A_172 = arith.constant 0 : i32
      %dma_start3A_173 = tpu.memref_slice %arg11[%dma_start3A_171, %dma_start3A_172] : memref<128x128xf32, #tpu.memory_space<vmem>> -> memref<64x128xf32, #tpu.memory_space<vmem>>
      %dma_start3A_174 = arith.constant 0 : i32
      %dma_start3A_175 = tpu.memref_slice %arg8[%dma_start3A_170, %dma_start3A_174] : memref<8x128xi32, #tpu.memory_space<vmem>> -> memref<1x128xi32, #tpu.memory_space<vmem>>
      %dma_start3A_176 = tpu.memref_squeeze %dma_start3A_175 : memref<1x128xi32, #tpu.memory_space<vmem>> -> memref<128xi32, #tpu.memory_space<vmem>>
      %dma_start3A_177 = arith.constant 64 : i32
      %dma_start3A_178 = tpu.memref_slice %dma_start3A_176[%dma_start3A_177] : memref<128xi32, #tpu.memory_space<vmem>> -> memref<64xi32, #tpu.memory_space<vmem>>
      %dma_start3A_179 = arith.constant 0 : i32
      %dma_start3A_180 = arith.constant 0 : i32
      %dma_start3A_181 = tpu.memref_slice %arg2[%dma_start3A_179, %dma_start3A_180] : memref<10000x128xf32, #tpu.memory_space<hbm>> -> memref<10000x128xf32, #tpu.memory_space<hbm>>
      tpu.enqueue_indirect_dma source(%dma_start3A_181 : memref<10000x128xf32, #tpu.memory_space<hbm>>) target(%dma_start3A_173 : memref<64x128xf32, #tpu.memory_space<vmem>>) offsets(%dma_start3A_178 : memref<64xi32, #tpu.memory_space<vmem>>) semaphore(%arg14 : memref<!tpu.dma_semaphore, #tpu.memory_space<semaphore_mem>>)
      %mul3A_182 = arith.constant 16 : i32
      %mul3A_183 = arith.muli %scan3A_51, %mul3A_182 : i32
      %add3A_184 = arith.constant 3 : i32
      %add3A_185 = arith.addi %mul3A_183, %add3A_184 : i32
      %dma_wait3A_186 = arith.constant 0 : i32
      %dma_wait3A_187 = arith.constant 0 : i32
      %dma_wait3A_188 = tpu.memref_slice %arg2[%dma_wait3A_186, %dma_wait3A_187] : memref<10000x128xf32, #tpu.memory_space<hbm>> -> memref<128x128xf32, #tpu.memory_space<hbm>>
      %dma_wait3A_189 = arith.constant 0 : i32
      %dma_wait3A_190 = arith.constant 0 : i32
      %dma_wait3A_191 = tpu.memref_slice %arg2[%dma_wait3A_189, %dma_wait3A_190] : memref<10000x128xf32, #tpu.memory_space<hbm>> -> memref<128x128xf32, #tpu.memory_space<hbm>>
      tpu.wait_dma2 semaphore(%arg14 : memref<!tpu.dma_semaphore, #tpu.memory_space<semaphore_mem>>) src(%dma_wait3A_191 : memref<128x128xf32, #tpu.memory_space<hbm>>) dst(%arg11 : memref<128x128xf32, #tpu.memory_space<vmem>>)
      %dma_start3A_192 = arith.constant 0 : i32
      %dma_start3A_193 = tpu.memref_slice %arg7[%add3A_185, %dma_start3A_192] : memref<80x128xi32, #tpu.memory_space<vmem>> -> memref<1x128xi32, #tpu.memory_space<vmem>>
      %dma_start3A_194 = tpu.memref_squeeze %dma_start3A_193 : memref<1x128xi32, #tpu.memory_space<vmem>> -> memref<128xi32, #tpu.memory_space<vmem>>
      %dma_start3A_195 = arith.constant 0 : i32
      %dma_start3A_196 = arith.constant 0 : i32
      %dma_start3A_197 = tpu.memref_slice %arg12[%dma_start3A_195, %dma_start3A_196] : memref<10112x128xf32, #tpu.memory_space<vmem_shared>> -> memref<10112x128xf32, #tpu.memory_space<vmem_shared>>
      tpu.enqueue_indirect_dma source(%arg11 : memref<128x128xf32, #tpu.memory_space<vmem>>) target(%dma_start3A_197 : memref<10112x128xf32, #tpu.memory_space<vmem_shared>>) offsets(%dma_start3A_194 : memref<128xi32, #tpu.memory_space<vmem>>) semaphore(%arg16 : memref<!tpu.dma_semaphore, #tpu.memory_space<semaphore_mem>>) {add = true}
      %dma_wait3A_198 = arith.constant 0 : i32
      %dma_wait3A_199 = arith.constant 0 : i32
      %dma_wait3A_200 = tpu.memref_slice %arg7[%dma_wait3A_198, %dma_wait3A_199] : memref<80x128xi32, #tpu.memory_space<vmem>> -> memref<1x128xi32, #tpu.memory_space<vmem>>
      %dma_wait3A_201 = tpu.memref_squeeze %dma_wait3A_200 : memref<1x128xi32, #tpu.memory_space<vmem>> -> memref<128xi32, #tpu.memory_space<vmem>>
      %dma_wait3A_202 = arith.constant 0 : i32
      %dma_wait3A_203 = arith.constant 0 : i32
      %dma_wait3A_204 = tpu.memref_slice %arg12[%dma_wait3A_202, %dma_wait3A_203] : memref<10112x128xf32, #tpu.memory_space<vmem_shared>> -> memref<10112x128xf32, #tpu.memory_space<vmem_shared>>
      tpu.wait_indirect_dma semaphore(%arg15 : memref<!tpu.dma_semaphore, #tpu.memory_space<semaphore_mem>>) src(%arg10 : memref<128x128xf32, #tpu.memory_space<vmem>>) dst(%dma_wait3A_204 : memref<10112x128xf32, #tpu.memory_space<vmem_shared>>)
      %dma_start3A_205 = arith.constant 4 : i32
      %dma_start3A_206 = arith.constant 0 : i32
      %dma_start3A_207 = arith.constant 0 : i32
      %dma_start3A_208 = tpu.memref_slice %arg10[%dma_start3A_206, %dma_start3A_207] : memref<128x128xf32, #tpu.memory_space<vmem>> -> memref<64x128xf32, #tpu.memory_space<vmem>>
      %dma_start3A_209 = arith.constant 0 : i32
      %dma_start3A_210 = tpu.memref_slice %arg8[%dma_start3A_205, %dma_start3A_209] : memref<8x128xi32, #tpu.memory_space<vmem>> -> memref<1x128xi32, #tpu.memory_space<vmem>>
      %dma_start3A_211 = tpu.memref_squeeze %dma_start3A_210 : memref<1x128xi32, #tpu.memory_space<vmem>> -> memref<128xi32, #tpu.memory_space<vmem>>
      %dma_start3A_212 = arith.constant 0 : i32
      %dma_start3A_213 = tpu.memref_slice %dma_start3A_211[%dma_start3A_212] : memref<128xi32, #tpu.memory_space<vmem>> -> memref<64xi32, #tpu.memory_space<vmem>>
      %dma_start3A_214 = arith.constant 0 : i32
      %dma_start3A_215 = arith.constant 0 : i32
      %dma_start3A_216 = tpu.memref_slice %arg2[%dma_start3A_214, %dma_start3A_215] : memref<10000x128xf32, #tpu.memory_space<hbm>> -> memref<10000x128xf32, #tpu.memory_space<hbm>>
      tpu.enqueue_indirect_dma source(%dma_start3A_216 : memref<10000x128xf32, #tpu.memory_space<hbm>>) target(%dma_start3A_208 : memref<64x128xf32, #tpu.memory_space<vmem>>) offsets(%dma_start3A_213 : memref<64xi32, #tpu.memory_space<vmem>>) semaphore(%arg13 : memref<!tpu.dma_semaphore, #tpu.memory_space<semaphore_mem>>)
      %dma_start3A_217 = arith.constant 4 : i32
      %dma_start3A_218 = arith.constant 64 : i32
      %dma_start3A_219 = arith.constant 0 : i32
      %dma_start3A_220 = tpu.memref_slice %arg10[%dma_start3A_218, %dma_start3A_219] : memref<128x128xf32, #tpu.memory_space<vmem>> -> memref<64x128xf32, #tpu.memory_space<vmem>>
      %dma_start3A_221 = arith.constant 0 : i32
      %dma_start3A_222 = tpu.memref_slice %arg8[%dma_start3A_217, %dma_start3A_221] : memref<8x128xi32, #tpu.memory_space<vmem>> -> memref<1x128xi32, #tpu.memory_space<vmem>>
      %dma_start3A_223 = tpu.memref_squeeze %dma_start3A_222 : memref<1x128xi32, #tpu.memory_space<vmem>> -> memref<128xi32, #tpu.memory_space<vmem>>
      %dma_start3A_224 = arith.constant 64 : i32
      %dma_start3A_225 = tpu.memref_slice %dma_start3A_223[%dma_start3A_224] : memref<128xi32, #tpu.memory_space<vmem>> -> memref<64xi32, #tpu.memory_space<vmem>>
      %dma_start3A_226 = arith.constant 0 : i32
      %dma_start3A_227 = arith.constant 0 : i32
      %dma_start3A_228 = tpu.memref_slice %arg2[%dma_start3A_226, %dma_start3A_227] : memref<10000x128xf32, #tpu.memory_space<hbm>> -> memref<10000x128xf32, #tpu.memory_space<hbm>>
      tpu.enqueue_indirect_dma source(%dma_start3A_228 : memref<10000x128xf32, #tpu.memory_space<hbm>>) target(%dma_start3A_220 : memref<64x128xf32, #tpu.memory_space<vmem>>) offsets(%dma_start3A_225 : memref<64xi32, #tpu.memory_space<vmem>>) semaphore(%arg13 : memref<!tpu.dma_semaphore, #tpu.memory_space<semaphore_mem>>)
      %mul3A_229 = arith.constant 16 : i32
      %mul3A_230 = arith.muli %scan3A_51, %mul3A_229 : i32
      %add3A_231 = arith.constant 4 : i32
      %add3A_232 = arith.addi %mul3A_230, %add3A_231 : i32
      %dma_wait3A_233 = arith.constant 0 : i32
      %dma_wait3A_234 = arith.constant 0 : i32
      %dma_wait3A_235 = tpu.memref_slice %arg2[%dma_wait3A_233, %dma_wait3A_234] : memref<10000x128xf32, #tpu.memory_space<hbm>> -> memref<128x128xf32, #tpu.memory_space<hbm>>
      %dma_wait3A_236 = arith.constant 0 : i32
      %dma_wait3A_237 = arith.constant 0 : i32
      %dma_wait3A_238 = tpu.memref_slice %arg2[%dma_wait3A_236, %dma_wait3A_237] : memref<10000x128xf32, #tpu.memory_space<hbm>> -> memref<128x128xf32, #tpu.memory_space<hbm>>
      tpu.wait_dma2 semaphore(%arg13 : memref<!tpu.dma_semaphore, #tpu.memory_space<semaphore_mem>>) src(%dma_wait3A_238 : memref<128x128xf32, #tpu.memory_space<hbm>>) dst(%arg10 : memref<128x128xf32, #tpu.memory_space<vmem>>)
      %dma_start3A_239 = arith.constant 0 : i32
      %dma_start3A_240 = tpu.memref_slice %arg7[%add3A_232, %dma_start3A_239] : memref<80x128xi32, #tpu.memory_space<vmem>> -> memref<1x128xi32, #tpu.memory_space<vmem>>
      %dma_start3A_241 = tpu.memref_squeeze %dma_start3A_240 : memref<1x128xi32, #tpu.memory_space<vmem>> -> memref<128xi32, #tpu.memory_space<vmem>>
      %dma_start3A_242 = arith.constant 0 : i32
      %dma_start3A_243 = arith.constant 0 : i32
      %dma_start3A_244 = tpu.memref_slice %arg12[%dma_start3A_242, %dma_start3A_243] : memref<10112x128xf32, #tpu.memory_space<vmem_shared>> -> memref<10112x128xf32, #tpu.memory_space<vmem_shared>>
      tpu.enqueue_indirect_dma source(%arg10 : memref<128x128xf32, #tpu.memory_space<vmem>>) target(%dma_start3A_244 : memref<10112x128xf32, #tpu.memory_space<vmem_shared>>) offsets(%dma_start3A_241 : memref<128xi32, #tpu.memory_space<vmem>>) semaphore(%arg15 : memref<!tpu.dma_semaphore, #tpu.memory_space<semaphore_mem>>) {add = true}
      %dma_wait3A_245 = arith.constant 0 : i32
      %dma_wait3A_246 = arith.constant 0 : i32
      %dma_wait3A_247 = tpu.memref_slice %arg7[%dma_wait3A_245, %dma_wait3A_246] : memref<80x128xi32, #tpu.memory_space<vmem>> -> memref<1x128xi32, #tpu.memory_space<vmem>>
      %dma_wait3A_248 = tpu.memref_squeeze %dma_wait3A_247 : memref<1x128xi32, #tpu.memory_space<vmem>> -> memref<128xi32, #tpu.memory_space<vmem>>
      %dma_wait3A_249 = arith.constant 0 : i32
      %dma_wait3A_250 = arith.constant 0 : i32
      %dma_wait3A_251 = tpu.memref_slice %arg12[%dma_wait3A_249, %dma_wait3A_250] : memref<10112x128xf32, #tpu.memory_space<vmem_shared>> -> memref<10112x128xf32, #tpu.memory_space<vmem_shared>>
      tpu.wait_indirect_dma semaphore(%arg16 : memref<!tpu.dma_semaphore, #tpu.memory_space<semaphore_mem>>) src(%arg10 : memref<128x128xf32, #tpu.memory_space<vmem>>) dst(%dma_wait3A_251 : memref<10112x128xf32, #tpu.memory_space<vmem_shared>>)
      %dma_start3A_252 = arith.constant 5 : i32
      %dma_start3A_253 = arith.constant 0 : i32
      %dma_start3A_254 = arith.constant 0 : i32
      %dma_start3A_255 = tpu.memref_slice %arg11[%dma_start3A_253, %dma_start3A_254] : memref<128x128xf32, #tpu.memory_space<vmem>> -> memref<64x128xf32, #tpu.memory_space<vmem>>
      %dma_start3A_256 = arith.constant 0 : i32
      %dma_start3A_257 = tpu.memref_slice %arg8[%dma_start3A_252, %dma_start3A_256] : memref<8x128xi32, #tpu.memory_space<vmem>> -> memref<1x128xi32, #tpu.memory_space<vmem>>
      %dma_start3A_258 = tpu.memref_squeeze %dma_start3A_257 : memref<1x128xi32, #tpu.memory_space<vmem>> -> memref<128xi32, #tpu.memory_space<vmem>>
      %dma_start3A_259 = arith.constant 0 : i32
      %dma_start3A_260 = tpu.memref_slice %dma_start3A_258[%dma_start3A_259] : memref<128xi32, #tpu.memory_space<vmem>> -> memref<64xi32, #tpu.memory_space<vmem>>
      %dma_start3A_261 = arith.constant 0 : i32
      %dma_start3A_262 = arith.constant 0 : i32
      %dma_start3A_263 = tpu.memref_slice %arg2[%dma_start3A_261, %dma_start3A_262] : memref<10000x128xf32, #tpu.memory_space<hbm>> -> memref<10000x128xf32, #tpu.memory_space<hbm>>
      tpu.enqueue_indirect_dma source(%dma_start3A_263 : memref<10000x128xf32, #tpu.memory_space<hbm>>) target(%dma_start3A_255 : memref<64x128xf32, #tpu.memory_space<vmem>>) offsets(%dma_start3A_260 : memref<64xi32, #tpu.memory_space<vmem>>) semaphore(%arg14 : memref<!tpu.dma_semaphore, #tpu.memory_space<semaphore_mem>>)
      %dma_start3A_264 = arith.constant 5 : i32
      %dma_start3A_265 = arith.constant 64 : i32
      %dma_start3A_266 = arith.constant 0 : i32
      %dma_start3A_267 = tpu.memref_slice %arg11[%dma_start3A_265, %dma_start3A_266] : memref<128x128xf32, #tpu.memory_space<vmem>> -> memref<64x128xf32, #tpu.memory_space<vmem>>
      %dma_start3A_268 = arith.constant 0 : i32
      %dma_start3A_269 = tpu.memref_slice %arg8[%dma_start3A_264, %dma_start3A_268] : memref<8x128xi32, #tpu.memory_space<vmem>> -> memref<1x128xi32, #tpu.memory_space<vmem>>
      %dma_start3A_270 = tpu.memref_squeeze %dma_start3A_269 : memref<1x128xi32, #tpu.memory_space<vmem>> -> memref<128xi32, #tpu.memory_space<vmem>>
      %dma_start3A_271 = arith.constant 64 : i32
      %dma_start3A_272 = tpu.memref_slice %dma_start3A_270[%dma_start3A_271] : memref<128xi32, #tpu.memory_space<vmem>> -> memref<64xi32, #tpu.memory_space<vmem>>
      %dma_start3A_273 = arith.constant 0 : i32
      %dma_start3A_274 = arith.constant 0 : i32
      %dma_start3A_275 = tpu.memref_slice %arg2[%dma_start3A_273, %dma_start3A_274] : memref<10000x128xf32, #tpu.memory_space<hbm>> -> memref<10000x128xf32, #tpu.memory_space<hbm>>
      tpu.enqueue_indirect_dma source(%dma_start3A_275 : memref<10000x128xf32, #tpu.memory_space<hbm>>) target(%dma_start3A_267 : memref<64x128xf32, #tpu.memory_space<vmem>>) offsets(%dma_start3A_272 : memref<64xi32, #tpu.memory_space<vmem>>) semaphore(%arg14 : memref<!tpu.dma_semaphore, #tpu.memory_space<semaphore_mem>>)
      %mul3A_276 = arith.constant 16 : i32
      %mul3A_277 = arith.muli %scan3A_51, %mul3A_276 : i32
      %add3A_278 = arith.constant 5 : i32
      %add3A_279 = arith.addi %mul3A_277, %add3A_278 : i32
      %dma_wait3A_280 = arith.constant 0 : i32
      %dma_wait3A_281 = arith.constant 0 : i32
      %dma_wait3A_282 = tpu.memref_slice %arg2[%dma_wait3A_280, %dma_wait3A_281] : memref<10000x128xf32, #tpu.memory_space<hbm>> -> memref<128x128xf32, #tpu.memory_space<hbm>>
      %dma_wait3A_283 = arith.constant 0 : i32
      %dma_wait3A_284 = arith.constant 0 : i32
      %dma_wait3A_285 = tpu.memref_slice %arg2[%dma_wait3A_283, %dma_wait3A_284] : memref<10000x128xf32, #tpu.memory_space<hbm>> -> memref<128x128xf32, #tpu.memory_space<hbm>>
      tpu.wait_dma2 semaphore(%arg14 : memref<!tpu.dma_semaphore, #tpu.memory_space<semaphore_mem>>) src(%dma_wait3A_285 : memref<128x128xf32, #tpu.memory_space<hbm>>) dst(%arg11 : memref<128x128xf32, #tpu.memory_space<vmem>>)
      %dma_start3A_286 = arith.constant 0 : i32
      %dma_start3A_287 = tpu.memref_slice %arg7[%add3A_279, %dma_start3A_286] : memref<80x128xi32, #tpu.memory_space<vmem>> -> memref<1x128xi32, #tpu.memory_space<vmem>>
      %dma_start3A_288 = tpu.memref_squeeze %dma_start3A_287 : memref<1x128xi32, #tpu.memory_space<vmem>> -> memref<128xi32, #tpu.memory_space<vmem>>
      %dma_start3A_289 = arith.constant 0 : i32
      %dma_start3A_290 = arith.constant 0 : i32
      %dma_start3A_291 = tpu.memref_slice %arg12[%dma_start3A_289, %dma_start3A_290] : memref<10112x128xf32, #tpu.memory_space<vmem_shared>> -> memref<10112x128xf32, #tpu.memory_space<vmem_shared>>
      tpu.enqueue_indirect_dma source(%arg11 : memref<128x128xf32, #tpu.memory_space<vmem>>) target(%dma_start3A_291 : memref<10112x128xf32, #tpu.memory_space<vmem_shared>>) offsets(%dma_start3A_288 : memref<128xi32, #tpu.memory_space<vmem>>) semaphore(%arg16 : memref<!tpu.dma_semaphore, #tpu.memory_space<semaphore_mem>>) {add = true}
      %dma_wait3A_292 = arith.constant 0 : i32
      %dma_wait3A_293 = arith.constant 0 : i32
      %dma_wait3A_294 = tpu.memref_slice %arg7[%dma_wait3A_292, %dma_wait3A_293] : memref<80x128xi32, #tpu.memory_space<vmem>> -> memref<1x128xi32, #tpu.memory_space<vmem>>
      %dma_wait3A_295 = tpu.memref_squeeze %dma_wait3A_294 : memref<1x128xi32, #tpu.memory_space<vmem>> -> memref<128xi32, #tpu.memory_space<vmem>>
      %dma_wait3A_296 = arith.constant 0 : i32
      %dma_wait3A_297 = arith.constant 0 : i32
      %dma_wait3A_298 = tpu.memref_slice %arg12[%dma_wait3A_296, %dma_wait3A_297] : memref<10112x128xf32, #tpu.memory_space<vmem_shared>> -> memref<10112x128xf32, #tpu.memory_space<vmem_shared>>
      tpu.wait_indirect_dma semaphore(%arg15 : memref<!tpu.dma_semaphore, #tpu.memory_space<semaphore_mem>>) src(%arg10 : memref<128x128xf32, #tpu.memory_space<vmem>>) dst(%dma_wait3A_298 : memref<10112x128xf32, #tpu.memory_space<vmem_shared>>)
      %dma_start3A_299 = arith.constant 6 : i32
      %dma_start3A_300 = arith.constant 0 : i32
      %dma_start3A_301 = arith.constant 0 : i32
      %dma_start3A_302 = tpu.memref_slice %arg10[%dma_start3A_300, %dma_start3A_301] : memref<128x128xf32, #tpu.memory_space<vmem>> -> memref<64x128xf32, #tpu.memory_space<vmem>>
      %dma_start3A_303 = arith.constant 0 : i32
      %dma_start3A_304 = tpu.memref_slice %arg8[%dma_start3A_299, %dma_start3A_303] : memref<8x128xi32, #tpu.memory_space<vmem>> -> memref<1x128xi32, #tpu.memory_space<vmem>>
      %dma_start3A_305 = tpu.memref_squeeze %dma_start3A_304 : memref<1x128xi32, #tpu.memory_space<vmem>> -> memref<128xi32, #tpu.memory_space<vmem>>
      %dma_start3A_306 = arith.constant 0 : i32
      %dma_start3A_307 = tpu.memref_slice %dma_start3A_305[%dma_start3A_306] : memref<128xi32, #tpu.memory_space<vmem>> -> memref<64xi32, #tpu.memory_space<vmem>>
      %dma_start3A_308 = arith.constant 0 : i32
      %dma_start3A_309 = arith.constant 0 : i32
      %dma_start3A_310 = tpu.memref_slice %arg2[%dma_start3A_308, %dma_start3A_309] : memref<10000x128xf32, #tpu.memory_space<hbm>> -> memref<10000x128xf32, #tpu.memory_space<hbm>>
      tpu.enqueue_indirect_dma source(%dma_start3A_310 : memref<10000x128xf32, #tpu.memory_space<hbm>>) target(%dma_start3A_302 : memref<64x128xf32, #tpu.memory_space<vmem>>) offsets(%dma_start3A_307 : memref<64xi32, #tpu.memory_space<vmem>>) semaphore(%arg13 : memref<!tpu.dma_semaphore, #tpu.memory_space<semaphore_mem>>)
      %dma_start3A_311 = arith.constant 6 : i32
      %dma_start3A_312 = arith.constant 64 : i32
      %dma_start3A_313 = arith.constant 0 : i32
      %dma_start3A_314 = tpu.memref_slice %arg10[%dma_start3A_312, %dma_start3A_313] : memref<128x128xf32, #tpu.memory_space<vmem>> -> memref<64x128xf32, #tpu.memory_space<vmem>>
      %dma_start3A_315 = arith.constant 0 : i32
      %dma_start3A_316 = tpu.memref_slice %arg8[%dma_start3A_311, %dma_start3A_315] : memref<8x128xi32, #tpu.memory_space<vmem>> -> memref<1x128xi32, #tpu.memory_space<vmem>>
      %dma_start3A_317 = tpu.memref_squeeze %dma_start3A_316 : memref<1x128xi32, #tpu.memory_space<vmem>> -> memref<128xi32, #tpu.memory_space<vmem>>
      %dma_start3A_318 = arith.constant 64 : i32
      %dma_start3A_319 = tpu.memref_slice %dma_start3A_317[%dma_start3A_318] : memref<128xi32, #tpu.memory_space<vmem>> -> memref<64xi32, #tpu.memory_space<vmem>>
      %dma_start3A_320 = arith.constant 0 : i32
      %dma_start3A_321 = arith.constant 0 : i32
      %dma_start3A_322 = tpu.memref_slice %arg2[%dma_start3A_320, %dma_start3A_321] : memref<10000x128xf32, #tpu.memory_space<hbm>> -> memref<10000x128xf32, #tpu.memory_space<hbm>>
      tpu.enqueue_indirect_dma source(%dma_start3A_322 : memref<10000x128xf32, #tpu.memory_space<hbm>>) target(%dma_start3A_314 : memref<64x128xf32, #tpu.memory_space<vmem>>) offsets(%dma_start3A_319 : memref<64xi32, #tpu.memory_space<vmem>>) semaphore(%arg13 : memref<!tpu.dma_semaphore, #tpu.memory_space<semaphore_mem>>)
      %mul3A_323 = arith.constant 16 : i32
      %mul3A_324 = arith.muli %scan3A_51, %mul3A_323 : i32
      %add3A_325 = arith.constant 6 : i32
      %add3A_326 = arith.addi %mul3A_324, %add3A_325 : i32
      %dma_wait3A_327 = arith.constant 0 : i32
      %dma_wait3A_328 = arith.constant 0 : i32
      %dma_wait3A_329 = tpu.memref_slice %arg2[%dma_wait3A_327, %dma_wait3A_328] : memref<10000x128xf32, #tpu.memory_space<hbm>> -> memref<128x128xf32, #tpu.memory_space<hbm>>
      %dma_wait3A_330 = arith.constant 0 : i32
      %dma_wait3A_331 = arith.constant 0 : i32
      %dma_wait3A_332 = tpu.memref_slice %arg2[%dma_wait3A_330, %dma_wait3A_331] : memref<10000x128xf32, #tpu.memory_space<hbm>> -> memref<128x128xf32, #tpu.memory_space<hbm>>
      tpu.wait_dma2 semaphore(%arg13 : memref<!tpu.dma_semaphore, #tpu.memory_space<semaphore_mem>>) src(%dma_wait3A_332 : memref<128x128xf32, #tpu.memory_space<hbm>>) dst(%arg10 : memref<128x128xf32, #tpu.memory_space<vmem>>)
      %dma_start3A_333 = arith.constant 0 : i32
      %dma_start3A_334 = tpu.memref_slice %arg7[%add3A_326, %dma_start3A_333] : memref<80x128xi32, #tpu.memory_space<vmem>> -> memref<1x128xi32, #tpu.memory_space<vmem>>
      %dma_start3A_335 = tpu.memref_squeeze %dma_start3A_334 : memref<1x128xi32, #tpu.memory_space<vmem>> -> memref<128xi32, #tpu.memory_space<vmem>>
      %dma_start3A_336 = arith.constant 0 : i32
      %dma_start3A_337 = arith.constant 0 : i32
      %dma_start3A_338 = tpu.memref_slice %arg12[%dma_start3A_336, %dma_start3A_337] : memref<10112x128xf32, #tpu.memory_space<vmem_shared>> -> memref<10112x128xf32, #tpu.memory_space<vmem_shared>>
      tpu.enqueue_indirect_dma source(%arg10 : memref<128x128xf32, #tpu.memory_space<vmem>>) target(%dma_start3A_338 : memref<10112x128xf32, #tpu.memory_space<vmem_shared>>) offsets(%dma_start3A_335 : memref<128xi32, #tpu.memory_space<vmem>>) semaphore(%arg15 : memref<!tpu.dma_semaphore, #tpu.memory_space<semaphore_mem>>) {add = true}
      %dma_wait3A_339 = arith.constant 0 : i32
      %dma_wait3A_340 = arith.constant 0 : i32
      %dma_wait3A_341 = tpu.memref_slice %arg7[%dma_wait3A_339, %dma_wait3A_340] : memref<80x128xi32, #tpu.memory_space<vmem>> -> memref<1x128xi32, #tpu.memory_space<vmem>>
      %dma_wait3A_342 = tpu.memref_squeeze %dma_wait3A_341 : memref<1x128xi32, #tpu.memory_space<vmem>> -> memref<128xi32, #tpu.memory_space<vmem>>
      %dma_wait3A_343 = arith.constant 0 : i32
      %dma_wait3A_344 = arith.constant 0 : i32
      %dma_wait3A_345 = tpu.memref_slice %arg12[%dma_wait3A_343, %dma_wait3A_344] : memref<10112x128xf32, #tpu.memory_space<vmem_shared>> -> memref<10112x128xf32, #tpu.memory_space<vmem_shared>>
      tpu.wait_indirect_dma semaphore(%arg16 : memref<!tpu.dma_semaphore, #tpu.memory_space<semaphore_mem>>) src(%arg10 : memref<128x128xf32, #tpu.memory_space<vmem>>) dst(%dma_wait3A_345 : memref<10112x128xf32, #tpu.memory_space<vmem_shared>>)
      %dma_start3A_346 = arith.constant 7 : i32
      %dma_start3A_347 = arith.constant 0 : i32
      %dma_start3A_348 = arith.constant 0 : i32
      %dma_start3A_349 = tpu.memref_slice %arg11[%dma_start3A_347, %dma_start3A_348] : memref<128x128xf32, #tpu.memory_space<vmem>> -> memref<64x128xf32, #tpu.memory_space<vmem>>
      %dma_start3A_350 = arith.constant 0 : i32
      %dma_start3A_351 = tpu.memref_slice %arg8[%dma_start3A_346, %dma_start3A_350] : memref<8x128xi32, #tpu.memory_space<vmem>> -> memref<1x128xi32, #tpu.memory_space<vmem>>
      %dma_start3A_352 = tpu.memref_squeeze %dma_start3A_351 : memref<1x128xi32, #tpu.memory_space<vmem>> -> memref<128xi32, #tpu.memory_space<vmem>>
      %dma_start3A_353 = arith.constant 0 : i32
      %dma_start3A_354 = tpu.memref_slice %dma_start3A_352[%dma_start3A_353] : memref<128xi32, #tpu.memory_space<vmem>> -> memref<64xi32, #tpu.memory_space<vmem>>
      %dma_start3A_355 = arith.constant 0 : i32
      %dma_start3A_356 = arith.constant 0 : i32
      %dma_start3A_357 = tpu.memref_slice %arg2[%dma_start3A_355, %dma_start3A_356] : memref<10000x128xf32, #tpu.memory_space<hbm>> -> memref<10000x128xf32, #tpu.memory_space<hbm>>
      tpu.enqueue_indirect_dma source(%dma_start3A_357 : memref<10000x128xf32, #tpu.memory_space<hbm>>) target(%dma_start3A_349 : memref<64x128xf32, #tpu.memory_space<vmem>>) offsets(%dma_start3A_354 : memref<64xi32, #tpu.memory_space<vmem>>) semaphore(%arg14 : memref<!tpu.dma_semaphore, #tpu.memory_space<semaphore_mem>>)
      %dma_start3A_358 = arith.constant 7 : i32
      %dma_start3A_359 = arith.constant 64 : i32
      %dma_start3A_360 = arith.constant 0 : i32
      %dma_start3A_361 = tpu.memref_slice %arg11[%dma_start3A_359, %dma_start3A_360] : memref<128x128xf32, #tpu.memory_space<vmem>> -> memref<64x128xf32, #tpu.memory_space<vmem>>
      %dma_start3A_362 = arith.constant 0 : i32
      %dma_start3A_363 = tpu.memref_slice %arg8[%dma_start3A_358, %dma_start3A_362] : memref<8x128xi32, #tpu.memory_space<vmem>> -> memref<1x128xi32, #tpu.memory_space<vmem>>
      %dma_start3A_364 = tpu.memref_squeeze %dma_start3A_363 : memref<1x128xi32, #tpu.memory_space<vmem>> -> memref<128xi32, #tpu.memory_space<vmem>>
      %dma_start3A_365 = arith.constant 64 : i32
      %dma_start3A_366 = tpu.memref_slice %dma_start3A_364[%dma_start3A_365] : memref<128xi32, #tpu.memory_space<vmem>> -> memref<64xi32, #tpu.memory_space<vmem>>
      %dma_start3A_367 = arith.constant 0 : i32
      %dma_start3A_368 = arith.constant 0 : i32
      %dma_start3A_369 = tpu.memref_slice %arg2[%dma_start3A_367, %dma_start3A_368] : memref<10000x128xf32, #tpu.memory_space<hbm>> -> memref<10000x128xf32, #tpu.memory_space<hbm>>
      tpu.enqueue_indirect_dma source(%dma_start3A_369 : memref<10000x128xf32, #tpu.memory_space<hbm>>) target(%dma_start3A_361 : memref<64x128xf32, #tpu.memory_space<vmem>>) offsets(%dma_start3A_366 : memref<64xi32, #tpu.memory_space<vmem>>) semaphore(%arg14 : memref<!tpu.dma_semaphore, #tpu.memory_space<semaphore_mem>>)
      %mul3A_370 = arith.constant 16 : i32
      %mul3A_371 = arith.muli %scan3A_51, %mul3A_370 : i32
      %add3A_372 = arith.constant 7 : i32
      %add3A_373 = arith.addi %mul3A_371, %add3A_372 : i32
      %dma_wait3A_374 = arith.constant 0 : i32
      %dma_wait3A_375 = arith.constant 0 : i32
      %dma_wait3A_376 = tpu.memref_slice %arg2[%dma_wait3A_374, %dma_wait3A_375] : memref<10000x128xf32, #tpu.memory_space<hbm>> -> memref<128x128xf32, #tpu.memory_space<hbm>>
      %dma_wait3A_377 = arith.constant 0 : i32
      %dma_wait3A_378 = arith.constant 0 : i32
      %dma_wait3A_379 = tpu.memref_slice %arg2[%dma_wait3A_377, %dma_wait3A_378] : memref<10000x128xf32, #tpu.memory_space<hbm>> -> memref<128x128xf32, #tpu.memory_space<hbm>>
      tpu.wait_dma2 semaphore(%arg14 : memref<!tpu.dma_semaphore, #tpu.memory_space<semaphore_mem>>) src(%dma_wait3A_379 : memref<128x128xf32, #tpu.memory_space<hbm>>) dst(%arg11 : memref<128x128xf32, #tpu.memory_space<vmem>>)
      %dma_start3A_380 = arith.constant 0 : i32
      %dma_start3A_381 = tpu.memref_slice %arg7[%add3A_373, %dma_start3A_380] : memref<80x128xi32, #tpu.memory_space<vmem>> -> memref<1x128xi32, #tpu.memory_space<vmem>>
      %dma_start3A_382 = tpu.memref_squeeze %dma_start3A_381 : memref<1x128xi32, #tpu.memory_space<vmem>> -> memref<128xi32, #tpu.memory_space<vmem>>
      %dma_start3A_383 = arith.constant 0 : i32
      %dma_start3A_384 = arith.constant 0 : i32
      %dma_start3A_385 = tpu.memref_slice %arg12[%dma_start3A_383, %dma_start3A_384] : memref<10112x128xf32, #tpu.memory_space<vmem_shared>> -> memref<10112x128xf32, #tpu.memory_space<vmem_shared>>
      tpu.enqueue_indirect_dma source(%arg11 : memref<128x128xf32, #tpu.memory_space<vmem>>) target(%dma_start3A_385 : memref<10112x128xf32, #tpu.memory_space<vmem_shared>>) offsets(%dma_start3A_382 : memref<128xi32, #tpu.memory_space<vmem>>) semaphore(%arg16 : memref<!tpu.dma_semaphore, #tpu.memory_space<semaphore_mem>>) {add = true}
      %dma_wait3A_386 = arith.constant 0 : i32
      %dma_wait3A_387 = arith.constant 0 : i32
      %dma_wait3A_388 = arith.constant 0 : i32
      %dma_wait3A_389 = tpu.memref_slice %arg3[%dma_wait3A_386, %dma_wait3A_387, %dma_wait3A_388] : memref<32x80x128xi32, #tpu.memory_space<hbm>> -> memref<1x8x128xi32, #tpu.memory_space<hbm>>
      %dma_wait3A_390 = tpu.memref_squeeze %dma_wait3A_389 : memref<1x8x128xi32, #tpu.memory_space<hbm>> -> memref<8x128xi32, #tpu.memory_space<hbm>>
      %dma_wait3A_391 = arith.constant 0 : i32
      %dma_wait3A_392 = arith.constant 0 : i32
      %dma_wait3A_393 = tpu.memref_slice %arg3[%dma_wait3A_386, %dma_wait3A_391, %dma_wait3A_392] : memref<32x80x128xi32, #tpu.memory_space<hbm>> -> memref<1x8x128xi32, #tpu.memory_space<hbm>>
      %dma_wait3A_394 = tpu.memref_squeeze %dma_wait3A_393 : memref<1x8x128xi32, #tpu.memory_space<hbm>> -> memref<8x128xi32, #tpu.memory_space<hbm>>
      tpu.wait_dma2 semaphore(%arg18 : memref<!tpu.dma_semaphore, #tpu.memory_space<semaphore_mem>>) src(%dma_wait3A_394 : memref<8x128xi32, #tpu.memory_space<hbm>>) dst(%arg9 : memref<8x128xi32, #tpu.memory_space<vmem>>)
      %dma_wait3A_395 = arith.constant 0 : i32
      %dma_wait3A_396 = arith.constant 0 : i32
      %dma_wait3A_397 = tpu.memref_slice %arg7[%dma_wait3A_395, %dma_wait3A_396] : memref<80x128xi32, #tpu.memory_space<vmem>> -> memref<1x128xi32, #tpu.memory_space<vmem>>
      %dma_wait3A_398 = tpu.memref_squeeze %dma_wait3A_397 : memref<1x128xi32, #tpu.memory_space<vmem>> -> memref<128xi32, #tpu.memory_space<vmem>>
      %dma_wait3A_399 = arith.constant 0 : i32
      %dma_wait3A_400 = arith.constant 0 : i32
      %dma_wait3A_401 = tpu.memref_slice %arg12[%dma_wait3A_399, %dma_wait3A_400] : memref<10112x128xf32, #tpu.memory_space<vmem_shared>> -> memref<10112x128xf32, #tpu.memory_space<vmem_shared>>
      tpu.wait_indirect_dma semaphore(%arg15 : memref<!tpu.dma_semaphore, #tpu.memory_space<semaphore_mem>>) src(%arg10 : memref<128x128xf32, #tpu.memory_space<vmem>>) dst(%dma_wait3A_401 : memref<10112x128xf32, #tpu.memory_space<vmem_shared>>)
      %dma_start3A_402 = arith.constant 0 : i32
      %dma_start3A_403 = arith.constant 0 : i32
      %dma_start3A_404 = arith.constant 0 : i32
      %dma_start3A_405 = tpu.memref_slice %arg10[%dma_start3A_403, %dma_start3A_404] : memref<128x128xf32, #tpu.memory_space<vmem>> -> memref<64x128xf32, #tpu.memory_space<vmem>>
      %dma_start3A_406 = arith.constant 0 : i32
      %dma_start3A_407 = tpu.memref_slice %arg9[%dma_start3A_402, %dma_start3A_406] : memref<8x128xi32, #tpu.memory_space<vmem>> -> memref<1x128xi32, #tpu.memory_space<vmem>>
      %dma_start3A_408 = tpu.memref_squeeze %dma_start3A_407 : memref<1x128xi32, #tpu.memory_space<vmem>> -> memref<128xi32, #tpu.memory_space<vmem>>
      %dma_start3A_409 = arith.constant 0 : i32
      %dma_start3A_410 = tpu.memref_slice %dma_start3A_408[%dma_start3A_409] : memref<128xi32, #tpu.memory_space<vmem>> -> memref<64xi32, #tpu.memory_space<vmem>>
      %dma_start3A_411 = arith.constant 0 : i32
      %dma_start3A_412 = arith.constant 0 : i32
      %dma_start3A_413 = tpu.memref_slice %arg2[%dma_start3A_411, %dma_start3A_412] : memref<10000x128xf32, #tpu.memory_space<hbm>> -> memref<10000x128xf32, #tpu.memory_space<hbm>>
      tpu.enqueue_indirect_dma source(%dma_start3A_413 : memref<10000x128xf32, #tpu.memory_space<hbm>>) target(%dma_start3A_405 : memref<64x128xf32, #tpu.memory_space<vmem>>) offsets(%dma_start3A_410 : memref<64xi32, #tpu.memory_space<vmem>>) semaphore(%arg13 : memref<!tpu.dma_semaphore, #tpu.memory_space<semaphore_mem>>)
      %dma_start3A_414 = arith.constant 0 : i32
      %dma_start3A_415 = arith.constant 64 : i32
      %dma_start3A_416 = arith.constant 0 : i32
      %dma_start3A_417 = tpu.memref_slice %arg10[%dma_start3A_415, %dma_start3A_416] : memref<128x128xf32, #tpu.memory_space<vmem>> -> memref<64x128xf32, #tpu.memory_space<vmem>>
      %dma_start3A_418 = arith.constant 0 : i32
      %dma_start3A_419 = tpu.memref_slice %arg9[%dma_start3A_414, %dma_start3A_418] : memref<8x128xi32, #tpu.memory_space<vmem>> -> memref<1x128xi32, #tpu.memory_space<vmem>>
      %dma_start3A_420 = tpu.memref_squeeze %dma_start3A_419 : memref<1x128xi32, #tpu.memory_space<vmem>> -> memref<128xi32, #tpu.memory_space<vmem>>
      %dma_start3A_421 = arith.constant 64 : i32
      %dma_start3A_422 = tpu.memref_slice %dma_start3A_420[%dma_start3A_421] : memref<128xi32, #tpu.memory_space<vmem>> -> memref<64xi32, #tpu.memory_space<vmem>>
      %dma_start3A_423 = arith.constant 0 : i32
      %dma_start3A_424 = arith.constant 0 : i32
      %dma_start3A_425 = tpu.memref_slice %arg2[%dma_start3A_423, %dma_start3A_424] : memref<10000x128xf32, #tpu.memory_space<hbm>> -> memref<10000x128xf32, #tpu.memory_space<hbm>>
      tpu.enqueue_indirect_dma source(%dma_start3A_425 : memref<10000x128xf32, #tpu.memory_space<hbm>>) target(%dma_start3A_417 : memref<64x128xf32, #tpu.memory_space<vmem>>) offsets(%dma_start3A_422 : memref<64xi32, #tpu.memory_space<vmem>>) semaphore(%arg13 : memref<!tpu.dma_semaphore, #tpu.memory_space<semaphore_mem>>)
      %mul3A_426 = arith.constant 16 : i32
      %mul3A_427 = arith.muli %scan3A_51, %mul3A_426 : i32
      %add3A_428 = arith.constant 8 : i32
      %add3A_429 = arith.addi %mul3A_427, %add3A_428 : i32
      %lt3A = arith.constant 4 : i32
      %lt3A_430 = arith.cmpi slt, %scan3A_51, %lt3A : i32
      %convert_element_type3A_431 = arith.extui %lt3A_430 : i1 to i32
      %cond3A_432 = arith.constant 0 : i32
      %cond3A_433 = arith.cmpi ne, %convert_element_type3A_431, %cond3A_432 : i32
      scf.if %cond3A_433 {
        %mul3A_781 = arith.constant 2 : i32
        %mul3A_782 = arith.muli %scan3A_51, %mul3A_781 : i32
        %add3A_783 = arith.constant 2 : i32
        %add3A_784 = arith.addi %mul3A_782, %add3A_783 : i32
        %mul3A_785 = arith.constant 8 : i32
        %mul3A_786 = arith.muli %add3A_784, %mul3A_785 : i32
        %dma_start3A_787 = arith.constant 0 : i32
        %dma_start3A_788 = tpu.memref_slice %arg3[%add3A, %mul3A_786, %dma_start3A_787] : memref<32x80x128xi32, #tpu.memory_space<hbm>> -> memref<1x8x128xi32, #tpu.memory_space<hbm>>
        %dma_start3A_789 = tpu.memref_squeeze %dma_start3A_788 : memref<1x8x128xi32, #tpu.memory_space<hbm>> -> memref<8x128xi32, #tpu.memory_space<hbm>>
        %dma_start3A_790 = arith.constant 0 : i32
        %dma_start3A_791 = tpu.memref_slice %arg3[%add3A, %mul3A_786, %dma_start3A_790] : memref<32x80x128xi32, #tpu.memory_space<hbm>> -> memref<1x8x128xi32, #tpu.memory_space<hbm>>
        %dma_start3A_792 = tpu.memref_squeeze %dma_start3A_791 : memref<1x8x128xi32, #tpu.memory_space<hbm>> -> memref<8x128xi32, #tpu.memory_space<hbm>>
        tpu.enqueue_dma source(%dma_start3A_792 : memref<8x128xi32, #tpu.memory_space<hbm>>) target(%arg8 : memref<8x128xi32, #tpu.memory_space<vmem>>) target_semaphore(%arg17 : memref<!tpu.dma_semaphore, #tpu.memory_space<semaphore_mem>>)
      } else {
      }
      %dma_wait3A_434 = arith.constant 0 : i32
      %dma_wait3A_435 = arith.constant 0 : i32
      %dma_wait3A_436 = tpu.memref_slice %arg2[%dma_wait3A_434, %dma_wait3A_435] : memref<10000x128xf32, #tpu.memory_space<hbm>> -> memref<128x128xf32, #tpu.memory_space<hbm>>
      %dma_wait3A_437 = arith.constant 0 : i32
      %dma_wait3A_438 = arith.constant 0 : i32
      %dma_wait3A_439 = tpu.memref_slice %arg2[%dma_wait3A_437, %dma_wait3A_438] : memref<10000x128xf32, #tpu.memory_space<hbm>> -> memref<128x128xf32, #tpu.memory_space<hbm>>
      tpu.wait_dma2 semaphore(%arg13 : memref<!tpu.dma_semaphore, #tpu.memory_space<semaphore_mem>>) src(%dma_wait3A_439 : memref<128x128xf32, #tpu.memory_space<hbm>>) dst(%arg10 : memref<128x128xf32, #tpu.memory_space<vmem>>)
      %dma_start3A_440 = arith.constant 0 : i32
      %dma_start3A_441 = tpu.memref_slice %arg7[%add3A_429, %dma_start3A_440] : memref<80x128xi32, #tpu.memory_space<vmem>> -> memref<1x128xi32, #tpu.memory_space<vmem>>
      %dma_start3A_442 = tpu.memref_squeeze %dma_start3A_441 : memref<1x128xi32, #tpu.memory_space<vmem>> -> memref<128xi32, #tpu.memory_space<vmem>>
      %dma_start3A_443 = arith.constant 0 : i32
      %dma_start3A_444 = arith.constant 0 : i32
      %dma_start3A_445 = tpu.memref_slice %arg12[%dma_start3A_443, %dma_start3A_444] : memref<10112x128xf32, #tpu.memory_space<vmem_shared>> -> memref<10112x128xf32, #tpu.memory_space<vmem_shared>>
      tpu.enqueue_indirect_dma source(%arg10 : memref<128x128xf32, #tpu.memory_space<vmem>>) target(%dma_start3A_445 : memref<10112x128xf32, #tpu.memory_space<vmem_shared>>) offsets(%dma_start3A_442 : memref<128xi32, #tpu.memory_space<vmem>>) semaphore(%arg15 : memref<!tpu.dma_semaphore, #tpu.memory_space<semaphore_mem>>) {add = true}
      %dma_wait3A_446 = arith.constant 0 : i32
      %dma_wait3A_447 = arith.constant 0 : i32
      %dma_wait3A_448 = tpu.memref_slice %arg7[%dma_wait3A_446, %dma_wait3A_447] : memref<80x128xi32, #tpu.memory_space<vmem>> -> memref<1x128xi32, #tpu.memory_space<vmem>>
      %dma_wait3A_449 = tpu.memref_squeeze %dma_wait3A_448 : memref<1x128xi32, #tpu.memory_space<vmem>> -> memref<128xi32, #tpu.memory_space<vmem>>
      %dma_wait3A_450 = arith.constant 0 : i32
      %dma_wait3A_451 = arith.constant 0 : i32
      %dma_wait3A_452 = tpu.memref_slice %arg12[%dma_wait3A_450, %dma_wait3A_451] : memref<10112x128xf32, #tpu.memory_space<vmem_shared>> -> memref<10112x128xf32, #tpu.memory_space<vmem_shared>>
      tpu.wait_indirect_dma semaphore(%arg16 : memref<!tpu.dma_semaphore, #tpu.memory_space<semaphore_mem>>) src(%arg10 : memref<128x128xf32, #tpu.memory_space<vmem>>) dst(%dma_wait3A_452 : memref<10112x128xf32, #tpu.memory_space<vmem_shared>>)
      %dma_start3A_453 = arith.constant 1 : i32
      %dma_start3A_454 = arith.constant 0 : i32
      %dma_start3A_455 = arith.constant 0 : i32
      %dma_start3A_456 = tpu.memref_slice %arg11[%dma_start3A_454, %dma_start3A_455] : memref<128x128xf32, #tpu.memory_space<vmem>> -> memref<64x128xf32, #tpu.memory_space<vmem>>
      %dma_start3A_457 = arith.constant 0 : i32
      %dma_start3A_458 = tpu.memref_slice %arg9[%dma_start3A_453, %dma_start3A_457] : memref<8x128xi32, #tpu.memory_space<vmem>> -> memref<1x128xi32, #tpu.memory_space<vmem>>
      %dma_start3A_459 = tpu.memref_squeeze %dma_start3A_458 : memref<1x128xi32, #tpu.memory_space<vmem>> -> memref<128xi32, #tpu.memory_space<vmem>>
      %dma_start3A_460 = arith.constant 0 : i32
      %dma_start3A_461 = tpu.memref_slice %dma_start3A_459[%dma_start3A_460] : memref<128xi32, #tpu.memory_space<vmem>> -> memref<64xi32, #tpu.memory_space<vmem>>
      %dma_start3A_462 = arith.constant 0 : i32
      %dma_start3A_463 = arith.constant 0 : i32
      %dma_start3A_464 = tpu.memref_slice %arg2[%dma_start3A_462, %dma_start3A_463] : memref<10000x128xf32, #tpu.memory_space<hbm>> -> memref<10000x128xf32, #tpu.memory_space<hbm>>
      tpu.enqueue_indirect_dma source(%dma_start3A_464 : memref<10000x128xf32, #tpu.memory_space<hbm>>) target(%dma_start3A_456 : memref<64x128xf32, #tpu.memory_space<vmem>>) offsets(%dma_start3A_461 : memref<64xi32, #tpu.memory_space<vmem>>) semaphore(%arg14 : memref<!tpu.dma_semaphore, #tpu.memory_space<semaphore_mem>>)
      %dma_start3A_465 = arith.constant 1 : i32
      %dma_start3A_466 = arith.constant 64 : i32
      %dma_start3A_467 = arith.constant 0 : i32
      %dma_start3A_468 = tpu.memref_slice %arg11[%dma_start3A_466, %dma_start3A_467] : memref<128x128xf32, #tpu.memory_space<vmem>> -> memref<64x128xf32, #tpu.memory_space<vmem>>
      %dma_start3A_469 = arith.constant 0 : i32
      %dma_start3A_470 = tpu.memref_slice %arg9[%dma_start3A_465, %dma_start3A_469] : memref<8x128xi32, #tpu.memory_space<vmem>> -> memref<1x128xi32, #tpu.memory_space<vmem>>
      %dma_start3A_471 = tpu.memref_squeeze %dma_start3A_470 : memref<1x128xi32, #tpu.memory_space<vmem>> -> memref<128xi32, #tpu.memory_space<vmem>>
      %dma_start3A_472 = arith.constant 64 : i32
      %dma_start3A_473 = tpu.memref_slice %dma_start3A_471[%dma_start3A_472] : memref<128xi32, #tpu.memory_space<vmem>> -> memref<64xi32, #tpu.memory_space<vmem>>
      %dma_start3A_474 = arith.constant 0 : i32
      %dma_start3A_475 = arith.constant 0 : i32
      %dma_start3A_476 = tpu.memref_slice %arg2[%dma_start3A_474, %dma_start3A_475] : memref<10000x128xf32, #tpu.memory_space<hbm>> -> memref<10000x128xf32, #tpu.memory_space<hbm>>
      tpu.enqueue_indirect_dma source(%dma_start3A_476 : memref<10000x128xf32, #tpu.memory_space<hbm>>) target(%dma_start3A_468 : memref<64x128xf32, #tpu.memory_space<vmem>>) offsets(%dma_start3A_473 : memref<64xi32, #tpu.memory_space<vmem>>) semaphore(%arg14 : memref<!tpu.dma_semaphore, #tpu.memory_space<semaphore_mem>>)
      %mul3A_477 = arith.constant 16 : i32
      %mul3A_478 = arith.muli %scan3A_51, %mul3A_477 : i32
      %add3A_479 = arith.constant 9 : i32
      %add3A_480 = arith.addi %mul3A_478, %add3A_479 : i32
      %dma_wait3A_481 = arith.constant 0 : i32
      %dma_wait3A_482 = arith.constant 0 : i32
      %dma_wait3A_483 = tpu.memref_slice %arg2[%dma_wait3A_481, %dma_wait3A_482] : memref<10000x128xf32, #tpu.memory_space<hbm>> -> memref<128x128xf32, #tpu.memory_space<hbm>>
      %dma_wait3A_484 = arith.constant 0 : i32
      %dma_wait3A_485 = arith.constant 0 : i32
      %dma_wait3A_486 = tpu.memref_slice %arg2[%dma_wait3A_484, %dma_wait3A_485] : memref<10000x128xf32, #tpu.memory_space<hbm>> -> memref<128x128xf32, #tpu.memory_space<hbm>>
      tpu.wait_dma2 semaphore(%arg14 : memref<!tpu.dma_semaphore, #tpu.memory_space<semaphore_mem>>) src(%dma_wait3A_486 : memref<128x128xf32, #tpu.memory_space<hbm>>) dst(%arg11 : memref<128x128xf32, #tpu.memory_space<vmem>>)
      %dma_start3A_487 = arith.constant 0 : i32
      %dma_start3A_488 = tpu.memref_slice %arg7[%add3A_480, %dma_start3A_487] : memref<80x128xi32, #tpu.memory_space<vmem>> -> memref<1x128xi32, #tpu.memory_space<vmem>>
      %dma_start3A_489 = tpu.memref_squeeze %dma_start3A_488 : memref<1x128xi32, #tpu.memory_space<vmem>> -> memref<128xi32, #tpu.memory_space<vmem>>
      %dma_start3A_490 = arith.constant 0 : i32
      %dma_start3A_491 = arith.constant 0 : i32
      %dma_start3A_492 = tpu.memref_slice %arg12[%dma_start3A_490, %dma_start3A_491] : memref<10112x128xf32, #tpu.memory_space<vmem_shared>> -> memref<10112x128xf32, #tpu.memory_space<vmem_shared>>
      tpu.enqueue_indirect_dma source(%arg11 : memref<128x128xf32, #tpu.memory_space<vmem>>) target(%dma_start3A_492 : memref<10112x128xf32, #tpu.memory_space<vmem_shared>>) offsets(%dma_start3A_489 : memref<128xi32, #tpu.memory_space<vmem>>) semaphore(%arg16 : memref<!tpu.dma_semaphore, #tpu.memory_space<semaphore_mem>>) {add = true}
      %dma_wait3A_493 = arith.constant 0 : i32
      %dma_wait3A_494 = arith.constant 0 : i32
      %dma_wait3A_495 = tpu.memref_slice %arg7[%dma_wait3A_493, %dma_wait3A_494] : memref<80x128xi32, #tpu.memory_space<vmem>> -> memref<1x128xi32, #tpu.memory_space<vmem>>
      %dma_wait3A_496 = tpu.memref_squeeze %dma_wait3A_495 : memref<1x128xi32, #tpu.memory_space<vmem>> -> memref<128xi32, #tpu.memory_space<vmem>>
      %dma_wait3A_497 = arith.constant 0 : i32
      %dma_wait3A_498 = arith.constant 0 : i32
      %dma_wait3A_499 = tpu.memref_slice %arg12[%dma_wait3A_497, %dma_wait3A_498] : memref<10112x128xf32, #tpu.memory_space<vmem_shared>> -> memref<10112x128xf32, #tpu.memory_space<vmem_shared>>
      tpu.wait_indirect_dma semaphore(%arg15 : memref<!tpu.dma_semaphore, #tpu.memory_space<semaphore_mem>>) src(%arg10 : memref<128x128xf32, #tpu.memory_space<vmem>>) dst(%dma_wait3A_499 : memref<10112x128xf32, #tpu.memory_space<vmem_shared>>)
      %dma_start3A_500 = arith.constant 2 : i32
      %dma_start3A_501 = arith.constant 0 : i32
      %dma_start3A_502 = arith.constant 0 : i32
      %dma_start3A_503 = tpu.memref_slice %arg10[%dma_start3A_501, %dma_start3A_502] : memref<128x128xf32, #tpu.memory_space<vmem>> -> memref<64x128xf32, #tpu.memory_space<vmem>>
      %dma_start3A_504 = arith.constant 0 : i32
      %dma_start3A_505 = tpu.memref_slice %arg9[%dma_start3A_500, %dma_start3A_504] : memref<8x128xi32, #tpu.memory_space<vmem>> -> memref<1x128xi32, #tpu.memory_space<vmem>>
      %dma_start3A_506 = tpu.memref_squeeze %dma_start3A_505 : memref<1x128xi32, #tpu.memory_space<vmem>> -> memref<128xi32, #tpu.memory_space<vmem>>
      %dma_start3A_507 = arith.constant 0 : i32
      %dma_start3A_508 = tpu.memref_slice %dma_start3A_506[%dma_start3A_507] : memref<128xi32, #tpu.memory_space<vmem>> -> memref<64xi32, #tpu.memory_space<vmem>>
      %dma_start3A_509 = arith.constant 0 : i32
      %dma_start3A_510 = arith.constant 0 : i32
      %dma_start3A_511 = tpu.memref_slice %arg2[%dma_start3A_509, %dma_start3A_510] : memref<10000x128xf32, #tpu.memory_space<hbm>> -> memref<10000x128xf32, #tpu.memory_space<hbm>>
      tpu.enqueue_indirect_dma source(%dma_start3A_511 : memref<10000x128xf32, #tpu.memory_space<hbm>>) target(%dma_start3A_503 : memref<64x128xf32, #tpu.memory_space<vmem>>) offsets(%dma_start3A_508 : memref<64xi32, #tpu.memory_space<vmem>>) semaphore(%arg13 : memref<!tpu.dma_semaphore, #tpu.memory_space<semaphore_mem>>)
      %dma_start3A_512 = arith.constant 2 : i32
      %dma_start3A_513 = arith.constant 64 : i32
      %dma_start3A_514 = arith.constant 0 : i32
      %dma_start3A_515 = tpu.memref_slice %arg10[%dma_start3A_513, %dma_start3A_514] : memref<128x128xf32, #tpu.memory_space<vmem>> -> memref<64x128xf32, #tpu.memory_space<vmem>>
      %dma_start3A_516 = arith.constant 0 : i32
      %dma_start3A_517 = tpu.memref_slice %arg9[%dma_start3A_512, %dma_start3A_516] : memref<8x128xi32, #tpu.memory_space<vmem>> -> memref<1x128xi32, #tpu.memory_space<vmem>>
      %dma_start3A_518 = tpu.memref_squeeze %dma_start3A_517 : memref<1x128xi32, #tpu.memory_space<vmem>> -> memref<128xi32, #tpu.memory_space<vmem>>
      %dma_start3A_519 = arith.constant 64 : i32
      %dma_start3A_520 = tpu.memref_slice %dma_start3A_518[%dma_start3A_519] : memref<128xi32, #tpu.memory_space<vmem>> -> memref<64xi32, #tpu.memory_space<vmem>>
      %dma_start3A_521 = arith.constant 0 : i32
      %dma_start3A_522 = arith.constant 0 : i32
      %dma_start3A_523 = tpu.memref_slice %arg2[%dma_start3A_521, %dma_start3A_522] : memref<10000x128xf32, #tpu.memory_space<hbm>> -> memref<10000x128xf32, #tpu.memory_space<hbm>>
      tpu.enqueue_indirect_dma source(%dma_start3A_523 : memref<10000x128xf32, #tpu.memory_space<hbm>>) target(%dma_start3A_515 : memref<64x128xf32, #tpu.memory_space<vmem>>) offsets(%dma_start3A_520 : memref<64xi32, #tpu.memory_space<vmem>>) semaphore(%arg13 : memref<!tpu.dma_semaphore, #tpu.memory_space<semaphore_mem>>)
      %mul3A_524 = arith.constant 16 : i32
      %mul3A_525 = arith.muli %scan3A_51, %mul3A_524 : i32
      %add3A_526 = arith.constant 10 : i32
      %add3A_527 = arith.addi %mul3A_525, %add3A_526 : i32
      %dma_wait3A_528 = arith.constant 0 : i32
      %dma_wait3A_529 = arith.constant 0 : i32
      %dma_wait3A_530 = tpu.memref_slice %arg2[%dma_wait3A_528, %dma_wait3A_529] : memref<10000x128xf32, #tpu.memory_space<hbm>> -> memref<128x128xf32, #tpu.memory_space<hbm>>
      %dma_wait3A_531 = arith.constant 0 : i32
      %dma_wait3A_532 = arith.constant 0 : i32
      %dma_wait3A_533 = tpu.memref_slice %arg2[%dma_wait3A_531, %dma_wait3A_532] : memref<10000x128xf32, #tpu.memory_space<hbm>> -> memref<128x128xf32, #tpu.memory_space<hbm>>
      tpu.wait_dma2 semaphore(%arg13 : memref<!tpu.dma_semaphore, #tpu.memory_space<semaphore_mem>>) src(%dma_wait3A_533 : memref<128x128xf32, #tpu.memory_space<hbm>>) dst(%arg10 : memref<128x128xf32, #tpu.memory_space<vmem>>)
      %dma_start3A_534 = arith.constant 0 : i32
      %dma_start3A_535 = tpu.memref_slice %arg7[%add3A_527, %dma_start3A_534] : memref<80x128xi32, #tpu.memory_space<vmem>> -> memref<1x128xi32, #tpu.memory_space<vmem>>
      %dma_start3A_536 = tpu.memref_squeeze %dma_start3A_535 : memref<1x128xi32, #tpu.memory_space<vmem>> -> memref<128xi32, #tpu.memory_space<vmem>>
      %dma_start3A_537 = arith.constant 0 : i32
      %dma_start3A_538 = arith.constant 0 : i32
      %dma_start3A_539 = tpu.memref_slice %arg12[%dma_start3A_537, %dma_start3A_538] : memref<10112x128xf32, #tpu.memory_space<vmem_shared>> -> memref<10112x128xf32, #tpu.memory_space<vmem_shared>>
      tpu.enqueue_indirect_dma source(%arg10 : memref<128x128xf32, #tpu.memory_space<vmem>>) target(%dma_start3A_539 : memref<10112x128xf32, #tpu.memory_space<vmem_shared>>) offsets(%dma_start3A_536 : memref<128xi32, #tpu.memory_space<vmem>>) semaphore(%arg15 : memref<!tpu.dma_semaphore, #tpu.memory_space<semaphore_mem>>) {add = true}
      %dma_wait3A_540 = arith.constant 0 : i32
      %dma_wait3A_541 = arith.constant 0 : i32
      %dma_wait3A_542 = tpu.memref_slice %arg7[%dma_wait3A_540, %dma_wait3A_541] : memref<80x128xi32, #tpu.memory_space<vmem>> -> memref<1x128xi32, #tpu.memory_space<vmem>>
      %dma_wait3A_543 = tpu.memref_squeeze %dma_wait3A_542 : memref<1x128xi32, #tpu.memory_space<vmem>> -> memref<128xi32, #tpu.memory_space<vmem>>
      %dma_wait3A_544 = arith.constant 0 : i32
      %dma_wait3A_545 = arith.constant 0 : i32
      %dma_wait3A_546 = tpu.memref_slice %arg12[%dma_wait3A_544, %dma_wait3A_545] : memref<10112x128xf32, #tpu.memory_space<vmem_shared>> -> memref<10112x128xf32, #tpu.memory_space<vmem_shared>>
      tpu.wait_indirect_dma semaphore(%arg16 : memref<!tpu.dma_semaphore, #tpu.memory_space<semaphore_mem>>) src(%arg10 : memref<128x128xf32, #tpu.memory_space<vmem>>) dst(%dma_wait3A_546 : memref<10112x128xf32, #tpu.memory_space<vmem_shared>>)
      %dma_start3A_547 = arith.constant 3 : i32
      %dma_start3A_548 = arith.constant 0 : i32
      %dma_start3A_549 = arith.constant 0 : i32
      %dma_start3A_550 = tpu.memref_slice %arg11[%dma_start3A_548, %dma_start3A_549] : memref<128x128xf32, #tpu.memory_space<vmem>> -> memref<64x128xf32, #tpu.memory_space<vmem>>
      %dma_start3A_551 = arith.constant 0 : i32
      %dma_start3A_552 = tpu.memref_slice %arg9[%dma_start3A_547, %dma_start3A_551] : memref<8x128xi32, #tpu.memory_space<vmem>> -> memref<1x128xi32, #tpu.memory_space<vmem>>
      %dma_start3A_553 = tpu.memref_squeeze %dma_start3A_552 : memref<1x128xi32, #tpu.memory_space<vmem>> -> memref<128xi32, #tpu.memory_space<vmem>>
      %dma_start3A_554 = arith.constant 0 : i32
      %dma_start3A_555 = tpu.memref_slice %dma_start3A_553[%dma_start3A_554] : memref<128xi32, #tpu.memory_space<vmem>> -> memref<64xi32, #tpu.memory_space<vmem>>
      %dma_start3A_556 = arith.constant 0 : i32
      %dma_start3A_557 = arith.constant 0 : i32
      %dma_start3A_558 = tpu.memref_slice %arg2[%dma_start3A_556, %dma_start3A_557] : memref<10000x128xf32, #tpu.memory_space<hbm>> -> memref<10000x128xf32, #tpu.memory_space<hbm>>
      tpu.enqueue_indirect_dma source(%dma_start3A_558 : memref<10000x128xf32, #tpu.memory_space<hbm>>) target(%dma_start3A_550 : memref<64x128xf32, #tpu.memory_space<vmem>>) offsets(%dma_start3A_555 : memref<64xi32, #tpu.memory_space<vmem>>) semaphore(%arg14 : memref<!tpu.dma_semaphore, #tpu.memory_space<semaphore_mem>>)
      %dma_start3A_559 = arith.constant 3 : i32
      %dma_start3A_560 = arith.constant 64 : i32
      %dma_start3A_561 = arith.constant 0 : i32
      %dma_start3A_562 = tpu.memref_slice %arg11[%dma_start3A_560, %dma_start3A_561] : memref<128x128xf32, #tpu.memory_space<vmem>> -> memref<64x128xf32, #tpu.memory_space<vmem>>
      %dma_start3A_563 = arith.constant 0 : i32
      %dma_start3A_564 = tpu.memref_slice %arg9[%dma_start3A_559, %dma_start3A_563] : memref<8x128xi32, #tpu.memory_space<vmem>> -> memref<1x128xi32, #tpu.memory_space<vmem>>
      %dma_start3A_565 = tpu.memref_squeeze %dma_start3A_564 : memref<1x128xi32, #tpu.memory_space<vmem>> -> memref<128xi32, #tpu.memory_space<vmem>>
      %dma_start3A_566 = arith.constant 64 : i32
      %dma_start3A_567 = tpu.memref_slice %dma_start3A_565[%dma_start3A_566] : memref<128xi32, #tpu.memory_space<vmem>> -> memref<64xi32, #tpu.memory_space<vmem>>
      %dma_start3A_568 = arith.constant 0 : i32
      %dma_start3A_569 = arith.constant 0 : i32
      %dma_start3A_570 = tpu.memref_slice %arg2[%dma_start3A_568, %dma_start3A_569] : memref<10000x128xf32, #tpu.memory_space<hbm>> -> memref<10000x128xf32, #tpu.memory_space<hbm>>
      tpu.enqueue_indirect_dma source(%dma_start3A_570 : memref<10000x128xf32, #tpu.memory_space<hbm>>) target(%dma_start3A_562 : memref<64x128xf32, #tpu.memory_space<vmem>>) offsets(%dma_start3A_567 : memref<64xi32, #tpu.memory_space<vmem>>) semaphore(%arg14 : memref<!tpu.dma_semaphore, #tpu.memory_space<semaphore_mem>>)
      %mul3A_571 = arith.constant 16 : i32
      %mul3A_572 = arith.muli %scan3A_51, %mul3A_571 : i32
      %add3A_573 = arith.constant 11 : i32
      %add3A_574 = arith.addi %mul3A_572, %add3A_573 : i32
      %dma_wait3A_575 = arith.constant 0 : i32
      %dma_wait3A_576 = arith.constant 0 : i32
      %dma_wait3A_577 = tpu.memref_slice %arg2[%dma_wait3A_575, %dma_wait3A_576] : memref<10000x128xf32, #tpu.memory_space<hbm>> -> memref<128x128xf32, #tpu.memory_space<hbm>>
      %dma_wait3A_578 = arith.constant 0 : i32
      %dma_wait3A_579 = arith.constant 0 : i32
      %dma_wait3A_580 = tpu.memref_slice %arg2[%dma_wait3A_578, %dma_wait3A_579] : memref<10000x128xf32, #tpu.memory_space<hbm>> -> memref<128x128xf32, #tpu.memory_space<hbm>>
      tpu.wait_dma2 semaphore(%arg14 : memref<!tpu.dma_semaphore, #tpu.memory_space<semaphore_mem>>) src(%dma_wait3A_580 : memref<128x128xf32, #tpu.memory_space<hbm>>) dst(%arg11 : memref<128x128xf32, #tpu.memory_space<vmem>>)
      %dma_start3A_581 = arith.constant 0 : i32
      %dma_start3A_582 = tpu.memref_slice %arg7[%add3A_574, %dma_start3A_581] : memref<80x128xi32, #tpu.memory_space<vmem>> -> memref<1x128xi32, #tpu.memory_space<vmem>>
      %dma_start3A_583 = tpu.memref_squeeze %dma_start3A_582 : memref<1x128xi32, #tpu.memory_space<vmem>> -> memref<128xi32, #tpu.memory_space<vmem>>
      %dma_start3A_584 = arith.constant 0 : i32
      %dma_start3A_585 = arith.constant 0 : i32
      %dma_start3A_586 = tpu.memref_slice %arg12[%dma_start3A_584, %dma_start3A_585] : memref<10112x128xf32, #tpu.memory_space<vmem_shared>> -> memref<10112x128xf32, #tpu.memory_space<vmem_shared>>
      tpu.enqueue_indirect_dma source(%arg11 : memref<128x128xf32, #tpu.memory_space<vmem>>) target(%dma_start3A_586 : memref<10112x128xf32, #tpu.memory_space<vmem_shared>>) offsets(%dma_start3A_583 : memref<128xi32, #tpu.memory_space<vmem>>) semaphore(%arg16 : memref<!tpu.dma_semaphore, #tpu.memory_space<semaphore_mem>>) {add = true}
      %dma_wait3A_587 = arith.constant 0 : i32
      %dma_wait3A_588 = arith.constant 0 : i32
      %dma_wait3A_589 = tpu.memref_slice %arg7[%dma_wait3A_587, %dma_wait3A_588] : memref<80x128xi32, #tpu.memory_space<vmem>> -> memref<1x128xi32, #tpu.memory_space<vmem>>
      %dma_wait3A_590 = tpu.memref_squeeze %dma_wait3A_589 : memref<1x128xi32, #tpu.memory_space<vmem>> -> memref<128xi32, #tpu.memory_space<vmem>>
      %dma_wait3A_591 = arith.constant 0 : i32
      %dma_wait3A_592 = arith.constant 0 : i32
      %dma_wait3A_593 = tpu.memref_slice %arg12[%dma_wait3A_591, %dma_wait3A_592] : memref<10112x128xf32, #tpu.memory_space<vmem_shared>> -> memref<10112x128xf32, #tpu.memory_space<vmem_shared>>
      tpu.wait_indirect_dma semaphore(%arg15 : memref<!tpu.dma_semaphore, #tpu.memory_space<semaphore_mem>>) src(%arg10 : memref<128x128xf32, #tpu.memory_space<vmem>>) dst(%dma_wait3A_593 : memref<10112x128xf32, #tpu.memory_space<vmem_shared>>)
      %dma_start3A_594 = arith.constant 4 : i32
      %dma_start3A_595 = arith.constant 0 : i32
      %dma_start3A_596 = arith.constant 0 : i32
      %dma_start3A_597 = tpu.memref_slice %arg10[%dma_start3A_595, %dma_start3A_596] : memref<128x128xf32, #tpu.memory_space<vmem>> -> memref<64x128xf32, #tpu.memory_space<vmem>>
      %dma_start3A_598 = arith.constant 0 : i32
      %dma_start3A_599 = tpu.memref_slice %arg9[%dma_start3A_594, %dma_start3A_598] : memref<8x128xi32, #tpu.memory_space<vmem>> -> memref<1x128xi32, #tpu.memory_space<vmem>>
      %dma_start3A_600 = tpu.memref_squeeze %dma_start3A_599 : memref<1x128xi32, #tpu.memory_space<vmem>> -> memref<128xi32, #tpu.memory_space<vmem>>
      %dma_start3A_601 = arith.constant 0 : i32
      %dma_start3A_602 = tpu.memref_slice %dma_start3A_600[%dma_start3A_601] : memref<128xi32, #tpu.memory_space<vmem>> -> memref<64xi32, #tpu.memory_space<vmem>>
      %dma_start3A_603 = arith.constant 0 : i32
      %dma_start3A_604 = arith.constant 0 : i32
      %dma_start3A_605 = tpu.memref_slice %arg2[%dma_start3A_603, %dma_start3A_604] : memref<10000x128xf32, #tpu.memory_space<hbm>> -> memref<10000x128xf32, #tpu.memory_space<hbm>>
      tpu.enqueue_indirect_dma source(%dma_start3A_605 : memref<10000x128xf32, #tpu.memory_space<hbm>>) target(%dma_start3A_597 : memref<64x128xf32, #tpu.memory_space<vmem>>) offsets(%dma_start3A_602 : memref<64xi32, #tpu.memory_space<vmem>>) semaphore(%arg13 : memref<!tpu.dma_semaphore, #tpu.memory_space<semaphore_mem>>)
      %dma_start3A_606 = arith.constant 4 : i32
      %dma_start3A_607 = arith.constant 64 : i32
      %dma_start3A_608 = arith.constant 0 : i32
      %dma_start3A_609 = tpu.memref_slice %arg10[%dma_start3A_607, %dma_start3A_608] : memref<128x128xf32, #tpu.memory_space<vmem>> -> memref<64x128xf32, #tpu.memory_space<vmem>>
      %dma_start3A_610 = arith.constant 0 : i32
      %dma_start3A_611 = tpu.memref_slice %arg9[%dma_start3A_606, %dma_start3A_610] : memref<8x128xi32, #tpu.memory_space<vmem>> -> memref<1x128xi32, #tpu.memory_space<vmem>>
      %dma_start3A_612 = tpu.memref_squeeze %dma_start3A_611 : memref<1x128xi32, #tpu.memory_space<vmem>> -> memref<128xi32, #tpu.memory_space<vmem>>
      %dma_start3A_613 = arith.constant 64 : i32
      %dma_start3A_614 = tpu.memref_slice %dma_start3A_612[%dma_start3A_613] : memref<128xi32, #tpu.memory_space<vmem>> -> memref<64xi32, #tpu.memory_space<vmem>>
      %dma_start3A_615 = arith.constant 0 : i32
      %dma_start3A_616 = arith.constant 0 : i32
      %dma_start3A_617 = tpu.memref_slice %arg2[%dma_start3A_615, %dma_start3A_616] : memref<10000x128xf32, #tpu.memory_space<hbm>> -> memref<10000x128xf32, #tpu.memory_space<hbm>>
      tpu.enqueue_indirect_dma source(%dma_start3A_617 : memref<10000x128xf32, #tpu.memory_space<hbm>>) target(%dma_start3A_609 : memref<64x128xf32, #tpu.memory_space<vmem>>) offsets(%dma_start3A_614 : memref<64xi32, #tpu.memory_space<vmem>>) semaphore(%arg13 : memref<!tpu.dma_semaphore, #tpu.memory_space<semaphore_mem>>)
      %mul3A_618 = arith.constant 16 : i32
      %mul3A_619 = arith.muli %scan3A_51, %mul3A_618 : i32
      %add3A_620 = arith.constant 12 : i32
      %add3A_621 = arith.addi %mul3A_619, %add3A_620 : i32
      %dma_wait3A_622 = arith.constant 0 : i32
      %dma_wait3A_623 = arith.constant 0 : i32
      %dma_wait3A_624 = tpu.memref_slice %arg2[%dma_wait3A_622, %dma_wait3A_623] : memref<10000x128xf32, #tpu.memory_space<hbm>> -> memref<128x128xf32, #tpu.memory_space<hbm>>
      %dma_wait3A_625 = arith.constant 0 : i32
      %dma_wait3A_626 = arith.constant 0 : i32
      %dma_wait3A_627 = tpu.memref_slice %arg2[%dma_wait3A_625, %dma_wait3A_626] : memref<10000x128xf32, #tpu.memory_space<hbm>> -> memref<128x128xf32, #tpu.memory_space<hbm>>
      tpu.wait_dma2 semaphore(%arg13 : memref<!tpu.dma_semaphore, #tpu.memory_space<semaphore_mem>>) src(%dma_wait3A_627 : memref<128x128xf32, #tpu.memory_space<hbm>>) dst(%arg10 : memref<128x128xf32, #tpu.memory_space<vmem>>)
      %dma_start3A_628 = arith.constant 0 : i32
      %dma_start3A_629 = tpu.memref_slice %arg7[%add3A_621, %dma_start3A_628] : memref<80x128xi32, #tpu.memory_space<vmem>> -> memref<1x128xi32, #tpu.memory_space<vmem>>
      %dma_start3A_630 = tpu.memref_squeeze %dma_start3A_629 : memref<1x128xi32, #tpu.memory_space<vmem>> -> memref<128xi32, #tpu.memory_space<vmem>>
      %dma_start3A_631 = arith.constant 0 : i32
      %dma_start3A_632 = arith.constant 0 : i32
      %dma_start3A_633 = tpu.memref_slice %arg12[%dma_start3A_631, %dma_start3A_632] : memref<10112x128xf32, #tpu.memory_space<vmem_shared>> -> memref<10112x128xf32, #tpu.memory_space<vmem_shared>>
      tpu.enqueue_indirect_dma source(%arg10 : memref<128x128xf32, #tpu.memory_space<vmem>>) target(%dma_start3A_633 : memref<10112x128xf32, #tpu.memory_space<vmem_shared>>) offsets(%dma_start3A_630 : memref<128xi32, #tpu.memory_space<vmem>>) semaphore(%arg15 : memref<!tpu.dma_semaphore, #tpu.memory_space<semaphore_mem>>) {add = true}
      %dma_wait3A_634 = arith.constant 0 : i32
      %dma_wait3A_635 = arith.constant 0 : i32
      %dma_wait3A_636 = tpu.memref_slice %arg7[%dma_wait3A_634, %dma_wait3A_635] : memref<80x128xi32, #tpu.memory_space<vmem>> -> memref<1x128xi32, #tpu.memory_space<vmem>>
      %dma_wait3A_637 = tpu.memref_squeeze %dma_wait3A_636 : memref<1x128xi32, #tpu.memory_space<vmem>> -> memref<128xi32, #tpu.memory_space<vmem>>
      %dma_wait3A_638 = arith.constant 0 : i32
      %dma_wait3A_639 = arith.constant 0 : i32
      %dma_wait3A_640 = tpu.memref_slice %arg12[%dma_wait3A_638, %dma_wait3A_639] : memref<10112x128xf32, #tpu.memory_space<vmem_shared>> -> memref<10112x128xf32, #tpu.memory_space<vmem_shared>>
      tpu.wait_indirect_dma semaphore(%arg16 : memref<!tpu.dma_semaphore, #tpu.memory_space<semaphore_mem>>) src(%arg10 : memref<128x128xf32, #tpu.memory_space<vmem>>) dst(%dma_wait3A_640 : memref<10112x128xf32, #tpu.memory_space<vmem_shared>>)
      %dma_start3A_641 = arith.constant 5 : i32
      %dma_start3A_642 = arith.constant 0 : i32
      %dma_start3A_643 = arith.constant 0 : i32
      %dma_start3A_644 = tpu.memref_slice %arg11[%dma_start3A_642, %dma_start3A_643] : memref<128x128xf32, #tpu.memory_space<vmem>> -> memref<64x128xf32, #tpu.memory_space<vmem>>
      %dma_start3A_645 = arith.constant 0 : i32
      %dma_start3A_646 = tpu.memref_slice %arg9[%dma_start3A_641, %dma_start3A_645] : memref<8x128xi32, #tpu.memory_space<vmem>> -> memref<1x128xi32, #tpu.memory_space<vmem>>
      %dma_start3A_647 = tpu.memref_squeeze %dma_start3A_646 : memref<1x128xi32, #tpu.memory_space<vmem>> -> memref<128xi32, #tpu.memory_space<vmem>>
      %dma_start3A_648 = arith.constant 0 : i32
      %dma_start3A_649 = tpu.memref_slice %dma_start3A_647[%dma_start3A_648] : memref<128xi32, #tpu.memory_space<vmem>> -> memref<64xi32, #tpu.memory_space<vmem>>
      %dma_start3A_650 = arith.constant 0 : i32
      %dma_start3A_651 = arith.constant 0 : i32
      %dma_start3A_652 = tpu.memref_slice %arg2[%dma_start3A_650, %dma_start3A_651] : memref<10000x128xf32, #tpu.memory_space<hbm>> -> memref<10000x128xf32, #tpu.memory_space<hbm>>
      tpu.enqueue_indirect_dma source(%dma_start3A_652 : memref<10000x128xf32, #tpu.memory_space<hbm>>) target(%dma_start3A_644 : memref<64x128xf32, #tpu.memory_space<vmem>>) offsets(%dma_start3A_649 : memref<64xi32, #tpu.memory_space<vmem>>) semaphore(%arg14 : memref<!tpu.dma_semaphore, #tpu.memory_space<semaphore_mem>>)
      %dma_start3A_653 = arith.constant 5 : i32
      %dma_start3A_654 = arith.constant 64 : i32
      %dma_start3A_655 = arith.constant 0 : i32
      %dma_start3A_656 = tpu.memref_slice %arg11[%dma_start3A_654, %dma_start3A_655] : memref<128x128xf32, #tpu.memory_space<vmem>> -> memref<64x128xf32, #tpu.memory_space<vmem>>
      %dma_start3A_657 = arith.constant 0 : i32
      %dma_start3A_658 = tpu.memref_slice %arg9[%dma_start3A_653, %dma_start3A_657] : memref<8x128xi32, #tpu.memory_space<vmem>> -> memref<1x128xi32, #tpu.memory_space<vmem>>
      %dma_start3A_659 = tpu.memref_squeeze %dma_start3A_658 : memref<1x128xi32, #tpu.memory_space<vmem>> -> memref<128xi32, #tpu.memory_space<vmem>>
      %dma_start3A_660 = arith.constant 64 : i32
      %dma_start3A_661 = tpu.memref_slice %dma_start3A_659[%dma_start3A_660] : memref<128xi32, #tpu.memory_space<vmem>> -> memref<64xi32, #tpu.memory_space<vmem>>
      %dma_start3A_662 = arith.constant 0 : i32
      %dma_start3A_663 = arith.constant 0 : i32
      %dma_start3A_664 = tpu.memref_slice %arg2[%dma_start3A_662, %dma_start3A_663] : memref<10000x128xf32, #tpu.memory_space<hbm>> -> memref<10000x128xf32, #tpu.memory_space<hbm>>
      tpu.enqueue_indirect_dma source(%dma_start3A_664 : memref<10000x128xf32, #tpu.memory_space<hbm>>) target(%dma_start3A_656 : memref<64x128xf32, #tpu.memory_space<vmem>>) offsets(%dma_start3A_661 : memref<64xi32, #tpu.memory_space<vmem>>) semaphore(%arg14 : memref<!tpu.dma_semaphore, #tpu.memory_space<semaphore_mem>>)
      %mul3A_665 = arith.constant 16 : i32
      %mul3A_666 = arith.muli %scan3A_51, %mul3A_665 : i32
      %add3A_667 = arith.constant 13 : i32
      %add3A_668 = arith.addi %mul3A_666, %add3A_667 : i32
      %dma_wait3A_669 = arith.constant 0 : i32
      %dma_wait3A_670 = arith.constant 0 : i32
      %dma_wait3A_671 = tpu.memref_slice %arg2[%dma_wait3A_669, %dma_wait3A_670] : memref<10000x128xf32, #tpu.memory_space<hbm>> -> memref<128x128xf32, #tpu.memory_space<hbm>>
      %dma_wait3A_672 = arith.constant 0 : i32
      %dma_wait3A_673 = arith.constant 0 : i32
      %dma_wait3A_674 = tpu.memref_slice %arg2[%dma_wait3A_672, %dma_wait3A_673] : memref<10000x128xf32, #tpu.memory_space<hbm>> -> memref<128x128xf32, #tpu.memory_space<hbm>>
      tpu.wait_dma2 semaphore(%arg14 : memref<!tpu.dma_semaphore, #tpu.memory_space<semaphore_mem>>) src(%dma_wait3A_674 : memref<128x128xf32, #tpu.memory_space<hbm>>) dst(%arg11 : memref<128x128xf32, #tpu.memory_space<vmem>>)
      %dma_start3A_675 = arith.constant 0 : i32
      %dma_start3A_676 = tpu.memref_slice %arg7[%add3A_668, %dma_start3A_675] : memref<80x128xi32, #tpu.memory_space<vmem>> -> memref<1x128xi32, #tpu.memory_space<vmem>>
      %dma_start3A_677 = tpu.memref_squeeze %dma_start3A_676 : memref<1x128xi32, #tpu.memory_space<vmem>> -> memref<128xi32, #tpu.memory_space<vmem>>
      %dma_start3A_678 = arith.constant 0 : i32
      %dma_start3A_679 = arith.constant 0 : i32
      %dma_start3A_680 = tpu.memref_slice %arg12[%dma_start3A_678, %dma_start3A_679] : memref<10112x128xf32, #tpu.memory_space<vmem_shared>> -> memref<10112x128xf32, #tpu.memory_space<vmem_shared>>
      tpu.enqueue_indirect_dma source(%arg11 : memref<128x128xf32, #tpu.memory_space<vmem>>) target(%dma_start3A_680 : memref<10112x128xf32, #tpu.memory_space<vmem_shared>>) offsets(%dma_start3A_677 : memref<128xi32, #tpu.memory_space<vmem>>) semaphore(%arg16 : memref<!tpu.dma_semaphore, #tpu.memory_space<semaphore_mem>>) {add = true}
      %dma_wait3A_681 = arith.constant 0 : i32
      %dma_wait3A_682 = arith.constant 0 : i32
      %dma_wait3A_683 = tpu.memref_slice %arg7[%dma_wait3A_681, %dma_wait3A_682] : memref<80x128xi32, #tpu.memory_space<vmem>> -> memref<1x128xi32, #tpu.memory_space<vmem>>
      %dma_wait3A_684 = tpu.memref_squeeze %dma_wait3A_683 : memref<1x128xi32, #tpu.memory_space<vmem>> -> memref<128xi32, #tpu.memory_space<vmem>>
      %dma_wait3A_685 = arith.constant 0 : i32
      %dma_wait3A_686 = arith.constant 0 : i32
      %dma_wait3A_687 = tpu.memref_slice %arg12[%dma_wait3A_685, %dma_wait3A_686] : memref<10112x128xf32, #tpu.memory_space<vmem_shared>> -> memref<10112x128xf32, #tpu.memory_space<vmem_shared>>
      tpu.wait_indirect_dma semaphore(%arg15 : memref<!tpu.dma_semaphore, #tpu.memory_space<semaphore_mem>>) src(%arg10 : memref<128x128xf32, #tpu.memory_space<vmem>>) dst(%dma_wait3A_687 : memref<10112x128xf32, #tpu.memory_space<vmem_shared>>)
      %dma_start3A_688 = arith.constant 6 : i32
      %dma_start3A_689 = arith.constant 0 : i32
      %dma_start3A_690 = arith.constant 0 : i32
      %dma_start3A_691 = tpu.memref_slice %arg10[%dma_start3A_689, %dma_start3A_690] : memref<128x128xf32, #tpu.memory_space<vmem>> -> memref<64x128xf32, #tpu.memory_space<vmem>>
      %dma_start3A_692 = arith.constant 0 : i32
      %dma_start3A_693 = tpu.memref_slice %arg9[%dma_start3A_688, %dma_start3A_692] : memref<8x128xi32, #tpu.memory_space<vmem>> -> memref<1x128xi32, #tpu.memory_space<vmem>>
      %dma_start3A_694 = tpu.memref_squeeze %dma_start3A_693 : memref<1x128xi32, #tpu.memory_space<vmem>> -> memref<128xi32, #tpu.memory_space<vmem>>
      %dma_start3A_695 = arith.constant 0 : i32
      %dma_start3A_696 = tpu.memref_slice %dma_start3A_694[%dma_start3A_695] : memref<128xi32, #tpu.memory_space<vmem>> -> memref<64xi32, #tpu.memory_space<vmem>>
      %dma_start3A_697 = arith.constant 0 : i32
      %dma_start3A_698 = arith.constant 0 : i32
      %dma_start3A_699 = tpu.memref_slice %arg2[%dma_start3A_697, %dma_start3A_698] : memref<10000x128xf32, #tpu.memory_space<hbm>> -> memref<10000x128xf32, #tpu.memory_space<hbm>>
      tpu.enqueue_indirect_dma source(%dma_start3A_699 : memref<10000x128xf32, #tpu.memory_space<hbm>>) target(%dma_start3A_691 : memref<64x128xf32, #tpu.memory_space<vmem>>) offsets(%dma_start3A_696 : memref<64xi32, #tpu.memory_space<vmem>>) semaphore(%arg13 : memref<!tpu.dma_semaphore, #tpu.memory_space<semaphore_mem>>)
      %dma_start3A_700 = arith.constant 6 : i32
      %dma_start3A_701 = arith.constant 64 : i32
      %dma_start3A_702 = arith.constant 0 : i32
      %dma_start3A_703 = tpu.memref_slice %arg10[%dma_start3A_701, %dma_start3A_702] : memref<128x128xf32, #tpu.memory_space<vmem>> -> memref<64x128xf32, #tpu.memory_space<vmem>>
      %dma_start3A_704 = arith.constant 0 : i32
      %dma_start3A_705 = tpu.memref_slice %arg9[%dma_start3A_700, %dma_start3A_704] : memref<8x128xi32, #tpu.memory_space<vmem>> -> memref<1x128xi32, #tpu.memory_space<vmem>>
      %dma_start3A_706 = tpu.memref_squeeze %dma_start3A_705 : memref<1x128xi32, #tpu.memory_space<vmem>> -> memref<128xi32, #tpu.memory_space<vmem>>
      %dma_start3A_707 = arith.constant 64 : i32
      %dma_start3A_708 = tpu.memref_slice %dma_start3A_706[%dma_start3A_707] : memref<128xi32, #tpu.memory_space<vmem>> -> memref<64xi32, #tpu.memory_space<vmem>>
      %dma_start3A_709 = arith.constant 0 : i32
      %dma_start3A_710 = arith.constant 0 : i32
      %dma_start3A_711 = tpu.memref_slice %arg2[%dma_start3A_709, %dma_start3A_710] : memref<10000x128xf32, #tpu.memory_space<hbm>> -> memref<10000x128xf32, #tpu.memory_space<hbm>>
      tpu.enqueue_indirect_dma source(%dma_start3A_711 : memref<10000x128xf32, #tpu.memory_space<hbm>>) target(%dma_start3A_703 : memref<64x128xf32, #tpu.memory_space<vmem>>) offsets(%dma_start3A_708 : memref<64xi32, #tpu.memory_space<vmem>>) semaphore(%arg13 : memref<!tpu.dma_semaphore, #tpu.memory_space<semaphore_mem>>)
      %mul3A_712 = arith.constant 16 : i32
      %mul3A_713 = arith.muli %scan3A_51, %mul3A_712 : i32
      %add3A_714 = arith.constant 14 : i32
      %add3A_715 = arith.addi %mul3A_713, %add3A_714 : i32
      %dma_wait3A_716 = arith.constant 0 : i32
      %dma_wait3A_717 = arith.constant 0 : i32
      %dma_wait3A_718 = tpu.memref_slice %arg2[%dma_wait3A_716, %dma_wait3A_717] : memref<10000x128xf32, #tpu.memory_space<hbm>> -> memref<128x128xf32, #tpu.memory_space<hbm>>
      %dma_wait3A_719 = arith.constant 0 : i32
      %dma_wait3A_720 = arith.constant 0 : i32
      %dma_wait3A_721 = tpu.memref_slice %arg2[%dma_wait3A_719, %dma_wait3A_720] : memref<10000x128xf32, #tpu.memory_space<hbm>> -> memref<128x128xf32, #tpu.memory_space<hbm>>
      tpu.wait_dma2 semaphore(%arg13 : memref<!tpu.dma_semaphore, #tpu.memory_space<semaphore_mem>>) src(%dma_wait3A_721 : memref<128x128xf32, #tpu.memory_space<hbm>>) dst(%arg10 : memref<128x128xf32, #tpu.memory_space<vmem>>)
      %dma_start3A_722 = arith.constant 0 : i32
      %dma_start3A_723 = tpu.memref_slice %arg7[%add3A_715, %dma_start3A_722] : memref<80x128xi32, #tpu.memory_space<vmem>> -> memref<1x128xi32, #tpu.memory_space<vmem>>
      %dma_start3A_724 = tpu.memref_squeeze %dma_start3A_723 : memref<1x128xi32, #tpu.memory_space<vmem>> -> memref<128xi32, #tpu.memory_space<vmem>>
      %dma_start3A_725 = arith.constant 0 : i32
      %dma_start3A_726 = arith.constant 0 : i32
      %dma_start3A_727 = tpu.memref_slice %arg12[%dma_start3A_725, %dma_start3A_726] : memref<10112x128xf32, #tpu.memory_space<vmem_shared>> -> memref<10112x128xf32, #tpu.memory_space<vmem_shared>>
      tpu.enqueue_indirect_dma source(%arg10 : memref<128x128xf32, #tpu.memory_space<vmem>>) target(%dma_start3A_727 : memref<10112x128xf32, #tpu.memory_space<vmem_shared>>) offsets(%dma_start3A_724 : memref<128xi32, #tpu.memory_space<vmem>>) semaphore(%arg15 : memref<!tpu.dma_semaphore, #tpu.memory_space<semaphore_mem>>) {add = true}
      %dma_wait3A_728 = arith.constant 0 : i32
      %dma_wait3A_729 = arith.constant 0 : i32
      %dma_wait3A_730 = tpu.memref_slice %arg7[%dma_wait3A_728, %dma_wait3A_729] : memref<80x128xi32, #tpu.memory_space<vmem>> -> memref<1x128xi32, #tpu.memory_space<vmem>>
      %dma_wait3A_731 = tpu.memref_squeeze %dma_wait3A_730 : memref<1x128xi32, #tpu.memory_space<vmem>> -> memref<128xi32, #tpu.memory_space<vmem>>
      %dma_wait3A_732 = arith.constant 0 : i32
      %dma_wait3A_733 = arith.constant 0 : i32
      %dma_wait3A_734 = tpu.memref_slice %arg12[%dma_wait3A_732, %dma_wait3A_733] : memref<10112x128xf32, #tpu.memory_space<vmem_shared>> -> memref<10112x128xf32, #tpu.memory_space<vmem_shared>>
      tpu.wait_indirect_dma semaphore(%arg16 : memref<!tpu.dma_semaphore, #tpu.memory_space<semaphore_mem>>) src(%arg10 : memref<128x128xf32, #tpu.memory_space<vmem>>) dst(%dma_wait3A_734 : memref<10112x128xf32, #tpu.memory_space<vmem_shared>>)
      %dma_start3A_735 = arith.constant 7 : i32
      %dma_start3A_736 = arith.constant 0 : i32
      %dma_start3A_737 = arith.constant 0 : i32
      %dma_start3A_738 = tpu.memref_slice %arg11[%dma_start3A_736, %dma_start3A_737] : memref<128x128xf32, #tpu.memory_space<vmem>> -> memref<64x128xf32, #tpu.memory_space<vmem>>
      %dma_start3A_739 = arith.constant 0 : i32
      %dma_start3A_740 = tpu.memref_slice %arg9[%dma_start3A_735, %dma_start3A_739] : memref<8x128xi32, #tpu.memory_space<vmem>> -> memref<1x128xi32, #tpu.memory_space<vmem>>
      %dma_start3A_741 = tpu.memref_squeeze %dma_start3A_740 : memref<1x128xi32, #tpu.memory_space<vmem>> -> memref<128xi32, #tpu.memory_space<vmem>>
      %dma_start3A_742 = arith.constant 0 : i32
      %dma_start3A_743 = tpu.memref_slice %dma_start3A_741[%dma_start3A_742] : memref<128xi32, #tpu.memory_space<vmem>> -> memref<64xi32, #tpu.memory_space<vmem>>
      %dma_start3A_744 = arith.constant 0 : i32
      %dma_start3A_745 = arith.constant 0 : i32
      %dma_start3A_746 = tpu.memref_slice %arg2[%dma_start3A_744, %dma_start3A_745] : memref<10000x128xf32, #tpu.memory_space<hbm>> -> memref<10000x128xf32, #tpu.memory_space<hbm>>
      tpu.enqueue_indirect_dma source(%dma_start3A_746 : memref<10000x128xf32, #tpu.memory_space<hbm>>) target(%dma_start3A_738 : memref<64x128xf32, #tpu.memory_space<vmem>>) offsets(%dma_start3A_743 : memref<64xi32, #tpu.memory_space<vmem>>) semaphore(%arg14 : memref<!tpu.dma_semaphore, #tpu.memory_space<semaphore_mem>>)
      %dma_start3A_747 = arith.constant 7 : i32
      %dma_start3A_748 = arith.constant 64 : i32
      %dma_start3A_749 = arith.constant 0 : i32
      %dma_start3A_750 = tpu.memref_slice %arg11[%dma_start3A_748, %dma_start3A_749] : memref<128x128xf32, #tpu.memory_space<vmem>> -> memref<64x128xf32, #tpu.memory_space<vmem>>
      %dma_start3A_751 = arith.constant 0 : i32
      %dma_start3A_752 = tpu.memref_slice %arg9[%dma_start3A_747, %dma_start3A_751] : memref<8x128xi32, #tpu.memory_space<vmem>> -> memref<1x128xi32, #tpu.memory_space<vmem>>
      %dma_start3A_753 = tpu.memref_squeeze %dma_start3A_752 : memref<1x128xi32, #tpu.memory_space<vmem>> -> memref<128xi32, #tpu.memory_space<vmem>>
      %dma_start3A_754 = arith.constant 64 : i32
      %dma_start3A_755 = tpu.memref_slice %dma_start3A_753[%dma_start3A_754] : memref<128xi32, #tpu.memory_space<vmem>> -> memref<64xi32, #tpu.memory_space<vmem>>
      %dma_start3A_756 = arith.constant 0 : i32
      %dma_start3A_757 = arith.constant 0 : i32
      %dma_start3A_758 = tpu.memref_slice %arg2[%dma_start3A_756, %dma_start3A_757] : memref<10000x128xf32, #tpu.memory_space<hbm>> -> memref<10000x128xf32, #tpu.memory_space<hbm>>
      tpu.enqueue_indirect_dma source(%dma_start3A_758 : memref<10000x128xf32, #tpu.memory_space<hbm>>) target(%dma_start3A_750 : memref<64x128xf32, #tpu.memory_space<vmem>>) offsets(%dma_start3A_755 : memref<64xi32, #tpu.memory_space<vmem>>) semaphore(%arg14 : memref<!tpu.dma_semaphore, #tpu.memory_space<semaphore_mem>>)
      %mul3A_759 = arith.constant 16 : i32
      %mul3A_760 = arith.muli %scan3A_51, %mul3A_759 : i32
      %add3A_761 = arith.constant 15 : i32
      %add3A_762 = arith.addi %mul3A_760, %add3A_761 : i32
      %dma_wait3A_763 = arith.constant 0 : i32
      %dma_wait3A_764 = arith.constant 0 : i32
      %dma_wait3A_765 = tpu.memref_slice %arg2[%dma_wait3A_763, %dma_wait3A_764] : memref<10000x128xf32, #tpu.memory_space<hbm>> -> memref<128x128xf32, #tpu.memory_space<hbm>>
      %dma_wait3A_766 = arith.constant 0 : i32
      %dma_wait3A_767 = arith.constant 0 : i32
      %dma_wait3A_768 = tpu.memref_slice %arg2[%dma_wait3A_766, %dma_wait3A_767] : memref<10000x128xf32, #tpu.memory_space<hbm>> -> memref<128x128xf32, #tpu.memory_space<hbm>>
      tpu.wait_dma2 semaphore(%arg14 : memref<!tpu.dma_semaphore, #tpu.memory_space<semaphore_mem>>) src(%dma_wait3A_768 : memref<128x128xf32, #tpu.memory_space<hbm>>) dst(%arg11 : memref<128x128xf32, #tpu.memory_space<vmem>>)
      %dma_start3A_769 = arith.constant 0 : i32
      %dma_start3A_770 = tpu.memref_slice %arg7[%add3A_762, %dma_start3A_769] : memref<80x128xi32, #tpu.memory_space<vmem>> -> memref<1x128xi32, #tpu.memory_space<vmem>>
      %dma_start3A_771 = tpu.memref_squeeze %dma_start3A_770 : memref<1x128xi32, #tpu.memory_space<vmem>> -> memref<128xi32, #tpu.memory_space<vmem>>
      %dma_start3A_772 = arith.constant 0 : i32
      %dma_start3A_773 = arith.constant 0 : i32
      %dma_start3A_774 = tpu.memref_slice %arg12[%dma_start3A_772, %dma_start3A_773] : memref<10112x128xf32, #tpu.memory_space<vmem_shared>> -> memref<10112x128xf32, #tpu.memory_space<vmem_shared>>
      tpu.enqueue_indirect_dma source(%arg11 : memref<128x128xf32, #tpu.memory_space<vmem>>) target(%dma_start3A_774 : memref<10112x128xf32, #tpu.memory_space<vmem_shared>>) offsets(%dma_start3A_771 : memref<128xi32, #tpu.memory_space<vmem>>) semaphore(%arg16 : memref<!tpu.dma_semaphore, #tpu.memory_space<semaphore_mem>>) {add = true}
      %lt3A_775 = arith.constant 4 : i32
      %lt3A_776 = arith.cmpi slt, %scan3A_51, %lt3A_775 : i32
      %convert_element_type3A_777 = arith.extui %lt3A_776 : i1 to i32
      %cond3A_778 = arith.constant 0 : i32
      %cond3A_779 = arith.constant 0 : i32
      %cond3A_780 = arith.cmpi ne, %convert_element_type3A_777, %cond3A_779 : i32
      scf.if %cond3A_780 {
        %dma_wait3A_781 = arith.constant 0 : i32
        %dma_wait3A_782 = arith.constant 0 : i32
        %dma_wait3A_783 = arith.constant 0 : i32
        %dma_wait3A_784 = tpu.memref_slice %arg3[%dma_wait3A_781, %dma_wait3A_782, %dma_wait3A_783] : memref<32x80x128xi32, #tpu.memory_space<hbm>> -> memref<1x8x128xi32, #tpu.memory_space<hbm>>
        %dma_wait3A_785 = tpu.memref_squeeze %dma_wait3A_784 : memref<1x8x128xi32, #tpu.memory_space<hbm>> -> memref<8x128xi32, #tpu.memory_space<hbm>>
        %dma_wait3A_786 = arith.constant 0 : i32
        %dma_wait3A_787 = arith.constant 0 : i32
        %dma_wait3A_788 = tpu.memref_slice %arg3[%dma_wait3A_781, %dma_wait3A_786, %dma_wait3A_787] : memref<32x80x128xi32, #tpu.memory_space<hbm>> -> memref<1x8x128xi32, #tpu.memory_space<hbm>>
        %dma_wait3A_789 = tpu.memref_squeeze %dma_wait3A_788 : memref<1x8x128xi32, #tpu.memory_space<hbm>> -> memref<8x128xi32, #tpu.memory_space<hbm>>
        tpu.wait_dma2 semaphore(%arg17 : memref<!tpu.dma_semaphore, #tpu.memory_space<semaphore_mem>>) src(%dma_wait3A_789 : memref<8x128xi32, #tpu.memory_space<hbm>>) dst(%arg8 : memref<8x128xi32, #tpu.memory_space<vmem>>)
        %dma_wait3A_790 = arith.constant 0 : i32
        %dma_wait3A_791 = arith.constant 0 : i32
        %dma_wait3A_792 = tpu.memref_slice %arg7[%dma_wait3A_790, %dma_wait3A_791] : memref<80x128xi32, #tpu.memory_space<vmem>> -> memref<1x128xi32, #tpu.memory_space<vmem>>
        %dma_wait3A_793 = tpu.memref_squeeze %dma_wait3A_792 : memref<1x128xi32, #tpu.memory_space<vmem>> -> memref<128xi32, #tpu.memory_space<vmem>>
        %dma_wait3A_794 = arith.constant 0 : i32
        %dma_wait3A_795 = arith.constant 0 : i32
        %dma_wait3A_796 = tpu.memref_slice %arg12[%dma_wait3A_794, %dma_wait3A_795] : memref<10112x128xf32, #tpu.memory_space<vmem_shared>> -> memref<10112x128xf32, #tpu.memory_space<vmem_shared>>
        tpu.wait_indirect_dma semaphore(%arg15 : memref<!tpu.dma_semaphore, #tpu.memory_space<semaphore_mem>>) src(%arg10 : memref<128x128xf32, #tpu.memory_space<vmem>>) dst(%dma_wait3A_796 : memref<10112x128xf32, #tpu.memory_space<vmem_shared>>)
        %dma_start3A_797 = arith.constant 0 : i32
        %dma_start3A_798 = arith.constant 0 : i32
        %dma_start3A_799 = tpu.memref_slice %arg10[%dma_start3A_797, %dma_start3A_798] : memref<128x128xf32, #tpu.memory_space<vmem>> -> memref<64x128xf32, #tpu.memory_space<vmem>>
        %dma_start3A_800 = arith.constant 0 : i32
        %dma_start3A_801 = tpu.memref_slice %arg8[%cond3A_778, %dma_start3A_800] : memref<8x128xi32, #tpu.memory_space<vmem>> -> memref<1x128xi32, #tpu.memory_space<vmem>>
        %dma_start3A_802 = tpu.memref_squeeze %dma_start3A_801 : memref<1x128xi32, #tpu.memory_space<vmem>> -> memref<128xi32, #tpu.memory_space<vmem>>
        %dma_start3A_803 = arith.constant 0 : i32
        %dma_start3A_804 = tpu.memref_slice %dma_start3A_802[%dma_start3A_803] : memref<128xi32, #tpu.memory_space<vmem>> -> memref<64xi32, #tpu.memory_space<vmem>>
        %dma_start3A_805 = arith.constant 0 : i32
        %dma_start3A_806 = arith.constant 0 : i32
        %dma_start3A_807 = tpu.memref_slice %arg2[%dma_start3A_805, %dma_start3A_806] : memref<10000x128xf32, #tpu.memory_space<hbm>> -> memref<10000x128xf32, #tpu.memory_space<hbm>>
        tpu.enqueue_indirect_dma source(%dma_start3A_807 : memref<10000x128xf32, #tpu.memory_space<hbm>>) target(%dma_start3A_799 : memref<64x128xf32, #tpu.memory_space<vmem>>) offsets(%dma_start3A_804 : memref<64xi32, #tpu.memory_space<vmem>>) semaphore(%arg13 : memref<!tpu.dma_semaphore, #tpu.memory_space<semaphore_mem>>)
        %dma_start3A_808 = arith.constant 64 : i32
        %dma_start3A_809 = arith.constant 0 : i32
        %dma_start3A_810 = tpu.memref_slice %arg10[%dma_start3A_808, %dma_start3A_809] : memref<128x128xf32, #tpu.memory_space<vmem>> -> memref<64x128xf32, #tpu.memory_space<vmem>>
        %dma_start3A_811 = arith.constant 0 : i32
        %dma_start3A_812 = tpu.memref_slice %arg8[%cond3A_778, %dma_start3A_811] : memref<8x128xi32, #tpu.memory_space<vmem>> -> memref<1x128xi32, #tpu.memory_space<vmem>>
        %dma_start3A_813 = tpu.memref_squeeze %dma_start3A_812 : memref<1x128xi32, #tpu.memory_space<vmem>> -> memref<128xi32, #tpu.memory_space<vmem>>
        %dma_start3A_814 = arith.constant 64 : i32
        %dma_start3A_815 = tpu.memref_slice %dma_start3A_813[%dma_start3A_814] : memref<128xi32, #tpu.memory_space<vmem>> -> memref<64xi32, #tpu.memory_space<vmem>>
        %dma_start3A_816 = arith.constant 0 : i32
        %dma_start3A_817 = arith.constant 0 : i32
        %dma_start3A_818 = tpu.memref_slice %arg2[%dma_start3A_816, %dma_start3A_817] : memref<10000x128xf32, #tpu.memory_space<hbm>> -> memref<10000x128xf32, #tpu.memory_space<hbm>>
        tpu.enqueue_indirect_dma source(%dma_start3A_818 : memref<10000x128xf32, #tpu.memory_space<hbm>>) target(%dma_start3A_810 : memref<64x128xf32, #tpu.memory_space<vmem>>) offsets(%dma_start3A_815 : memref<64xi32, #tpu.memory_space<vmem>>) semaphore(%arg13 : memref<!tpu.dma_semaphore, #tpu.memory_space<semaphore_mem>>)
      } else {
      }
    }
    %scan3A_32 = arith.constant 5 : i32
    %dma_wait3A = arith.constant 0 : i32
    %dma_wait3A_33 = arith.constant 0 : i32
    %dma_wait3A_34 = tpu.memref_slice %arg7[%dma_wait3A, %dma_wait3A_33] : memref<80x128xi32, #tpu.memory_space<vmem>> -> memref<1x128xi32, #tpu.memory_space<vmem>>
    %dma_wait3A_35 = tpu.memref_squeeze %dma_wait3A_34 : memref<1x128xi32, #tpu.memory_space<vmem>> -> memref<128xi32, #tpu.memory_space<vmem>>
    %dma_wait3A_36 = arith.constant 0 : i32
    %dma_wait3A_37 = arith.constant 0 : i32
    %dma_wait3A_38 = tpu.memref_slice %arg12[%dma_wait3A_36, %dma_wait3A_37] : memref<10112x128xf32, #tpu.memory_space<vmem_shared>> -> memref<10112x128xf32, #tpu.memory_space<vmem_shared>>
    tpu.wait_indirect_dma semaphore(%arg15 : memref<!tpu.dma_semaphore, #tpu.memory_space<semaphore_mem>>) src(%arg10 : memref<128x128xf32, #tpu.memory_space<vmem>>) dst(%dma_wait3A_38 : memref<10112x128xf32, #tpu.memory_space<vmem_shared>>)
    %dma_wait3A_39 = arith.constant 0 : i32
    %dma_wait3A_40 = arith.constant 0 : i32
    %dma_wait3A_41 = tpu.memref_slice %arg7[%dma_wait3A_39, %dma_wait3A_40] : memref<80x128xi32, #tpu.memory_space<vmem>> -> memref<1x128xi32, #tpu.memory_space<vmem>>
    %dma_wait3A_42 = tpu.memref_squeeze %dma_wait3A_41 : memref<1x128xi32, #tpu.memory_space<vmem>> -> memref<128xi32, #tpu.memory_space<vmem>>
    %dma_wait3A_43 = arith.constant 0 : i32
    %dma_wait3A_44 = arith.constant 0 : i32
    %dma_wait3A_45 = tpu.memref_slice %arg12[%dma_wait3A_43, %dma_wait3A_44] : memref<10112x128xf32, #tpu.memory_space<vmem_shared>> -> memref<10112x128xf32, #tpu.memory_space<vmem_shared>>
    tpu.wait_indirect_dma semaphore(%arg16 : memref<!tpu.dma_semaphore, #tpu.memory_space<semaphore_mem>>) src(%arg10 : memref<128x128xf32, #tpu.memory_space<vmem>>) dst(%dma_wait3A_45 : memref<10112x128xf32, #tpu.memory_space<vmem_shared>>)
    %barrier3A_46 = arith.constant 0 : index
    tpu.barrier barrier_id(%barrier3A_46)
    %mul3A_47 = arith.constant 632 : i32
    %mul3A_48 = arith.muli %arg1, %mul3A_47 : i32
    %mul3A_49 = arith.constant 632 : i32
    %mul3A_50 = arith.muli %arg1, %mul3A_49 : i32
    "tpu.region"() ({
      %run_scoped3A = tpu.sem_alloc : memref<!tpu.dma_semaphore, #tpu.memory_space<semaphore_mem>>
      %dma_start3A_51 = arith.constant 0 : i32
      %dma_start3A_52 = tpu.memref_slice %arg6[%arg0, %mul3A_50, %dma_start3A_51] : memref<2x10112x128xf32, #tpu.memory_space<hbm>> -> memref<1x632x128xf32, #tpu.memory_space<hbm>>
      %dma_start3A_53 = tpu.memref_squeeze %dma_start3A_52 : memref<1x632x128xf32, #tpu.memory_space<hbm>> -> memref<632x128xf32, #tpu.memory_space<hbm>>
      %dma_start3A_54 = arith.constant 0 : i32
      %dma_start3A_55 = tpu.memref_slice %arg12[%mul3A_48, %dma_start3A_54] : memref<10112x128xf32, #tpu.memory_space<vmem_shared>> -> memref<632x128xf32, #tpu.memory_space<vmem_shared>>
      tpu.enqueue_dma source(%dma_start3A_55 : memref<632x128xf32, #tpu.memory_space<vmem_shared>>) target(%dma_start3A_53 : memref<632x128xf32, #tpu.memory_space<hbm>>) target_semaphore(%run_scoped3A : memref<!tpu.dma_semaphore, #tpu.memory_space<semaphore_mem>>)
      %dma_wait3A_56 = arith.constant 0 : i32
      %dma_wait3A_57 = tpu.memref_slice %arg6[%arg0, %mul3A_50, %dma_wait3A_56] : memref<2x10112x128xf32, #tpu.memory_space<hbm>> -> memref<1x632x128xf32, #tpu.memory_space<hbm>>
      %dma_wait3A_58 = tpu.memref_squeeze %dma_wait3A_57 : memref<1x632x128xf32, #tpu.memory_space<hbm>> -> memref<632x128xf32, #tpu.memory_space<hbm>>
      %dma_wait3A_59 = arith.constant 0 : i32
      %dma_wait3A_60 = tpu.memref_slice %arg12[%mul3A_48, %dma_wait3A_59] : memref<10112x128xf32, #tpu.memory_space<vmem_shared>> -> memref<632x128xf32, #tpu.memory_space<vmem_shared>>
      tpu.wait_dma2 semaphore(%run_scoped3A : memref<!tpu.dma_semaphore, #tpu.memory_space<semaphore_mem>>) src(%dma_wait3A_60 : memref<632x128xf32, #tpu.memory_space<vmem_shared>>) dst(%dma_wait3A_58 : memref<632x128xf32, #tpu.memory_space<hbm>>)
      tpu.yield
    }) : () -> ()
    return
  }
}

#map = affine_map<(d0, d1) -> (0, 0)>
#map1 = affine_map<(d0, d1) -> (0, 0, 0)>
module attributes {stable_mosaic.version = 14 : i64} {
  func.func @k(%arg0: i32, %arg1: i32, %arg2: memref<10000x128xf32, #tpu.memory_space<hbm>>, %arg3: memref<32x80x128xi32, #tpu.memory_space<hbm>>, %arg4: memref<32x80x128xi32, #tpu.memory_space<hbm>>, %arg5: memref<10112x128xf32, #tpu.memory_space<hbm>>, %arg6: memref<2x10112x128xf32, #tpu.memory_space<hbm>>, %arg7: memref<80x128xi32, #tpu.memory_space<vmem>>, %arg8: memref<8x128xi32, #tpu.memory_space<vmem>>, %arg9: memref<8x128xi32, #tpu.memory_space<vmem>>, %arg10: memref<128x128xf32, #tpu.memory_space<vmem>>, %arg11: memref<128x128xf32, #tpu.memory_space<vmem>>, %arg12: memref<10112x128xf32, #tpu.memory_space<vmem_shared>>, %arg13: memref<!tpu.dma_semaphore, #tpu.memory_space<semaphore_mem>>, %arg14: memref<!tpu.dma_semaphore, #tpu.memory_space<semaphore_mem>>, %arg15: memref<!tpu.dma_semaphore, #tpu.memory_space<semaphore_mem>>, %arg16: memref<!tpu.dma_semaphore, #tpu.memory_space<semaphore_mem>>, %arg17: memref<!tpu.dma_semaphore, #tpu.memory_space<semaphore_mem>>, %arg18: memref<!tpu.dma_semaphore, #tpu.memory_space<semaphore_mem>>) attributes {dimension_semantics = [#tpu.dimension_semantics<core_parallel>, #tpu.dimension_semantics<subcore_parallel>], iteration_bounds = array<i64: 2, 16>, scalar_prefetch = 0 : i64, scratch_operands = 12 : i64, tpu.core_type = #tpu.core_type<sc_vector_subcore>, window_params = [{transform_indices = #map}, {transform_indices = #map1}, {transform_indices = #map1}, {transform_indices = #map}, {transform_indices = #map1}]} {
    %mul3A = arith.constant 16 : i32
    %mul3A_0 = arith.muli %arg0, %mul3A : i32
    %add3A = arith.addi %mul3A_0, %arg1 : i32
    %mul3A_1 = arith.constant 632 : i32
    %mul3A_2 = arith.muli %arg1, %mul3A_1 : i32
    %mul3A_3 = arith.constant 632 : i32
    %mul3A_4 = arith.muli %arg1, %mul3A_3 : i32
    "tpu.region"() ({
      %run_scoped3A = tpu.sem_alloc : memref<!tpu.dma_semaphore, #tpu.memory_space<semaphore_mem>>
      %dma_start3A_51 = arith.constant 0 : i32
      %dma_start3A_52 = tpu.memref_slice %arg12[%mul3A_4, %dma_start3A_51] : memref<10112x128xf32, #tpu.memory_space<vmem_shared>> -> memref<632x128xf32, #tpu.memory_space<vmem_shared>>
      %dma_start3A_53 = arith.constant 0 : i32
      %dma_start3A_54 = tpu.memref_slice %arg5[%mul3A_2, %dma_start3A_53] : memref<10112x128xf32, #tpu.memory_space<hbm>> -> memref<632x128xf32, #tpu.memory_space<hbm>>
      tpu.enqueue_dma source(%dma_start3A_54 : memref<632x128xf32, #tpu.memory_space<hbm>>) target(%dma_start3A_52 : memref<632x128xf32, #tpu.memory_space<vmem_shared>>) target_semaphore(%run_scoped3A : memref<!tpu.dma_semaphore, #tpu.memory_space<semaphore_mem>>)
      %dma_wait3A_55 = arith.constant 0 : i32
      %dma_wait3A_56 = tpu.memref_slice %arg12[%mul3A_4, %dma_wait3A_55] : memref<10112x128xf32, #tpu.memory_space<vmem_shared>> -> memref<632x128xf32, #tpu.memory_space<vmem_shared>>
      %dma_wait3A_57 = arith.constant 0 : i32
      %dma_wait3A_58 = tpu.memref_slice %arg5[%mul3A_2, %dma_wait3A_57] : memref<10112x128xf32, #tpu.memory_space<hbm>> -> memref<632x128xf32, #tpu.memory_space<hbm>>
      tpu.wait_dma2 semaphore(%run_scoped3A : memref<!tpu.dma_semaphore, #tpu.memory_space<semaphore_mem>>) src(%dma_wait3A_58 : memref<632x128xf32, #tpu.memory_space<hbm>>) dst(%dma_wait3A_56 : memref<632x128xf32, #tpu.memory_space<vmem_shared>>)
      tpu.yield
    }) : () -> ()
    "tpu.region"() ({
      %run_scoped3A = tpu.sem_alloc : memref<!tpu.dma_semaphore, #tpu.memory_space<semaphore_mem>>
      %dma_start3A_51 = arith.constant 0 : i32
      %dma_start3A_52 = arith.constant 0 : i32
      %dma_start3A_53 = tpu.memref_slice %arg4[%add3A, %dma_start3A_51, %dma_start3A_52] : memref<32x80x128xi32, #tpu.memory_space<hbm>> -> memref<1x80x128xi32, #tpu.memory_space<hbm>>
      %dma_start3A_54 = tpu.memref_squeeze %dma_start3A_53 : memref<1x80x128xi32, #tpu.memory_space<hbm>> -> memref<80x128xi32, #tpu.memory_space<hbm>>
      %dma_start3A_55 = arith.constant 0 : i32
      %dma_start3A_56 = arith.constant 0 : i32
      %dma_start3A_57 = tpu.memref_slice %arg4[%add3A, %dma_start3A_55, %dma_start3A_56] : memref<32x80x128xi32, #tpu.memory_space<hbm>> -> memref<1x80x128xi32, #tpu.memory_space<hbm>>
      %dma_start3A_58 = tpu.memref_squeeze %dma_start3A_57 : memref<1x80x128xi32, #tpu.memory_space<hbm>> -> memref<80x128xi32, #tpu.memory_space<hbm>>
      tpu.enqueue_dma source(%dma_start3A_58 : memref<80x128xi32, #tpu.memory_space<hbm>>) target(%arg7 : memref<80x128xi32, #tpu.memory_space<vmem>>) target_semaphore(%run_scoped3A : memref<!tpu.dma_semaphore, #tpu.memory_space<semaphore_mem>>)
      %dma_wait3A_59 = arith.constant 0 : i32
      %dma_wait3A_60 = arith.constant 0 : i32
      %dma_wait3A_61 = tpu.memref_slice %arg4[%add3A, %dma_wait3A_59, %dma_wait3A_60] : memref<32x80x128xi32, #tpu.memory_space<hbm>> -> memref<1x80x128xi32, #tpu.memory_space<hbm>>
      %dma_wait3A_62 = tpu.memref_squeeze %dma_wait3A_61 : memref<1x80x128xi32, #tpu.memory_space<hbm>> -> memref<80x128xi32, #tpu.memory_space<hbm>>
      %dma_wait3A_63 = arith.constant 0 : i32
      %dma_wait3A_64 = arith.constant 0 : i32
      %dma_wait3A_65 = tpu.memref_slice %arg4[%add3A, %dma_wait3A_63, %dma_wait3A_64] : memref<32x80x128xi32, #tpu.memory_space<hbm>> -> memref<1x80x128xi32, #tpu.memory_space<hbm>>
      %dma_wait3A_66 = tpu.memref_squeeze %dma_wait3A_65 : memref<1x80x128xi32, #tpu.memory_space<hbm>> -> memref<80x128xi32, #tpu.memory_space<hbm>>
      tpu.wait_dma2 semaphore(%run_scoped3A : memref<!tpu.dma_semaphore, #tpu.memory_space<semaphore_mem>>) src(%dma_wait3A_66 : memref<80x128xi32, #tpu.memory_space<hbm>>) dst(%arg7 : memref<80x128xi32, #tpu.memory_space<vmem>>)
      tpu.yield
    }) : () -> ()
    "tpu.region"() ({
      %run_scoped3A = tpu.sem_alloc : memref<!tpu.dma_semaphore, #tpu.memory_space<semaphore_mem>>
      %dma_start3A_51 = arith.constant 0 : i32
      %dma_start3A_52 = arith.constant 0 : i32
      %dma_start3A_53 = tpu.memref_slice %arg3[%add3A, %dma_start3A_51, %dma_start3A_52] : memref<32x80x128xi32, #tpu.memory_space<hbm>> -> memref<1x8x128xi32, #tpu.memory_space<hbm>>
      %dma_start3A_54 = tpu.memref_squeeze %dma_start3A_53 : memref<1x8x128xi32, #tpu.memory_space<hbm>> -> memref<8x128xi32, #tpu.memory_space<hbm>>
      %dma_start3A_55 = arith.constant 0 : i32
      %dma_start3A_56 = arith.constant 0 : i32
      %dma_start3A_57 = tpu.memref_slice %arg3[%add3A, %dma_start3A_55, %dma_start3A_56] : memref<32x80x128xi32, #tpu.memory_space<hbm>> -> memref<1x8x128xi32, #tpu.memory_space<hbm>>
      %dma_start3A_58 = tpu.memref_squeeze %dma_start3A_57 : memref<1x8x128xi32, #tpu.memory_space<hbm>> -> memref<8x128xi32, #tpu.memory_space<hbm>>
      tpu.enqueue_dma source(%dma_start3A_58 : memref<8x128xi32, #tpu.memory_space<hbm>>) target(%arg8 : memref<8x128xi32, #tpu.memory_space<vmem>>) target_semaphore(%run_scoped3A : memref<!tpu.dma_semaphore, #tpu.memory_space<semaphore_mem>>)
      %dma_wait3A_59 = arith.constant 0 : i32
      %dma_wait3A_60 = arith.constant 0 : i32
      %dma_wait3A_61 = tpu.memref_slice %arg3[%add3A, %dma_wait3A_59, %dma_wait3A_60] : memref<32x80x128xi32, #tpu.memory_space<hbm>> -> memref<1x8x128xi32, #tpu.memory_space<hbm>>
      %dma_wait3A_62 = tpu.memref_squeeze %dma_wait3A_61 : memref<1x8x128xi32, #tpu.memory_space<hbm>> -> memref<8x128xi32, #tpu.memory_space<hbm>>
      %dma_wait3A_63 = arith.constant 0 : i32
      %dma_wait3A_64 = arith.constant 0 : i32
      %dma_wait3A_65 = tpu.memref_slice %arg3[%add3A, %dma_wait3A_63, %dma_wait3A_64] : memref<32x80x128xi32, #tpu.memory_space<hbm>> -> memref<1x8x128xi32, #tpu.memory_space<hbm>>
      %dma_wait3A_66 = tpu.memref_squeeze %dma_wait3A_65 : memref<1x8x128xi32, #tpu.memory_space<hbm>> -> memref<8x128xi32, #tpu.memory_space<hbm>>
      tpu.wait_dma2 semaphore(%run_scoped3A : memref<!tpu.dma_semaphore, #tpu.memory_space<semaphore_mem>>) src(%dma_wait3A_66 : memref<8x128xi32, #tpu.memory_space<hbm>>) dst(%arg8 : memref<8x128xi32, #tpu.memory_space<vmem>>)
      tpu.yield
    }) : () -> ()
    %barrier3A = arith.constant 0 : index
    tpu.barrier barrier_id(%barrier3A)
    %dma_start3A = arith.constant 0 : i32
    %dma_start3A_5 = arith.constant 0 : i32
    %dma_start3A_6 = arith.constant 0 : i32
    %dma_start3A_7 = tpu.memref_slice %arg10[%dma_start3A_5, %dma_start3A_6] : memref<128x128xf32, #tpu.memory_space<vmem>> -> memref<64x128xf32, #tpu.memory_space<vmem>>
    %dma_start3A_8 = arith.constant 0 : i32
    %dma_start3A_9 = tpu.memref_slice %arg8[%dma_start3A, %dma_start3A_8] : memref<8x128xi32, #tpu.memory_space<vmem>> -> memref<1x128xi32, #tpu.memory_space<vmem>>
    %dma_start3A_10 = tpu.memref_squeeze %dma_start3A_9 : memref<1x128xi32, #tpu.memory_space<vmem>> -> memref<128xi32, #tpu.memory_space<vmem>>
    %dma_start3A_11 = arith.constant 0 : i32
    %dma_start3A_12 = tpu.memref_slice %dma_start3A_10[%dma_start3A_11] : memref<128xi32, #tpu.memory_space<vmem>> -> memref<64xi32, #tpu.memory_space<vmem>>
    %dma_start3A_13 = arith.constant 0 : i32
    %dma_start3A_14 = arith.constant 0 : i32
    %dma_start3A_15 = tpu.memref_slice %arg2[%dma_start3A_13, %dma_start3A_14] : memref<10000x128xf32, #tpu.memory_space<hbm>> -> memref<10000x128xf32, #tpu.memory_space<hbm>>
    tpu.enqueue_indirect_dma source(%dma_start3A_15 : memref<10000x128xf32, #tpu.memory_space<hbm>>) target(%dma_start3A_7 : memref<64x128xf32, #tpu.memory_space<vmem>>) offsets(%dma_start3A_12 : memref<64xi32, #tpu.memory_space<vmem>>) semaphore(%arg13 : memref<!tpu.dma_semaphore, #tpu.memory_space<semaphore_mem>>)
    %dma_start3A_16 = arith.constant 0 : i32
    %dma_start3A_17 = arith.constant 64 : i32
    %dma_start3A_18 = arith.constant 0 : i32
    %dma_start3A_19 = tpu.memref_slice %arg10[%dma_start3A_17, %dma_start3A_18] : memref<128x128xf32, #tpu.memory_space<vmem>> -> memref<64x128xf32, #tpu.memory_space<vmem>>
    %dma_start3A_20 = arith.constant 0 : i32
    %dma_start3A_21 = tpu.memref_slice %arg8[%dma_start3A_16, %dma_start3A_20] : memref<8x128xi32, #tpu.memory_space<vmem>> -> memref<1x128xi32, #tpu.memory_space<vmem>>
    %dma_start3A_22 = tpu.memref_squeeze %dma_start3A_21 : memref<1x128xi32, #tpu.memory_space<vmem>> -> memref<128xi32, #tpu.memory_space<vmem>>
    %dma_start3A_23 = arith.constant 64 : i32
    %dma_start3A_24 = tpu.memref_slice %dma_start3A_22[%dma_start3A_23] : memref<128xi32, #tpu.memory_space<vmem>> -> memref<64xi32, #tpu.memory_space<vmem>>
    %dma_start3A_25 = arith.constant 0 : i32
    %dma_start3A_26 = arith.constant 0 : i32
    %dma_start3A_27 = tpu.memref_slice %arg2[%dma_start3A_25, %dma_start3A_26] : memref<10000x128xf32, #tpu.memory_space<hbm>> -> memref<10000x128xf32, #tpu.memory_space<hbm>>
    tpu.enqueue_indirect_dma source(%dma_start3A_27 : memref<10000x128xf32, #tpu.memory_space<hbm>>) target(%dma_start3A_19 : memref<64x128xf32, #tpu.memory_space<vmem>>) offsets(%dma_start3A_24 : memref<64xi32, #tpu.memory_space<vmem>>) semaphore(%arg13 : memref<!tpu.dma_semaphore, #tpu.memory_space<semaphore_mem>>)
    %scan3A = arith.constant 0 : i32
    %scan3A_28 = arith.constant 0 : i32
    %scan3A_29 = arith.constant 5 : i32
    %scan3A_30 = arith.addi %scan3A_28, %scan3A_29 : i32
    %scan3A_31 = arith.constant 1 : i32
    scf.for %scan3A_51 = %scan3A_28 to %scan3A_30 step %scan3A_31  : i32 {
      %mul3A_52 = arith.constant 16 : i32
      %mul3A_53 = arith.muli %scan3A_51, %mul3A_52 : i32
      %add3A_54 = arith.constant 0 : i32
      %add3A_55 = arith.addi %mul3A_53, %add3A_54 : i32
      %mul3A_56 = arith.constant 2 : i32
      %mul3A_57 = arith.muli %scan3A_51, %mul3A_56 : i32
      %add3A_58 = arith.constant 1 : i32
      %add3A_59 = arith.addi %mul3A_57, %add3A_58 : i32
      %mul3A_60 = arith.constant 8 : i32
      %mul3A_61 = arith.muli %add3A_59, %mul3A_60 : i32
      %dma_start3A_62 = arith.constant 0 : i32
      %dma_start3A_63 = tpu.memref_slice %arg3[%add3A, %mul3A_61, %dma_start3A_62] : memref<32x80x128xi32, #tpu.memory_space<hbm>> -> memref<1x8x128xi32, #tpu.memory_space<hbm>>
      %dma_start3A_64 = tpu.memref_squeeze %dma_start3A_63 : memref<1x8x128xi32, #tpu.memory_space<hbm>> -> memref<8x128xi32, #tpu.memory_space<hbm>>
      %dma_start3A_65 = arith.constant 0 : i32
      %dma_start3A_66 = tpu.memref_slice %arg3[%add3A, %mul3A_61, %dma_start3A_65] : memref<32x80x128xi32, #tpu.memory_space<hbm>> -> memref<1x8x128xi32, #tpu.memory_space<hbm>>
      %dma_start3A_67 = tpu.memref_squeeze %dma_start3A_66 : memref<1x8x128xi32, #tpu.memory_space<hbm>> -> memref<8x128xi32, #tpu.memory_space<hbm>>
      tpu.enqueue_dma source(%dma_start3A_67 : memref<8x128xi32, #tpu.memory_space<hbm>>) target(%arg9 : memref<8x128xi32, #tpu.memory_space<vmem>>) target_semaphore(%arg18 : memref<!tpu.dma_semaphore, #tpu.memory_space<semaphore_mem>>)
      %dma_wait3A_68 = arith.constant 0 : i32
      %dma_wait3A_69 = arith.constant 0 : i32
      %dma_wait3A_70 = tpu.memref_slice %arg2[%dma_wait3A_68, %dma_wait3A_69] : memref<10000x128xf32, #tpu.memory_space<hbm>> -> memref<128x128xf32, #tpu.memory_space<hbm>>
      %dma_wait3A_71 = arith.constant 0 : i32
      %dma_wait3A_72 = arith.constant 0 : i32
      %dma_wait3A_73 = tpu.memref_slice %arg2[%dma_wait3A_71, %dma_wait3A_72] : memref<10000x128xf32, #tpu.memory_space<hbm>> -> memref<128x128xf32, #tpu.memory_space<hbm>>
      tpu.wait_dma2 semaphore(%arg13 : memref<!tpu.dma_semaphore, #tpu.memory_space<semaphore_mem>>) src(%dma_wait3A_73 : memref<128x128xf32, #tpu.memory_space<hbm>>) dst(%arg10 : memref<128x128xf32, #tpu.memory_space<vmem>>)
      %dma_start3A_74 = arith.constant 0 : i32
      %dma_start3A_75 = tpu.memref_slice %arg7[%add3A_55, %dma_start3A_74] : memref<80x128xi32, #tpu.memory_space<vmem>> -> memref<1x128xi32, #tpu.memory_space<vmem>>
      %dma_start3A_76 = tpu.memref_squeeze %dma_start3A_75 : memref<1x128xi32, #tpu.memory_space<vmem>> -> memref<128xi32, #tpu.memory_space<vmem>>
      %dma_start3A_77 = arith.constant 0 : i32
      %dma_start3A_78 = arith.constant 0 : i32
      %dma_start3A_79 = tpu.memref_slice %arg12[%dma_start3A_77, %dma_start3A_78] : memref<10112x128xf32, #tpu.memory_space<vmem_shared>> -> memref<10112x128xf32, #tpu.memory_space<vmem_shared>>
      tpu.enqueue_indirect_dma source(%arg10 : memref<128x128xf32, #tpu.memory_space<vmem>>) target(%dma_start3A_79 : memref<10112x128xf32, #tpu.memory_space<vmem_shared>>) offsets(%dma_start3A_76 : memref<128xi32, #tpu.memory_space<vmem>>) semaphore(%arg15 : memref<!tpu.dma_semaphore, #tpu.memory_space<semaphore_mem>>) {add = true}
      %gt3A = arith.constant 0 : i32
      %gt3A_80 = arith.cmpi sgt, %scan3A_51, %gt3A : i32
      %convert_element_type3A = arith.extui %gt3A_80 : i1 to i32
      %cond3A = arith.constant 1 : i32
      %cond3A_81 = arith.constant 0 : i32
      %cond3A_82 = arith.cmpi ne, %convert_element_type3A, %cond3A_81 : i32
      scf.if %cond3A_82 {
        %dma_wait3A_781 = arith.constant 0 : i32
        %dma_wait3A_782 = arith.constant 0 : i32
        %dma_wait3A_783 = tpu.memref_slice %arg7[%dma_wait3A_781, %dma_wait3A_782] : memref<80x128xi32, #tpu.memory_space<vmem>> -> memref<1x128xi32, #tpu.memory_space<vmem>>
        %dma_wait3A_784 = tpu.memref_squeeze %dma_wait3A_783 : memref<1x128xi32, #tpu.memory_space<vmem>> -> memref<128xi32, #tpu.memory_space<vmem>>
        %dma_wait3A_785 = arith.constant 0 : i32
        %dma_wait3A_786 = arith.constant 0 : i32
        %dma_wait3A_787 = tpu.memref_slice %arg12[%dma_wait3A_785, %dma_wait3A_786] : memref<10112x128xf32, #tpu.memory_space<vmem_shared>> -> memref<10112x128xf32, #tpu.memory_space<vmem_shared>>
        tpu.wait_indirect_dma semaphore(%arg16 : memref<!tpu.dma_semaphore, #tpu.memory_space<semaphore_mem>>) src(%arg10 : memref<128x128xf32, #tpu.memory_space<vmem>>) dst(%dma_wait3A_787 : memref<10112x128xf32, #tpu.memory_space<vmem_shared>>)
        %dma_start3A_788 = arith.constant 0 : i32
        %dma_start3A_789 = arith.constant 0 : i32
        %dma_start3A_790 = tpu.memref_slice %arg11[%dma_start3A_788, %dma_start3A_789] : memref<128x128xf32, #tpu.memory_space<vmem>> -> memref<64x128xf32, #tpu.memory_space<vmem>>
        %dma_start3A_791 = arith.constant 0 : i32
        %dma_start3A_792 = tpu.memref_slice %arg8[%cond3A, %dma_start3A_791] : memref<8x128xi32, #tpu.memory_space<vmem>> -> memref<1x128xi32, #tpu.memory_space<vmem>>
        %dma_start3A_793 = tpu.memref_squeeze %dma_start3A_792 : memref<1x128xi32, #tpu.memory_space<vmem>> -> memref<128xi32, #tpu.memory_space<vmem>>
        %dma_start3A_794 = arith.constant 0 : i32
        %dma_start3A_795 = tpu.memref_slice %dma_start3A_793[%dma_start3A_794] : memref<128xi32, #tpu.memory_space<vmem>> -> memref<64xi32, #tpu.memory_space<vmem>>
        %dma_start3A_796 = arith.constant 0 : i32
        %dma_start3A_797 = arith.constant 0 : i32
        %dma_start3A_798 = tpu.memref_slice %arg2[%dma_start3A_796, %dma_start3A_797] : memref<10000x128xf32, #tpu.memory_space<hbm>> -> memref<10000x128xf32, #tpu.memory_space<hbm>>
        tpu.enqueue_indirect_dma source(%dma_start3A_798 : memref<10000x128xf32, #tpu.memory_space<hbm>>) target(%dma_start3A_790 : memref<64x128xf32, #tpu.memory_space<vmem>>) offsets(%dma_start3A_795 : memref<64xi32, #tpu.memory_space<vmem>>) semaphore(%arg14 : memref<!tpu.dma_semaphore, #tpu.memory_space<semaphore_mem>>)
        %dma_start3A_799 = arith.constant 64 : i32
        %dma_start3A_800 = arith.constant 0 : i32
        %dma_start3A_801 = tpu.memref_slice %arg11[%dma_start3A_799, %dma_start3A_800] : memref<128x128xf32, #tpu.memory_space<vmem>> -> memref<64x128xf32, #tpu.memory_space<vmem>>
        %dma_start3A_802 = arith.constant 0 : i32
        %dma_start3A_803 = tpu.memref_slice %arg8[%cond3A, %dma_start3A_802] : memref<8x128xi32, #tpu.memory_space<vmem>> -> memref<1x128xi32, #tpu.memory_space<vmem>>
        %dma_start3A_804 = tpu.memref_squeeze %dma_start3A_803 : memref<1x128xi32, #tpu.memory_space<vmem>> -> memref<128xi32, #tpu.memory_space<vmem>>
        %dma_start3A_805 = arith.constant 64 : i32
        %dma_start3A_806 = tpu.memref_slice %dma_start3A_804[%dma_start3A_805] : memref<128xi32, #tpu.memory_space<vmem>> -> memref<64xi32, #tpu.memory_space<vmem>>
        %dma_start3A_807 = arith.constant 0 : i32
        %dma_start3A_808 = arith.constant 0 : i32
        %dma_start3A_809 = tpu.memref_slice %arg2[%dma_start3A_807, %dma_start3A_808] : memref<10000x128xf32, #tpu.memory_space<hbm>> -> memref<10000x128xf32, #tpu.memory_space<hbm>>
        tpu.enqueue_indirect_dma source(%dma_start3A_809 : memref<10000x128xf32, #tpu.memory_space<hbm>>) target(%dma_start3A_801 : memref<64x128xf32, #tpu.memory_space<vmem>>) offsets(%dma_start3A_806 : memref<64xi32, #tpu.memory_space<vmem>>) semaphore(%arg14 : memref<!tpu.dma_semaphore, #tpu.memory_space<semaphore_mem>>)
      } else {
      }
      %eq3A = arith.constant 0 : i32
      %eq3A_83 = arith.cmpi eq, %scan3A_51, %eq3A : i32
      %convert_element_type3A_84 = arith.extui %eq3A_83 : i1 to i32
      %cond3A_85 = arith.constant 1 : i32
      %cond3A_86 = arith.constant 0 : i32
      %cond3A_87 = arith.cmpi ne, %convert_element_type3A_84, %cond3A_86 : i32
      scf.if %cond3A_87 {
        %dma_start3A_781 = arith.constant 0 : i32
        %dma_start3A_782 = arith.constant 0 : i32
        %dma_start3A_783 = tpu.memref_slice %arg11[%dma_start3A_781, %dma_start3A_782] : memref<128x128xf32, #tpu.memory_space<vmem>> -> memref<64x128xf32, #tpu.memory_space<vmem>>
        %dma_start3A_784 = arith.constant 0 : i32
        %dma_start3A_785 = tpu.memref_slice %arg8[%cond3A_85, %dma_start3A_784] : memref<8x128xi32, #tpu.memory_space<vmem>> -> memref<1x128xi32, #tpu.memory_space<vmem>>
        %dma_start3A_786 = tpu.memref_squeeze %dma_start3A_785 : memref<1x128xi32, #tpu.memory_space<vmem>> -> memref<128xi32, #tpu.memory_space<vmem>>
        %dma_start3A_787 = arith.constant 0 : i32
        %dma_start3A_788 = tpu.memref_slice %dma_start3A_786[%dma_start3A_787] : memref<128xi32, #tpu.memory_space<vmem>> -> memref<64xi32, #tpu.memory_space<vmem>>
        %dma_start3A_789 = arith.constant 0 : i32
        %dma_start3A_790 = arith.constant 0 : i32
        %dma_start3A_791 = tpu.memref_slice %arg2[%dma_start3A_789, %dma_start3A_790] : memref<10000x128xf32, #tpu.memory_space<hbm>> -> memref<10000x128xf32, #tpu.memory_space<hbm>>
        tpu.enqueue_indirect_dma source(%dma_start3A_791 : memref<10000x128xf32, #tpu.memory_space<hbm>>) target(%dma_start3A_783 : memref<64x128xf32, #tpu.memory_space<vmem>>) offsets(%dma_start3A_788 : memref<64xi32, #tpu.memory_space<vmem>>) semaphore(%arg14 : memref<!tpu.dma_semaphore, #tpu.memory_space<semaphore_mem>>)
        %dma_start3A_792 = arith.constant 64 : i32
        %dma_start3A_793 = arith.constant 0 : i32
        %dma_start3A_794 = tpu.memref_slice %arg11[%dma_start3A_792, %dma_start3A_793] : memref<128x128xf32, #tpu.memory_space<vmem>> -> memref<64x128xf32, #tpu.memory_space<vmem>>
        %dma_start3A_795 = arith.constant 0 : i32
        %dma_start3A_796 = tpu.memref_slice %arg8[%cond3A_85, %dma_start3A_795] : memref<8x128xi32, #tpu.memory_space<vmem>> -> memref<1x128xi32, #tpu.memory_space<vmem>>
        %dma_start3A_797 = tpu.memref_squeeze %dma_start3A_796 : memref<1x128xi32, #tpu.memory_space<vmem>> -> memref<128xi32, #tpu.memory_space<vmem>>
        %dma_start3A_798 = arith.constant 64 : i32
        %dma_start3A_799 = tpu.memref_slice %dma_start3A_797[%dma_start3A_798] : memref<128xi32, #tpu.memory_space<vmem>> -> memref<64xi32, #tpu.memory_space<vmem>>
        %dma_start3A_800 = arith.constant 0 : i32
        %dma_start3A_801 = arith.constant 0 : i32
        %dma_start3A_802 = tpu.memref_slice %arg2[%dma_start3A_800, %dma_start3A_801] : memref<10000x128xf32, #tpu.memory_space<hbm>> -> memref<10000x128xf32, #tpu.memory_space<hbm>>
        tpu.enqueue_indirect_dma source(%dma_start3A_802 : memref<10000x128xf32, #tpu.memory_space<hbm>>) target(%dma_start3A_794 : memref<64x128xf32, #tpu.memory_space<vmem>>) offsets(%dma_start3A_799 : memref<64xi32, #tpu.memory_space<vmem>>) semaphore(%arg14 : memref<!tpu.dma_semaphore, #tpu.memory_space<semaphore_mem>>)
      } else {
      }
      %mul3A_88 = arith.constant 16 : i32
      %mul3A_89 = arith.muli %scan3A_51, %mul3A_88 : i32
      %add3A_90 = arith.constant 1 : i32
      %add3A_91 = arith.addi %mul3A_89, %add3A_90 : i32
      %dma_wait3A_92 = arith.constant 0 : i32
      %dma_wait3A_93 = arith.constant 0 : i32
      %dma_wait3A_94 = tpu.memref_slice %arg2[%dma_wait3A_92, %dma_wait3A_93] : memref<10000x128xf32, #tpu.memory_space<hbm>> -> memref<128x128xf32, #tpu.memory_space<hbm>>
      %dma_wait3A_95 = arith.constant 0 : i32
      %dma_wait3A_96 = arith.constant 0 : i32
      %dma_wait3A_97 = tpu.memref_slice %arg2[%dma_wait3A_95, %dma_wait3A_96] : memref<10000x128xf32, #tpu.memory_space<hbm>> -> memref<128x128xf32, #tpu.memory_space<hbm>>
      tpu.wait_dma2 semaphore(%arg14 : memref<!tpu.dma_semaphore, #tpu.memory_space<semaphore_mem>>) src(%dma_wait3A_97 : memref<128x128xf32, #tpu.memory_space<hbm>>) dst(%arg11 : memref<128x128xf32, #tpu.memory_space<vmem>>)
      %dma_start3A_98 = arith.constant 0 : i32
      %dma_start3A_99 = tpu.memref_slice %arg7[%add3A_91, %dma_start3A_98] : memref<80x128xi32, #tpu.memory_space<vmem>> -> memref<1x128xi32, #tpu.memory_space<vmem>>
      %dma_start3A_100 = tpu.memref_squeeze %dma_start3A_99 : memref<1x128xi32, #tpu.memory_space<vmem>> -> memref<128xi32, #tpu.memory_space<vmem>>
      %dma_start3A_101 = arith.constant 0 : i32
      %dma_start3A_102 = arith.constant 0 : i32
      %dma_start3A_103 = tpu.memref_slice %arg12[%dma_start3A_101, %dma_start3A_102] : memref<10112x128xf32, #tpu.memory_space<vmem_shared>> -> memref<10112x128xf32, #tpu.memory_space<vmem_shared>>
      tpu.enqueue_indirect_dma source(%arg11 : memref<128x128xf32, #tpu.memory_space<vmem>>) target(%dma_start3A_103 : memref<10112x128xf32, #tpu.memory_space<vmem_shared>>) offsets(%dma_start3A_100 : memref<128xi32, #tpu.memory_space<vmem>>) semaphore(%arg16 : memref<!tpu.dma_semaphore, #tpu.memory_space<semaphore_mem>>) {add = true}
      %dma_wait3A_104 = arith.constant 0 : i32
      %dma_wait3A_105 = arith.constant 0 : i32
      %dma_wait3A_106 = tpu.memref_slice %arg7[%dma_wait3A_104, %dma_wait3A_105] : memref<80x128xi32, #tpu.memory_space<vmem>> -> memref<1x128xi32, #tpu.memory_space<vmem>>
      %dma_wait3A_107 = tpu.memref_squeeze %dma_wait3A_106 : memref<1x128xi32, #tpu.memory_space<vmem>> -> memref<128xi32, #tpu.memory_space<vmem>>
      %dma_wait3A_108 = arith.constant 0 : i32
      %dma_wait3A_109 = arith.constant 0 : i32
      %dma_wait3A_110 = tpu.memref_slice %arg12[%dma_wait3A_108, %dma_wait3A_109] : memref<10112x128xf32, #tpu.memory_space<vmem_shared>> -> memref<10112x128xf32, #tpu.memory_space<vmem_shared>>
      tpu.wait_indirect_dma semaphore(%arg15 : memref<!tpu.dma_semaphore, #tpu.memory_space<semaphore_mem>>) src(%arg10 : memref<128x128xf32, #tpu.memory_space<vmem>>) dst(%dma_wait3A_110 : memref<10112x128xf32, #tpu.memory_space<vmem_shared>>)
      %dma_start3A_111 = arith.constant 2 : i32
      %dma_start3A_112 = arith.constant 0 : i32
      %dma_start3A_113 = arith.constant 0 : i32
      %dma_start3A_114 = tpu.memref_slice %arg10[%dma_start3A_112, %dma_start3A_113] : memref<128x128xf32, #tpu.memory_space<vmem>> -> memref<64x128xf32, #tpu.memory_space<vmem>>
      %dma_start3A_115 = arith.constant 0 : i32
      %dma_start3A_116 = tpu.memref_slice %arg8[%dma_start3A_111, %dma_start3A_115] : memref<8x128xi32, #tpu.memory_space<vmem>> -> memref<1x128xi32, #tpu.memory_space<vmem>>
      %dma_start3A_117 = tpu.memref_squeeze %dma_start3A_116 : memref<1x128xi32, #tpu.memory_space<vmem>> -> memref<128xi32, #tpu.memory_space<vmem>>
      %dma_start3A_118 = arith.constant 0 : i32
      %dma_start3A_119 = tpu.memref_slice %dma_start3A_117[%dma_start3A_118] : memref<128xi32, #tpu.memory_space<vmem>> -> memref<64xi32, #tpu.memory_space<vmem>>
      %dma_start3A_120 = arith.constant 0 : i32
      %dma_start3A_121 = arith.constant 0 : i32
      %dma_start3A_122 = tpu.memref_slice %arg2[%dma_start3A_120, %dma_start3A_121] : memref<10000x128xf32, #tpu.memory_space<hbm>> -> memref<10000x128xf32, #tpu.memory_space<hbm>>
      tpu.enqueue_indirect_dma source(%dma_start3A_122 : memref<10000x128xf32, #tpu.memory_space<hbm>>) target(%dma_start3A_114 : memref<64x128xf32, #tpu.memory_space<vmem>>) offsets(%dma_start3A_119 : memref<64xi32, #tpu.memory_space<vmem>>) semaphore(%arg13 : memref<!tpu.dma_semaphore, #tpu.memory_space<semaphore_mem>>)
      %dma_start3A_123 = arith.constant 2 : i32
      %dma_start3A_124 = arith.constant 64 : i32
      %dma_start3A_125 = arith.constant 0 : i32
      %dma_start3A_126 = tpu.memref_slice %arg10[%dma_start3A_124, %dma_start3A_125] : memref<128x128xf32, #tpu.memory_space<vmem>> -> memref<64x128xf32, #tpu.memory_space<vmem>>
      %dma_start3A_127 = arith.constant 0 : i32
      %dma_start3A_128 = tpu.memref_slice %arg8[%dma_start3A_123, %dma_start3A_127] : memref<8x128xi32, #tpu.memory_space<vmem>> -> memref<1x128xi32, #tpu.memory_space<vmem>>
      %dma_start3A_129 = tpu.memref_squeeze %dma_start3A_128 : memref<1x128xi32, #tpu.memory_space<vmem>> -> memref<128xi32, #tpu.memory_space<vmem>>
      %dma_start3A_130 = arith.constant 64 : i32
      %dma_start3A_131 = tpu.memref_slice %dma_start3A_129[%dma_start3A_130] : memref<128xi32, #tpu.memory_space<vmem>> -> memref<64xi32, #tpu.memory_space<vmem>>
      %dma_start3A_132 = arith.constant 0 : i32
      %dma_start3A_133 = arith.constant 0 : i32
      %dma_start3A_134 = tpu.memref_slice %arg2[%dma_start3A_132, %dma_start3A_133] : memref<10000x128xf32, #tpu.memory_space<hbm>> -> memref<10000x128xf32, #tpu.memory_space<hbm>>
      tpu.enqueue_indirect_dma source(%dma_start3A_134 : memref<10000x128xf32, #tpu.memory_space<hbm>>) target(%dma_start3A_126 : memref<64x128xf32, #tpu.memory_space<vmem>>) offsets(%dma_start3A_131 : memref<64xi32, #tpu.memory_space<vmem>>) semaphore(%arg13 : memref<!tpu.dma_semaphore, #tpu.memory_space<semaphore_mem>>)
      %mul3A_135 = arith.constant 16 : i32
      %mul3A_136 = arith.muli %scan3A_51, %mul3A_135 : i32
      %add3A_137 = arith.constant 2 : i32
      %add3A_138 = arith.addi %mul3A_136, %add3A_137 : i32
      %dma_wait3A_139 = arith.constant 0 : i32
      %dma_wait3A_140 = arith.constant 0 : i32
      %dma_wait3A_141 = tpu.memref_slice %arg2[%dma_wait3A_139, %dma_wait3A_140] : memref<10000x128xf32, #tpu.memory_space<hbm>> -> memref<128x128xf32, #tpu.memory_space<hbm>>
      %dma_wait3A_142 = arith.constant 0 : i32
      %dma_wait3A_143 = arith.constant 0 : i32
      %dma_wait3A_144 = tpu.memref_slice %arg2[%dma_wait3A_142, %dma_wait3A_143] : memref<10000x128xf32, #tpu.memory_space<hbm>> -> memref<128x128xf32, #tpu.memory_space<hbm>>
      tpu.wait_dma2 semaphore(%arg13 : memref<!tpu.dma_semaphore, #tpu.memory_space<semaphore_mem>>) src(%dma_wait3A_144 : memref<128x128xf32, #tpu.memory_space<hbm>>) dst(%arg10 : memref<128x128xf32, #tpu.memory_space<vmem>>)
      %dma_start3A_145 = arith.constant 0 : i32
      %dma_start3A_146 = tpu.memref_slice %arg7[%add3A_138, %dma_start3A_145] : memref<80x128xi32, #tpu.memory_space<vmem>> -> memref<1x128xi32, #tpu.memory_space<vmem>>
      %dma_start3A_147 = tpu.memref_squeeze %dma_start3A_146 : memref<1x128xi32, #tpu.memory_space<vmem>> -> memref<128xi32, #tpu.memory_space<vmem>>
      %dma_start3A_148 = arith.constant 0 : i32
      %dma_start3A_149 = arith.constant 0 : i32
      %dma_start3A_150 = tpu.memref_slice %arg12[%dma_start3A_148, %dma_start3A_149] : memref<10112x128xf32, #tpu.memory_space<vmem_shared>> -> memref<10112x128xf32, #tpu.memory_space<vmem_shared>>
      tpu.enqueue_indirect_dma source(%arg10 : memref<128x128xf32, #tpu.memory_space<vmem>>) target(%dma_start3A_150 : memref<10112x128xf32, #tpu.memory_space<vmem_shared>>) offsets(%dma_start3A_147 : memref<128xi32, #tpu.memory_space<vmem>>) semaphore(%arg15 : memref<!tpu.dma_semaphore, #tpu.memory_space<semaphore_mem>>) {add = true}
      %dma_wait3A_151 = arith.constant 0 : i32
      %dma_wait3A_152 = arith.constant 0 : i32
      %dma_wait3A_153 = tpu.memref_slice %arg7[%dma_wait3A_151, %dma_wait3A_152] : memref<80x128xi32, #tpu.memory_space<vmem>> -> memref<1x128xi32, #tpu.memory_space<vmem>>
      %dma_wait3A_154 = tpu.memref_squeeze %dma_wait3A_153 : memref<1x128xi32, #tpu.memory_space<vmem>> -> memref<128xi32, #tpu.memory_space<vmem>>
      %dma_wait3A_155 = arith.constant 0 : i32
      %dma_wait3A_156 = arith.constant 0 : i32
      %dma_wait3A_157 = tpu.memref_slice %arg12[%dma_wait3A_155, %dma_wait3A_156] : memref<10112x128xf32, #tpu.memory_space<vmem_shared>> -> memref<10112x128xf32, #tpu.memory_space<vmem_shared>>
      tpu.wait_indirect_dma semaphore(%arg16 : memref<!tpu.dma_semaphore, #tpu.memory_space<semaphore_mem>>) src(%arg10 : memref<128x128xf32, #tpu.memory_space<vmem>>) dst(%dma_wait3A_157 : memref<10112x128xf32, #tpu.memory_space<vmem_shared>>)
      %dma_start3A_158 = arith.constant 3 : i32
      %dma_start3A_159 = arith.constant 0 : i32
      %dma_start3A_160 = arith.constant 0 : i32
      %dma_start3A_161 = tpu.memref_slice %arg11[%dma_start3A_159, %dma_start3A_160] : memref<128x128xf32, #tpu.memory_space<vmem>> -> memref<64x128xf32, #tpu.memory_space<vmem>>
      %dma_start3A_162 = arith.constant 0 : i32
      %dma_start3A_163 = tpu.memref_slice %arg8[%dma_start3A_158, %dma_start3A_162] : memref<8x128xi32, #tpu.memory_space<vmem>> -> memref<1x128xi32, #tpu.memory_space<vmem>>
      %dma_start3A_164 = tpu.memref_squeeze %dma_start3A_163 : memref<1x128xi32, #tpu.memory_space<vmem>> -> memref<128xi32, #tpu.memory_space<vmem>>
      %dma_start3A_165 = arith.constant 0 : i32
      %dma_start3A_166 = tpu.memref_slice %dma_start3A_164[%dma_start3A_165] : memref<128xi32, #tpu.memory_space<vmem>> -> memref<64xi32, #tpu.memory_space<vmem>>
      %dma_start3A_167 = arith.constant 0 : i32
      %dma_start3A_168 = arith.constant 0 : i32
      %dma_start3A_169 = tpu.memref_slice %arg2[%dma_start3A_167, %dma_start3A_168] : memref<10000x128xf32, #tpu.memory_space<hbm>> -> memref<10000x128xf32, #tpu.memory_space<hbm>>
      tpu.enqueue_indirect_dma source(%dma_start3A_169 : memref<10000x128xf32, #tpu.memory_space<hbm>>) target(%dma_start3A_161 : memref<64x128xf32, #tpu.memory_space<vmem>>) offsets(%dma_start3A_166 : memref<64xi32, #tpu.memory_space<vmem>>) semaphore(%arg14 : memref<!tpu.dma_semaphore, #tpu.memory_space<semaphore_mem>>)
      %dma_start3A_170 = arith.constant 3 : i32
      %dma_start3A_171 = arith.constant 64 : i32
      %dma_start3A_172 = arith.constant 0 : i32
      %dma_start3A_173 = tpu.memref_slice %arg11[%dma_start3A_171, %dma_start3A_172] : memref<128x128xf32, #tpu.memory_space<vmem>> -> memref<64x128xf32, #tpu.memory_space<vmem>>
      %dma_start3A_174 = arith.constant 0 : i32
      %dma_start3A_175 = tpu.memref_slice %arg8[%dma_start3A_170, %dma_start3A_174] : memref<8x128xi32, #tpu.memory_space<vmem>> -> memref<1x128xi32, #tpu.memory_space<vmem>>
      %dma_start3A_176 = tpu.memref_squeeze %dma_start3A_175 : memref<1x128xi32, #tpu.memory_space<vmem>> -> memref<128xi32, #tpu.memory_space<vmem>>
      %dma_start3A_177 = arith.constant 64 : i32
      %dma_start3A_178 = tpu.memref_slice %dma_start3A_176[%dma_start3A_177] : memref<128xi32, #tpu.memory_space<vmem>> -> memref<64xi32, #tpu.memory_space<vmem>>
      %dma_start3A_179 = arith.constant 0 : i32
      %dma_start3A_180 = arith.constant 0 : i32
      %dma_start3A_181 = tpu.memref_slice %arg2[%dma_start3A_179, %dma_start3A_180] : memref<10000x128xf32, #tpu.memory_space<hbm>> -> memref<10000x128xf32, #tpu.memory_space<hbm>>
      tpu.enqueue_indirect_dma source(%dma_start3A_181 : memref<10000x128xf32, #tpu.memory_space<hbm>>) target(%dma_start3A_173 : memref<64x128xf32, #tpu.memory_space<vmem>>) offsets(%dma_start3A_178 : memref<64xi32, #tpu.memory_space<vmem>>) semaphore(%arg14 : memref<!tpu.dma_semaphore, #tpu.memory_space<semaphore_mem>>)
      %mul3A_182 = arith.constant 16 : i32
      %mul3A_183 = arith.muli %scan3A_51, %mul3A_182 : i32
      %add3A_184 = arith.constant 3 : i32
      %add3A_185 = arith.addi %mul3A_183, %add3A_184 : i32
      %dma_wait3A_186 = arith.constant 0 : i32
      %dma_wait3A_187 = arith.constant 0 : i32
      %dma_wait3A_188 = tpu.memref_slice %arg2[%dma_wait3A_186, %dma_wait3A_187] : memref<10000x128xf32, #tpu.memory_space<hbm>> -> memref<128x128xf32, #tpu.memory_space<hbm>>
      %dma_wait3A_189 = arith.constant 0 : i32
      %dma_wait3A_190 = arith.constant 0 : i32
      %dma_wait3A_191 = tpu.memref_slice %arg2[%dma_wait3A_189, %dma_wait3A_190] : memref<10000x128xf32, #tpu.memory_space<hbm>> -> memref<128x128xf32, #tpu.memory_space<hbm>>
      tpu.wait_dma2 semaphore(%arg14 : memref<!tpu.dma_semaphore, #tpu.memory_space<semaphore_mem>>) src(%dma_wait3A_191 : memref<128x128xf32, #tpu.memory_space<hbm>>) dst(%arg11 : memref<128x128xf32, #tpu.memory_space<vmem>>)
      %dma_start3A_192 = arith.constant 0 : i32
      %dma_start3A_193 = tpu.memref_slice %arg7[%add3A_185, %dma_start3A_192] : memref<80x128xi32, #tpu.memory_space<vmem>> -> memref<1x128xi32, #tpu.memory_space<vmem>>
      %dma_start3A_194 = tpu.memref_squeeze %dma_start3A_193 : memref<1x128xi32, #tpu.memory_space<vmem>> -> memref<128xi32, #tpu.memory_space<vmem>>
      %dma_start3A_195 = arith.constant 0 : i32
      %dma_start3A_196 = arith.constant 0 : i32
      %dma_start3A_197 = tpu.memref_slice %arg12[%dma_start3A_195, %dma_start3A_196] : memref<10112x128xf32, #tpu.memory_space<vmem_shared>> -> memref<10112x128xf32, #tpu.memory_space<vmem_shared>>
      tpu.enqueue_indirect_dma source(%arg11 : memref<128x128xf32, #tpu.memory_space<vmem>>) target(%dma_start3A_197 : memref<10112x128xf32, #tpu.memory_space<vmem_shared>>) offsets(%dma_start3A_194 : memref<128xi32, #tpu.memory_space<vmem>>) semaphore(%arg16 : memref<!tpu.dma_semaphore, #tpu.memory_space<semaphore_mem>>) {add = true}
      %dma_wait3A_198 = arith.constant 0 : i32
      %dma_wait3A_199 = arith.constant 0 : i32
      %dma_wait3A_200 = tpu.memref_slice %arg7[%dma_wait3A_198, %dma_wait3A_199] : memref<80x128xi32, #tpu.memory_space<vmem>> -> memref<1x128xi32, #tpu.memory_space<vmem>>
      %dma_wait3A_201 = tpu.memref_squeeze %dma_wait3A_200 : memref<1x128xi32, #tpu.memory_space<vmem>> -> memref<128xi32, #tpu.memory_space<vmem>>
      %dma_wait3A_202 = arith.constant 0 : i32
      %dma_wait3A_203 = arith.constant 0 : i32
      %dma_wait3A_204 = tpu.memref_slice %arg12[%dma_wait3A_202, %dma_wait3A_203] : memref<10112x128xf32, #tpu.memory_space<vmem_shared>> -> memref<10112x128xf32, #tpu.memory_space<vmem_shared>>
      tpu.wait_indirect_dma semaphore(%arg15 : memref<!tpu.dma_semaphore, #tpu.memory_space<semaphore_mem>>) src(%arg10 : memref<128x128xf32, #tpu.memory_space<vmem>>) dst(%dma_wait3A_204 : memref<10112x128xf32, #tpu.memory_space<vmem_shared>>)
      %dma_start3A_205 = arith.constant 4 : i32
      %dma_start3A_206 = arith.constant 0 : i32
      %dma_start3A_207 = arith.constant 0 : i32
      %dma_start3A_208 = tpu.memref_slice %arg10[%dma_start3A_206, %dma_start3A_207] : memref<128x128xf32, #tpu.memory_space<vmem>> -> memref<64x128xf32, #tpu.memory_space<vmem>>
      %dma_start3A_209 = arith.constant 0 : i32
      %dma_start3A_210 = tpu.memref_slice %arg8[%dma_start3A_205, %dma_start3A_209] : memref<8x128xi32, #tpu.memory_space<vmem>> -> memref<1x128xi32, #tpu.memory_space<vmem>>
      %dma_start3A_211 = tpu.memref_squeeze %dma_start3A_210 : memref<1x128xi32, #tpu.memory_space<vmem>> -> memref<128xi32, #tpu.memory_space<vmem>>
      %dma_start3A_212 = arith.constant 0 : i32
      %dma_start3A_213 = tpu.memref_slice %dma_start3A_211[%dma_start3A_212] : memref<128xi32, #tpu.memory_space<vmem>> -> memref<64xi32, #tpu.memory_space<vmem>>
      %dma_start3A_214 = arith.constant 0 : i32
      %dma_start3A_215 = arith.constant 0 : i32
      %dma_start3A_216 = tpu.memref_slice %arg2[%dma_start3A_214, %dma_start3A_215] : memref<10000x128xf32, #tpu.memory_space<hbm>> -> memref<10000x128xf32, #tpu.memory_space<hbm>>
      tpu.enqueue_indirect_dma source(%dma_start3A_216 : memref<10000x128xf32, #tpu.memory_space<hbm>>) target(%dma_start3A_208 : memref<64x128xf32, #tpu.memory_space<vmem>>) offsets(%dma_start3A_213 : memref<64xi32, #tpu.memory_space<vmem>>) semaphore(%arg13 : memref<!tpu.dma_semaphore, #tpu.memory_space<semaphore_mem>>)
      %dma_start3A_217 = arith.constant 4 : i32
      %dma_start3A_218 = arith.constant 64 : i32
      %dma_start3A_219 = arith.constant 0 : i32
      %dma_start3A_220 = tpu.memref_slice %arg10[%dma_start3A_218, %dma_start3A_219] : memref<128x128xf32, #tpu.memory_space<vmem>> -> memref<64x128xf32, #tpu.memory_space<vmem>>
      %dma_start3A_221 = arith.constant 0 : i32
      %dma_start3A_222 = tpu.memref_slice %arg8[%dma_start3A_217, %dma_start3A_221] : memref<8x128xi32, #tpu.memory_space<vmem>> -> memref<1x128xi32, #tpu.memory_space<vmem>>
      %dma_start3A_223 = tpu.memref_squeeze %dma_start3A_222 : memref<1x128xi32, #tpu.memory_space<vmem>> -> memref<128xi32, #tpu.memory_space<vmem>>
      %dma_start3A_224 = arith.constant 64 : i32
      %dma_start3A_225 = tpu.memref_slice %dma_start3A_223[%dma_start3A_224] : memref<128xi32, #tpu.memory_space<vmem>> -> memref<64xi32, #tpu.memory_space<vmem>>
      %dma_start3A_226 = arith.constant 0 : i32
      %dma_start3A_227 = arith.constant 0 : i32
      %dma_start3A_228 = tpu.memref_slice %arg2[%dma_start3A_226, %dma_start3A_227] : memref<10000x128xf32, #tpu.memory_space<hbm>> -> memref<10000x128xf32, #tpu.memory_space<hbm>>
      tpu.enqueue_indirect_dma source(%dma_start3A_228 : memref<10000x128xf32, #tpu.memory_space<hbm>>) target(%dma_start3A_220 : memref<64x128xf32, #tpu.memory_space<vmem>>) offsets(%dma_start3A_225 : memref<64xi32, #tpu.memory_space<vmem>>) semaphore(%arg13 : memref<!tpu.dma_semaphore, #tpu.memory_space<semaphore_mem>>)
      %mul3A_229 = arith.constant 16 : i32
      %mul3A_230 = arith.muli %scan3A_51, %mul3A_229 : i32
      %add3A_231 = arith.constant 4 : i32
      %add3A_232 = arith.addi %mul3A_230, %add3A_231 : i32
      %dma_wait3A_233 = arith.constant 0 : i32
      %dma_wait3A_234 = arith.constant 0 : i32
      %dma_wait3A_235 = tpu.memref_slice %arg2[%dma_wait3A_233, %dma_wait3A_234] : memref<10000x128xf32, #tpu.memory_space<hbm>> -> memref<128x128xf32, #tpu.memory_space<hbm>>
      %dma_wait3A_236 = arith.constant 0 : i32
      %dma_wait3A_237 = arith.constant 0 : i32
      %dma_wait3A_238 = tpu.memref_slice %arg2[%dma_wait3A_236, %dma_wait3A_237] : memref<10000x128xf32, #tpu.memory_space<hbm>> -> memref<128x128xf32, #tpu.memory_space<hbm>>
      tpu.wait_dma2 semaphore(%arg13 : memref<!tpu.dma_semaphore, #tpu.memory_space<semaphore_mem>>) src(%dma_wait3A_238 : memref<128x128xf32, #tpu.memory_space<hbm>>) dst(%arg10 : memref<128x128xf32, #tpu.memory_space<vmem>>)
      %dma_start3A_239 = arith.constant 0 : i32
      %dma_start3A_240 = tpu.memref_slice %arg7[%add3A_232, %dma_start3A_239] : memref<80x128xi32, #tpu.memory_space<vmem>> -> memref<1x128xi32, #tpu.memory_space<vmem>>
      %dma_start3A_241 = tpu.memref_squeeze %dma_start3A_240 : memref<1x128xi32, #tpu.memory_space<vmem>> -> memref<128xi32, #tpu.memory_space<vmem>>
      %dma_start3A_242 = arith.constant 0 : i32
      %dma_start3A_243 = arith.constant 0 : i32
      %dma_start3A_244 = tpu.memref_slice %arg12[%dma_start3A_242, %dma_start3A_243] : memref<10112x128xf32, #tpu.memory_space<vmem_shared>> -> memref<10112x128xf32, #tpu.memory_space<vmem_shared>>
      tpu.enqueue_indirect_dma source(%arg10 : memref<128x128xf32, #tpu.memory_space<vmem>>) target(%dma_start3A_244 : memref<10112x128xf32, #tpu.memory_space<vmem_shared>>) offsets(%dma_start3A_241 : memref<128xi32, #tpu.memory_space<vmem>>) semaphore(%arg15 : memref<!tpu.dma_semaphore, #tpu.memory_space<semaphore_mem>>) {add = true}
      %dma_wait3A_245 = arith.constant 0 : i32
      %dma_wait3A_246 = arith.constant 0 : i32
      %dma_wait3A_247 = tpu.memref_slice %arg7[%dma_wait3A_245, %dma_wait3A_246] : memref<80x128xi32, #tpu.memory_space<vmem>> -> memref<1x128xi32, #tpu.memory_space<vmem>>
      %dma_wait3A_248 = tpu.memref_squeeze %dma_wait3A_247 : memref<1x128xi32, #tpu.memory_space<vmem>> -> memref<128xi32, #tpu.memory_space<vmem>>
      %dma_wait3A_249 = arith.constant 0 : i32
      %dma_wait3A_250 = arith.constant 0 : i32
      %dma_wait3A_251 = tpu.memref_slice %arg12[%dma_wait3A_249, %dma_wait3A_250] : memref<10112x128xf32, #tpu.memory_space<vmem_shared>> -> memref<10112x128xf32, #tpu.memory_space<vmem_shared>>
      tpu.wait_indirect_dma semaphore(%arg16 : memref<!tpu.dma_semaphore, #tpu.memory_space<semaphore_mem>>) src(%arg10 : memref<128x128xf32, #tpu.memory_space<vmem>>) dst(%dma_wait3A_251 : memref<10112x128xf32, #tpu.memory_space<vmem_shared>>)
      %dma_start3A_252 = arith.constant 5 : i32
      %dma_start3A_253 = arith.constant 0 : i32
      %dma_start3A_254 = arith.constant 0 : i32
      %dma_start3A_255 = tpu.memref_slice %arg11[%dma_start3A_253, %dma_start3A_254] : memref<128x128xf32, #tpu.memory_space<vmem>> -> memref<64x128xf32, #tpu.memory_space<vmem>>
      %dma_start3A_256 = arith.constant 0 : i32
      %dma_start3A_257 = tpu.memref_slice %arg8[%dma_start3A_252, %dma_start3A_256] : memref<8x128xi32, #tpu.memory_space<vmem>> -> memref<1x128xi32, #tpu.memory_space<vmem>>
      %dma_start3A_258 = tpu.memref_squeeze %dma_start3A_257 : memref<1x128xi32, #tpu.memory_space<vmem>> -> memref<128xi32, #tpu.memory_space<vmem>>
      %dma_start3A_259 = arith.constant 0 : i32
      %dma_start3A_260 = tpu.memref_slice %dma_start3A_258[%dma_start3A_259] : memref<128xi32, #tpu.memory_space<vmem>> -> memref<64xi32, #tpu.memory_space<vmem>>
      %dma_start3A_261 = arith.constant 0 : i32
      %dma_start3A_262 = arith.constant 0 : i32
      %dma_start3A_263 = tpu.memref_slice %arg2[%dma_start3A_261, %dma_start3A_262] : memref<10000x128xf32, #tpu.memory_space<hbm>> -> memref<10000x128xf32, #tpu.memory_space<hbm>>
      tpu.enqueue_indirect_dma source(%dma_start3A_263 : memref<10000x128xf32, #tpu.memory_space<hbm>>) target(%dma_start3A_255 : memref<64x128xf32, #tpu.memory_space<vmem>>) offsets(%dma_start3A_260 : memref<64xi32, #tpu.memory_space<vmem>>) semaphore(%arg14 : memref<!tpu.dma_semaphore, #tpu.memory_space<semaphore_mem>>)
      %dma_start3A_264 = arith.constant 5 : i32
      %dma_start3A_265 = arith.constant 64 : i32
      %dma_start3A_266 = arith.constant 0 : i32
      %dma_start3A_267 = tpu.memref_slice %arg11[%dma_start3A_265, %dma_start3A_266] : memref<128x128xf32, #tpu.memory_space<vmem>> -> memref<64x128xf32, #tpu.memory_space<vmem>>
      %dma_start3A_268 = arith.constant 0 : i32
      %dma_start3A_269 = tpu.memref_slice %arg8[%dma_start3A_264, %dma_start3A_268] : memref<8x128xi32, #tpu.memory_space<vmem>> -> memref<1x128xi32, #tpu.memory_space<vmem>>
      %dma_start3A_270 = tpu.memref_squeeze %dma_start3A_269 : memref<1x128xi32, #tpu.memory_space<vmem>> -> memref<128xi32, #tpu.memory_space<vmem>>
      %dma_start3A_271 = arith.constant 64 : i32
      %dma_start3A_272 = tpu.memref_slice %dma_start3A_270[%dma_start3A_271] : memref<128xi32, #tpu.memory_space<vmem>> -> memref<64xi32, #tpu.memory_space<vmem>>
      %dma_start3A_273 = arith.constant 0 : i32
      %dma_start3A_274 = arith.constant 0 : i32
      %dma_start3A_275 = tpu.memref_slice %arg2[%dma_start3A_273, %dma_start3A_274] : memref<10000x128xf32, #tpu.memory_space<hbm>> -> memref<10000x128xf32, #tpu.memory_space<hbm>>
      tpu.enqueue_indirect_dma source(%dma_start3A_275 : memref<10000x128xf32, #tpu.memory_space<hbm>>) target(%dma_start3A_267 : memref<64x128xf32, #tpu.memory_space<vmem>>) offsets(%dma_start3A_272 : memref<64xi32, #tpu.memory_space<vmem>>) semaphore(%arg14 : memref<!tpu.dma_semaphore, #tpu.memory_space<semaphore_mem>>)
      %mul3A_276 = arith.constant 16 : i32
      %mul3A_277 = arith.muli %scan3A_51, %mul3A_276 : i32
      %add3A_278 = arith.constant 5 : i32
      %add3A_279 = arith.addi %mul3A_277, %add3A_278 : i32
      %dma_wait3A_280 = arith.constant 0 : i32
      %dma_wait3A_281 = arith.constant 0 : i32
      %dma_wait3A_282 = tpu.memref_slice %arg2[%dma_wait3A_280, %dma_wait3A_281] : memref<10000x128xf32, #tpu.memory_space<hbm>> -> memref<128x128xf32, #tpu.memory_space<hbm>>
      %dma_wait3A_283 = arith.constant 0 : i32
      %dma_wait3A_284 = arith.constant 0 : i32
      %dma_wait3A_285 = tpu.memref_slice %arg2[%dma_wait3A_283, %dma_wait3A_284] : memref<10000x128xf32, #tpu.memory_space<hbm>> -> memref<128x128xf32, #tpu.memory_space<hbm>>
      tpu.wait_dma2 semaphore(%arg14 : memref<!tpu.dma_semaphore, #tpu.memory_space<semaphore_mem>>) src(%dma_wait3A_285 : memref<128x128xf32, #tpu.memory_space<hbm>>) dst(%arg11 : memref<128x128xf32, #tpu.memory_space<vmem>>)
      %dma_start3A_286 = arith.constant 0 : i32
      %dma_start3A_287 = tpu.memref_slice %arg7[%add3A_279, %dma_start3A_286] : memref<80x128xi32, #tpu.memory_space<vmem>> -> memref<1x128xi32, #tpu.memory_space<vmem>>
      %dma_start3A_288 = tpu.memref_squeeze %dma_start3A_287 : memref<1x128xi32, #tpu.memory_space<vmem>> -> memref<128xi32, #tpu.memory_space<vmem>>
      %dma_start3A_289 = arith.constant 0 : i32
      %dma_start3A_290 = arith.constant 0 : i32
      %dma_start3A_291 = tpu.memref_slice %arg12[%dma_start3A_289, %dma_start3A_290] : memref<10112x128xf32, #tpu.memory_space<vmem_shared>> -> memref<10112x128xf32, #tpu.memory_space<vmem_shared>>
      tpu.enqueue_indirect_dma source(%arg11 : memref<128x128xf32, #tpu.memory_space<vmem>>) target(%dma_start3A_291 : memref<10112x128xf32, #tpu.memory_space<vmem_shared>>) offsets(%dma_start3A_288 : memref<128xi32, #tpu.memory_space<vmem>>) semaphore(%arg16 : memref<!tpu.dma_semaphore, #tpu.memory_space<semaphore_mem>>) {add = true}
      %dma_wait3A_292 = arith.constant 0 : i32
      %dma_wait3A_293 = arith.constant 0 : i32
      %dma_wait3A_294 = tpu.memref_slice %arg7[%dma_wait3A_292, %dma_wait3A_293] : memref<80x128xi32, #tpu.memory_space<vmem>> -> memref<1x128xi32, #tpu.memory_space<vmem>>
      %dma_wait3A_295 = tpu.memref_squeeze %dma_wait3A_294 : memref<1x128xi32, #tpu.memory_space<vmem>> -> memref<128xi32, #tpu.memory_space<vmem>>
      %dma_wait3A_296 = arith.constant 0 : i32
      %dma_wait3A_297 = arith.constant 0 : i32
      %dma_wait3A_298 = tpu.memref_slice %arg12[%dma_wait3A_296, %dma_wait3A_297] : memref<10112x128xf32, #tpu.memory_space<vmem_shared>> -> memref<10112x128xf32, #tpu.memory_space<vmem_shared>>
      tpu.wait_indirect_dma semaphore(%arg15 : memref<!tpu.dma_semaphore, #tpu.memory_space<semaphore_mem>>) src(%arg10 : memref<128x128xf32, #tpu.memory_space<vmem>>) dst(%dma_wait3A_298 : memref<10112x128xf32, #tpu.memory_space<vmem_shared>>)
      %dma_start3A_299 = arith.constant 6 : i32
      %dma_start3A_300 = arith.constant 0 : i32
      %dma_start3A_301 = arith.constant 0 : i32
      %dma_start3A_302 = tpu.memref_slice %arg10[%dma_start3A_300, %dma_start3A_301] : memref<128x128xf32, #tpu.memory_space<vmem>> -> memref<64x128xf32, #tpu.memory_space<vmem>>
      %dma_start3A_303 = arith.constant 0 : i32
      %dma_start3A_304 = tpu.memref_slice %arg8[%dma_start3A_299, %dma_start3A_303] : memref<8x128xi32, #tpu.memory_space<vmem>> -> memref<1x128xi32, #tpu.memory_space<vmem>>
      %dma_start3A_305 = tpu.memref_squeeze %dma_start3A_304 : memref<1x128xi32, #tpu.memory_space<vmem>> -> memref<128xi32, #tpu.memory_space<vmem>>
      %dma_start3A_306 = arith.constant 0 : i32
      %dma_start3A_307 = tpu.memref_slice %dma_start3A_305[%dma_start3A_306] : memref<128xi32, #tpu.memory_space<vmem>> -> memref<64xi32, #tpu.memory_space<vmem>>
      %dma_start3A_308 = arith.constant 0 : i32
      %dma_start3A_309 = arith.constant 0 : i32
      %dma_start3A_310 = tpu.memref_slice %arg2[%dma_start3A_308, %dma_start3A_309] : memref<10000x128xf32, #tpu.memory_space<hbm>> -> memref<10000x128xf32, #tpu.memory_space<hbm>>
      tpu.enqueue_indirect_dma source(%dma_start3A_310 : memref<10000x128xf32, #tpu.memory_space<hbm>>) target(%dma_start3A_302 : memref<64x128xf32, #tpu.memory_space<vmem>>) offsets(%dma_start3A_307 : memref<64xi32, #tpu.memory_space<vmem>>) semaphore(%arg13 : memref<!tpu.dma_semaphore, #tpu.memory_space<semaphore_mem>>)
      %dma_start3A_311 = arith.constant 6 : i32
      %dma_start3A_312 = arith.constant 64 : i32
      %dma_start3A_313 = arith.constant 0 : i32
      %dma_start3A_314 = tpu.memref_slice %arg10[%dma_start3A_312, %dma_start3A_313] : memref<128x128xf32, #tpu.memory_space<vmem>> -> memref<64x128xf32, #tpu.memory_space<vmem>>
      %dma_start3A_315 = arith.constant 0 : i32
      %dma_start3A_316 = tpu.memref_slice %arg8[%dma_start3A_311, %dma_start3A_315] : memref<8x128xi32, #tpu.memory_space<vmem>> -> memref<1x128xi32, #tpu.memory_space<vmem>>
      %dma_start3A_317 = tpu.memref_squeeze %dma_start3A_316 : memref<1x128xi32, #tpu.memory_space<vmem>> -> memref<128xi32, #tpu.memory_space<vmem>>
      %dma_start3A_318 = arith.constant 64 : i32
      %dma_start3A_319 = tpu.memref_slice %dma_start3A_317[%dma_start3A_318] : memref<128xi32, #tpu.memory_space<vmem>> -> memref<64xi32, #tpu.memory_space<vmem>>
      %dma_start3A_320 = arith.constant 0 : i32
      %dma_start3A_321 = arith.constant 0 : i32
      %dma_start3A_322 = tpu.memref_slice %arg2[%dma_start3A_320, %dma_start3A_321] : memref<10000x128xf32, #tpu.memory_space<hbm>> -> memref<10000x128xf32, #tpu.memory_space<hbm>>
      tpu.enqueue_indirect_dma source(%dma_start3A_322 : memref<10000x128xf32, #tpu.memory_space<hbm>>) target(%dma_start3A_314 : memref<64x128xf32, #tpu.memory_space<vmem>>) offsets(%dma_start3A_319 : memref<64xi32, #tpu.memory_space<vmem>>) semaphore(%arg13 : memref<!tpu.dma_semaphore, #tpu.memory_space<semaphore_mem>>)
      %mul3A_323 = arith.constant 16 : i32
      %mul3A_324 = arith.muli %scan3A_51, %mul3A_323 : i32
      %add3A_325 = arith.constant 6 : i32
      %add3A_326 = arith.addi %mul3A_324, %add3A_325 : i32
      %dma_wait3A_327 = arith.constant 0 : i32
      %dma_wait3A_328 = arith.constant 0 : i32
      %dma_wait3A_329 = tpu.memref_slice %arg2[%dma_wait3A_327, %dma_wait3A_328] : memref<10000x128xf32, #tpu.memory_space<hbm>> -> memref<128x128xf32, #tpu.memory_space<hbm>>
      %dma_wait3A_330 = arith.constant 0 : i32
      %dma_wait3A_331 = arith.constant 0 : i32
      %dma_wait3A_332 = tpu.memref_slice %arg2[%dma_wait3A_330, %dma_wait3A_331] : memref<10000x128xf32, #tpu.memory_space<hbm>> -> memref<128x128xf32, #tpu.memory_space<hbm>>
      tpu.wait_dma2 semaphore(%arg13 : memref<!tpu.dma_semaphore, #tpu.memory_space<semaphore_mem>>) src(%dma_wait3A_332 : memref<128x128xf32, #tpu.memory_space<hbm>>) dst(%arg10 : memref<128x128xf32, #tpu.memory_space<vmem>>)
      %dma_start3A_333 = arith.constant 0 : i32
      %dma_start3A_334 = tpu.memref_slice %arg7[%add3A_326, %dma_start3A_333] : memref<80x128xi32, #tpu.memory_space<vmem>> -> memref<1x128xi32, #tpu.memory_space<vmem>>
      %dma_start3A_335 = tpu.memref_squeeze %dma_start3A_334 : memref<1x128xi32, #tpu.memory_space<vmem>> -> memref<128xi32, #tpu.memory_space<vmem>>
      %dma_start3A_336 = arith.constant 0 : i32
      %dma_start3A_337 = arith.constant 0 : i32
      %dma_start3A_338 = tpu.memref_slice %arg12[%dma_start3A_336, %dma_start3A_337] : memref<10112x128xf32, #tpu.memory_space<vmem_shared>> -> memref<10112x128xf32, #tpu.memory_space<vmem_shared>>
      tpu.enqueue_indirect_dma source(%arg10 : memref<128x128xf32, #tpu.memory_space<vmem>>) target(%dma_start3A_338 : memref<10112x128xf32, #tpu.memory_space<vmem_shared>>) offsets(%dma_start3A_335 : memref<128xi32, #tpu.memory_space<vmem>>) semaphore(%arg15 : memref<!tpu.dma_semaphore, #tpu.memory_space<semaphore_mem>>) {add = true}
      %dma_wait3A_339 = arith.constant 0 : i32
      %dma_wait3A_340 = arith.constant 0 : i32
      %dma_wait3A_341 = tpu.memref_slice %arg7[%dma_wait3A_339, %dma_wait3A_340] : memref<80x128xi32, #tpu.memory_space<vmem>> -> memref<1x128xi32, #tpu.memory_space<vmem>>
      %dma_wait3A_342 = tpu.memref_squeeze %dma_wait3A_341 : memref<1x128xi32, #tpu.memory_space<vmem>> -> memref<128xi32, #tpu.memory_space<vmem>>
      %dma_wait3A_343 = arith.constant 0 : i32
      %dma_wait3A_344 = arith.constant 0 : i32
      %dma_wait3A_345 = tpu.memref_slice %arg12[%dma_wait3A_343, %dma_wait3A_344] : memref<10112x128xf32, #tpu.memory_space<vmem_shared>> -> memref<10112x128xf32, #tpu.memory_space<vmem_shared>>
      tpu.wait_indirect_dma semaphore(%arg16 : memref<!tpu.dma_semaphore, #tpu.memory_space<semaphore_mem>>) src(%arg10 : memref<128x128xf32, #tpu.memory_space<vmem>>) dst(%dma_wait3A_345 : memref<10112x128xf32, #tpu.memory_space<vmem_shared>>)
      %dma_start3A_346 = arith.constant 7 : i32
      %dma_start3A_347 = arith.constant 0 : i32
      %dma_start3A_348 = arith.constant 0 : i32
      %dma_start3A_349 = tpu.memref_slice %arg11[%dma_start3A_347, %dma_start3A_348] : memref<128x128xf32, #tpu.memory_space<vmem>> -> memref<64x128xf32, #tpu.memory_space<vmem>>
      %dma_start3A_350 = arith.constant 0 : i32
      %dma_start3A_351 = tpu.memref_slice %arg8[%dma_start3A_346, %dma_start3A_350] : memref<8x128xi32, #tpu.memory_space<vmem>> -> memref<1x128xi32, #tpu.memory_space<vmem>>
      %dma_start3A_352 = tpu.memref_squeeze %dma_start3A_351 : memref<1x128xi32, #tpu.memory_space<vmem>> -> memref<128xi32, #tpu.memory_space<vmem>>
      %dma_start3A_353 = arith.constant 0 : i32
      %dma_start3A_354 = tpu.memref_slice %dma_start3A_352[%dma_start3A_353] : memref<128xi32, #tpu.memory_space<vmem>> -> memref<64xi32, #tpu.memory_space<vmem>>
      %dma_start3A_355 = arith.constant 0 : i32
      %dma_start3A_356 = arith.constant 0 : i32
      %dma_start3A_357 = tpu.memref_slice %arg2[%dma_start3A_355, %dma_start3A_356] : memref<10000x128xf32, #tpu.memory_space<hbm>> -> memref<10000x128xf32, #tpu.memory_space<hbm>>
      tpu.enqueue_indirect_dma source(%dma_start3A_357 : memref<10000x128xf32, #tpu.memory_space<hbm>>) target(%dma_start3A_349 : memref<64x128xf32, #tpu.memory_space<vmem>>) offsets(%dma_start3A_354 : memref<64xi32, #tpu.memory_space<vmem>>) semaphore(%arg14 : memref<!tpu.dma_semaphore, #tpu.memory_space<semaphore_mem>>)
      %dma_start3A_358 = arith.constant 7 : i32
      %dma_start3A_359 = arith.constant 64 : i32
      %dma_start3A_360 = arith.constant 0 : i32
      %dma_start3A_361 = tpu.memref_slice %arg11[%dma_start3A_359, %dma_start3A_360] : memref<128x128xf32, #tpu.memory_space<vmem>> -> memref<64x128xf32, #tpu.memory_space<vmem>>
      %dma_start3A_362 = arith.constant 0 : i32
      %dma_start3A_363 = tpu.memref_slice %arg8[%dma_start3A_358, %dma_start3A_362] : memref<8x128xi32, #tpu.memory_space<vmem>> -> memref<1x128xi32, #tpu.memory_space<vmem>>
      %dma_start3A_364 = tpu.memref_squeeze %dma_start3A_363 : memref<1x128xi32, #tpu.memory_space<vmem>> -> memref<128xi32, #tpu.memory_space<vmem>>
      %dma_start3A_365 = arith.constant 64 : i32
      %dma_start3A_366 = tpu.memref_slice %dma_start3A_364[%dma_start3A_365] : memref<128xi32, #tpu.memory_space<vmem>> -> memref<64xi32, #tpu.memory_space<vmem>>
      %dma_start3A_367 = arith.constant 0 : i32
      %dma_start3A_368 = arith.constant 0 : i32
      %dma_start3A_369 = tpu.memref_slice %arg2[%dma_start3A_367, %dma_start3A_368] : memref<10000x128xf32, #tpu.memory_space<hbm>> -> memref<10000x128xf32, #tpu.memory_space<hbm>>
      tpu.enqueue_indirect_dma source(%dma_start3A_369 : memref<10000x128xf32, #tpu.memory_space<hbm>>) target(%dma_start3A_361 : memref<64x128xf32, #tpu.memory_space<vmem>>) offsets(%dma_start3A_366 : memref<64xi32, #tpu.memory_space<vmem>>) semaphore(%arg14 : memref<!tpu.dma_semaphore, #tpu.memory_space<semaphore_mem>>)
      %mul3A_370 = arith.constant 16 : i32
      %mul3A_371 = arith.muli %scan3A_51, %mul3A_370 : i32
      %add3A_372 = arith.constant 7 : i32
      %add3A_373 = arith.addi %mul3A_371, %add3A_372 : i32
      %dma_wait3A_374 = arith.constant 0 : i32
      %dma_wait3A_375 = arith.constant 0 : i32
      %dma_wait3A_376 = tpu.memref_slice %arg2[%dma_wait3A_374, %dma_wait3A_375] : memref<10000x128xf32, #tpu.memory_space<hbm>> -> memref<128x128xf32, #tpu.memory_space<hbm>>
      %dma_wait3A_377 = arith.constant 0 : i32
      %dma_wait3A_378 = arith.constant 0 : i32
      %dma_wait3A_379 = tpu.memref_slice %arg2[%dma_wait3A_377, %dma_wait3A_378] : memref<10000x128xf32, #tpu.memory_space<hbm>> -> memref<128x128xf32, #tpu.memory_space<hbm>>
      tpu.wait_dma2 semaphore(%arg14 : memref<!tpu.dma_semaphore, #tpu.memory_space<semaphore_mem>>) src(%dma_wait3A_379 : memref<128x128xf32, #tpu.memory_space<hbm>>) dst(%arg11 : memref<128x128xf32, #tpu.memory_space<vmem>>)
      %dma_start3A_380 = arith.constant 0 : i32
      %dma_start3A_381 = tpu.memref_slice %arg7[%add3A_373, %dma_start3A_380] : memref<80x128xi32, #tpu.memory_space<vmem>> -> memref<1x128xi32, #tpu.memory_space<vmem>>
      %dma_start3A_382 = tpu.memref_squeeze %dma_start3A_381 : memref<1x128xi32, #tpu.memory_space<vmem>> -> memref<128xi32, #tpu.memory_space<vmem>>
      %dma_start3A_383 = arith.constant 0 : i32
      %dma_start3A_384 = arith.constant 0 : i32
      %dma_start3A_385 = tpu.memref_slice %arg12[%dma_start3A_383, %dma_start3A_384] : memref<10112x128xf32, #tpu.memory_space<vmem_shared>> -> memref<10112x128xf32, #tpu.memory_space<vmem_shared>>
      tpu.enqueue_indirect_dma source(%arg11 : memref<128x128xf32, #tpu.memory_space<vmem>>) target(%dma_start3A_385 : memref<10112x128xf32, #tpu.memory_space<vmem_shared>>) offsets(%dma_start3A_382 : memref<128xi32, #tpu.memory_space<vmem>>) semaphore(%arg16 : memref<!tpu.dma_semaphore, #tpu.memory_space<semaphore_mem>>) {add = true}
      %dma_wait3A_386 = arith.constant 0 : i32
      %dma_wait3A_387 = arith.constant 0 : i32
      %dma_wait3A_388 = arith.constant 0 : i32
      %dma_wait3A_389 = tpu.memref_slice %arg3[%dma_wait3A_386, %dma_wait3A_387, %dma_wait3A_388] : memref<32x80x128xi32, #tpu.memory_space<hbm>> -> memref<1x8x128xi32, #tpu.memory_space<hbm>>
      %dma_wait3A_390 = tpu.memref_squeeze %dma_wait3A_389 : memref<1x8x128xi32, #tpu.memory_space<hbm>> -> memref<8x128xi32, #tpu.memory_space<hbm>>
      %dma_wait3A_391 = arith.constant 0 : i32
      %dma_wait3A_392 = arith.constant 0 : i32
      %dma_wait3A_393 = tpu.memref_slice %arg3[%dma_wait3A_386, %dma_wait3A_391, %dma_wait3A_392] : memref<32x80x128xi32, #tpu.memory_space<hbm>> -> memref<1x8x128xi32, #tpu.memory_space<hbm>>
      %dma_wait3A_394 = tpu.memref_squeeze %dma_wait3A_393 : memref<1x8x128xi32, #tpu.memory_space<hbm>> -> memref<8x128xi32, #tpu.memory_space<hbm>>
      tpu.wait_dma2 semaphore(%arg18 : memref<!tpu.dma_semaphore, #tpu.memory_space<semaphore_mem>>) src(%dma_wait3A_394 : memref<8x128xi32, #tpu.memory_space<hbm>>) dst(%arg9 : memref<8x128xi32, #tpu.memory_space<vmem>>)
      %dma_wait3A_395 = arith.constant 0 : i32
      %dma_wait3A_396 = arith.constant 0 : i32
      %dma_wait3A_397 = tpu.memref_slice %arg7[%dma_wait3A_395, %dma_wait3A_396] : memref<80x128xi32, #tpu.memory_space<vmem>> -> memref<1x128xi32, #tpu.memory_space<vmem>>
      %dma_wait3A_398 = tpu.memref_squeeze %dma_wait3A_397 : memref<1x128xi32, #tpu.memory_space<vmem>> -> memref<128xi32, #tpu.memory_space<vmem>>
      %dma_wait3A_399 = arith.constant 0 : i32
      %dma_wait3A_400 = arith.constant 0 : i32
      %dma_wait3A_401 = tpu.memref_slice %arg12[%dma_wait3A_399, %dma_wait3A_400] : memref<10112x128xf32, #tpu.memory_space<vmem_shared>> -> memref<10112x128xf32, #tpu.memory_space<vmem_shared>>
      tpu.wait_indirect_dma semaphore(%arg15 : memref<!tpu.dma_semaphore, #tpu.memory_space<semaphore_mem>>) src(%arg10 : memref<128x128xf32, #tpu.memory_space<vmem>>) dst(%dma_wait3A_401 : memref<10112x128xf32, #tpu.memory_space<vmem_shared>>)
      %dma_start3A_402 = arith.constant 0 : i32
      %dma_start3A_403 = arith.constant 0 : i32
      %dma_start3A_404 = arith.constant 0 : i32
      %dma_start3A_405 = tpu.memref_slice %arg10[%dma_start3A_403, %dma_start3A_404] : memref<128x128xf32, #tpu.memory_space<vmem>> -> memref<64x128xf32, #tpu.memory_space<vmem>>
      %dma_start3A_406 = arith.constant 0 : i32
      %dma_start3A_407 = tpu.memref_slice %arg9[%dma_start3A_402, %dma_start3A_406] : memref<8x128xi32, #tpu.memory_space<vmem>> -> memref<1x128xi32, #tpu.memory_space<vmem>>
      %dma_start3A_408 = tpu.memref_squeeze %dma_start3A_407 : memref<1x128xi32, #tpu.memory_space<vmem>> -> memref<128xi32, #tpu.memory_space<vmem>>
      %dma_start3A_409 = arith.constant 0 : i32
      %dma_start3A_410 = tpu.memref_slice %dma_start3A_408[%dma_start3A_409] : memref<128xi32, #tpu.memory_space<vmem>> -> memref<64xi32, #tpu.memory_space<vmem>>
      %dma_start3A_411 = arith.constant 0 : i32
      %dma_start3A_412 = arith.constant 0 : i32
      %dma_start3A_413 = tpu.memref_slice %arg2[%dma_start3A_411, %dma_start3A_412] : memref<10000x128xf32, #tpu.memory_space<hbm>> -> memref<10000x128xf32, #tpu.memory_space<hbm>>
      tpu.enqueue_indirect_dma source(%dma_start3A_413 : memref<10000x128xf32, #tpu.memory_space<hbm>>) target(%dma_start3A_405 : memref<64x128xf32, #tpu.memory_space<vmem>>) offsets(%dma_start3A_410 : memref<64xi32, #tpu.memory_space<vmem>>) semaphore(%arg13 : memref<!tpu.dma_semaphore, #tpu.memory_space<semaphore_mem>>)
      %dma_start3A_414 = arith.constant 0 : i32
      %dma_start3A_415 = arith.constant 64 : i32
      %dma_start3A_416 = arith.constant 0 : i32
      %dma_start3A_417 = tpu.memref_slice %arg10[%dma_start3A_415, %dma_start3A_416] : memref<128x128xf32, #tpu.memory_space<vmem>> -> memref<64x128xf32, #tpu.memory_space<vmem>>
      %dma_start3A_418 = arith.constant 0 : i32
      %dma_start3A_419 = tpu.memref_slice %arg9[%dma_start3A_414, %dma_start3A_418] : memref<8x128xi32, #tpu.memory_space<vmem>> -> memref<1x128xi32, #tpu.memory_space<vmem>>
      %dma_start3A_420 = tpu.memref_squeeze %dma_start3A_419 : memref<1x128xi32, #tpu.memory_space<vmem>> -> memref<128xi32, #tpu.memory_space<vmem>>
      %dma_start3A_421 = arith.constant 64 : i32
      %dma_start3A_422 = tpu.memref_slice %dma_start3A_420[%dma_start3A_421] : memref<128xi32, #tpu.memory_space<vmem>> -> memref<64xi32, #tpu.memory_space<vmem>>
      %dma_start3A_423 = arith.constant 0 : i32
      %dma_start3A_424 = arith.constant 0 : i32
      %dma_start3A_425 = tpu.memref_slice %arg2[%dma_start3A_423, %dma_start3A_424] : memref<10000x128xf32, #tpu.memory_space<hbm>> -> memref<10000x128xf32, #tpu.memory_space<hbm>>
      tpu.enqueue_indirect_dma source(%dma_start3A_425 : memref<10000x128xf32, #tpu.memory_space<hbm>>) target(%dma_start3A_417 : memref<64x128xf32, #tpu.memory_space<vmem>>) offsets(%dma_start3A_422 : memref<64xi32, #tpu.memory_space<vmem>>) semaphore(%arg13 : memref<!tpu.dma_semaphore, #tpu.memory_space<semaphore_mem>>)
      %mul3A_426 = arith.constant 16 : i32
      %mul3A_427 = arith.muli %scan3A_51, %mul3A_426 : i32
      %add3A_428 = arith.constant 8 : i32
      %add3A_429 = arith.addi %mul3A_427, %add3A_428 : i32
      %lt3A = arith.constant 4 : i32
      %lt3A_430 = arith.cmpi slt, %scan3A_51, %lt3A : i32
      %convert_element_type3A_431 = arith.extui %lt3A_430 : i1 to i32
      %cond3A_432 = arith.constant 0 : i32
      %cond3A_433 = arith.cmpi ne, %convert_element_type3A_431, %cond3A_432 : i32
      scf.if %cond3A_433 {
        %mul3A_781 = arith.constant 2 : i32
        %mul3A_782 = arith.muli %scan3A_51, %mul3A_781 : i32
        %add3A_783 = arith.constant 2 : i32
        %add3A_784 = arith.addi %mul3A_782, %add3A_783 : i32
        %mul3A_785 = arith.constant 8 : i32
        %mul3A_786 = arith.muli %add3A_784, %mul3A_785 : i32
        %dma_start3A_787 = arith.constant 0 : i32
        %dma_start3A_788 = tpu.memref_slice %arg3[%add3A, %mul3A_786, %dma_start3A_787] : memref<32x80x128xi32, #tpu.memory_space<hbm>> -> memref<1x8x128xi32, #tpu.memory_space<hbm>>
        %dma_start3A_789 = tpu.memref_squeeze %dma_start3A_788 : memref<1x8x128xi32, #tpu.memory_space<hbm>> -> memref<8x128xi32, #tpu.memory_space<hbm>>
        %dma_start3A_790 = arith.constant 0 : i32
        %dma_start3A_791 = tpu.memref_slice %arg3[%add3A, %mul3A_786, %dma_start3A_790] : memref<32x80x128xi32, #tpu.memory_space<hbm>> -> memref<1x8x128xi32, #tpu.memory_space<hbm>>
        %dma_start3A_792 = tpu.memref_squeeze %dma_start3A_791 : memref<1x8x128xi32, #tpu.memory_space<hbm>> -> memref<8x128xi32, #tpu.memory_space<hbm>>
        tpu.enqueue_dma source(%dma_start3A_792 : memref<8x128xi32, #tpu.memory_space<hbm>>) target(%arg8 : memref<8x128xi32, #tpu.memory_space<vmem>>) target_semaphore(%arg17 : memref<!tpu.dma_semaphore, #tpu.memory_space<semaphore_mem>>)
      } else {
      }
      %dma_wait3A_434 = arith.constant 0 : i32
      %dma_wait3A_435 = arith.constant 0 : i32
      %dma_wait3A_436 = tpu.memref_slice %arg2[%dma_wait3A_434, %dma_wait3A_435] : memref<10000x128xf32, #tpu.memory_space<hbm>> -> memref<128x128xf32, #tpu.memory_space<hbm>>
      %dma_wait3A_437 = arith.constant 0 : i32
      %dma_wait3A_438 = arith.constant 0 : i32
      %dma_wait3A_439 = tpu.memref_slice %arg2[%dma_wait3A_437, %dma_wait3A_438] : memref<10000x128xf32, #tpu.memory_space<hbm>> -> memref<128x128xf32, #tpu.memory_space<hbm>>
      tpu.wait_dma2 semaphore(%arg13 : memref<!tpu.dma_semaphore, #tpu.memory_space<semaphore_mem>>) src(%dma_wait3A_439 : memref<128x128xf32, #tpu.memory_space<hbm>>) dst(%arg10 : memref<128x128xf32, #tpu.memory_space<vmem>>)
      %dma_start3A_440 = arith.constant 0 : i32
      %dma_start3A_441 = tpu.memref_slice %arg7[%add3A_429, %dma_start3A_440] : memref<80x128xi32, #tpu.memory_space<vmem>> -> memref<1x128xi32, #tpu.memory_space<vmem>>
      %dma_start3A_442 = tpu.memref_squeeze %dma_start3A_441 : memref<1x128xi32, #tpu.memory_space<vmem>> -> memref<128xi32, #tpu.memory_space<vmem>>
      %dma_start3A_443 = arith.constant 0 : i32
      %dma_start3A_444 = arith.constant 0 : i32
      %dma_start3A_445 = tpu.memref_slice %arg12[%dma_start3A_443, %dma_start3A_444] : memref<10112x128xf32, #tpu.memory_space<vmem_shared>> -> memref<10112x128xf32, #tpu.memory_space<vmem_shared>>
      tpu.enqueue_indirect_dma source(%arg10 : memref<128x128xf32, #tpu.memory_space<vmem>>) target(%dma_start3A_445 : memref<10112x128xf32, #tpu.memory_space<vmem_shared>>) offsets(%dma_start3A_442 : memref<128xi32, #tpu.memory_space<vmem>>) semaphore(%arg15 : memref<!tpu.dma_semaphore, #tpu.memory_space<semaphore_mem>>) {add = true}
      %dma_wait3A_446 = arith.constant 0 : i32
      %dma_wait3A_447 = arith.constant 0 : i32
      %dma_wait3A_448 = tpu.memref_slice %arg7[%dma_wait3A_446, %dma_wait3A_447] : memref<80x128xi32, #tpu.memory_space<vmem>> -> memref<1x128xi32, #tpu.memory_space<vmem>>
      %dma_wait3A_449 = tpu.memref_squeeze %dma_wait3A_448 : memref<1x128xi32, #tpu.memory_space<vmem>> -> memref<128xi32, #tpu.memory_space<vmem>>
      %dma_wait3A_450 = arith.constant 0 : i32
      %dma_wait3A_451 = arith.constant 0 : i32
      %dma_wait3A_452 = tpu.memref_slice %arg12[%dma_wait3A_450, %dma_wait3A_451] : memref<10112x128xf32, #tpu.memory_space<vmem_shared>> -> memref<10112x128xf32, #tpu.memory_space<vmem_shared>>
      tpu.wait_indirect_dma semaphore(%arg16 : memref<!tpu.dma_semaphore, #tpu.memory_space<semaphore_mem>>) src(%arg10 : memref<128x128xf32, #tpu.memory_space<vmem>>) dst(%dma_wait3A_452 : memref<10112x128xf32, #tpu.memory_space<vmem_shared>>)
      %dma_start3A_453 = arith.constant 1 : i32
      %dma_start3A_454 = arith.constant 0 : i32
      %dma_start3A_455 = arith.constant 0 : i32
      %dma_start3A_456 = tpu.memref_slice %arg11[%dma_start3A_454, %dma_start3A_455] : memref<128x128xf32, #tpu.memory_space<vmem>> -> memref<64x128xf32, #tpu.memory_space<vmem>>
      %dma_start3A_457 = arith.constant 0 : i32
      %dma_start3A_458 = tpu.memref_slice %arg9[%dma_start3A_453, %dma_start3A_457] : memref<8x128xi32, #tpu.memory_space<vmem>> -> memref<1x128xi32, #tpu.memory_space<vmem>>
      %dma_start3A_459 = tpu.memref_squeeze %dma_start3A_458 : memref<1x128xi32, #tpu.memory_space<vmem>> -> memref<128xi32, #tpu.memory_space<vmem>>
      %dma_start3A_460 = arith.constant 0 : i32
      %dma_start3A_461 = tpu.memref_slice %dma_start3A_459[%dma_start3A_460] : memref<128xi32, #tpu.memory_space<vmem>> -> memref<64xi32, #tpu.memory_space<vmem>>
      %dma_start3A_462 = arith.constant 0 : i32
      %dma_start3A_463 = arith.constant 0 : i32
      %dma_start3A_464 = tpu.memref_slice %arg2[%dma_start3A_462, %dma_start3A_463] : memref<10000x128xf32, #tpu.memory_space<hbm>> -> memref<10000x128xf32, #tpu.memory_space<hbm>>
      tpu.enqueue_indirect_dma source(%dma_start3A_464 : memref<10000x128xf32, #tpu.memory_space<hbm>>) target(%dma_start3A_456 : memref<64x128xf32, #tpu.memory_space<vmem>>) offsets(%dma_start3A_461 : memref<64xi32, #tpu.memory_space<vmem>>) semaphore(%arg14 : memref<!tpu.dma_semaphore, #tpu.memory_space<semaphore_mem>>)
      %dma_start3A_465 = arith.constant 1 : i32
      %dma_start3A_466 = arith.constant 64 : i32
      %dma_start3A_467 = arith.constant 0 : i32
      %dma_start3A_468 = tpu.memref_slice %arg11[%dma_start3A_466, %dma_start3A_467] : memref<128x128xf32, #tpu.memory_space<vmem>> -> memref<64x128xf32, #tpu.memory_space<vmem>>
      %dma_start3A_469 = arith.constant 0 : i32
      %dma_start3A_470 = tpu.memref_slice %arg9[%dma_start3A_465, %dma_start3A_469] : memref<8x128xi32, #tpu.memory_space<vmem>> -> memref<1x128xi32, #tpu.memory_space<vmem>>
      %dma_start3A_471 = tpu.memref_squeeze %dma_start3A_470 : memref<1x128xi32, #tpu.memory_space<vmem>> -> memref<128xi32, #tpu.memory_space<vmem>>
      %dma_start3A_472 = arith.constant 64 : i32
      %dma_start3A_473 = tpu.memref_slice %dma_start3A_471[%dma_start3A_472] : memref<128xi32, #tpu.memory_space<vmem>> -> memref<64xi32, #tpu.memory_space<vmem>>
      %dma_start3A_474 = arith.constant 0 : i32
      %dma_start3A_475 = arith.constant 0 : i32
      %dma_start3A_476 = tpu.memref_slice %arg2[%dma_start3A_474, %dma_start3A_475] : memref<10000x128xf32, #tpu.memory_space<hbm>> -> memref<10000x128xf32, #tpu.memory_space<hbm>>
      tpu.enqueue_indirect_dma source(%dma_start3A_476 : memref<10000x128xf32, #tpu.memory_space<hbm>>) target(%dma_start3A_468 : memref<64x128xf32, #tpu.memory_space<vmem>>) offsets(%dma_start3A_473 : memref<64xi32, #tpu.memory_space<vmem>>) semaphore(%arg14 : memref<!tpu.dma_semaphore, #tpu.memory_space<semaphore_mem>>)
      %mul3A_477 = arith.constant 16 : i32
      %mul3A_478 = arith.muli %scan3A_51, %mul3A_477 : i32
      %add3A_479 = arith.constant 9 : i32
      %add3A_480 = arith.addi %mul3A_478, %add3A_479 : i32
      %dma_wait3A_481 = arith.constant 0 : i32
      %dma_wait3A_482 = arith.constant 0 : i32
      %dma_wait3A_483 = tpu.memref_slice %arg2[%dma_wait3A_481, %dma_wait3A_482] : memref<10000x128xf32, #tpu.memory_space<hbm>> -> memref<128x128xf32, #tpu.memory_space<hbm>>
      %dma_wait3A_484 = arith.constant 0 : i32
      %dma_wait3A_485 = arith.constant 0 : i32
      %dma_wait3A_486 = tpu.memref_slice %arg2[%dma_wait3A_484, %dma_wait3A_485] : memref<10000x128xf32, #tpu.memory_space<hbm>> -> memref<128x128xf32, #tpu.memory_space<hbm>>
      tpu.wait_dma2 semaphore(%arg14 : memref<!tpu.dma_semaphore, #tpu.memory_space<semaphore_mem>>) src(%dma_wait3A_486 : memref<128x128xf32, #tpu.memory_space<hbm>>) dst(%arg11 : memref<128x128xf32, #tpu.memory_space<vmem>>)
      %dma_start3A_487 = arith.constant 0 : i32
      %dma_start3A_488 = tpu.memref_slice %arg7[%add3A_480, %dma_start3A_487] : memref<80x128xi32, #tpu.memory_space<vmem>> -> memref<1x128xi32, #tpu.memory_space<vmem>>
      %dma_start3A_489 = tpu.memref_squeeze %dma_start3A_488 : memref<1x128xi32, #tpu.memory_space<vmem>> -> memref<128xi32, #tpu.memory_space<vmem>>
      %dma_start3A_490 = arith.constant 0 : i32
      %dma_start3A_491 = arith.constant 0 : i32
      %dma_start3A_492 = tpu.memref_slice %arg12[%dma_start3A_490, %dma_start3A_491] : memref<10112x128xf32, #tpu.memory_space<vmem_shared>> -> memref<10112x128xf32, #tpu.memory_space<vmem_shared>>
      tpu.enqueue_indirect_dma source(%arg11 : memref<128x128xf32, #tpu.memory_space<vmem>>) target(%dma_start3A_492 : memref<10112x128xf32, #tpu.memory_space<vmem_shared>>) offsets(%dma_start3A_489 : memref<128xi32, #tpu.memory_space<vmem>>) semaphore(%arg16 : memref<!tpu.dma_semaphore, #tpu.memory_space<semaphore_mem>>) {add = true}
      %dma_wait3A_493 = arith.constant 0 : i32
      %dma_wait3A_494 = arith.constant 0 : i32
      %dma_wait3A_495 = tpu.memref_slice %arg7[%dma_wait3A_493, %dma_wait3A_494] : memref<80x128xi32, #tpu.memory_space<vmem>> -> memref<1x128xi32, #tpu.memory_space<vmem>>
      %dma_wait3A_496 = tpu.memref_squeeze %dma_wait3A_495 : memref<1x128xi32, #tpu.memory_space<vmem>> -> memref<128xi32, #tpu.memory_space<vmem>>
      %dma_wait3A_497 = arith.constant 0 : i32
      %dma_wait3A_498 = arith.constant 0 : i32
      %dma_wait3A_499 = tpu.memref_slice %arg12[%dma_wait3A_497, %dma_wait3A_498] : memref<10112x128xf32, #tpu.memory_space<vmem_shared>> -> memref<10112x128xf32, #tpu.memory_space<vmem_shared>>
      tpu.wait_indirect_dma semaphore(%arg15 : memref<!tpu.dma_semaphore, #tpu.memory_space<semaphore_mem>>) src(%arg10 : memref<128x128xf32, #tpu.memory_space<vmem>>) dst(%dma_wait3A_499 : memref<10112x128xf32, #tpu.memory_space<vmem_shared>>)
      %dma_start3A_500 = arith.constant 2 : i32
      %dma_start3A_501 = arith.constant 0 : i32
      %dma_start3A_502 = arith.constant 0 : i32
      %dma_start3A_503 = tpu.memref_slice %arg10[%dma_start3A_501, %dma_start3A_502] : memref<128x128xf32, #tpu.memory_space<vmem>> -> memref<64x128xf32, #tpu.memory_space<vmem>>
      %dma_start3A_504 = arith.constant 0 : i32
      %dma_start3A_505 = tpu.memref_slice %arg9[%dma_start3A_500, %dma_start3A_504] : memref<8x128xi32, #tpu.memory_space<vmem>> -> memref<1x128xi32, #tpu.memory_space<vmem>>
      %dma_start3A_506 = tpu.memref_squeeze %dma_start3A_505 : memref<1x128xi32, #tpu.memory_space<vmem>> -> memref<128xi32, #tpu.memory_space<vmem>>
      %dma_start3A_507 = arith.constant 0 : i32
      %dma_start3A_508 = tpu.memref_slice %dma_start3A_506[%dma_start3A_507] : memref<128xi32, #tpu.memory_space<vmem>> -> memref<64xi32, #tpu.memory_space<vmem>>
      %dma_start3A_509 = arith.constant 0 : i32
      %dma_start3A_510 = arith.constant 0 : i32
      %dma_start3A_511 = tpu.memref_slice %arg2[%dma_start3A_509, %dma_start3A_510] : memref<10000x128xf32, #tpu.memory_space<hbm>> -> memref<10000x128xf32, #tpu.memory_space<hbm>>
      tpu.enqueue_indirect_dma source(%dma_start3A_511 : memref<10000x128xf32, #tpu.memory_space<hbm>>) target(%dma_start3A_503 : memref<64x128xf32, #tpu.memory_space<vmem>>) offsets(%dma_start3A_508 : memref<64xi32, #tpu.memory_space<vmem>>) semaphore(%arg13 : memref<!tpu.dma_semaphore, #tpu.memory_space<semaphore_mem>>)
      %dma_start3A_512 = arith.constant 2 : i32
      %dma_start3A_513 = arith.constant 64 : i32
      %dma_start3A_514 = arith.constant 0 : i32
      %dma_start3A_515 = tpu.memref_slice %arg10[%dma_start3A_513, %dma_start3A_514] : memref<128x128xf32, #tpu.memory_space<vmem>> -> memref<64x128xf32, #tpu.memory_space<vmem>>
      %dma_start3A_516 = arith.constant 0 : i32
      %dma_start3A_517 = tpu.memref_slice %arg9[%dma_start3A_512, %dma_start3A_516] : memref<8x128xi32, #tpu.memory_space<vmem>> -> memref<1x128xi32, #tpu.memory_space<vmem>>
      %dma_start3A_518 = tpu.memref_squeeze %dma_start3A_517 : memref<1x128xi32, #tpu.memory_space<vmem>> -> memref<128xi32, #tpu.memory_space<vmem>>
      %dma_start3A_519 = arith.constant 64 : i32
      %dma_start3A_520 = tpu.memref_slice %dma_start3A_518[%dma_start3A_519] : memref<128xi32, #tpu.memory_space<vmem>> -> memref<64xi32, #tpu.memory_space<vmem>>
      %dma_start3A_521 = arith.constant 0 : i32
      %dma_start3A_522 = arith.constant 0 : i32
      %dma_start3A_523 = tpu.memref_slice %arg2[%dma_start3A_521, %dma_start3A_522] : memref<10000x128xf32, #tpu.memory_space<hbm>> -> memref<10000x128xf32, #tpu.memory_space<hbm>>
      tpu.enqueue_indirect_dma source(%dma_start3A_523 : memref<10000x128xf32, #tpu.memory_space<hbm>>) target(%dma_start3A_515 : memref<64x128xf32, #tpu.memory_space<vmem>>) offsets(%dma_start3A_520 : memref<64xi32, #tpu.memory_space<vmem>>) semaphore(%arg13 : memref<!tpu.dma_semaphore, #tpu.memory_space<semaphore_mem>>)
      %mul3A_524 = arith.constant 16 : i32
      %mul3A_525 = arith.muli %scan3A_51, %mul3A_524 : i32
      %add3A_526 = arith.constant 10 : i32
      %add3A_527 = arith.addi %mul3A_525, %add3A_526 : i32
      %dma_wait3A_528 = arith.constant 0 : i32
      %dma_wait3A_529 = arith.constant 0 : i32
      %dma_wait3A_530 = tpu.memref_slice %arg2[%dma_wait3A_528, %dma_wait3A_529] : memref<10000x128xf32, #tpu.memory_space<hbm>> -> memref<128x128xf32, #tpu.memory_space<hbm>>
      %dma_wait3A_531 = arith.constant 0 : i32
      %dma_wait3A_532 = arith.constant 0 : i32
      %dma_wait3A_533 = tpu.memref_slice %arg2[%dma_wait3A_531, %dma_wait3A_532] : memref<10000x128xf32, #tpu.memory_space<hbm>> -> memref<128x128xf32, #tpu.memory_space<hbm>>
      tpu.wait_dma2 semaphore(%arg13 : memref<!tpu.dma_semaphore, #tpu.memory_space<semaphore_mem>>) src(%dma_wait3A_533 : memref<128x128xf32, #tpu.memory_space<hbm>>) dst(%arg10 : memref<128x128xf32, #tpu.memory_space<vmem>>)
      %dma_start3A_534 = arith.constant 0 : i32
      %dma_start3A_535 = tpu.memref_slice %arg7[%add3A_527, %dma_start3A_534] : memref<80x128xi32, #tpu.memory_space<vmem>> -> memref<1x128xi32, #tpu.memory_space<vmem>>
      %dma_start3A_536 = tpu.memref_squeeze %dma_start3A_535 : memref<1x128xi32, #tpu.memory_space<vmem>> -> memref<128xi32, #tpu.memory_space<vmem>>
      %dma_start3A_537 = arith.constant 0 : i32
      %dma_start3A_538 = arith.constant 0 : i32
      %dma_start3A_539 = tpu.memref_slice %arg12[%dma_start3A_537, %dma_start3A_538] : memref<10112x128xf32, #tpu.memory_space<vmem_shared>> -> memref<10112x128xf32, #tpu.memory_space<vmem_shared>>
      tpu.enqueue_indirect_dma source(%arg10 : memref<128x128xf32, #tpu.memory_space<vmem>>) target(%dma_start3A_539 : memref<10112x128xf32, #tpu.memory_space<vmem_shared>>) offsets(%dma_start3A_536 : memref<128xi32, #tpu.memory_space<vmem>>) semaphore(%arg15 : memref<!tpu.dma_semaphore, #tpu.memory_space<semaphore_mem>>) {add = true}
      %dma_wait3A_540 = arith.constant 0 : i32
      %dma_wait3A_541 = arith.constant 0 : i32
      %dma_wait3A_542 = tpu.memref_slice %arg7[%dma_wait3A_540, %dma_wait3A_541] : memref<80x128xi32, #tpu.memory_space<vmem>> -> memref<1x128xi32, #tpu.memory_space<vmem>>
      %dma_wait3A_543 = tpu.memref_squeeze %dma_wait3A_542 : memref<1x128xi32, #tpu.memory_space<vmem>> -> memref<128xi32, #tpu.memory_space<vmem>>
      %dma_wait3A_544 = arith.constant 0 : i32
      %dma_wait3A_545 = arith.constant 0 : i32
      %dma_wait3A_546 = tpu.memref_slice %arg12[%dma_wait3A_544, %dma_wait3A_545] : memref<10112x128xf32, #tpu.memory_space<vmem_shared>> -> memref<10112x128xf32, #tpu.memory_space<vmem_shared>>
      tpu.wait_indirect_dma semaphore(%arg16 : memref<!tpu.dma_semaphore, #tpu.memory_space<semaphore_mem>>) src(%arg10 : memref<128x128xf32, #tpu.memory_space<vmem>>) dst(%dma_wait3A_546 : memref<10112x128xf32, #tpu.memory_space<vmem_shared>>)
      %dma_start3A_547 = arith.constant 3 : i32
      %dma_start3A_548 = arith.constant 0 : i32
      %dma_start3A_549 = arith.constant 0 : i32
      %dma_start3A_550 = tpu.memref_slice %arg11[%dma_start3A_548, %dma_start3A_549] : memref<128x128xf32, #tpu.memory_space<vmem>> -> memref<64x128xf32, #tpu.memory_space<vmem>>
      %dma_start3A_551 = arith.constant 0 : i32
      %dma_start3A_552 = tpu.memref_slice %arg9[%dma_start3A_547, %dma_start3A_551] : memref<8x128xi32, #tpu.memory_space<vmem>> -> memref<1x128xi32, #tpu.memory_space<vmem>>
      %dma_start3A_553 = tpu.memref_squeeze %dma_start3A_552 : memref<1x128xi32, #tpu.memory_space<vmem>> -> memref<128xi32, #tpu.memory_space<vmem>>
      %dma_start3A_554 = arith.constant 0 : i32
      %dma_start3A_555 = tpu.memref_slice %dma_start3A_553[%dma_start3A_554] : memref<128xi32, #tpu.memory_space<vmem>> -> memref<64xi32, #tpu.memory_space<vmem>>
      %dma_start3A_556 = arith.constant 0 : i32
      %dma_start3A_557 = arith.constant 0 : i32
      %dma_start3A_558 = tpu.memref_slice %arg2[%dma_start3A_556, %dma_start3A_557] : memref<10000x128xf32, #tpu.memory_space<hbm>> -> memref<10000x128xf32, #tpu.memory_space<hbm>>
      tpu.enqueue_indirect_dma source(%dma_start3A_558 : memref<10000x128xf32, #tpu.memory_space<hbm>>) target(%dma_start3A_550 : memref<64x128xf32, #tpu.memory_space<vmem>>) offsets(%dma_start3A_555 : memref<64xi32, #tpu.memory_space<vmem>>) semaphore(%arg14 : memref<!tpu.dma_semaphore, #tpu.memory_space<semaphore_mem>>)
      %dma_start3A_559 = arith.constant 3 : i32
      %dma_start3A_560 = arith.constant 64 : i32
      %dma_start3A_561 = arith.constant 0 : i32
      %dma_start3A_562 = tpu.memref_slice %arg11[%dma_start3A_560, %dma_start3A_561] : memref<128x128xf32, #tpu.memory_space<vmem>> -> memref<64x128xf32, #tpu.memory_space<vmem>>
      %dma_start3A_563 = arith.constant 0 : i32
      %dma_start3A_564 = tpu.memref_slice %arg9[%dma_start3A_559, %dma_start3A_563] : memref<8x128xi32, #tpu.memory_space<vmem>> -> memref<1x128xi32, #tpu.memory_space<vmem>>
      %dma_start3A_565 = tpu.memref_squeeze %dma_start3A_564 : memref<1x128xi32, #tpu.memory_space<vmem>> -> memref<128xi32, #tpu.memory_space<vmem>>
      %dma_start3A_566 = arith.constant 64 : i32
      %dma_start3A_567 = tpu.memref_slice %dma_start3A_565[%dma_start3A_566] : memref<128xi32, #tpu.memory_space<vmem>> -> memref<64xi32, #tpu.memory_space<vmem>>
      %dma_start3A_568 = arith.constant 0 : i32
      %dma_start3A_569 = arith.constant 0 : i32
      %dma_start3A_570 = tpu.memref_slice %arg2[%dma_start3A_568, %dma_start3A_569] : memref<10000x128xf32, #tpu.memory_space<hbm>> -> memref<10000x128xf32, #tpu.memory_space<hbm>>
      tpu.enqueue_indirect_dma source(%dma_start3A_570 : memref<10000x128xf32, #tpu.memory_space<hbm>>) target(%dma_start3A_562 : memref<64x128xf32, #tpu.memory_space<vmem>>) offsets(%dma_start3A_567 : memref<64xi32, #tpu.memory_space<vmem>>) semaphore(%arg14 : memref<!tpu.dma_semaphore, #tpu.memory_space<semaphore_mem>>)
      %mul3A_571 = arith.constant 16 : i32
      %mul3A_572 = arith.muli %scan3A_51, %mul3A_571 : i32
      %add3A_573 = arith.constant 11 : i32
      %add3A_574 = arith.addi %mul3A_572, %add3A_573 : i32
      %dma_wait3A_575 = arith.constant 0 : i32
      %dma_wait3A_576 = arith.constant 0 : i32
      %dma_wait3A_577 = tpu.memref_slice %arg2[%dma_wait3A_575, %dma_wait3A_576] : memref<10000x128xf32, #tpu.memory_space<hbm>> -> memref<128x128xf32, #tpu.memory_space<hbm>>
      %dma_wait3A_578 = arith.constant 0 : i32
      %dma_wait3A_579 = arith.constant 0 : i32
      %dma_wait3A_580 = tpu.memref_slice %arg2[%dma_wait3A_578, %dma_wait3A_579] : memref<10000x128xf32, #tpu.memory_space<hbm>> -> memref<128x128xf32, #tpu.memory_space<hbm>>
      tpu.wait_dma2 semaphore(%arg14 : memref<!tpu.dma_semaphore, #tpu.memory_space<semaphore_mem>>) src(%dma_wait3A_580 : memref<128x128xf32, #tpu.memory_space<hbm>>) dst(%arg11 : memref<128x128xf32, #tpu.memory_space<vmem>>)
      %dma_start3A_581 = arith.constant 0 : i32
      %dma_start3A_582 = tpu.memref_slice %arg7[%add3A_574, %dma_start3A_581] : memref<80x128xi32, #tpu.memory_space<vmem>> -> memref<1x128xi32, #tpu.memory_space<vmem>>
      %dma_start3A_583 = tpu.memref_squeeze %dma_start3A_582 : memref<1x128xi32, #tpu.memory_space<vmem>> -> memref<128xi32, #tpu.memory_space<vmem>>
      %dma_start3A_584 = arith.constant 0 : i32
      %dma_start3A_585 = arith.constant 0 : i32
      %dma_start3A_586 = tpu.memref_slice %arg12[%dma_start3A_584, %dma_start3A_585] : memref<10112x128xf32, #tpu.memory_space<vmem_shared>> -> memref<10112x128xf32, #tpu.memory_space<vmem_shared>>
      tpu.enqueue_indirect_dma source(%arg11 : memref<128x128xf32, #tpu.memory_space<vmem>>) target(%dma_start3A_586 : memref<10112x128xf32, #tpu.memory_space<vmem_shared>>) offsets(%dma_start3A_583 : memref<128xi32, #tpu.memory_space<vmem>>) semaphore(%arg16 : memref<!tpu.dma_semaphore, #tpu.memory_space<semaphore_mem>>) {add = true}
      %dma_wait3A_587 = arith.constant 0 : i32
      %dma_wait3A_588 = arith.constant 0 : i32
      %dma_wait3A_589 = tpu.memref_slice %arg7[%dma_wait3A_587, %dma_wait3A_588] : memref<80x128xi32, #tpu.memory_space<vmem>> -> memref<1x128xi32, #tpu.memory_space<vmem>>
      %dma_wait3A_590 = tpu.memref_squeeze %dma_wait3A_589 : memref<1x128xi32, #tpu.memory_space<vmem>> -> memref<128xi32, #tpu.memory_space<vmem>>
      %dma_wait3A_591 = arith.constant 0 : i32
      %dma_wait3A_592 = arith.constant 0 : i32
      %dma_wait3A_593 = tpu.memref_slice %arg12[%dma_wait3A_591, %dma_wait3A_592] : memref<10112x128xf32, #tpu.memory_space<vmem_shared>> -> memref<10112x128xf32, #tpu.memory_space<vmem_shared>>
      tpu.wait_indirect_dma semaphore(%arg15 : memref<!tpu.dma_semaphore, #tpu.memory_space<semaphore_mem>>) src(%arg10 : memref<128x128xf32, #tpu.memory_space<vmem>>) dst(%dma_wait3A_593 : memref<10112x128xf32, #tpu.memory_space<vmem_shared>>)
      %dma_start3A_594 = arith.constant 4 : i32
      %dma_start3A_595 = arith.constant 0 : i32
      %dma_start3A_596 = arith.constant 0 : i32
      %dma_start3A_597 = tpu.memref_slice %arg10[%dma_start3A_595, %dma_start3A_596] : memref<128x128xf32, #tpu.memory_space<vmem>> -> memref<64x128xf32, #tpu.memory_space<vmem>>
      %dma_start3A_598 = arith.constant 0 : i32
      %dma_start3A_599 = tpu.memref_slice %arg9[%dma_start3A_594, %dma_start3A_598] : memref<8x128xi32, #tpu.memory_space<vmem>> -> memref<1x128xi32, #tpu.memory_space<vmem>>
      %dma_start3A_600 = tpu.memref_squeeze %dma_start3A_599 : memref<1x128xi32, #tpu.memory_space<vmem>> -> memref<128xi32, #tpu.memory_space<vmem>>
      %dma_start3A_601 = arith.constant 0 : i32
      %dma_start3A_602 = tpu.memref_slice %dma_start3A_600[%dma_start3A_601] : memref<128xi32, #tpu.memory_space<vmem>> -> memref<64xi32, #tpu.memory_space<vmem>>
      %dma_start3A_603 = arith.constant 0 : i32
      %dma_start3A_604 = arith.constant 0 : i32
      %dma_start3A_605 = tpu.memref_slice %arg2[%dma_start3A_603, %dma_start3A_604] : memref<10000x128xf32, #tpu.memory_space<hbm>> -> memref<10000x128xf32, #tpu.memory_space<hbm>>
      tpu.enqueue_indirect_dma source(%dma_start3A_605 : memref<10000x128xf32, #tpu.memory_space<hbm>>) target(%dma_start3A_597 : memref<64x128xf32, #tpu.memory_space<vmem>>) offsets(%dma_start3A_602 : memref<64xi32, #tpu.memory_space<vmem>>) semaphore(%arg13 : memref<!tpu.dma_semaphore, #tpu.memory_space<semaphore_mem>>)
      %dma_start3A_606 = arith.constant 4 : i32
      %dma_start3A_607 = arith.constant 64 : i32
      %dma_start3A_608 = arith.constant 0 : i32
      %dma_start3A_609 = tpu.memref_slice %arg10[%dma_start3A_607, %dma_start3A_608] : memref<128x128xf32, #tpu.memory_space<vmem>> -> memref<64x128xf32, #tpu.memory_space<vmem>>
      %dma_start3A_610 = arith.constant 0 : i32
      %dma_start3A_611 = tpu.memref_slice %arg9[%dma_start3A_606, %dma_start3A_610] : memref<8x128xi32, #tpu.memory_space<vmem>> -> memref<1x128xi32, #tpu.memory_space<vmem>>
      %dma_start3A_612 = tpu.memref_squeeze %dma_start3A_611 : memref<1x128xi32, #tpu.memory_space<vmem>> -> memref<128xi32, #tpu.memory_space<vmem>>
      %dma_start3A_613 = arith.constant 64 : i32
      %dma_start3A_614 = tpu.memref_slice %dma_start3A_612[%dma_start3A_613] : memref<128xi32, #tpu.memory_space<vmem>> -> memref<64xi32, #tpu.memory_space<vmem>>
      %dma_start3A_615 = arith.constant 0 : i32
      %dma_start3A_616 = arith.constant 0 : i32
      %dma_start3A_617 = tpu.memref_slice %arg2[%dma_start3A_615, %dma_start3A_616] : memref<10000x128xf32, #tpu.memory_space<hbm>> -> memref<10000x128xf32, #tpu.memory_space<hbm>>
      tpu.enqueue_indirect_dma source(%dma_start3A_617 : memref<10000x128xf32, #tpu.memory_space<hbm>>) target(%dma_start3A_609 : memref<64x128xf32, #tpu.memory_space<vmem>>) offsets(%dma_start3A_614 : memref<64xi32, #tpu.memory_space<vmem>>) semaphore(%arg13 : memref<!tpu.dma_semaphore, #tpu.memory_space<semaphore_mem>>)
      %mul3A_618 = arith.constant 16 : i32
      %mul3A_619 = arith.muli %scan3A_51, %mul3A_618 : i32
      %add3A_620 = arith.constant 12 : i32
      %add3A_621 = arith.addi %mul3A_619, %add3A_620 : i32
      %dma_wait3A_622 = arith.constant 0 : i32
      %dma_wait3A_623 = arith.constant 0 : i32
      %dma_wait3A_624 = tpu.memref_slice %arg2[%dma_wait3A_622, %dma_wait3A_623] : memref<10000x128xf32, #tpu.memory_space<hbm>> -> memref<128x128xf32, #tpu.memory_space<hbm>>
      %dma_wait3A_625 = arith.constant 0 : i32
      %dma_wait3A_626 = arith.constant 0 : i32
      %dma_wait3A_627 = tpu.memref_slice %arg2[%dma_wait3A_625, %dma_wait3A_626] : memref<10000x128xf32, #tpu.memory_space<hbm>> -> memref<128x128xf32, #tpu.memory_space<hbm>>
      tpu.wait_dma2 semaphore(%arg13 : memref<!tpu.dma_semaphore, #tpu.memory_space<semaphore_mem>>) src(%dma_wait3A_627 : memref<128x128xf32, #tpu.memory_space<hbm>>) dst(%arg10 : memref<128x128xf32, #tpu.memory_space<vmem>>)
      %dma_start3A_628 = arith.constant 0 : i32
      %dma_start3A_629 = tpu.memref_slice %arg7[%add3A_621, %dma_start3A_628] : memref<80x128xi32, #tpu.memory_space<vmem>> -> memref<1x128xi32, #tpu.memory_space<vmem>>
      %dma_start3A_630 = tpu.memref_squeeze %dma_start3A_629 : memref<1x128xi32, #tpu.memory_space<vmem>> -> memref<128xi32, #tpu.memory_space<vmem>>
      %dma_start3A_631 = arith.constant 0 : i32
      %dma_start3A_632 = arith.constant 0 : i32
      %dma_start3A_633 = tpu.memref_slice %arg12[%dma_start3A_631, %dma_start3A_632] : memref<10112x128xf32, #tpu.memory_space<vmem_shared>> -> memref<10112x128xf32, #tpu.memory_space<vmem_shared>>
      tpu.enqueue_indirect_dma source(%arg10 : memref<128x128xf32, #tpu.memory_space<vmem>>) target(%dma_start3A_633 : memref<10112x128xf32, #tpu.memory_space<vmem_shared>>) offsets(%dma_start3A_630 : memref<128xi32, #tpu.memory_space<vmem>>) semaphore(%arg15 : memref<!tpu.dma_semaphore, #tpu.memory_space<semaphore_mem>>) {add = true}
      %dma_wait3A_634 = arith.constant 0 : i32
      %dma_wait3A_635 = arith.constant 0 : i32
      %dma_wait3A_636 = tpu.memref_slice %arg7[%dma_wait3A_634, %dma_wait3A_635] : memref<80x128xi32, #tpu.memory_space<vmem>> -> memref<1x128xi32, #tpu.memory_space<vmem>>
      %dma_wait3A_637 = tpu.memref_squeeze %dma_wait3A_636 : memref<1x128xi32, #tpu.memory_space<vmem>> -> memref<128xi32, #tpu.memory_space<vmem>>
      %dma_wait3A_638 = arith.constant 0 : i32
      %dma_wait3A_639 = arith.constant 0 : i32
      %dma_wait3A_640 = tpu.memref_slice %arg12[%dma_wait3A_638, %dma_wait3A_639] : memref<10112x128xf32, #tpu.memory_space<vmem_shared>> -> memref<10112x128xf32, #tpu.memory_space<vmem_shared>>
      tpu.wait_indirect_dma semaphore(%arg16 : memref<!tpu.dma_semaphore, #tpu.memory_space<semaphore_mem>>) src(%arg10 : memref<128x128xf32, #tpu.memory_space<vmem>>) dst(%dma_wait3A_640 : memref<10112x128xf32, #tpu.memory_space<vmem_shared>>)
      %dma_start3A_641 = arith.constant 5 : i32
      %dma_start3A_642 = arith.constant 0 : i32
      %dma_start3A_643 = arith.constant 0 : i32
      %dma_start3A_644 = tpu.memref_slice %arg11[%dma_start3A_642, %dma_start3A_643] : memref<128x128xf32, #tpu.memory_space<vmem>> -> memref<64x128xf32, #tpu.memory_space<vmem>>
      %dma_start3A_645 = arith.constant 0 : i32
      %dma_start3A_646 = tpu.memref_slice %arg9[%dma_start3A_641, %dma_start3A_645] : memref<8x128xi32, #tpu.memory_space<vmem>> -> memref<1x128xi32, #tpu.memory_space<vmem>>
      %dma_start3A_647 = tpu.memref_squeeze %dma_start3A_646 : memref<1x128xi32, #tpu.memory_space<vmem>> -> memref<128xi32, #tpu.memory_space<vmem>>
      %dma_start3A_648 = arith.constant 0 : i32
      %dma_start3A_649 = tpu.memref_slice %dma_start3A_647[%dma_start3A_648] : memref<128xi32, #tpu.memory_space<vmem>> -> memref<64xi32, #tpu.memory_space<vmem>>
      %dma_start3A_650 = arith.constant 0 : i32
      %dma_start3A_651 = arith.constant 0 : i32
      %dma_start3A_652 = tpu.memref_slice %arg2[%dma_start3A_650, %dma_start3A_651] : memref<10000x128xf32, #tpu.memory_space<hbm>> -> memref<10000x128xf32, #tpu.memory_space<hbm>>
      tpu.enqueue_indirect_dma source(%dma_start3A_652 : memref<10000x128xf32, #tpu.memory_space<hbm>>) target(%dma_start3A_644 : memref<64x128xf32, #tpu.memory_space<vmem>>) offsets(%dma_start3A_649 : memref<64xi32, #tpu.memory_space<vmem>>) semaphore(%arg14 : memref<!tpu.dma_semaphore, #tpu.memory_space<semaphore_mem>>)
      %dma_start3A_653 = arith.constant 5 : i32
      %dma_start3A_654 = arith.constant 64 : i32
      %dma_start3A_655 = arith.constant 0 : i32
      %dma_start3A_656 = tpu.memref_slice %arg11[%dma_start3A_654, %dma_start3A_655] : memref<128x128xf32, #tpu.memory_space<vmem>> -> memref<64x128xf32, #tpu.memory_space<vmem>>
      %dma_start3A_657 = arith.constant 0 : i32
      %dma_start3A_658 = tpu.memref_slice %arg9[%dma_start3A_653, %dma_start3A_657] : memref<8x128xi32, #tpu.memory_space<vmem>> -> memref<1x128xi32, #tpu.memory_space<vmem>>
      %dma_start3A_659 = tpu.memref_squeeze %dma_start3A_658 : memref<1x128xi32, #tpu.memory_space<vmem>> -> memref<128xi32, #tpu.memory_space<vmem>>
      %dma_start3A_660 = arith.constant 64 : i32
      %dma_start3A_661 = tpu.memref_slice %dma_start3A_659[%dma_start3A_660] : memref<128xi32, #tpu.memory_space<vmem>> -> memref<64xi32, #tpu.memory_space<vmem>>
      %dma_start3A_662 = arith.constant 0 : i32
      %dma_start3A_663 = arith.constant 0 : i32
      %dma_start3A_664 = tpu.memref_slice %arg2[%dma_start3A_662, %dma_start3A_663] : memref<10000x128xf32, #tpu.memory_space<hbm>> -> memref<10000x128xf32, #tpu.memory_space<hbm>>
      tpu.enqueue_indirect_dma source(%dma_start3A_664 : memref<10000x128xf32, #tpu.memory_space<hbm>>) target(%dma_start3A_656 : memref<64x128xf32, #tpu.memory_space<vmem>>) offsets(%dma_start3A_661 : memref<64xi32, #tpu.memory_space<vmem>>) semaphore(%arg14 : memref<!tpu.dma_semaphore, #tpu.memory_space<semaphore_mem>>)
      %mul3A_665 = arith.constant 16 : i32
      %mul3A_666 = arith.muli %scan3A_51, %mul3A_665 : i32
      %add3A_667 = arith.constant 13 : i32
      %add3A_668 = arith.addi %mul3A_666, %add3A_667 : i32
      %dma_wait3A_669 = arith.constant 0 : i32
      %dma_wait3A_670 = arith.constant 0 : i32
      %dma_wait3A_671 = tpu.memref_slice %arg2[%dma_wait3A_669, %dma_wait3A_670] : memref<10000x128xf32, #tpu.memory_space<hbm>> -> memref<128x128xf32, #tpu.memory_space<hbm>>
      %dma_wait3A_672 = arith.constant 0 : i32
      %dma_wait3A_673 = arith.constant 0 : i32
      %dma_wait3A_674 = tpu.memref_slice %arg2[%dma_wait3A_672, %dma_wait3A_673] : memref<10000x128xf32, #tpu.memory_space<hbm>> -> memref<128x128xf32, #tpu.memory_space<hbm>>
      tpu.wait_dma2 semaphore(%arg14 : memref<!tpu.dma_semaphore, #tpu.memory_space<semaphore_mem>>) src(%dma_wait3A_674 : memref<128x128xf32, #tpu.memory_space<hbm>>) dst(%arg11 : memref<128x128xf32, #tpu.memory_space<vmem>>)
      %dma_start3A_675 = arith.constant 0 : i32
      %dma_start3A_676 = tpu.memref_slice %arg7[%add3A_668, %dma_start3A_675] : memref<80x128xi32, #tpu.memory_space<vmem>> -> memref<1x128xi32, #tpu.memory_space<vmem>>
      %dma_start3A_677 = tpu.memref_squeeze %dma_start3A_676 : memref<1x128xi32, #tpu.memory_space<vmem>> -> memref<128xi32, #tpu.memory_space<vmem>>
      %dma_start3A_678 = arith.constant 0 : i32
      %dma_start3A_679 = arith.constant 0 : i32
      %dma_start3A_680 = tpu.memref_slice %arg12[%dma_start3A_678, %dma_start3A_679] : memref<10112x128xf32, #tpu.memory_space<vmem_shared>> -> memref<10112x128xf32, #tpu.memory_space<vmem_shared>>
      tpu.enqueue_indirect_dma source(%arg11 : memref<128x128xf32, #tpu.memory_space<vmem>>) target(%dma_start3A_680 : memref<10112x128xf32, #tpu.memory_space<vmem_shared>>) offsets(%dma_start3A_677 : memref<128xi32, #tpu.memory_space<vmem>>) semaphore(%arg16 : memref<!tpu.dma_semaphore, #tpu.memory_space<semaphore_mem>>) {add = true}
      %dma_wait3A_681 = arith.constant 0 : i32
      %dma_wait3A_682 = arith.constant 0 : i32
      %dma_wait3A_683 = tpu.memref_slice %arg7[%dma_wait3A_681, %dma_wait3A_682] : memref<80x128xi32, #tpu.memory_space<vmem>> -> memref<1x128xi32, #tpu.memory_space<vmem>>
      %dma_wait3A_684 = tpu.memref_squeeze %dma_wait3A_683 : memref<1x128xi32, #tpu.memory_space<vmem>> -> memref<128xi32, #tpu.memory_space<vmem>>
      %dma_wait3A_685 = arith.constant 0 : i32
      %dma_wait3A_686 = arith.constant 0 : i32
      %dma_wait3A_687 = tpu.memref_slice %arg12[%dma_wait3A_685, %dma_wait3A_686] : memref<10112x128xf32, #tpu.memory_space<vmem_shared>> -> memref<10112x128xf32, #tpu.memory_space<vmem_shared>>
      tpu.wait_indirect_dma semaphore(%arg15 : memref<!tpu.dma_semaphore, #tpu.memory_space<semaphore_mem>>) src(%arg10 : memref<128x128xf32, #tpu.memory_space<vmem>>) dst(%dma_wait3A_687 : memref<10112x128xf32, #tpu.memory_space<vmem_shared>>)
      %dma_start3A_688 = arith.constant 6 : i32
      %dma_start3A_689 = arith.constant 0 : i32
      %dma_start3A_690 = arith.constant 0 : i32
      %dma_start3A_691 = tpu.memref_slice %arg10[%dma_start3A_689, %dma_start3A_690] : memref<128x128xf32, #tpu.memory_space<vmem>> -> memref<64x128xf32, #tpu.memory_space<vmem>>
      %dma_start3A_692 = arith.constant 0 : i32
      %dma_start3A_693 = tpu.memref_slice %arg9[%dma_start3A_688, %dma_start3A_692] : memref<8x128xi32, #tpu.memory_space<vmem>> -> memref<1x128xi32, #tpu.memory_space<vmem>>
      %dma_start3A_694 = tpu.memref_squeeze %dma_start3A_693 : memref<1x128xi32, #tpu.memory_space<vmem>> -> memref<128xi32, #tpu.memory_space<vmem>>
      %dma_start3A_695 = arith.constant 0 : i32
      %dma_start3A_696 = tpu.memref_slice %dma_start3A_694[%dma_start3A_695] : memref<128xi32, #tpu.memory_space<vmem>> -> memref<64xi32, #tpu.memory_space<vmem>>
      %dma_start3A_697 = arith.constant 0 : i32
      %dma_start3A_698 = arith.constant 0 : i32
      %dma_start3A_699 = tpu.memref_slice %arg2[%dma_start3A_697, %dma_start3A_698] : memref<10000x128xf32, #tpu.memory_space<hbm>> -> memref<10000x128xf32, #tpu.memory_space<hbm>>
      tpu.enqueue_indirect_dma source(%dma_start3A_699 : memref<10000x128xf32, #tpu.memory_space<hbm>>) target(%dma_start3A_691 : memref<64x128xf32, #tpu.memory_space<vmem>>) offsets(%dma_start3A_696 : memref<64xi32, #tpu.memory_space<vmem>>) semaphore(%arg13 : memref<!tpu.dma_semaphore, #tpu.memory_space<semaphore_mem>>)
      %dma_start3A_700 = arith.constant 6 : i32
      %dma_start3A_701 = arith.constant 64 : i32
      %dma_start3A_702 = arith.constant 0 : i32
      %dma_start3A_703 = tpu.memref_slice %arg10[%dma_start3A_701, %dma_start3A_702] : memref<128x128xf32, #tpu.memory_space<vmem>> -> memref<64x128xf32, #tpu.memory_space<vmem>>
      %dma_start3A_704 = arith.constant 0 : i32
      %dma_start3A_705 = tpu.memref_slice %arg9[%dma_start3A_700, %dma_start3A_704] : memref<8x128xi32, #tpu.memory_space<vmem>> -> memref<1x128xi32, #tpu.memory_space<vmem>>
      %dma_start3A_706 = tpu.memref_squeeze %dma_start3A_705 : memref<1x128xi32, #tpu.memory_space<vmem>> -> memref<128xi32, #tpu.memory_space<vmem>>
      %dma_start3A_707 = arith.constant 64 : i32
      %dma_start3A_708 = tpu.memref_slice %dma_start3A_706[%dma_start3A_707] : memref<128xi32, #tpu.memory_space<vmem>> -> memref<64xi32, #tpu.memory_space<vmem>>
      %dma_start3A_709 = arith.constant 0 : i32
      %dma_start3A_710 = arith.constant 0 : i32
      %dma_start3A_711 = tpu.memref_slice %arg2[%dma_start3A_709, %dma_start3A_710] : memref<10000x128xf32, #tpu.memory_space<hbm>> -> memref<10000x128xf32, #tpu.memory_space<hbm>>
      tpu.enqueue_indirect_dma source(%dma_start3A_711 : memref<10000x128xf32, #tpu.memory_space<hbm>>) target(%dma_start3A_703 : memref<64x128xf32, #tpu.memory_space<vmem>>) offsets(%dma_start3A_708 : memref<64xi32, #tpu.memory_space<vmem>>) semaphore(%arg13 : memref<!tpu.dma_semaphore, #tpu.memory_space<semaphore_mem>>)
      %mul3A_712 = arith.constant 16 : i32
      %mul3A_713 = arith.muli %scan3A_51, %mul3A_712 : i32
      %add3A_714 = arith.constant 14 : i32
      %add3A_715 = arith.addi %mul3A_713, %add3A_714 : i32
      %dma_wait3A_716 = arith.constant 0 : i32
      %dma_wait3A_717 = arith.constant 0 : i32
      %dma_wait3A_718 = tpu.memref_slice %arg2[%dma_wait3A_716, %dma_wait3A_717] : memref<10000x128xf32, #tpu.memory_space<hbm>> -> memref<128x128xf32, #tpu.memory_space<hbm>>
      %dma_wait3A_719 = arith.constant 0 : i32
      %dma_wait3A_720 = arith.constant 0 : i32
      %dma_wait3A_721 = tpu.memref_slice %arg2[%dma_wait3A_719, %dma_wait3A_720] : memref<10000x128xf32, #tpu.memory_space<hbm>> -> memref<128x128xf32, #tpu.memory_space<hbm>>
      tpu.wait_dma2 semaphore(%arg13 : memref<!tpu.dma_semaphore, #tpu.memory_space<semaphore_mem>>) src(%dma_wait3A_721 : memref<128x128xf32, #tpu.memory_space<hbm>>) dst(%arg10 : memref<128x128xf32, #tpu.memory_space<vmem>>)
      %dma_start3A_722 = arith.constant 0 : i32
      %dma_start3A_723 = tpu.memref_slice %arg7[%add3A_715, %dma_start3A_722] : memref<80x128xi32, #tpu.memory_space<vmem>> -> memref<1x128xi32, #tpu.memory_space<vmem>>
      %dma_start3A_724 = tpu.memref_squeeze %dma_start3A_723 : memref<1x128xi32, #tpu.memory_space<vmem>> -> memref<128xi32, #tpu.memory_space<vmem>>
      %dma_start3A_725 = arith.constant 0 : i32
      %dma_start3A_726 = arith.constant 0 : i32
      %dma_start3A_727 = tpu.memref_slice %arg12[%dma_start3A_725, %dma_start3A_726] : memref<10112x128xf32, #tpu.memory_space<vmem_shared>> -> memref<10112x128xf32, #tpu.memory_space<vmem_shared>>
      tpu.enqueue_indirect_dma source(%arg10 : memref<128x128xf32, #tpu.memory_space<vmem>>) target(%dma_start3A_727 : memref<10112x128xf32, #tpu.memory_space<vmem_shared>>) offsets(%dma_start3A_724 : memref<128xi32, #tpu.memory_space<vmem>>) semaphore(%arg15 : memref<!tpu.dma_semaphore, #tpu.memory_space<semaphore_mem>>) {add = true}
      %dma_wait3A_728 = arith.constant 0 : i32
      %dma_wait3A_729 = arith.constant 0 : i32
      %dma_wait3A_730 = tpu.memref_slice %arg7[%dma_wait3A_728, %dma_wait3A_729] : memref<80x128xi32, #tpu.memory_space<vmem>> -> memref<1x128xi32, #tpu.memory_space<vmem>>
      %dma_wait3A_731 = tpu.memref_squeeze %dma_wait3A_730 : memref<1x128xi32, #tpu.memory_space<vmem>> -> memref<128xi32, #tpu.memory_space<vmem>>
      %dma_wait3A_732 = arith.constant 0 : i32
      %dma_wait3A_733 = arith.constant 0 : i32
      %dma_wait3A_734 = tpu.memref_slice %arg12[%dma_wait3A_732, %dma_wait3A_733] : memref<10112x128xf32, #tpu.memory_space<vmem_shared>> -> memref<10112x128xf32, #tpu.memory_space<vmem_shared>>
      tpu.wait_indirect_dma semaphore(%arg16 : memref<!tpu.dma_semaphore, #tpu.memory_space<semaphore_mem>>) src(%arg10 : memref<128x128xf32, #tpu.memory_space<vmem>>) dst(%dma_wait3A_734 : memref<10112x128xf32, #tpu.memory_space<vmem_shared>>)
      %dma_start3A_735 = arith.constant 7 : i32
      %dma_start3A_736 = arith.constant 0 : i32
      %dma_start3A_737 = arith.constant 0 : i32
      %dma_start3A_738 = tpu.memref_slice %arg11[%dma_start3A_736, %dma_start3A_737] : memref<128x128xf32, #tpu.memory_space<vmem>> -> memref<64x128xf32, #tpu.memory_space<vmem>>
      %dma_start3A_739 = arith.constant 0 : i32
      %dma_start3A_740 = tpu.memref_slice %arg9[%dma_start3A_735, %dma_start3A_739] : memref<8x128xi32, #tpu.memory_space<vmem>> -> memref<1x128xi32, #tpu.memory_space<vmem>>
      %dma_start3A_741 = tpu.memref_squeeze %dma_start3A_740 : memref<1x128xi32, #tpu.memory_space<vmem>> -> memref<128xi32, #tpu.memory_space<vmem>>
      %dma_start3A_742 = arith.constant 0 : i32
      %dma_start3A_743 = tpu.memref_slice %dma_start3A_741[%dma_start3A_742] : memref<128xi32, #tpu.memory_space<vmem>> -> memref<64xi32, #tpu.memory_space<vmem>>
      %dma_start3A_744 = arith.constant 0 : i32
      %dma_start3A_745 = arith.constant 0 : i32
      %dma_start3A_746 = tpu.memref_slice %arg2[%dma_start3A_744, %dma_start3A_745] : memref<10000x128xf32, #tpu.memory_space<hbm>> -> memref<10000x128xf32, #tpu.memory_space<hbm>>
      tpu.enqueue_indirect_dma source(%dma_start3A_746 : memref<10000x128xf32, #tpu.memory_space<hbm>>) target(%dma_start3A_738 : memref<64x128xf32, #tpu.memory_space<vmem>>) offsets(%dma_start3A_743 : memref<64xi32, #tpu.memory_space<vmem>>) semaphore(%arg14 : memref<!tpu.dma_semaphore, #tpu.memory_space<semaphore_mem>>)
      %dma_start3A_747 = arith.constant 7 : i32
      %dma_start3A_748 = arith.constant 64 : i32
      %dma_start3A_749 = arith.constant 0 : i32
      %dma_start3A_750 = tpu.memref_slice %arg11[%dma_start3A_748, %dma_start3A_749] : memref<128x128xf32, #tpu.memory_space<vmem>> -> memref<64x128xf32, #tpu.memory_space<vmem>>
      %dma_start3A_751 = arith.constant 0 : i32
      %dma_start3A_752 = tpu.memref_slice %arg9[%dma_start3A_747, %dma_start3A_751] : memref<8x128xi32, #tpu.memory_space<vmem>> -> memref<1x128xi32, #tpu.memory_space<vmem>>
      %dma_start3A_753 = tpu.memref_squeeze %dma_start3A_752 : memref<1x128xi32, #tpu.memory_space<vmem>> -> memref<128xi32, #tpu.memory_space<vmem>>
      %dma_start3A_754 = arith.constant 64 : i32
      %dma_start3A_755 = tpu.memref_slice %dma_start3A_753[%dma_start3A_754] : memref<128xi32, #tpu.memory_space<vmem>> -> memref<64xi32, #tpu.memory_space<vmem>>
      %dma_start3A_756 = arith.constant 0 : i32
      %dma_start3A_757 = arith.constant 0 : i32
      %dma_start3A_758 = tpu.memref_slice %arg2[%dma_start3A_756, %dma_start3A_757] : memref<10000x128xf32, #tpu.memory_space<hbm>> -> memref<10000x128xf32, #tpu.memory_space<hbm>>
      tpu.enqueue_indirect_dma source(%dma_start3A_758 : memref<10000x128xf32, #tpu.memory_space<hbm>>) target(%dma_start3A_750 : memref<64x128xf32, #tpu.memory_space<vmem>>) offsets(%dma_start3A_755 : memref<64xi32, #tpu.memory_space<vmem>>) semaphore(%arg14 : memref<!tpu.dma_semaphore, #tpu.memory_space<semaphore_mem>>)
      %mul3A_759 = arith.constant 16 : i32
      %mul3A_760 = arith.muli %scan3A_51, %mul3A_759 : i32
      %add3A_761 = arith.constant 15 : i32
      %add3A_762 = arith.addi %mul3A_760, %add3A_761 : i32
      %dma_wait3A_763 = arith.constant 0 : i32
      %dma_wait3A_764 = arith.constant 0 : i32
      %dma_wait3A_765 = tpu.memref_slice %arg2[%dma_wait3A_763, %dma_wait3A_764] : memref<10000x128xf32, #tpu.memory_space<hbm>> -> memref<128x128xf32, #tpu.memory_space<hbm>>
      %dma_wait3A_766 = arith.constant 0 : i32
      %dma_wait3A_767 = arith.constant 0 : i32
      %dma_wait3A_768 = tpu.memref_slice %arg2[%dma_wait3A_766, %dma_wait3A_767] : memref<10000x128xf32, #tpu.memory_space<hbm>> -> memref<128x128xf32, #tpu.memory_space<hbm>>
      tpu.wait_dma2 semaphore(%arg14 : memref<!tpu.dma_semaphore, #tpu.memory_space<semaphore_mem>>) src(%dma_wait3A_768 : memref<128x128xf32, #tpu.memory_space<hbm>>) dst(%arg11 : memref<128x128xf32, #tpu.memory_space<vmem>>)
      %dma_start3A_769 = arith.constant 0 : i32
      %dma_start3A_770 = tpu.memref_slice %arg7[%add3A_762, %dma_start3A_769] : memref<80x128xi32, #tpu.memory_space<vmem>> -> memref<1x128xi32, #tpu.memory_space<vmem>>
      %dma_start3A_771 = tpu.memref_squeeze %dma_start3A_770 : memref<1x128xi32, #tpu.memory_space<vmem>> -> memref<128xi32, #tpu.memory_space<vmem>>
      %dma_start3A_772 = arith.constant 0 : i32
      %dma_start3A_773 = arith.constant 0 : i32
      %dma_start3A_774 = tpu.memref_slice %arg12[%dma_start3A_772, %dma_start3A_773] : memref<10112x128xf32, #tpu.memory_space<vmem_shared>> -> memref<10112x128xf32, #tpu.memory_space<vmem_shared>>
      tpu.enqueue_indirect_dma source(%arg11 : memref<128x128xf32, #tpu.memory_space<vmem>>) target(%dma_start3A_774 : memref<10112x128xf32, #tpu.memory_space<vmem_shared>>) offsets(%dma_start3A_771 : memref<128xi32, #tpu.memory_space<vmem>>) semaphore(%arg16 : memref<!tpu.dma_semaphore, #tpu.memory_space<semaphore_mem>>) {add = true}
      %lt3A_775 = arith.constant 4 : i32
      %lt3A_776 = arith.cmpi slt, %scan3A_51, %lt3A_775 : i32
      %convert_element_type3A_777 = arith.extui %lt3A_776 : i1 to i32
      %cond3A_778 = arith.constant 0 : i32
      %cond3A_779 = arith.constant 0 : i32
      %cond3A_780 = arith.cmpi ne, %convert_element_type3A_777, %cond3A_779 : i32
      scf.if %cond3A_780 {
        %dma_wait3A_781 = arith.constant 0 : i32
        %dma_wait3A_782 = arith.constant 0 : i32
        %dma_wait3A_783 = arith.constant 0 : i32
        %dma_wait3A_784 = tpu.memref_slice %arg3[%dma_wait3A_781, %dma_wait3A_782, %dma_wait3A_783] : memref<32x80x128xi32, #tpu.memory_space<hbm>> -> memref<1x8x128xi32, #tpu.memory_space<hbm>>
        %dma_wait3A_785 = tpu.memref_squeeze %dma_wait3A_784 : memref<1x8x128xi32, #tpu.memory_space<hbm>> -> memref<8x128xi32, #tpu.memory_space<hbm>>
        %dma_wait3A_786 = arith.constant 0 : i32
        %dma_wait3A_787 = arith.constant 0 : i32
        %dma_wait3A_788 = tpu.memref_slice %arg3[%dma_wait3A_781, %dma_wait3A_786, %dma_wait3A_787] : memref<32x80x128xi32, #tpu.memory_space<hbm>> -> memref<1x8x128xi32, #tpu.memory_space<hbm>>
        %dma_wait3A_789 = tpu.memref_squeeze %dma_wait3A_788 : memref<1x8x128xi32, #tpu.memory_space<hbm>> -> memref<8x128xi32, #tpu.memory_space<hbm>>
        tpu.wait_dma2 semaphore(%arg17 : memref<!tpu.dma_semaphore, #tpu.memory_space<semaphore_mem>>) src(%dma_wait3A_789 : memref<8x128xi32, #tpu.memory_space<hbm>>) dst(%arg8 : memref<8x128xi32, #tpu.memory_space<vmem>>)
        %dma_wait3A_790 = arith.constant 0 : i32
        %dma_wait3A_791 = arith.constant 0 : i32
        %dma_wait3A_792 = tpu.memref_slice %arg7[%dma_wait3A_790, %dma_wait3A_791] : memref<80x128xi32, #tpu.memory_space<vmem>> -> memref<1x128xi32, #tpu.memory_space<vmem>>
        %dma_wait3A_793 = tpu.memref_squeeze %dma_wait3A_792 : memref<1x128xi32, #tpu.memory_space<vmem>> -> memref<128xi32, #tpu.memory_space<vmem>>
        %dma_wait3A_794 = arith.constant 0 : i32
        %dma_wait3A_795 = arith.constant 0 : i32
        %dma_wait3A_796 = tpu.memref_slice %arg12[%dma_wait3A_794, %dma_wait3A_795] : memref<10112x128xf32, #tpu.memory_space<vmem_shared>> -> memref<10112x128xf32, #tpu.memory_space<vmem_shared>>
        tpu.wait_indirect_dma semaphore(%arg15 : memref<!tpu.dma_semaphore, #tpu.memory_space<semaphore_mem>>) src(%arg10 : memref<128x128xf32, #tpu.memory_space<vmem>>) dst(%dma_wait3A_796 : memref<10112x128xf32, #tpu.memory_space<vmem_shared>>)
        %dma_start3A_797 = arith.constant 0 : i32
        %dma_start3A_798 = arith.constant 0 : i32
        %dma_start3A_799 = tpu.memref_slice %arg10[%dma_start3A_797, %dma_start3A_798] : memref<128x128xf32, #tpu.memory_space<vmem>> -> memref<64x128xf32, #tpu.memory_space<vmem>>
        %dma_start3A_800 = arith.constant 0 : i32
        %dma_start3A_801 = tpu.memref_slice %arg8[%cond3A_778, %dma_start3A_800] : memref<8x128xi32, #tpu.memory_space<vmem>> -> memref<1x128xi32, #tpu.memory_space<vmem>>
        %dma_start3A_802 = tpu.memref_squeeze %dma_start3A_801 : memref<1x128xi32, #tpu.memory_space<vmem>> -> memref<128xi32, #tpu.memory_space<vmem>>
        %dma_start3A_803 = arith.constant 0 : i32
        %dma_start3A_804 = tpu.memref_slice %dma_start3A_802[%dma_start3A_803] : memref<128xi32, #tpu.memory_space<vmem>> -> memref<64xi32, #tpu.memory_space<vmem>>
        %dma_start3A_805 = arith.constant 0 : i32
        %dma_start3A_806 = arith.constant 0 : i32
        %dma_start3A_807 = tpu.memref_slice %arg2[%dma_start3A_805, %dma_start3A_806] : memref<10000x128xf32, #tpu.memory_space<hbm>> -> memref<10000x128xf32, #tpu.memory_space<hbm>>
        tpu.enqueue_indirect_dma source(%dma_start3A_807 : memref<10000x128xf32, #tpu.memory_space<hbm>>) target(%dma_start3A_799 : memref<64x128xf32, #tpu.memory_space<vmem>>) offsets(%dma_start3A_804 : memref<64xi32, #tpu.memory_space<vmem>>) semaphore(%arg13 : memref<!tpu.dma_semaphore, #tpu.memory_space<semaphore_mem>>)
        %dma_start3A_808 = arith.constant 64 : i32
        %dma_start3A_809 = arith.constant 0 : i32
        %dma_start3A_810 = tpu.memref_slice %arg10[%dma_start3A_808, %dma_start3A_809] : memref<128x128xf32, #tpu.memory_space<vmem>> -> memref<64x128xf32, #tpu.memory_space<vmem>>
        %dma_start3A_811 = arith.constant 0 : i32
        %dma_start3A_812 = tpu.memref_slice %arg8[%cond3A_778, %dma_start3A_811] : memref<8x128xi32, #tpu.memory_space<vmem>> -> memref<1x128xi32, #tpu.memory_space<vmem>>
        %dma_start3A_813 = tpu.memref_squeeze %dma_start3A_812 : memref<1x128xi32, #tpu.memory_space<vmem>> -> memref<128xi32, #tpu.memory_space<vmem>>
        %dma_start3A_814 = arith.constant 64 : i32
        %dma_start3A_815 = tpu.memref_slice %dma_start3A_813[%dma_start3A_814] : memref<128xi32, #tpu.memory_space<vmem>> -> memref<64xi32, #tpu.memory_space<vmem>>
        %dma_start3A_816 = arith.constant 0 : i32
        %dma_start3A_817 = arith.constant 0 : i32
        %dma_start3A_818 = tpu.memref_slice %arg2[%dma_start3A_816, %dma_start3A_817] : memref<10000x128xf32, #tpu.memory_space<hbm>> -> memref<10000x128xf32, #tpu.memory_space<hbm>>
        tpu.enqueue_indirect_dma source(%dma_start3A_818 : memref<10000x128xf32, #tpu.memory_space<hbm>>) target(%dma_start3A_810 : memref<64x128xf32, #tpu.memory_space<vmem>>) offsets(%dma_start3A_815 : memref<64xi32, #tpu.memory_space<vmem>>) semaphore(%arg13 : memref<!tpu.dma_semaphore, #tpu.memory_space<semaphore_mem>>)
      } else {
      }
    }
    %scan3A_32 = arith.constant 5 : i32
    %dma_wait3A = arith.constant 0 : i32
    %dma_wait3A_33 = arith.constant 0 : i32
    %dma_wait3A_34 = tpu.memref_slice %arg7[%dma_wait3A, %dma_wait3A_33] : memref<80x128xi32, #tpu.memory_space<vmem>> -> memref<1x128xi32, #tpu.memory_space<vmem>>
    %dma_wait3A_35 = tpu.memref_squeeze %dma_wait3A_34 : memref<1x128xi32, #tpu.memory_space<vmem>> -> memref<128xi32, #tpu.memory_space<vmem>>
    %dma_wait3A_36 = arith.constant 0 : i32
    %dma_wait3A_37 = arith.constant 0 : i32
    %dma_wait3A_38 = tpu.memref_slice %arg12[%dma_wait3A_36, %dma_wait3A_37] : memref<10112x128xf32, #tpu.memory_space<vmem_shared>> -> memref<10112x128xf32, #tpu.memory_space<vmem_shared>>
    tpu.wait_indirect_dma semaphore(%arg15 : memref<!tpu.dma_semaphore, #tpu.memory_space<semaphore_mem>>) src(%arg10 : memref<128x128xf32, #tpu.memory_space<vmem>>) dst(%dma_wait3A_38 : memref<10112x128xf32, #tpu.memory_space<vmem_shared>>)
    %dma_wait3A_39 = arith.constant 0 : i32
    %dma_wait3A_40 = arith.constant 0 : i32
    %dma_wait3A_41 = tpu.memref_slice %arg7[%dma_wait3A_39, %dma_wait3A_40] : memref<80x128xi32, #tpu.memory_space<vmem>> -> memref<1x128xi32, #tpu.memory_space<vmem>>
    %dma_wait3A_42 = tpu.memref_squeeze %dma_wait3A_41 : memref<1x128xi32, #tpu.memory_space<vmem>> -> memref<128xi32, #tpu.memory_space<vmem>>
    %dma_wait3A_43 = arith.constant 0 : i32
    %dma_wait3A_44 = arith.constant 0 : i32
    %dma_wait3A_45 = tpu.memref_slice %arg12[%dma_wait3A_43, %dma_wait3A_44] : memref<10112x128xf32, #tpu.memory_space<vmem_shared>> -> memref<10112x128xf32, #tpu.memory_space<vmem_shared>>
    tpu.wait_indirect_dma semaphore(%arg16 : memref<!tpu.dma_semaphore, #tpu.memory_space<semaphore_mem>>) src(%arg10 : memref<128x128xf32, #tpu.memory_space<vmem>>) dst(%dma_wait3A_45 : memref<10112x128xf32, #tpu.memory_space<vmem_shared>>)
    %barrier3A_46 = arith.constant 0 : index
    tpu.barrier barrier_id(%barrier3A_46)
    %mul3A_47 = arith.constant 632 : i32
    %mul3A_48 = arith.muli %arg1, %mul3A_47 : i32
    %mul3A_49 = arith.constant 632 : i32
    %mul3A_50 = arith.muli %arg1, %mul3A_49 : i32
    "tpu.region"() ({
      %run_scoped3A = tpu.sem_alloc : memref<!tpu.dma_semaphore, #tpu.memory_space<semaphore_mem>>
      %dma_start3A_51 = arith.constant 0 : i32
      %dma_start3A_52 = tpu.memref_slice %arg6[%arg0, %mul3A_50, %dma_start3A_51] : memref<2x10112x128xf32, #tpu.memory_space<hbm>> -> memref<1x632x128xf32, #tpu.memory_space<hbm>>
      %dma_start3A_53 = tpu.memref_squeeze %dma_start3A_52 : memref<1x632x128xf32, #tpu.memory_space<hbm>> -> memref<632x128xf32, #tpu.memory_space<hbm>>
      %dma_start3A_54 = arith.constant 0 : i32
      %dma_start3A_55 = tpu.memref_slice %arg12[%mul3A_48, %dma_start3A_54] : memref<10112x128xf32, #tpu.memory_space<vmem_shared>> -> memref<632x128xf32, #tpu.memory_space<vmem_shared>>
      tpu.enqueue_dma source(%dma_start3A_55 : memref<632x128xf32, #tpu.memory_space<vmem_shared>>) target(%dma_start3A_53 : memref<632x128xf32, #tpu.memory_space<hbm>>) target_semaphore(%run_scoped3A : memref<!tpu.dma_semaphore, #tpu.memory_space<semaphore_mem>>)
      %dma_wait3A_56 = arith.constant 0 : i32
      %dma_wait3A_57 = tpu.memref_slice %arg6[%arg0, %mul3A_50, %dma_wait3A_56] : memref<2x10112x128xf32, #tpu.memory_space<hbm>> -> memref<1x632x128xf32, #tpu.memory_space<hbm>>
      %dma_wait3A_58 = tpu.memref_squeeze %dma_wait3A_57 : memref<1x632x128xf32, #tpu.memory_space<hbm>> -> memref<632x128xf32, #tpu.memory_space<hbm>>
      %dma_wait3A_59 = arith.constant 0 : i32
      %dma_wait3A_60 = tpu.memref_slice %arg12[%mul3A_48, %dma_wait3A_59] : memref<10112x128xf32, #tpu.memory_space<vmem_shared>> -> memref<632x128xf32, #tpu.memory_space<vmem_shared>>
      tpu.wait_dma2 semaphore(%run_scoped3A : memref<!tpu.dma_semaphore, #tpu.memory_space<semaphore_mem>>) src(%dma_wait3A_60 : memref<632x128xf32, #tpu.memory_space<vmem_shared>>) dst(%dma_wait3A_58 : memref<632x128xf32, #tpu.memory_space<hbm>>)
      tpu.yield
    }) : () -> ()
    return
  }
}

module attributes {stable_mosaic.version = 14 : i64} {
  func.func @_mlp_body(%arg0: i32, %arg1: memref<1000x128xf32, #tpu.memory_space<vmem>>, %arg2: memref<1000x128xf32, #tpu.memory_space<vmem>>, %arg3: memref<1000x128xf32, #tpu.memory_space<vmem>>, %arg4: memref<128x128xf32, #tpu.memory_space<vmem>>, %arg5: memref<1x128xf32, #tpu.memory_space<vmem>>, %arg6: memref<128x128xf32, #tpu.memory_space<vmem>>, %arg7: memref<1x128xf32, #tpu.memory_space<vmem>>, %arg8: memref<1x128xf32, #tpu.memory_space<vmem>>, %arg9: memref<1x128xf32, #tpu.memory_space<vmem>>, %arg10: memref<1000x128xf32, #tpu.memory_space<vmem>>) attributes {dimension_semantics = [#tpu.dimension_semantics<arbitrary>], iteration_bounds = array<i64: 10>, scalar_prefetch = 0 : i64, scratch_operands = 0 : i64, tpu.core_type = #tpu.core_type<tc>, window_params = [{transform_indices = @transform_0, window_bounds = array<i64: 1000, 128>}, {transform_indices = @transform_1, window_bounds = array<i64: 1000, 128>}, {transform_indices = @transform_2, window_bounds = array<i64: 1000, 128>}, {pipeline_mode = #tpu.pipeline_mode<synchronous>, transform_indices = @transform_3, window_bounds = array<i64: 128, 128>}, {pipeline_mode = #tpu.pipeline_mode<synchronous>, transform_indices = @transform_4, window_bounds = array<i64: 1, 128>}, {pipeline_mode = #tpu.pipeline_mode<synchronous>, transform_indices = @transform_5, window_bounds = array<i64: 128, 128>}, {pipeline_mode = #tpu.pipeline_mode<synchronous>, transform_indices = @transform_6, window_bounds = array<i64: 1, 128>}, {pipeline_mode = #tpu.pipeline_mode<synchronous>, transform_indices = @transform_7, window_bounds = array<i64: 1, 128>}, {pipeline_mode = #tpu.pipeline_mode<synchronous>, transform_indices = @transform_8, window_bounds = array<i64: 1, 128>}, {transform_indices = @transform_9, window_bounds = array<i64: 1000, 128>}]} {
    %get3A = arith.constant 0 : index
    %get3A_0 = arith.constant 0 : index
    %get3A_1 = vector.load %arg1[%get3A, %get3A_0] : memref<1000x128xf32, #tpu.memory_space<vmem>>, vector<1000x128xf32>
    %get3A_2 = arith.constant 0 : index
    %get3A_3 = arith.constant 0 : index
    %get3A_4 = vector.load %arg2[%get3A_2, %get3A_3] : memref<1000x128xf32, #tpu.memory_space<vmem>>, vector<1000x128xf32>
    %add3A = arith.addf %get3A_1, %get3A_4 : vector<1000x128xf32>
    %get3A_5 = arith.constant 0 : index
    %get3A_6 = arith.constant 0 : index
    %get3A_7 = vector.load %arg3[%get3A_5, %get3A_6] : memref<1000x128xf32, #tpu.memory_space<vmem>>, vector<1000x128xf32>
    %add3A_8 = arith.addf %add3A, %get3A_7 : vector<1000x128xf32>
    %get3A_9 = arith.constant 0 : index
    %get3A_10 = arith.constant 0 : index
    %get3A_11 = vector.load %arg4[%get3A_9, %get3A_10] : memref<128x128xf32, #tpu.memory_space<vmem>>, vector<128x128xf32>
    %dot_general3A = arith.constant dense<0.000000e+00> : vector<1000x128xf32>
    %dot_general3A_12 = tpu.matmul %add3A_8, %get3A_11, %dot_general3A {dimension_numbers = #tpu.dot_dimension_numbers<[1], [0], [0], [1], [0, 0, 1, 1], [], []>, transpose_lhs_hint = false} : vector<1000x128xf32>, vector<128x128xf32>, vector<1000x128xf32> -> vector<1000x128xf32>
    %get3A_13 = arith.constant 0 : index
    %get3A_14 = arith.constant 0 : index
    %get3A_15 = vector.load %arg5[%get3A_13, %get3A_14] : memref<1x128xf32, #tpu.memory_space<vmem>>, vector<1x128xf32>
    %add3A_16 = vector.broadcast %get3A_15 : vector<1x128xf32> to vector<1000x128xf32>
    %add3A_17 = arith.addf %dot_general3A_12, %add3A_16 : vector<1000x128xf32>
    %max3A = arith.constant 0.000000e+00 : f32
    %max3A_18 = vector.broadcast %max3A : f32 to vector<1000x128xf32>
    %max3A_19 = arith.maximumf %add3A_17, %max3A_18 : vector<1000x128xf32>
    %get3A_20 = arith.constant 0 : index
    %get3A_21 = arith.constant 0 : index
    %get3A_22 = vector.load %arg6[%get3A_20, %get3A_21] : memref<128x128xf32, #tpu.memory_space<vmem>>, vector<128x128xf32>
    %dot_general3A_23 = arith.constant dense<0.000000e+00> : vector<1000x128xf32>
    %dot_general3A_24 = tpu.matmul %max3A_19, %get3A_22, %dot_general3A_23 {dimension_numbers = #tpu.dot_dimension_numbers<[1], [0], [0], [1], [0, 0, 1, 1], [], []>, transpose_lhs_hint = false} : vector<1000x128xf32>, vector<128x128xf32>, vector<1000x128xf32> -> vector<1000x128xf32>
    %get3A_25 = arith.constant 0 : index
    %get3A_26 = arith.constant 0 : index
    %get3A_27 = vector.load %arg7[%get3A_25, %get3A_26] : memref<1x128xf32, #tpu.memory_space<vmem>>, vector<1x128xf32>
    %add3A_28 = vector.broadcast %get3A_27 : vector<1x128xf32> to vector<1000x128xf32>
    %add3A_29 = arith.addf %dot_general3A_24, %add3A_28 : vector<1000x128xf32>
    %max3A_30 = arith.constant 0.000000e+00 : f32
    %max3A_31 = vector.broadcast %max3A_30 : f32 to vector<1000x128xf32>
    %max3A_32 = arith.maximumf %add3A_29, %max3A_31 : vector<1000x128xf32>
    %get3A_33 = arith.constant 0 : index
    %get3A_34 = arith.constant 0 : index
    %get3A_35 = vector.load %arg8[%get3A_33, %get3A_34] : memref<1x128xf32, #tpu.memory_space<vmem>>, vector<1x128xf32>
    %get3A_36 = arith.constant 0 : index
    %get3A_37 = arith.constant 0 : index
    %get3A_38 = vector.load %arg9[%get3A_36, %get3A_37] : memref<1x128xf32, #tpu.memory_space<vmem>>, vector<1x128xf32>
    %reduce_sum3A = arith.constant dense<0.000000e+00> : vector<1000xf32>
    %reduce_sum3A_39 = vector.multi_reduction <add>, %max3A_32, %reduce_sum3A [1] : vector<1000x128xf32> to vector<1000xf32>
    %broadcast_in_dim3A = vector.shape_cast %reduce_sum3A_39 : vector<1000xf32> to vector<1000x1xf32>
    %div3A = arith.constant 1.280000e+02 : f32
    %div3A_40 = vector.broadcast %div3A : f32 to vector<1000x1xf32>
    %div3A_41 = arith.divf %broadcast_in_dim3A, %div3A_40 : vector<1000x1xf32>
    %sub3A = vector.broadcast %div3A_41 : vector<1000x1xf32> to vector<1000x128xf32>
    %sub3A_42 = arith.subf %max3A_32, %sub3A : vector<1000x128xf32>
    %integer_pow3A = arith.mulf %sub3A_42, %sub3A_42 : vector<1000x128xf32>
    %reduce_sum3A_43 = arith.constant dense<0.000000e+00> : vector<1000xf32>
    %reduce_sum3A_44 = vector.multi_reduction <add>, %integer_pow3A, %reduce_sum3A_43 [1] : vector<1000x128xf32> to vector<1000xf32>
    %broadcast_in_dim3A_45 = vector.shape_cast %reduce_sum3A_44 : vector<1000xf32> to vector<1000x1xf32>
    %div3A_46 = arith.constant 1.280000e+02 : f32
    %div3A_47 = vector.broadcast %div3A_46 : f32 to vector<1000x1xf32>
    %div3A_48 = arith.divf %broadcast_in_dim3A_45, %div3A_47 : vector<1000x1xf32>
    %sub3A_49 = vector.broadcast %div3A_41 : vector<1000x1xf32> to vector<1000x128xf32>
    %sub3A_50 = arith.subf %max3A_32, %sub3A_49 : vector<1000x128xf32>
    %add3A_51 = arith.constant 9.99999974E-6 : f32
    %add3A_52 = vector.broadcast %add3A_51 : f32 to vector<1000x1xf32>
    %add3A_53 = arith.addf %div3A_48, %add3A_52 : vector<1000x1xf32>
    %sqrt3A = math.sqrt %add3A_53 : vector<1000x1xf32>
    %div3A_54 = vector.broadcast %sqrt3A : vector<1000x1xf32> to vector<1000x128xf32>
    %div3A_55 = arith.divf %sub3A_50, %div3A_54 : vector<1000x128xf32>
    %mul3A = vector.broadcast %get3A_35 : vector<1x128xf32> to vector<1000x128xf32>
    %mul3A_56 = arith.mulf %div3A_55, %mul3A : vector<1000x128xf32>
    %add3A_57 = vector.broadcast %get3A_38 : vector<1x128xf32> to vector<1000x128xf32>
    %add3A_58 = arith.addf %mul3A_56, %add3A_57 : vector<1000x128xf32>
    %swap3A = arith.constant 0 : index
    %swap3A_59 = arith.constant 0 : index
    %swap3A_60 = vector.load %arg10[%swap3A, %swap3A_59] : memref<1000x128xf32, #tpu.memory_space<vmem>>, vector<1000x128xf32>
    tpu.vector_store %arg10[%swap3A, %swap3A_59], %add3A_58 {strides = array<i32>} : memref<1000x128xf32, #tpu.memory_space<vmem>>, vector<1000x128xf32>,
    return
  }
  func.func @transform_0(%arg0: i32) -> (i32, i32) {
    %c0_i32 = arith.constant 0 : i32
    %c0_i32_0 = arith.constant 0 : i32
    return %arg0, %c0_i32 : i32, i32
  }
  func.func @transform_1(%arg0: i32) -> (i32, i32) {
    %c0_i32 = arith.constant 0 : i32
    %c0_i32_0 = arith.constant 0 : i32
    return %arg0, %c0_i32 : i32, i32
  }
  func.func @transform_2(%arg0: i32) -> (i32, i32) {
    %c0_i32 = arith.constant 0 : i32
    %c0_i32_0 = arith.constant 0 : i32
    return %arg0, %c0_i32 : i32, i32
  }
  func.func @transform_3(%arg0: i32) -> (i32, i32) {
    %c0_i32 = arith.constant 0 : i32
    %c0_i32_0 = arith.constant 0 : i32
    %c0_i32_1 = arith.constant 0 : i32
    return %c0_i32, %c0_i32_0 : i32, i32
  }
  func.func @transform_4(%arg0: i32) -> (i32, i32) {
    %c0_i32 = arith.constant 0 : i32
    %c0_i32_0 = arith.constant 0 : i32
    %c0_i32_1 = arith.constant 0 : i32
    return %c0_i32, %c0_i32_0 : i32, i32
  }
  func.func @transform_5(%arg0: i32) -> (i32, i32) {
    %c0_i32 = arith.constant 0 : i32
    %c0_i32_0 = arith.constant 0 : i32
    %c0_i32_1 = arith.constant 0 : i32
    return %c0_i32, %c0_i32_0 : i32, i32
  }
  func.func @transform_6(%arg0: i32) -> (i32, i32) {
    %c0_i32 = arith.constant 0 : i32
    %c0_i32_0 = arith.constant 0 : i32
    %c0_i32_1 = arith.constant 0 : i32
    return %c0_i32, %c0_i32_0 : i32, i32
  }
  func.func @transform_7(%arg0: i32) -> (i32, i32) {
    %c0_i32 = arith.constant 0 : i32
    %c0_i32_0 = arith.constant 0 : i32
    %c0_i32_1 = arith.constant 0 : i32
    return %c0_i32, %c0_i32_0 : i32, i32
  }
  func.func @transform_8(%arg0: i32) -> (i32, i32) {
    %c0_i32 = arith.constant 0 : i32
    %c0_i32_0 = arith.constant 0 : i32
    %c0_i32_1 = arith.constant 0 : i32
    return %c0_i32, %c0_i32_0 : i32, i32
  }
  func.func @transform_9(%arg0: i32) -> (i32, i32) {
    %c0_i32 = arith.constant 0 : i32
    %c0_i32_0 = arith.constant 0 : i32
    return %arg0, %c0_i32 : i32, i32
  }
}

module attributes {stable_mosaic.version = 14 : i64} {
  func.func @_final_body(%arg0: i32, %arg1: memref<1000x128xf32, #tpu.memory_space<vmem>>, %arg2: memref<1000x128xf32, #tpu.memory_space<vmem>>, %arg3: memref<1000x128xf32, #tpu.memory_space<vmem>>, %arg4: memref<128x128xf32, #tpu.memory_space<vmem>>, %arg5: memref<1x128xf32, #tpu.memory_space<vmem>>, %arg6: memref<128x128xf32, #tpu.memory_space<vmem>>, %arg7: memref<1x128xf32, #tpu.memory_space<vmem>>, %arg8: memref<1x128xf32, #tpu.memory_space<vmem>>, %arg9: memref<1x128xf32, #tpu.memory_space<vmem>>, %arg10: memref<128x128xf32, #tpu.memory_space<vmem>>, %arg11: memref<1x128xf32, #tpu.memory_space<vmem>>, %arg12: memref<128x128xf32, #tpu.memory_space<vmem>>, %arg13: memref<1x128xf32, #tpu.memory_space<vmem>>, %arg14: memref<1000x128xf32, #tpu.memory_space<vmem>>, %arg15: memref<1000x128xf32, #tpu.memory_space<vmem>>) attributes {dimension_semantics = [#tpu.dimension_semantics<arbitrary>], iteration_bounds = array<i64: 10>, scalar_prefetch = 0 : i64, scratch_operands = 0 : i64, tpu.core_type = #tpu.core_type<tc>, window_params = [{transform_indices = @transform_0, window_bounds = array<i64: 1000, 128>}, {transform_indices = @transform_1, window_bounds = array<i64: 1000, 128>}, {transform_indices = @transform_2, window_bounds = array<i64: 1000, 128>}, {pipeline_mode = #tpu.pipeline_mode<synchronous>, transform_indices = @transform_3, window_bounds = array<i64: 128, 128>}, {pipeline_mode = #tpu.pipeline_mode<synchronous>, transform_indices = @transform_4, window_bounds = array<i64: 1, 128>}, {pipeline_mode = #tpu.pipeline_mode<synchronous>, transform_indices = @transform_5, window_bounds = array<i64: 128, 128>}, {pipeline_mode = #tpu.pipeline_mode<synchronous>, transform_indices = @transform_6, window_bounds = array<i64: 1, 128>}, {pipeline_mode = #tpu.pipeline_mode<synchronous>, transform_indices = @transform_7, window_bounds = array<i64: 1, 128>}, {pipeline_mode = #tpu.pipeline_mode<synchronous>, transform_indices = @transform_8, window_bounds = array<i64: 1, 128>}, {pipeline_mode = #tpu.pipeline_mode<synchronous>, transform_indices = @transform_9, window_bounds = array<i64: 128, 128>}, {pipeline_mode = #tpu.pipeline_mode<synchronous>, transform_indices = @transform_10, window_bounds = array<i64: 1, 128>}, {pipeline_mode = #tpu.pipeline_mode<synchronous>, transform_indices = @transform_11, window_bounds = array<i64: 128, 128>}, {pipeline_mode = #tpu.pipeline_mode<synchronous>, transform_indices = @transform_12, window_bounds = array<i64: 1, 128>}, {transform_indices = @transform_13, window_bounds = array<i64: 1000, 128>}, {transform_indices = @transform_14, window_bounds = array<i64: 1000, 128>}]} {
    %get3A = arith.constant 0 : index
    %get3A_0 = arith.constant 0 : index
    %get3A_1 = vector.load %arg1[%get3A, %get3A_0] : memref<1000x128xf32, #tpu.memory_space<vmem>>, vector<1000x128xf32>
    %get3A_2 = arith.constant 0 : index
    %get3A_3 = arith.constant 0 : index
    %get3A_4 = vector.load %arg2[%get3A_2, %get3A_3] : memref<1000x128xf32, #tpu.memory_space<vmem>>, vector<1000x128xf32>
    %add3A = arith.addf %get3A_1, %get3A_4 : vector<1000x128xf32>
    %get3A_5 = arith.constant 0 : index
    %get3A_6 = arith.constant 0 : index
    %get3A_7 = vector.load %arg3[%get3A_5, %get3A_6] : memref<1000x128xf32, #tpu.memory_space<vmem>>, vector<1000x128xf32>
    %add3A_8 = arith.addf %add3A, %get3A_7 : vector<1000x128xf32>
    %get3A_9 = arith.constant 0 : index
    %get3A_10 = arith.constant 0 : index
    %get3A_11 = vector.load %arg4[%get3A_9, %get3A_10] : memref<128x128xf32, #tpu.memory_space<vmem>>, vector<128x128xf32>
    %dot_general3A = arith.constant dense<0.000000e+00> : vector<1000x128xf32>
    %dot_general3A_12 = tpu.matmul %add3A_8, %get3A_11, %dot_general3A {dimension_numbers = #tpu.dot_dimension_numbers<[1], [0], [0], [1], [0, 0, 1, 1], [], []>, transpose_lhs_hint = false} : vector<1000x128xf32>, vector<128x128xf32>, vector<1000x128xf32> -> vector<1000x128xf32>
    %get3A_13 = arith.constant 0 : index
    %get3A_14 = arith.constant 0 : index
    %get3A_15 = vector.load %arg5[%get3A_13, %get3A_14] : memref<1x128xf32, #tpu.memory_space<vmem>>, vector<1x128xf32>
    %add3A_16 = vector.broadcast %get3A_15 : vector<1x128xf32> to vector<1000x128xf32>
    %add3A_17 = arith.addf %dot_general3A_12, %add3A_16 : vector<1000x128xf32>
    %max3A = arith.constant 0.000000e+00 : f32
    %max3A_18 = vector.broadcast %max3A : f32 to vector<1000x128xf32>
    %max3A_19 = arith.maximumf %add3A_17, %max3A_18 : vector<1000x128xf32>
    %get3A_20 = arith.constant 0 : index
    %get3A_21 = arith.constant 0 : index
    %get3A_22 = vector.load %arg6[%get3A_20, %get3A_21] : memref<128x128xf32, #tpu.memory_space<vmem>>, vector<128x128xf32>
    %dot_general3A_23 = arith.constant dense<0.000000e+00> : vector<1000x128xf32>
    %dot_general3A_24 = tpu.matmul %max3A_19, %get3A_22, %dot_general3A_23 {dimension_numbers = #tpu.dot_dimension_numbers<[1], [0], [0], [1], [0, 0, 1, 1], [], []>, transpose_lhs_hint = false} : vector<1000x128xf32>, vector<128x128xf32>, vector<1000x128xf32> -> vector<1000x128xf32>
    %get3A_25 = arith.constant 0 : index
    %get3A_26 = arith.constant 0 : index
    %get3A_27 = vector.load %arg7[%get3A_25, %get3A_26] : memref<1x128xf32, #tpu.memory_space<vmem>>, vector<1x128xf32>
    %add3A_28 = vector.broadcast %get3A_27 : vector<1x128xf32> to vector<1000x128xf32>
    %add3A_29 = arith.addf %dot_general3A_24, %add3A_28 : vector<1000x128xf32>
    %max3A_30 = arith.constant 0.000000e+00 : f32
    %max3A_31 = vector.broadcast %max3A_30 : f32 to vector<1000x128xf32>
    %max3A_32 = arith.maximumf %add3A_29, %max3A_31 : vector<1000x128xf32>
    %get3A_33 = arith.constant 0 : index
    %get3A_34 = arith.constant 0 : index
    %get3A_35 = vector.load %arg8[%get3A_33, %get3A_34] : memref<1x128xf32, #tpu.memory_space<vmem>>, vector<1x128xf32>
    %get3A_36 = arith.constant 0 : index
    %get3A_37 = arith.constant 0 : index
    %get3A_38 = vector.load %arg9[%get3A_36, %get3A_37] : memref<1x128xf32, #tpu.memory_space<vmem>>, vector<1x128xf32>
    %reduce_sum3A = arith.constant dense<0.000000e+00> : vector<1000xf32>
    %reduce_sum3A_39 = vector.multi_reduction <add>, %max3A_32, %reduce_sum3A [1] : vector<1000x128xf32> to vector<1000xf32>
    %broadcast_in_dim3A = vector.shape_cast %reduce_sum3A_39 : vector<1000xf32> to vector<1000x1xf32>
    %div3A = arith.constant 1.280000e+02 : f32
    %div3A_40 = vector.broadcast %div3A : f32 to vector<1000x1xf32>
    %div3A_41 = arith.divf %broadcast_in_dim3A, %div3A_40 : vector<1000x1xf32>
    %sub3A = vector.broadcast %div3A_41 : vector<1000x1xf32> to vector<1000x128xf32>
    %sub3A_42 = arith.subf %max3A_32, %sub3A : vector<1000x128xf32>
    %integer_pow3A = arith.mulf %sub3A_42, %sub3A_42 : vector<1000x128xf32>
    %reduce_sum3A_43 = arith.constant dense<0.000000e+00> : vector<1000xf32>
    %reduce_sum3A_44 = vector.multi_reduction <add>, %integer_pow3A, %reduce_sum3A_43 [1] : vector<1000x128xf32> to vector<1000xf32>
    %broadcast_in_dim3A_45 = vector.shape_cast %reduce_sum3A_44 : vector<1000xf32> to vector<1000x1xf32>
    %div3A_46 = arith.constant 1.280000e+02 : f32
    %div3A_47 = vector.broadcast %div3A_46 : f32 to vector<1000x1xf32>
    %div3A_48 = arith.divf %broadcast_in_dim3A_45, %div3A_47 : vector<1000x1xf32>
    %sub3A_49 = vector.broadcast %div3A_41 : vector<1000x1xf32> to vector<1000x128xf32>
    %sub3A_50 = arith.subf %max3A_32, %sub3A_49 : vector<1000x128xf32>
    %add3A_51 = arith.constant 9.99999974E-6 : f32
    %add3A_52 = vector.broadcast %add3A_51 : f32 to vector<1000x1xf32>
    %add3A_53 = arith.addf %div3A_48, %add3A_52 : vector<1000x1xf32>
    %sqrt3A = math.sqrt %add3A_53 : vector<1000x1xf32>
    %div3A_54 = vector.broadcast %sqrt3A : vector<1000x1xf32> to vector<1000x128xf32>
    %div3A_55 = arith.divf %sub3A_50, %div3A_54 : vector<1000x128xf32>
    %mul3A = vector.broadcast %get3A_35 : vector<1x128xf32> to vector<1000x128xf32>
    %mul3A_56 = arith.mulf %div3A_55, %mul3A : vector<1000x128xf32>
    %add3A_57 = vector.broadcast %get3A_38 : vector<1x128xf32> to vector<1000x128xf32>
    %add3A_58 = arith.addf %mul3A_56, %add3A_57 : vector<1000x128xf32>
    %max3A_59 = arith.constant 0.000000e+00 : f32
    %max3A_60 = vector.broadcast %max3A_59 : f32 to vector<1000x128xf32>
    %max3A_61 = arith.maximumf %add3A_58, %max3A_60 : vector<1000x128xf32>
    %get3A_62 = arith.constant 0 : index
    %get3A_63 = arith.constant 0 : index
    %get3A_64 = vector.load %arg10[%get3A_62, %get3A_63] : memref<128x128xf32, #tpu.memory_space<vmem>>, vector<128x128xf32>
    %dot_general3A_65 = arith.constant dense<0.000000e+00> : vector<1000x128xf32>
    %dot_general3A_66 = tpu.matmul %max3A_61, %get3A_64, %dot_general3A_65 {dimension_numbers = #tpu.dot_dimension_numbers<[1], [0], [0], [1], [0, 0, 1, 1], [], []>, transpose_lhs_hint = false} : vector<1000x128xf32>, vector<128x128xf32>, vector<1000x128xf32> -> vector<1000x128xf32>
    %get3A_67 = arith.constant 0 : index
    %get3A_68 = arith.constant 0 : index
    %get3A_69 = vector.load %arg11[%get3A_67, %get3A_68] : memref<1x128xf32, #tpu.memory_space<vmem>>, vector<1x128xf32>
    %add3A_70 = vector.broadcast %get3A_69 : vector<1x128xf32> to vector<1000x128xf32>
    %add3A_71 = arith.addf %dot_general3A_66, %add3A_70 : vector<1000x128xf32>
    %swap3A = arith.constant 0 : index
    %swap3A_72 = arith.constant 0 : index
    %swap3A_73 = vector.load %arg14[%swap3A, %swap3A_72] : memref<1000x128xf32, #tpu.memory_space<vmem>>, vector<1000x128xf32>
    tpu.vector_store %arg14[%swap3A, %swap3A_72], %add3A_71 {strides = array<i32>} : memref<1000x128xf32, #tpu.memory_space<vmem>>, vector<1000x128xf32>,
    %get3A_74 = arith.constant 0 : index
    %get3A_75 = arith.constant 0 : index
    %get3A_76 = vector.load %arg12[%get3A_74, %get3A_75] : memref<128x128xf32, #tpu.memory_space<vmem>>, vector<128x128xf32>
    %dot_general3A_77 = arith.constant dense<0.000000e+00> : vector<1000x128xf32>
    %dot_general3A_78 = tpu.matmul %max3A_61, %get3A_76, %dot_general3A_77 {dimension_numbers = #tpu.dot_dimension_numbers<[1], [0], [0], [1], [0, 0, 1, 1], [], []>, transpose_lhs_hint = false} : vector<1000x128xf32>, vector<128x128xf32>, vector<1000x128xf32> -> vector<1000x128xf32>
    %get3A_79 = arith.constant 0 : index
    %get3A_80 = arith.constant 0 : index
    %get3A_81 = vector.load %arg13[%get3A_79, %get3A_80] : memref<1x128xf32, #tpu.memory_space<vmem>>, vector<1x128xf32>
    %add3A_82 = vector.broadcast %get3A_81 : vector<1x128xf32> to vector<1000x128xf32>
    %add3A_83 = arith.addf %dot_general3A_78, %add3A_82 : vector<1000x128xf32>
    %swap3A_84 = arith.constant 0 : index
    %swap3A_85 = arith.constant 0 : index
    %swap3A_86 = vector.load %arg15[%swap3A_84, %swap3A_85] : memref<1000x128xf32, #tpu.memory_space<vmem>>, vector<1000x128xf32>
    tpu.vector_store %arg15[%swap3A_84, %swap3A_85], %add3A_83 {strides = array<i32>} : memref<1000x128xf32, #tpu.memory_space<vmem>>, vector<1000x128xf32>,
    return
  }
  func.func @transform_0(%arg0: i32) -> (i32, i32) {
    %c0_i32 = arith.constant 0 : i32
    %c0_i32_0 = arith.constant 0 : i32
    return %arg0, %c0_i32 : i32, i32
  }
  func.func @transform_1(%arg0: i32) -> (i32, i32) {
    %c0_i32 = arith.constant 0 : i32
    %c0_i32_0 = arith.constant 0 : i32
    return %arg0, %c0_i32 : i32, i32
  }
  func.func @transform_2(%arg0: i32) -> (i32, i32) {
    %c0_i32 = arith.constant 0 : i32
    %c0_i32_0 = arith.constant 0 : i32
    return %arg0, %c0_i32 : i32, i32
  }
  func.func @transform_3(%arg0: i32) -> (i32, i32) {
    %c0_i32 = arith.constant 0 : i32
    %c0_i32_0 = arith.constant 0 : i32
    %c0_i32_1 = arith.constant 0 : i32
    return %c0_i32, %c0_i32_0 : i32, i32
  }
  func.func @transform_4(%arg0: i32) -> (i32, i32) {
    %c0_i32 = arith.constant 0 : i32
    %c0_i32_0 = arith.constant 0 : i32
    %c0_i32_1 = arith.constant 0 : i32
    return %c0_i32, %c0_i32_0 : i32, i32
  }
  func.func @transform_5(%arg0: i32) -> (i32, i32) {
    %c0_i32 = arith.constant 0 : i32
    %c0_i32_0 = arith.constant 0 : i32
    %c0_i32_1 = arith.constant 0 : i32
    return %c0_i32, %c0_i32_0 : i32, i32
  }
  func.func @transform_6(%arg0: i32) -> (i32, i32) {
    %c0_i32 = arith.constant 0 : i32
    %c0_i32_0 = arith.constant 0 : i32
    %c0_i32_1 = arith.constant 0 : i32
    return %c0_i32, %c0_i32_0 : i32, i32
  }
  func.func @transform_7(%arg0: i32) -> (i32, i32) {
    %c0_i32 = arith.constant 0 : i32
    %c0_i32_0 = arith.constant 0 : i32
    %c0_i32_1 = arith.constant 0 : i32
    return %c0_i32, %c0_i32_0 : i32, i32
  }
  func.func @transform_8(%arg0: i32) -> (i32, i32) {
    %c0_i32 = arith.constant 0 : i32
    %c0_i32_0 = arith.constant 0 : i32
    %c0_i32_1 = arith.constant 0 : i32
    return %c0_i32, %c0_i32_0 : i32, i32
  }
  func.func @transform_9(%arg0: i32) -> (i32, i32) {
    %c0_i32 = arith.constant 0 : i32
    %c0_i32_0 = arith.constant 0 : i32
    %c0_i32_1 = arith.constant 0 : i32
    return %c0_i32, %c0_i32_0 : i32, i32
  }
  func.func @transform_10(%arg0: i32) -> (i32, i32) {
    %c0_i32 = arith.constant 0 : i32
    %c0_i32_0 = arith.constant 0 : i32
    %c0_i32_1 = arith.constant 0 : i32
    return %c0_i32, %c0_i32_0 : i32, i32
  }
  func.func @transform_11(%arg0: i32) -> (i32, i32) {
    %c0_i32 = arith.constant 0 : i32
    %c0_i32_0 = arith.constant 0 : i32
    %c0_i32_1 = arith.constant 0 : i32
    return %c0_i32, %c0_i32_0 : i32, i32
  }
  func.func @transform_12(%arg0: i32) -> (i32, i32) {
    %c0_i32 = arith.constant 0 : i32
    %c0_i32_0 = arith.constant 0 : i32
    %c0_i32_1 = arith.constant 0 : i32
    return %c0_i32, %c0_i32_0 : i32, i32
  }
  func.func @transform_13(%arg0: i32) -> (i32, i32) {
    %c0_i32 = arith.constant 0 : i32
    %c0_i32_0 = arith.constant 0 : i32
    return %arg0, %c0_i32 : i32, i32
  }
  func.func @transform_14(%arg0: i32) -> (i32, i32) {
    %c0_i32 = arith.constant 0 : i32
    %c0_i32_0 = arith.constant 0 : i32
    return %arg0, %c0_i32 : i32, i32
  }
}

</mosaic_0001>

<sc_bundles>
// kernel: kernel.11.cloned.1.call-start
scs
__scs_entry_jumppad:
0x0: {  	(pc) =	sbr.rel $0x88, $3  }
0x1: {  	(tag) =	ssettag $0x0;
	lr =	simm.s32 $0x1  }
0x2: {  	[smem:$0x3F89] =	sst lr;
	_ =	strace $0xD0000000  }
0x3: {  	_ = 	snop  }
0x4: {  	_ = 	snop  }
0x5: {  	_ = 	snop  }
0x6: {  	_ = 	snop  }
0x7: {  	_ = 	snop  }
__scs_overlays_trampoline_lowered:
0x8: {  	[smem:$0x3F98] =	sst s0  }
0x9: {  	[smem:$0x3F99] =	sst s1  }
0xa: {  	[smem:$0x3F9A] =	sst s2  }
0xb: {  	[smem:$0x3F9B] =	sst s3  }
0xc: {  	[smem:$0x3F9C] =	sst s4  }
0xd: {  	[smem:$0x3F9D] =	sst s5  }
0xe: {  	[smem:$0x3F9E] =	sst s6  }
0xf: {  	[smem:$0x3F9F] =	sst s7  }
0x10: {  	[smem:$0x3FA0] =	sst s8  }
0x11: {  	[smem:$0x3FA1] =	sst s9;
	s0 =	simm.s32 @!p0 $0x0  }
0x12: {  	s1 =	sld [smem:$0x3F87];
	s0 =	simm.s32 @p0 $0x1  }
0x13: {  	[smem:$0x3FA2] =	sst s0;
	s0 =	simm.s32 @!p1 $0x0  }
0x14: {  	s2 =	sld [smem:$0x3F86];
	s0 =	simm.s32 @p1 $0x1  }
0x15: {  	[smem:$0x3FA3] =	sst s0;
	s0 =	simm.s32 @!p2 $0x0  }
0x16: {  	s3 =	sld [smem:$0x3FDB];
	s0 =	simm.s32 @p2 $0x1  }
0x17: {  	s4 =	simm.s32 $0x1BF5;
	[smem:$0x3FA5] =	sst s0  }
0x18: {  	s0 =	sld [smem:$0x3F88];
	_ =	swait.ge [sflag:s4], $0x0  }
0x19: {  	s7 =	sld [smem:$0x3F89]  }
0x1a: {  	s8 =	sadd.s32 $0xFFFFE003, lr  }
0x1b: {  	s9 =	sadd.s32 $0xFFFFFEF7, lr;
	s5 =	simm.s32 $0xFFFFFFFF;
	p2 =	slt.u32 s8, $0xFFFFF086  }
0x1c: {  	p1 =	slt.u32 s9, $0xF7A;
	s5 =	simm.s32 @!p2 $0x0  }
0x1d: {  	s5 =	simm.s32 @p1 $0x1;
	p0 =	seq.s32 s7, s2  }
0x1e: {  	s7 =	smul.u32 @!p0 $0xF7A, s2;
	p2 =	seq.s32 @!p0 s5, $0x0  }
0x1f: {  	s9 =	smul.u32 $0xF7A, s1;
	s8 =	simm.s32 @!p0 $0x1BF5;
	p2 =	por !p2, p0  }
0x20: {  	[sflag:s8] =	ssyncset.s32 @!p0 $0xFFFFF086;
	s6 =	sadd.s32 @!p0 s3, s7;
	s7 =	simm.s32 @!p0 $0x108  }
0x21: {  	s3 =	sadd.s32 s3, s9;
	s6 =	sadd.s32 @!p0 $0x88, s6;
	s7 =	simm.s32 @p2 $0x1082  }
0x22: {  	[simem:s7], [sflag:s8] =	dma.local @!p0 [hbm:s6], $0xF7A  }
0x23: {  	s9 =	sor.u32 $0xD0000000, s2;
	s6 =	simm.s32 $0x108;
	_ =	swait.ge @!p0 [sflag:s8], $0x0  }
0x24: {  	s3 =	sadd.s32 $0x88, s3;
	s6 =	simm.s32 @!p1 $0x1082;
	[sflag:s4] =	ssyncset.s32 $0xFFFFF086  }
0x25: {  	[simem:s6], [sflag:s4] =	dma.local [hbm:s3], $0xF7A  }
0x26: {  	[smem:$0x3F89] =	sst s1;
	(tag) =	ssettag s2;
	_ =	strace s9  }
0x27: {  	s1 =	sld [smem:$0x3F99]  }
0x28: {  	s2 =	sld [smem:$0x3F9A]  }
0x29: {  	s4 =	sld [smem:$0x3F9C]  }
0x2a: {  	p0 =	seq.s32 s5, $0x0;
	s5 =	sld [smem:$0x3F9D]  }
0x2b: {  	s6 =	sld [smem:$0x3F9E]  }
0x2c: {  	s7 =	sld [smem:$0x3F9F]  }
0x2d: {  	s3 =	simm.s32 $0x108;
	s8 =	sld [smem:$0x3FA0]  }
0x2e: {  	s3 =	simm.s32 @!p0 $0x1082;
	s9 =	sld [smem:$0x3FA1]  }
0x2f: {  	lr =	sadd.s32 s0, s3;
	s0 =	sld [smem:$0x3F98]  }
0x30: {  	s3 =	sld [smem:$0x3F9B]  }
0x31: {  	[smem:$0x3FA4] =	sst s10  }
0x32: {  	s10 =	sld [smem:$0x3FA2];
	_ =	sdelay $0x3  }
0x33: {  	p0 =	seq.s32 s10, $0x1;
	s10 =	sld [smem:$0x3FA4];
	_ =	sdelay $0x3  }
0x34: {  	[smem:$0x3FA4] =	sst s10  }
0x35: {  	s10 =	sld [smem:$0x3FA3];
	_ =	sdelay $0x3  }
0x36: {  	p1 =	seq.s32 s10, $0x1;
	s10 =	sld [smem:$0x3FA4];
	_ =	sdelay $0x3  }
0x37: {  	[smem:$0x3FA4] =	sst s10  }
0x38: {  	s10 =	sld [smem:$0x3FA5]  }
0x39: {  	_ = 	snop;
	(pc) =	sbr.ind lr, $3  }
0x3a: {  	_ = 	snop  }
0x3b: {  	_ = 	snop  }
0x3c: {  	p2 =	seq.s32 s10, $0x1;
	s10 =	sld [smem:$0x3FA4]  }
0x3d: {  	_ =	shalt  }
0x3e: {  	_ =	shalt  }
0x3f: {  	_ =	shalt  }
0x40: {  	_ =	shalt  }
0x41: {  	_ =	shalt  }
0x42: {  	_ =	shalt  }
0x43: {  	_ =	shalt  }
0x44: {  	_ =	shalt  }
0x45: {  	_ =	shalt  }
0x46: {  	_ =	shalt  }
0x47: {  	_ =	shalt  }
0x48: {  	_ =	shalt  }
0x49: {  	_ =	shalt  }
0x4a: {  	_ =	shalt  }
0x4b: {  	_ =	shalt  }
0x4c: {  	_ =	shalt  }
0x4d: {  	_ =	shalt  }
0x4e: {  	_ =	shalt  }
0x4f: {  	_ =	shalt  }
0x50: {  	_ =	shalt  }
0x51: {  	_ =	shalt  }
0x52: {  	_ =	shalt  }
0x53: {  	_ =	shalt  }
0x54: {  	_ =	shalt  }
0x55: {  	_ =	shalt  }
0x56: {  	_ =	shalt  }
0x57: {  	_ =	shalt  }
0x58: {  	_ =	shalt  }
0x59: {  	_ =	shalt  }
0x5a: {  	_ =	shalt  }
0x5b: {  	_ =	shalt  }
0x5c: {  	_ =	shalt  }
0x5d: {  	_ =	shalt  }
0x5e: {  	_ =	shalt  }
0x5f: {  	_ =	shalt  }
0x60: {  	_ =	shalt  }
0x61: {  	_ =	shalt  }
0x62: {  	_ =	shalt  }
0x63: {  	_ =	shalt  }
0x64: {  	_ =	shalt  }
0x65: {  	_ =	shalt  }
0x66: {  	_ =	shalt  }
0x67: {  	_ =	shalt  }
0x68: {  	_ =	shalt  }
0x69: {  	_ =	shalt  }
0x6a: {  	_ =	shalt  }
0x6b: {  	_ =	shalt  }
0x6c: {  	_ =	shalt  }
0x6d: {  	_ =	shalt  }
0x6e: {  	_ =	shalt  }
0x6f: {  	_ =	shalt  }
0x70: {  	_ =	shalt  }
0x71: {  	_ =	shalt  }
0x72: {  	_ =	shalt  }
0x73: {  	_ =	shalt  }
0x74: {  	_ =	shalt  }
0x75: {  	_ =	shalt  }
0x76: {  	_ =	shalt  }
0x77: {  	_ =	shalt  }
0x78: {  	_ =	shalt  }
0x79: {  	_ =	shalt  }
0x7a: {  	_ =	shalt  }
0x7b: {  	_ =	shalt  }
0x7c: {  	_ =	shalt  }
0x7d: {  	_ =	shalt  }
0x7e: {  	_ =	shalt  }
0x7f: {  	_ =	shalt  }
0x80: {  	_ =	shalt  }
0x81: {  	_ =	shalt  }
0x82: {  	_ =	shalt  }
0x83: {  	_ =	shalt  }
0x84: {  	_ =	shalt  }
0x85: {  	_ =	shalt  }
0x86: {  	_ =	shalt  }
0x87: {  	_ =	shalt  }
.Lfunc_end0:
.L_simem_size_0:
called_computation.1_lowered:
.L_overlay_start_0:
0x88: {  	s2 =	sld [smem:$0x3FD9]  }
0x89: {  	s3 =	sld [smem:$0x3FFE];
	_ =	sdelay $0x1  }
0x8a: {  	s1 =	srdreg.scid  }
0x8b: {  	s0 =	sand.u32 $0x1, s1  }
0x8c: {  	s14 =	sshll.u32 s0, $0xA;
	s2 =	sadd.s32 s3, s2  }
0x8d: {  	s2 =	sadd.s32 s2, s14  }
0x8e: {  	[smem:$0x3FB0] =	sst s2  }
0x8f: {  	_ = 	snop  }
0x90: {  	s2 =	sld [smem:$0x3FD0];
	_ =	sdelay $0x2  }
0x91: {  	s15 =	simm.s32 $0xA;
	s4 =	simm.s32 $0x10  }
0x92: {  	[smem:s4], [sflag:s15] =	dma.local [hbm:s2], $0x1  }
0x93: {  	_ =	swait.eq [sflag:s15], $0x1  }
0x94: {  	[sflag:s15] =	ssyncset.done $0x0  }
0x95: {  	s16 =	sld [smem:$0x10];
	[sflag:s15] =	ssyncadd.s32 $0xFFFFFFFF  }
0x96: {  	s17 =	sld [smem:$0x11];
	(tm) =	ssettm $0x1  }
0x97: {  	s18 =	sld [smem:$0x3FFB];
	_ =	sdelay $0x3  }
0x98: {  	_ =	strace s18  }
0x99: {  	s4 =	sld [smem:$0x3FFC];
	_ =	sdelay $0x3  }
0x9a: {  	_ =	strace s4  }
0x9b: {  	s4 =	sld [smem:$0x3FFD];
	_ =	sdelay $0x3  }
0x9c: {  	_ =	strace s4  }
0x9d: {  	_ =	strace $0x8FFFFFFF  }
0x9e: {  	s19 =	sld [smem:$0x3FDB];
	_ =	sdelay $0x1  }
0x9f: {  	s5 =	simm.s32 $_scs_section_size  }
0xa0: {  	s6 =	simm.s32 $_size__tile_overlayer_lowered;
	s7 =	simm.s32 $_tile_overlayer_lowered  }
0xa1: {  	s22 =	simm.s32 $0x1BFF;
	s21 =	sshll.u32 s7, $0x1;
	s4 =	sadd.s32 s5, s19  }
0xa2: {  	s8 =	simm.s32 $0x0;
	s20 =	sshll.u32 s6, $0x1;
	s6 =	sadd.s32 s21, s4  }
0xa3: {  	[timem:s8], [sflag:s22] =	dma.local [hbm:s6], s20  }
0xa4: {  	_ =	swait.ge [sflag:s22], s20  }
0xa5: {  	s5 =	ssub.s32 $0x0, s20;
	[sflag:s22] =	ssyncset.done $0x0  }
0xa6: {  	[sflag:s22] =	ssyncadd.s32 s5;
	_ =	sdelay $0x1  }
0xa7: {  	s23 =	simm.s32 $0x1B8B  }
0xa8: {  	_ =	swait.ge [sflag:s23], $0x1  }
0xa9: {  	[sflag:s23] =	ssyncset.done $0x0  }
0xaa: {  	s25 =	simm.s32 $0x1B8E;
	s24 =	sld [smem:$0x3FFE];
	[sflag:s23] =	ssyncadd.s32 $0xFFFFFFFF  }
0xab: {  	s26 =	simm.s32 $execute0_lowered;
	[smem:$0x3FD2] =	sst s25  }
0xac: {  	s6 =	sshll.u32 s26, $0x1;
	_ =	strace $0x80000049;
	[dreg:$0x1] =	wrdreg $0xFFFFFFFF  }
0xad: {  	s28 =	simm.s32 $_size_execute0_lowered;
	s4 =	sadd.s32 s4, s6;
	[dreg:$0x0] =	wrdreg $0x0  }
0xae: {  	s6 =	sshll.u32 s28, $0x1;
	[dreg:$0x2] =	wrdreg s4  }
0xaf: {  	[dreg:$0x3] =	wrdreg s6  }
0xb0: {  	[dreg:$0x4] =	wrdreg $0xC0  }
0xb1: {  	_ =	task [dreg:s8], $0x5FFFF  }
0xb2: {  	[dreg:$0x1] =	wrdreg $0xFFFFFFFF  }
0xb3: {  	[dreg:$0x0] =	wrdreg $0x60  }
0xb4: {  	[dreg:$0x2] =	wrdreg s17  }
0xb5: {  	[dreg:$0x3] =	wrdreg s16  }
0xb6: {  	[dreg:$0x4] =	wrdreg s24  }
0xb7: {  	[dreg:$0x5] =	wrdreg $0xB0000  }
0xb8: {  	[dreg:$0x6] =	wrdreg $0x9  }
0xb9: {  	_ =	task.clear_ibuf [dreg:s8], $0x7FFFF;
	_ =	strace $0x90000049  }
0xba: {  	s29 =	simm.s32 $0x9;
	_ =	strace $0x8000004B  }
0xbb: {  	_ =	swait.ge [sflag:s29], $0x1  }
0xbc: {  	[sflag:s29] =	ssyncadd.s32 $0xFFFFFFFF  }
0xbd: {  	_ =	strace $0x9000004B  }
0xbe: {  	_ =	sfence  }
0xbf: {  	s30 =	sld [smem:$0x0];
	_ =	sdelay $0x2  }
0xc0: {  	s31 =	sshll.u32 s1, $0xD;
	s1 =	sshrl.u32 s1, $0x2  }
0xc1: {  	s3 =	sand.u32 $0x4000, s31;
	s1 =	sadd.s32 s1, s30  }
0xc2: {  	s0 =	sor.u32 s3, s0;
	s1 =	sshll.u32 s1, $0x11  }
0xc3: {  	s0 =	sor.u32 s1, s0  }
0xc4: {  	s0 =	sadd.s32 $0x8F2B, s0  }
0xc5: {  	[sflag:s0] =	ssyncadd.remote.s32 $0x1  }
0xc6: {  	_ =	sfence.sel $0xFFFF  }
0xc7: {  	[dreg:$0x0] =	wrdreg $0xFFFFFFFF;
	(pc) =	sbr.abs _section_cstart, $3  }
0xc8: {  	[dreg:$0x1] =	wrdreg $0xFFFFFFFF  }
0xc9: {  	_ =	task.clear_ibuf [dreg:s8], $0x2FFFF;
	_ =	strace $0x9FFFFFFF  }
0xca: {  	(tm) =	ssettm $0x7FFFFFFF  }
0xcb: {  	_ =	shalt  }
tec
execute0_lowered:
.L_overlay_start_1:
0x0: {  	(tag) =	ssettag $0x1  }
0x1: {  	s1 =	rddreg [dreg:$0x0]  }
0x2: {  	s11 =	rddreg [dreg:$0x1]  }
0x3: {  	s0 =	srdreg.scid;
	s3 =	rddreg [dreg:$0x2]  }
0x4: {  	s10 =	stileid.u32;
	s4 =	rddreg [dreg:$0x3]  }
0x5: {  	s6 =	simm.s32 $0x0;
	s16 =	simm.s32 $0x7;
	s28 =	simm.s32 $0x9000  }
0x6: {  	s29 =	simm.s32 $0x2;
	s30 =	simm.s32 $0x3;
	s12 =	simm.s32 $0x2F40  }
0x7: {  	s13 =	simm.s32 $0x2F80;
	s14 =	simm.s32 $0x5;
	s5 =	smul.u32 $0x13C00, s10  }
0x8: {  	s0 =	sand.u32 $0x1, s0;
	[smem:$0x7FF] =	sst s6;
	s9 =	smul.u32 $0x4F000, s10  }
0x9: {  	s21 =	smul.u32 $0x2800, s10;
	s22 =	sshll.u32 s10, $0x6;
	s2 =	sshll.u32 s0, $0x4  }
0xa: {  	s17 =	smul.u32 $0x13C000, s0;
	_ =	strace $0x8000004A;
	s18 =	ssub.s32 $0x2, s0  }
0xb: {  	s0 =	smul.u32 $0x28000, s0;
	s15 =	sor.u32 $0x1C07, s22;
	s22 =	simm.s32 $0x1  }
0xc: {  	s2 =	sor.u32 s10, s2;
	s7 =	sshrl.u32 s5, $0x3;
	s19 =	sshrl.u32 s18, $0x1  }
0xd: {  	s20 =	sshrl.u32 s9, $0x2;
	s9 =	simm.s32 $0x2E80;
	s10 =	simm.s32 $0x2EC0  }
0xe: {  	[dreg:$0x6] =	wrdreg s15;
	s2 =	smul.u32 $0x2800, s2;
	s7 =	sadd.s32 s7, s3  }
0xf: {  	s5 =	sadd.s32 s5, s17;
	s6 =	sadd.s32 s20, s4;
	s0 =	sadd.s32 s21, s0  }
0x10: {  	s17 =	simm.s32 $0x40;
	s20 =	simm.s32 $0x5000;
	s21 =	simm.s32 $0x2C00  }
0x11: {  	s5 =	sshrl.u32 s5, $0x3;
	s7 =	sadd.s32 $0xEC00, s7;
	s25 =	sor.u32 $0x400, s0  }
0x12: {  	s0 =	sadd.s32 $0x800, s0;
	s2 =	sshrl.u32 s2, $0x3;
	[dreg:$0x5] =	wrdreg s7  }
0x13: {  	[dreg:$0xb] =	wrdreg s0;
	s31 =	sshrl.u32 s25, $0x3;
	s25 =	simm.s32 $0x7000  }
0x14: {  	s7 =	simm.s32 $0x2FC0;
	s8 =	sadd.s32 s2, s3;
	s3 =	sadd.s32 s5, s3  }
0x15: {  	s5 =	ssub.s32 s18, s19;
	s2 =	sadd.s32 s11, s2;
	s0 =	sadd.s32 s31, s11  }
0x16: {  	s18 =	simm.s32 $0x3000;
	s11 =	simm.s32 $0x2F00;
	[dreg:$0x8] =	wrdreg s2  }
.Ltmp0:
0x17: {  	s23 =	sadd.s32 $0x4C00, s8;
	[dreg:$0xc] =	wrdreg s0;
	(pc) =	sbr.rel .LBB2_1-.Ltmp0, $4  }
0x18: {  	s24 =	sadd.s32 $0x36400, s3;
	s26 =	smax.u32 s5, $0x1;
	[dreg:$0x7] =	wrdreg s23  }
0x19: {  	s5 =	sshrl.u32 s6, $0x3;
	s0 =	simm.s32 $0x4;
	[dreg:$0x9] =	wrdreg s24  }
0x1a: {  	s2 =	simm.s32 $0x6;
	s8 =	simm.s32 $0x2E40;
	[dreg:$0xa] =	wrdreg s26  }
0x1b: {  	s6 =	simm.s32 $0x0;
	s23 =	simm.s32 $0x80;
	[dreg:$0xd] =	wrdreg s5  }
.LBB2_4:
0x1c: {  	_ =	swait.ge [sflag:s30], $0x4000  }
0x1d: {  	[sflag:s30] =	ssyncset.done $0x0  }
0x1e: {  	[sflag:s30] =	ssyncadd.s32 $0xFFFFC000  }
0x1f: {  	_ =	swait.ge [sflag:s0], $0x4000  }
0x20: {  	[sflag:s0] =	ssyncset.done $0x0  }
0x21: {  	[sflag:s0] =	ssyncadd.s32 $0xFFFFC000  }
0x22: {  	[bflag:$0x0] =	sbarrier.arrive $0xFFFF  }
0x23: {  	s15 =	rddreg [dreg:$0x6]  }
0x24: {  	s3 =	rddreg [dreg:$0x9]  }
0x25: {  	s16 =	simm.s32 $0x7;
	s5 =	rddreg [dreg:$0xd]  }
0x26: {  	[hbm:s3], [sflag:s15] =	dma.local [spmem:s5], $0x2780  }
0x27: {  	_ =	swait.ge [sflag:s16], $0x2780  }
0x28: {  	s6 =	rddreg [dreg:$0xe]  }
0x29: {  	s31 =	rddreg [dreg:$0xa];
	s6 =	sadd.s32 $0x1, s6  }
0x2a: {  	p0 =	sne.s32 s6, s31  }
.Ltmp1:
0x2b: {  	_ = 	snop;
	(pc) =	sbr.rel @!p0 .LBB2_5-.Ltmp1, $3  }
0x2c: {  	_ =	sdelay $0x1  }
0x2d: {  	[sflag:s16] =	ssyncset.done $0x0  }
0x2e: {  	[sflag:s16] =	ssyncadd.s32 $0xFFFFD880  }
.LBB2_1:
0x2f: {  	[dreg:$0xe] =	wrdreg s6  }
0x30: {  	s3 =	rddreg [dreg:$0x5]  }
0x31: {  	[spmem:s5], [sflag:s15] =	dma.local [hbm:s3], $0x2780  }
0x32: {  	_ =	swait.ge [sflag:s16], $0x2780  }
0x33: {  	[sflag:s16] =	ssyncset.done $0x0  }
0x34: {  	s15 =	simm.s32 $0x0;
	s24 =	rddreg [dreg:$0x7];
	[sflag:s16] =	ssyncadd.s32 $0xFFFFD880  }
0x35: {  	[tilespmem:s15], [sflag:$0x7] =	stream.linear.gather [hbm4b:s24+s15], $0x2800, $0x38;
	[tilespmem:$0x1EC00] =	vst v63  }
0x36: {  	_ =	swait.ge [sflag:s16], $0x2800  }
0x37: {  	[sflag:s16] =	ssyncset.done $0x0  }
0x38: {  	s19 =	simm.s32 $0x2800;
	s26 =	rddreg [dreg:$0x8];
	[sflag:s16] =	ssyncadd.s32 $0xFFFFD800  }
0x39: {  	[tilespmem:s19], [sflag:$0x7] =	stream.linear.gather [hbm4b:s26+s15], $0x400, $0x38;
	[tilespmem:$0x1EC00] =	vst v63  }
0x3a: {  	_ =	swait.ge [sflag:s16], $0x400  }
0x3b: {  	[sflag:s16] =	ssyncset.done $0x0  }
0x3c: {  	[sflag:s16] =	ssyncadd.s32 $0xFFFFFC00  }
0x3d: {  	[bflag:$0x0] =	sbarrier.arrive $0xFFFF  }
0x3e: {  	[tilespmem:s18], [sflag:$0x1] =	stream.indirect.gather [hbm4b:s1+s17], $0x80, s19, s17, $0xb8;
	[tilespmem:$0x1EC00] =	vst v63  }
0x3f: {  	s6 =	simm.s32 $0x2800;
	s31 =	simm.s32 $0x2840;
	s15 =	rddreg [dreg:$0xc]  }
0x40: {  	s3 =	simm.s32 $0x0;
	s5 =	rddreg [dreg:$0xb];
	s19 =	simm.s32 $0x0  }
0x41: {  	[tilespmem:s20], [sflag:$0x1] =	stream.indirect.gather [hbm4b:s1+s17], $0x80, s31, s17, $0xb8;
	[tilespmem:$0x1EC00] =	vst v63  }
.LBB2_2:
0x42: {  	[tilespmem:s21], [sflag:$0x6] =	stream.linear.gather [hbm4b:s15+s3], $0x400, $0x38;
	[tilespmem:$0x1EC00] =	vst v63  }
0x43: {  	_ =	swait.ge [sflag:s22], $0x4000  }
0x44: {  	p0 =	seq.s32 s19, $0x0;
	[sflag:s22] =	ssyncset.done $0x0  }
0x45: {  	s24 =	sshra.s32 s19, $0x2;
	s16 =	simm.s32 @!p0 $0x4;
	[sflag:s22] =	ssyncadd.s32 $0xFFFFC000  }
0x46: {  	[spmem:s4] =	stream.indirect.scatter.add.f32 [tilespmem:s18], [sflag:$0x3], $0x80, s24, s23, $0xb8;
	[tilespmem:$0x1EC00] =	vst v63  }
0x47: {  	_ =	swait.ge @!p0 [sflag:s16], $0x4000  }
0x48: {  	[sflag:s16] =	ssyncset.done @!p0 $0x0  }
0x49: {  	s31 =	simm.s32 $0x2880;
	[sflag:s16] =	ssyncadd.s32 @!p0 $0xFFFFC000  }
0x4a: {  	[tilespmem:s25], [sflag:$0x2] =	stream.indirect.gather [hbm4b:s1+s17], $0x80, s31, s17, $0xb8;
	[tilespmem:$0x1EC00] =	vst v63  }
0x4b: {  	s26 =	simm.s32 $0x28C0  }
0x4c: {  	[tilespmem:s28], [sflag:$0x2] =	stream.indirect.gather [hbm4b:s1+s17], $0x80, s26, s17, $0xb8;
	[tilespmem:$0x1EC00] =	vst v63  }
0x4d: {  	_ =	swait.ge [sflag:s29], $0x4000  }
0x4e: {  	[sflag:s29] =	ssyncset.done $0x0  }
0x4f: {  	s31 =	sadd.s32 $0x80, s24;
	[sflag:s29] =	ssyncadd.s32 $0xFFFFC000  }
0x50: {  	[spmem:s4] =	stream.indirect.scatter.add.f32 [tilespmem:s25], [sflag:$0x4], $0x80, s31, s23, $0xb8;
	[tilespmem:$0x1EC00] =	vst v63  }
0x51: {  	_ =	swait.ge [sflag:s30], $0x4000  }
0x52: {  	[sflag:s30] =	ssyncset.done $0x0  }
0x53: {  	s26 =	simm.s32 $0x2900;
	[sflag:s30] =	ssyncadd.s32 $0xFFFFC000  }
0x54: {  	[tilespmem:s18], [sflag:$0x1] =	stream.indirect.gather [hbm4b:s1+s17], $0x80, s26, s17, $0xb8;
	[tilespmem:$0x1EC00] =	vst v63  }
0x55: {  	s31 =	simm.s32 $0x2940  }
0x56: {  	[tilespmem:s20], [sflag:$0x1] =	stream.indirect.gather [hbm4b:s1+s17], $0x80, s31, s17, $0xb8;
	[tilespmem:$0x1EC00] =	vst v63  }
0x57: {  	_ =	swait.ge [sflag:s22], $0x4000  }
0x58: {  	[sflag:s22] =	ssyncset.done $0x0  }
0x59: {  	s26 =	sadd.s32 $0x100, s24;
	[sflag:s22] =	ssyncadd.s32 $0xFFFFC000  }
0x5a: {  	[spmem:s4] =	stream.indirect.scatter.add.f32 [tilespmem:s18], [sflag:$0x3], $0x80, s26, s23, $0xb8;
	[tilespmem:$0x1EC00] =	vst v63  }
0x5b: {  	_ =	swait.ge [sflag:s0], $0x4000  }
0x5c: {  	[sflag:s0] =	ssyncset.done $0x0  }
0x5d: {  	s31 =	simm.s32 $0x2980;
	[sflag:s0] =	ssyncadd.s32 $0xFFFFC000  }
0x5e: {  	[tilespmem:s25], [sflag:$0x2] =	stream.indirect.gather [hbm4b:s1+s17], $0x80, s31, s17, $0xb8;
	[tilespmem:$0x1EC00] =	vst v63  }
0x5f: {  	s26 =	simm.s32 $0x29C0  }
0x60: {  	[tilespmem:s28], [sflag:$0x2] =	stream.indirect.gather [hbm4b:s1+s17], $0x80, s26, s17, $0xb8;
	[tilespmem:$0x1EC00] =	vst v63  }
0x61: {  	_ =	swait.ge [sflag:s29], $0x4000  }
0x62: {  	[sflag:s29] =	ssyncset.done $0x0  }
0x63: {  	s31 =	sadd.s32 $0x180, s24;
	[sflag:s29] =	ssyncadd.s32 $0xFFFFC000  }
0x64: {  	[spmem:s4] =	stream.indirect.scatter.add.f32 [tilespmem:s25], [sflag:$0x4], $0x80, s31, s23, $0xb8;
	[tilespmem:$0x1EC00] =	vst v63  }
0x65: {  	_ =	swait.ge [sflag:s30], $0x4000  }
0x66: {  	[sflag:s30] =	ssyncset.done $0x0  }
0x67: {  	s26 =	simm.s32 $0x2A00;
	[sflag:s30] =	ssyncadd.s32 $0xFFFFC000  }
0x68: {  	[tilespmem:s18], [sflag:$0x1] =	stream.indirect.gather [hbm4b:s1+s17], $0x80, s26, s17, $0xb8;
	[tilespmem:$0x1EC00] =	vst v63  }
0x69: {  	s31 =	simm.s32 $0x2A40  }
0x6a: {  	[tilespmem:s20], [sflag:$0x1] =	stream.indirect.gather [hbm4b:s1+s17], $0x80, s31, s17, $0xb8;
	[tilespmem:$0x1EC00] =	vst v63  }
0x6b: {  	_ =	swait.ge [sflag:s22], $0x4000  }
0x6c: {  	[sflag:s22] =	ssyncset.done $0x0  }
0x6d: {  	s26 =	sadd.s32 $0x200, s24;
	[sflag:s22] =	ssyncadd.s32 $0xFFFFC000  }
0x6e: {  	[spmem:s4] =	stream.indirect.scatter.add.f32 [tilespmem:s18], [sflag:$0x3], $0x80, s26, s23, $0xb8;
	[tilespmem:$0x1EC00] =	vst v63  }
0x6f: {  	_ =	swait.ge [sflag:s0], $0x4000  }
0x70: {  	[sflag:s0] =	ssyncset.done $0x0  }
0x71: {  	s31 =	simm.s32 $0x2A80;
	[sflag:s0] =	ssyncadd.s32 $0xFFFFC000  }
0x72: {  	[tilespmem:s25], [sflag:$0x2] =	stream.indirect.gather [hbm4b:s1+s17], $0x80, s31, s17, $0xb8;
	[tilespmem:$0x1EC00] =	vst v63  }
0x73: {  	s26 =	simm.s32 $0x2AC0  }
0x74: {  	[tilespmem:s28], [sflag:$0x2] =	stream.indirect.gather [hbm4b:s1+s17], $0x80, s26, s17, $0xb8;
	[tilespmem:$0x1EC00] =	vst v63  }
0x75: {  	_ =	swait.ge [sflag:s29], $0x4000  }
0x76: {  	[sflag:s29] =	ssyncset.done $0x0  }
0x77: {  	s31 =	sadd.s32 $0x280, s24;
	[sflag:s29] =	ssyncadd.s32 $0xFFFFC000  }
0x78: {  	[spmem:s4] =	stream.indirect.scatter.add.f32 [tilespmem:s25], [sflag:$0x4], $0x80, s31, s23, $0xb8;
	[tilespmem:$0x1EC00] =	vst v63  }
0x79: {  	_ =	swait.ge [sflag:s30], $0x4000  }
0x7a: {  	[sflag:s30] =	ssyncset.done $0x0  }
0x7b: {  	s26 =	simm.s32 $0x2B00;
	[sflag:s30] =	ssyncadd.s32 $0xFFFFC000  }
0x7c: {  	[tilespmem:s18], [sflag:$0x1] =	stream.indirect.gather [hbm4b:s1+s17], $0x80, s26, s17, $0xb8;
	[tilespmem:$0x1EC00] =	vst v63  }
0x7d: {  	s31 =	simm.s32 $0x2B40  }
0x7e: {  	[tilespmem:s20], [sflag:$0x1] =	stream.indirect.gather [hbm4b:s1+s17], $0x80, s31, s17, $0xb8;
	[tilespmem:$0x1EC00] =	vst v63  }
0x7f: {  	_ =	swait.ge [sflag:s22], $0x4000  }
0x80: {  	[sflag:s22] =	ssyncset.done $0x0  }
0x81: {  	s26 =	sadd.s32 $0x300, s24;
	[sflag:s22] =	ssyncadd.s32 $0xFFFFC000  }
0x82: {  	[spmem:s4] =	stream.indirect.scatter.add.f32 [tilespmem:s18], [sflag:$0x3], $0x80, s26, s23, $0xb8;
	[tilespmem:$0x1EC00] =	vst v63  }
0x83: {  	_ =	swait.ge [sflag:s0], $0x4000  }
0x84: {  	[sflag:s0] =	ssyncset.done $0x0  }
0x85: {  	s31 =	simm.s32 $0x2B80;
	[sflag:s0] =	ssyncadd.s32 $0xFFFFC000  }
0x86: {  	[tilespmem:s25], [sflag:$0x2] =	stream.indirect.gather [hbm4b:s1+s17], $0x80, s31, s17, $0xb8;
	[tilespmem:$0x1EC00] =	vst v63  }
0x87: {  	s26 =	simm.s32 $0x2BC0  }
0x88: {  	[tilespmem:s28], [sflag:$0x2] =	stream.indirect.gather [hbm4b:s1+s17], $0x80, s26, s17, $0xb8;
	[tilespmem:$0x1EC00] =	vst v63  }
0x89: {  	_ =	swait.ge [sflag:s29], $0x4000  }
0x8a: {  	[sflag:s29] =	ssyncset.done $0x0  }
0x8b: {  	s31 =	sadd.s32 $0x380, s24;
	[sflag:s29] =	ssyncadd.s32 $0xFFFFC000  }
0x8c: {  	[spmem:s4] =	stream.indirect.scatter.add.f32 [tilespmem:s25], [sflag:$0x4], $0x80, s31, s23, $0xb8;
	[tilespmem:$0x1EC00] =	vst v63  }
0x8d: {  	_ =	swait.ge [sflag:s2], $0x400  }
0x8e: {  	[sflag:s2] =	ssyncset.done $0x0  }
0x8f: {  	[sflag:s2] =	ssyncadd.s32 $0xFFFFFC00  }
0x90: {  	_ =	swait.ge [sflag:s30], $0x4000  }
0x91: {  	[sflag:s30] =	ssyncset.done $0x0  }
0x92: {  	[sflag:s30] =	ssyncadd.s32 $0xFFFFC000  }
0x93: {  	[tilespmem:s18], [sflag:$0x1] =	stream.indirect.gather [hbm4b:s1+s17], $0x80, s21, s17, $0xb8;
	[tilespmem:$0x1EC00] =	vst v63  }
0x94: {  	p0 =	seq.s32 s19, $0x8000;
	s26 =	simm.s32 $0x2C40  }
0x95: {  	[tilespmem:s20], [sflag:$0x1] =	stream.indirect.gather [hbm4b:s1+s17], $0x80, s26, s17, $0xb8;
	[tilespmem:$0x1EC00] =	vst v63  }
0x96: {  	s16 =	sshrl.u32 @!p0 s5, $0x3;
	s26 =	rddreg [dreg:$0x1]  }
0x97: {  	s31 =	simm.s32 @!p0 $0x2800;
	s16 =	sadd.s32 @!p0 s26, s16;
	s26 =	simm.s32 @!p0 $0x0  }
0x98: {  	[tilespmem:s31], [sflag:$0x5] =	stream.linear.gather @!p0 [hbm4b:s16+s26], $0x400, $0x38;
	[tilespmem:$0x1EC00] =	vst v63  }
0x99: {  	_ =	swait.ge [sflag:s22], $0x4000  }
0x9a: {  	[sflag:s22] =	ssyncset.done $0x0  }
0x9b: {  	s31 =	sadd.s32 $0x400, s24;
	[sflag:s22] =	ssyncadd.s32 $0xFFFFC000  }
0x9c: {  	[spmem:s4] =	stream.indirect.scatter.add.f32 [tilespmem:s18], [sflag:$0x3], $0x80, s31, s23, $0xb8;
	[tilespmem:$0x1EC00] =	vst v63  }
0x9d: {  	_ =	swait.ge [sflag:s0], $0x4000  }
0x9e: {  	[sflag:s0] =	ssyncset.done $0x0  }
0x9f: {  	s26 =	simm.s32 $0x2C80;
	[sflag:s0] =	ssyncadd.s32 $0xFFFFC000  }
0xa0: {  	[tilespmem:s25], [sflag:$0x2] =	stream.indirect.gather [hbm4b:s1+s17], $0x80, s26, s17, $0xb8;
	[tilespmem:$0x1EC00] =	vst v63  }
0xa1: {  	s31 =	simm.s32 $0x2CC0  }
0xa2: {  	[tilespmem:s28], [sflag:$0x2] =	stream.indirect.gather [hbm4b:s1+s17], $0x80, s31, s17, $0xb8;
	[tilespmem:$0x1EC00] =	vst v63  }
0xa3: {  	_ =	swait.ge [sflag:s29], $0x4000  }
0xa4: {  	[sflag:s29] =	ssyncset.done $0x0  }
0xa5: {  	s26 =	sadd.s32 $0x480, s24;
	[sflag:s29] =	ssyncadd.s32 $0xFFFFC000  }
0xa6: {  	[spmem:s4] =	stream.indirect.scatter.add.f32 [tilespmem:s25], [sflag:$0x4], $0x80, s26, s23, $0xb8;
	[tilespmem:$0x1EC00] =	vst v63  }
0xa7: {  	_ =	swait.ge [sflag:s30], $0x4000  }
0xa8: {  	[sflag:s30] =	ssyncset.done $0x0  }
0xa9: {  	s31 =	simm.s32 $0x2D00;
	[sflag:s30] =	ssyncadd.s32 $0xFFFFC000  }
0xaa: {  	[tilespmem:s18], [sflag:$0x1] =	stream.indirect.gather [hbm4b:s1+s17], $0x80, s31, s17, $0xb8;
	[tilespmem:$0x1EC00] =	vst v63  }
0xab: {  	s26 =	simm.s32 $0x2D40  }
0xac: {  	[tilespmem:s20], [sflag:$0x1] =	stream.indirect.gather [hbm4b:s1+s17], $0x80, s26, s17, $0xb8;
	[tilespmem:$0x1EC00] =	vst v63  }
0xad: {  	_ =	swait.ge [sflag:s22], $0x4000  }
0xae: {  	[sflag:s22] =	ssyncset.done $0x0  }
0xaf: {  	s31 =	sadd.s32 $0x500, s24;
	[sflag:s22] =	ssyncadd.s32 $0xFFFFC000  }
0xb0: {  	[spmem:s4] =	stream.indirect.scatter.add.f32 [tilespmem:s18], [sflag:$0x3], $0x80, s31, s23, $0xb8;
	[tilespmem:$0x1EC00] =	vst v63  }
0xb1: {  	_ =	swait.ge [sflag:s0], $0x4000  }
0xb2: {  	[sflag:s0] =	ssyncset.done $0x0  }
0xb3: {  	s26 =	simm.s32 $0x2D80;
	[sflag:s0] =	ssyncadd.s32 $0xFFFFC000  }
0xb4: {  	[tilespmem:s25], [sflag:$0x2] =	stream.indirect.gather [hbm4b:s1+s17], $0x80, s26, s17, $0xb8;
	[tilespmem:$0x1EC00] =	vst v63  }
0xb5: {  	s31 =	simm.s32 $0x2DC0  }
0xb6: {  	[tilespmem:s28], [sflag:$0x2] =	stream.indirect.gather [hbm4b:s1+s17], $0x80, s31, s17, $0xb8;
	[tilespmem:$0x1EC00] =	vst v63  }
0xb7: {  	_ =	swait.ge [sflag:s29], $0x4000  }
0xb8: {  	[sflag:s29] =	ssyncset.done $0x0  }
0xb9: {  	s26 =	sadd.s32 $0x580, s24;
	[sflag:s29] =	ssyncadd.s32 $0xFFFFC000  }
0xba: {  	[spmem:s4] =	stream.indirect.scatter.add.f32 [tilespmem:s25], [sflag:$0x4], $0x80, s26, s23, $0xb8;
	[tilespmem:$0x1EC00] =	vst v63  }
0xbb: {  	_ =	swait.ge [sflag:s30], $0x4000  }
0xbc: {  	[sflag:s30] =	ssyncset.done $0x0  }
0xbd: {  	s31 =	simm.s32 $0x2E00;
	[sflag:s30] =	ssyncadd.s32 $0xFFFFC000  }
0xbe: {  	[tilespmem:s18], [sflag:$0x1] =	stream.indirect.gather [hbm4b:s1+s17], $0x80, s31, s17, $0xb8;
	[tilespmem:$0x1EC00] =	vst v63  }
0xbf: {  	_ = 	snop  }
0xc0: {  	[tilespmem:s20], [sflag:$0x1] =	stream.indirect.gather [hbm4b:s1+s17], $0x80, s8, s17, $0xb8;
	[tilespmem:$0x1EC00] =	vst v63  }
0xc1: {  	_ =	swait.ge [sflag:s22], $0x4000  }
0xc2: {  	[sflag:s22] =	ssyncset.done $0x0  }
0xc3: {  	s26 =	sadd.s32 $0x600, s24;
	[sflag:s22] =	ssyncadd.s32 $0xFFFFC000  }
0xc4: {  	[spmem:s4] =	stream.indirect.scatter.add.f32 [tilespmem:s18], [sflag:$0x3], $0x80, s26, s23, $0xb8;
	[tilespmem:$0x1EC00] =	vst v63  }
0xc5: {  	_ =	swait.ge [sflag:s0], $0x4000  }
0xc6: {  	[sflag:s0] =	ssyncset.done $0x0  }
0xc7: {  	[sflag:s0] =	ssyncadd.s32 $0xFFFFC000  }
0xc8: {  	[tilespmem:s25], [sflag:$0x2] =	stream.indirect.gather [hbm4b:s1+s17], $0x80, s9, s17, $0xb8;
	[tilespmem:$0x1EC00] =	vst v63  }
0xc9: {  	_ = 	snop  }
0xca: {  	[tilespmem:s28], [sflag:$0x2] =	stream.indirect.gather [hbm4b:s1+s17], $0x80, s10, s17, $0xb8;
	[tilespmem:$0x1EC00] =	vst v63  }
0xcb: {  	_ =	swait.ge [sflag:s29], $0x4000  }
0xcc: {  	[sflag:s29] =	ssyncset.done $0x0  }
0xcd: {  	s31 =	sadd.s32 $0x680, s24;
	[sflag:s29] =	ssyncadd.s32 $0xFFFFC000  }
0xce: {  	[spmem:s4] =	stream.indirect.scatter.add.f32 [tilespmem:s25], [sflag:$0x4], $0x80, s31, s23, $0xb8;
	[tilespmem:$0x1EC00] =	vst v63  }
0xcf: {  	_ =	swait.ge [sflag:s30], $0x4000  }
0xd0: {  	[sflag:s30] =	ssyncset.done $0x0  }
0xd1: {  	[sflag:s30] =	ssyncadd.s32 $0xFFFFC000  }
0xd2: {  	[tilespmem:s18], [sflag:$0x1] =	stream.indirect.gather [hbm4b:s1+s17], $0x80, s11, s17, $0xb8;
	[tilespmem:$0x1EC00] =	vst v63  }
0xd3: {  	_ = 	snop  }
0xd4: {  	[tilespmem:s20], [sflag:$0x1] =	stream.indirect.gather [hbm4b:s1+s17], $0x80, s12, s17, $0xb8;
	[tilespmem:$0x1EC00] =	vst v63  }
0xd5: {  	_ =	swait.ge [sflag:s22], $0x4000  }
0xd6: {  	[sflag:s22] =	ssyncset.done $0x0  }
0xd7: {  	s26 =	sadd.s32 $0x700, s24;
	[sflag:s22] =	ssyncadd.s32 $0xFFFFC000  }
0xd8: {  	[spmem:s4] =	stream.indirect.scatter.add.f32 [tilespmem:s18], [sflag:$0x3], $0x80, s26, s23, $0xb8;
	[tilespmem:$0x1EC00] =	vst v63  }
0xd9: {  	_ =	swait.ge [sflag:s0], $0x4000  }
0xda: {  	[sflag:s0] =	ssyncset.done $0x0  }
0xdb: {  	[sflag:s0] =	ssyncadd.s32 $0xFFFFC000  }
0xdc: {  	[tilespmem:s25], [sflag:$0x2] =	stream.indirect.gather [hbm4b:s1+s17], $0x80, s13, s17, $0xb8;
	[tilespmem:$0x1EC00] =	vst v63  }
0xdd: {  	_ = 	snop  }
0xde: {  	[tilespmem:s28], [sflag:$0x2] =	stream.indirect.gather [hbm4b:s1+s17], $0x80, s7, s17, $0xb8;
	[tilespmem:$0x1EC00] =	vst v63  }
.Ltmp2:
0xdf: {  	_ = 	snop;
	(pc) =	sbr.rel @p0 .LBB2_4-.Ltmp2, $4  }
0xe0: {  	_ =	swait.ge [sflag:s29], $0x4000  }
0xe1: {  	[sflag:s29] =	ssyncset.done $0x0  }
0xe2: {  	s31 =	sadd.s32 $0x780, s24;
	[sflag:s29] =	ssyncadd.s32 $0xFFFFC000  }
0xe3: {  	[spmem:s4] =	stream.indirect.scatter.add.f32 [tilespmem:s25], [sflag:$0x4], $0x80, s31, s23, $0xb8;
	[tilespmem:$0x1EC00] =	vst v63  }
0xe4: {  	_ =	swait.ge [sflag:s14], $0x400  }
0xe5: {  	[sflag:s14] =	ssyncset.done $0x0  }
0xe6: {  	[sflag:s14] =	ssyncadd.s32 $0xFFFFFC00  }
0xe7: {  	_ =	swait.ge [sflag:s30], $0x4000  }
.Ltmp3:
0xe8: {  	[sflag:s30] =	ssyncset.done $0x0;
	(pc) =	sbr.rel .LBB2_2-.Ltmp3, $4  }
0xe9: {  	s16 =	simm.s32 $0x2840;
	[sflag:s30] =	ssyncadd.s32 $0xFFFFC000  }
0xea: {  	[tilespmem:s18], [sflag:$0x1] =	stream.indirect.gather [hbm4b:s1+s17], $0x80, s6, s17, $0xb8;
	[tilespmem:$0x1EC00] =	vst v63  }
0xeb: {  	s19 =	sadd.s32 $0x2000, s19;
	s5 =	sadd.s32 $0x800, s5;
	s15 =	sadd.s32 $0x100, s15  }
0xec: {  	[tilespmem:s20], [sflag:$0x1] =	stream.indirect.gather [hbm4b:s1+s17], $0x80, s16, s17, $0xb8;
	[tilespmem:$0x1EC00] =	vst v63  }
.LBB2_5:
0xed: {  	_ =	sfence.sel $0x180000  }
0xee: {  	[bflag:$0x0] =	sbarrier.arrive $0xFFFF  }
0xef: {  	_ =	strace $0x9000004A  }
0xf0: {  	s0 =	stileid.u32;
	[bflag:$0x2] =	sbarrier.arrive $0xFFFF  }
0xf1: {  	p0 =	sne.s32 s0, $0x0;
	s0 =	rddreg [dreg:$0x4]  }
0xf2: {  	s0 =	sadd.s32 @!p0 $0x100000, s0  }
0xf3: {  	[sflag:s0] =	ssyncadd.tile.s32 @!p0 $0x1;
	_ =	shalt  }
.Lfunc_end2:
_tile_overlayer_lowered:
.L_overlay_start_2:
0xf4: {  	(tag) =	ssettag $0x2  }
0xf5: {  	s0 =	rddreg [dreg:$0x0];
	s2 =	stileid.u32  }
0xf6: {  	s1 =	rddreg [dreg:$0x1];
	p0 =	sne.s32 s2, $0x0  }
0xf7: {  	s3 =	rddreg [dreg:$0x2];
	[bflag:$0x3] =	sbarrier.arrive $0xFFFF;
	s2 =	simm.s32 @!p0 $0x1C07  }
0xf8: {  	[timem:s3], [sflag:s2] =	dma.local @!p0 [hbm:s0], s1  }
0xf9: {  	s0 =	simm.s32 @!p0 $0x7  }
0xfa: {  	_ =	swait.ge @!p0 [sflag:s0], s1  }
0xfb: {  	s1 =	ssub.s32 @!p0 $0x0, s1;
	[sflag:s0] =	ssyncset.done @!p0 $0x0  }
0xfc: {  	[sflag:s0] =	ssyncadd.s32 @!p0 s1  }
0xfd: {  	[bflag:$0x3] =	sbarrier.arrive $0xFFFF  }
0xfe: {  	_ =	shalt  }

// kernel: kernel.14.cloned.1.call-start
scs
__scs_entry_jumppad:
0x0: {  	(pc) =	sbr.rel $0x88, $3  }
0x1: {  	(tag) =	ssettag $0x0;
	lr =	simm.s32 $0x1  }
0x2: {  	[smem:$0x3F89] =	sst lr;
	_ =	strace $0xD0000000  }
0x3: {  	_ = 	snop  }
0x4: {  	_ = 	snop  }
0x5: {  	_ = 	snop  }
0x6: {  	_ = 	snop  }
0x7: {  	_ = 	snop  }
__scs_overlays_trampoline_lowered:
0x8: {  	[smem:$0x3F98] =	sst s0  }
0x9: {  	[smem:$0x3F99] =	sst s1  }
0xa: {  	[smem:$0x3F9A] =	sst s2  }
0xb: {  	[smem:$0x3F9B] =	sst s3  }
0xc: {  	[smem:$0x3F9C] =	sst s4  }
0xd: {  	[smem:$0x3F9D] =	sst s5  }
0xe: {  	[smem:$0x3F9E] =	sst s6  }
0xf: {  	[smem:$0x3F9F] =	sst s7  }
0x10: {  	[smem:$0x3FA0] =	sst s8  }
0x11: {  	[smem:$0x3FA1] =	sst s9;
	s0 =	simm.s32 @!p0 $0x0  }
0x12: {  	s1 =	sld [smem:$0x3F87];
	s0 =	simm.s32 @p0 $0x1  }
0x13: {  	[smem:$0x3FA2] =	sst s0;
	s0 =	simm.s32 @!p1 $0x0  }
0x14: {  	s2 =	sld [smem:$0x3F86];
	s0 =	simm.s32 @p1 $0x1  }
0x15: {  	[smem:$0x3FA3] =	sst s0;
	s0 =	simm.s32 @!p2 $0x0  }
0x16: {  	s3 =	sld [smem:$0x3FDB];
	s0 =	simm.s32 @p2 $0x1  }
0x17: {  	s4 =	simm.s32 $0x1BF5;
	[smem:$0x3FA5] =	sst s0  }
0x18: {  	s0 =	sld [smem:$0x3F88];
	_ =	swait.ge [sflag:s4], $0x0  }
0x19: {  	s7 =	sld [smem:$0x3F89]  }
0x1a: {  	s8 =	sadd.s32 $0xFFFFE003, lr  }
0x1b: {  	s9 =	sadd.s32 $0xFFFFFEF7, lr;
	s5 =	simm.s32 $0xFFFFFFFF;
	p2 =	slt.u32 s8, $0xFFFFF086  }
0x1c: {  	p1 =	slt.u32 s9, $0xF7A;
	s5 =	simm.s32 @!p2 $0x0  }
0x1d: {  	s5 =	simm.s32 @p1 $0x1;
	p0 =	seq.s32 s7, s2  }
0x1e: {  	s7 =	smul.u32 @!p0 $0xF7A, s2;
	p2 =	seq.s32 @!p0 s5, $0x0  }
0x1f: {  	s9 =	smul.u32 $0xF7A, s1;
	s8 =	simm.s32 @!p0 $0x1BF5;
	p2 =	por !p2, p0  }
0x20: {  	[sflag:s8] =	ssyncset.s32 @!p0 $0xFFFFF086;
	s6 =	sadd.s32 @!p0 s3, s7;
	s7 =	simm.s32 @!p0 $0x108  }
0x21: {  	s3 =	sadd.s32 s3, s9;
	s6 =	sadd.s32 @!p0 $0x88, s6;
	s7 =	simm.s32 @p2 $0x1082  }
0x22: {  	[simem:s7], [sflag:s8] =	dma.local @!p0 [hbm:s6], $0xF7A  }
0x23: {  	s9 =	sor.u32 $0xD0000000, s2;
	s6 =	simm.s32 $0x108;
	_ =	swait.ge @!p0 [sflag:s8], $0x0  }
0x24: {  	s3 =	sadd.s32 $0x88, s3;
	s6 =	simm.s32 @!p1 $0x1082;
	[sflag:s4] =	ssyncset.s32 $0xFFFFF086  }
0x25: {  	[simem:s6], [sflag:s4] =	dma.local [hbm:s3], $0xF7A  }
0x26: {  	[smem:$0x3F89] =	sst s1;
	(tag) =	ssettag s2;
	_ =	strace s9  }
0x27: {  	s1 =	sld [smem:$0x3F99]  }
0x28: {  	s2 =	sld [smem:$0x3F9A]  }
0x29: {  	s4 =	sld [smem:$0x3F9C]  }
0x2a: {  	p0 =	seq.s32 s5, $0x0;
	s5 =	sld [smem:$0x3F9D]  }
0x2b: {  	s6 =	sld [smem:$0x3F9E]  }
0x2c: {  	s7 =	sld [smem:$0x3F9F]  }
0x2d: {  	s3 =	simm.s32 $0x108;
	s8 =	sld [smem:$0x3FA0]  }
0x2e: {  	s3 =	simm.s32 @!p0 $0x1082;
	s9 =	sld [smem:$0x3FA1]  }
0x2f: {  	lr =	sadd.s32 s0, s3;
	s0 =	sld [smem:$0x3F98]  }
0x30: {  	s3 =	sld [smem:$0x3F9B]  }
0x31: {  	[smem:$0x3FA4] =	sst s10  }
0x32: {  	s10 =	sld [smem:$0x3FA2];
	_ =	sdelay $0x3  }
0x33: {  	p0 =	seq.s32 s10, $0x1;
	s10 =	sld [smem:$0x3FA4];
	_ =	sdelay $0x3  }
0x34: {  	[smem:$0x3FA4] =	sst s10  }
0x35: {  	s10 =	sld [smem:$0x3FA3];
	_ =	sdelay $0x3  }
0x36: {  	p1 =	seq.s32 s10, $0x1;
	s10 =	sld [smem:$0x3FA4];
	_ =	sdelay $0x3  }
0x37: {  	[smem:$0x3FA4] =	sst s10  }
0x38: {  	s10 =	sld [smem:$0x3FA5]  }
0x39: {  	_ = 	snop;
	(pc) =	sbr.ind lr, $3  }
0x3a: {  	_ = 	snop  }
0x3b: {  	_ = 	snop  }
0x3c: {  	p2 =	seq.s32 s10, $0x1;
	s10 =	sld [smem:$0x3FA4]  }
0x3d: {  	_ =	shalt  }
0x3e: {  	_ =	shalt  }
0x3f: {  	_ =	shalt  }
0x40: {  	_ =	shalt  }
0x41: {  	_ =	shalt  }
0x42: {  	_ =	shalt  }
0x43: {  	_ =	shalt  }
0x44: {  	_ =	shalt  }
0x45: {  	_ =	shalt  }
0x46: {  	_ =	shalt  }
0x47: {  	_ =	shalt  }
0x48: {  	_ =	shalt  }
0x49: {  	_ =	shalt  }
0x4a: {  	_ =	shalt  }
0x4b: {  	_ =	shalt  }
0x4c: {  	_ =	shalt  }
0x4d: {  	_ =	shalt  }
0x4e: {  	_ =	shalt  }
0x4f: {  	_ =	shalt  }
0x50: {  	_ =	shalt  }
0x51: {  	_ =	shalt  }
0x52: {  	_ =	shalt  }
0x53: {  	_ =	shalt  }
0x54: {  	_ =	shalt  }
0x55: {  	_ =	shalt  }
0x56: {  	_ =	shalt  }
0x57: {  	_ =	shalt  }
0x58: {  	_ =	shalt  }
0x59: {  	_ =	shalt  }
0x5a: {  	_ =	shalt  }
0x5b: {  	_ =	shalt  }
0x5c: {  	_ =	shalt  }
0x5d: {  	_ =	shalt  }
0x5e: {  	_ =	shalt  }
0x5f: {  	_ =	shalt  }
0x60: {  	_ =	shalt  }
0x61: {  	_ =	shalt  }
0x62: {  	_ =	shalt  }
0x63: {  	_ =	shalt  }
0x64: {  	_ =	shalt  }
0x65: {  	_ =	shalt  }
0x66: {  	_ =	shalt  }
0x67: {  	_ =	shalt  }
0x68: {  	_ =	shalt  }
0x69: {  	_ =	shalt  }
0x6a: {  	_ =	shalt  }
0x6b: {  	_ =	shalt  }
0x6c: {  	_ =	shalt  }
0x6d: {  	_ =	shalt  }
0x6e: {  	_ =	shalt  }
0x6f: {  	_ =	shalt  }
0x70: {  	_ =	shalt  }
0x71: {  	_ =	shalt  }
0x72: {  	_ =	shalt  }
0x73: {  	_ =	shalt  }
0x74: {  	_ =	shalt  }
0x75: {  	_ =	shalt  }
0x76: {  	_ =	shalt  }
0x77: {  	_ =	shalt  }
0x78: {  	_ =	shalt  }
0x79: {  	_ =	shalt  }
0x7a: {  	_ =	shalt  }
0x7b: {  	_ =	shalt  }
0x7c: {  	_ =	shalt  }
0x7d: {  	_ =	shalt  }
0x7e: {  	_ =	shalt  }
0x7f: {  	_ =	shalt  }
0x80: {  	_ =	shalt  }
0x81: {  	_ =	shalt  }
0x82: {  	_ =	shalt  }
0x83: {  	_ =	shalt  }
0x84: {  	_ =	shalt  }
0x85: {  	_ =	shalt  }
0x86: {  	_ =	shalt  }
0x87: {  	_ =	shalt  }
.Lfunc_end0:
.L_simem_size_0:
called_computation.2_lowered:
.L_overlay_start_0:
0x88: {  	s2 =	sld [smem:$0x3FD9]  }
0x89: {  	s3 =	sld [smem:$0x3FFE];
	_ =	sdelay $0x1  }
0x8a: {  	s1 =	srdreg.scid  }
0x8b: {  	s0 =	sand.u32 $0x1, s1  }
0x8c: {  	s14 =	sshll.u32 s0, $0xA;
	s2 =	sadd.s32 s3, s2  }
0x8d: {  	s2 =	sadd.s32 s2, s14  }
0x8e: {  	[smem:$0x3FB0] =	sst s2  }
0x8f: {  	_ = 	snop  }
0x90: {  	s2 =	sld [smem:$0x3FD0];
	_ =	sdelay $0x2  }
0x91: {  	s15 =	simm.s32 $0xA;
	s4 =	simm.s32 $0x10  }
0x92: {  	[smem:s4], [sflag:s15] =	dma.local [hbm:s2], $0x1  }
0x93: {  	_ =	swait.eq [sflag:s15], $0x1  }
0x94: {  	[sflag:s15] =	ssyncset.done $0x0  }
0x95: {  	s16 =	sld [smem:$0x10];
	[sflag:s15] =	ssyncadd.s32 $0xFFFFFFFF  }
0x96: {  	s17 =	sld [smem:$0x11];
	(tm) =	ssettm $0x1  }
0x97: {  	s18 =	sld [smem:$0x3FFB];
	_ =	sdelay $0x3  }
0x98: {  	_ =	strace s18  }
0x99: {  	s4 =	sld [smem:$0x3FFC];
	_ =	sdelay $0x3  }
0x9a: {  	_ =	strace s4  }
0x9b: {  	s4 =	sld [smem:$0x3FFD];
	_ =	sdelay $0x3  }
0x9c: {  	_ =	strace s4  }
0x9d: {  	_ =	strace $0x8FFFFFFF  }
0x9e: {  	s19 =	sld [smem:$0x3FDB];
	_ =	sdelay $0x1  }
0x9f: {  	s5 =	simm.s32 $_scs_section_size  }
0xa0: {  	s6 =	simm.s32 $_size__tile_overlayer_lowered;
	s7 =	simm.s32 $_tile_overlayer_lowered  }
0xa1: {  	s22 =	simm.s32 $0x1BFF;
	s21 =	sshll.u32 s7, $0x1;
	s4 =	sadd.s32 s5, s19  }
0xa2: {  	s8 =	simm.s32 $0x0;
	s20 =	sshll.u32 s6, $0x1;
	s6 =	sadd.s32 s21, s4  }
0xa3: {  	[timem:s8], [sflag:s22] =	dma.local [hbm:s6], s20  }
0xa4: {  	_ =	swait.ge [sflag:s22], s20  }
0xa5: {  	s5 =	ssub.s32 $0x0, s20;
	[sflag:s22] =	ssyncset.done $0x0  }
0xa6: {  	[sflag:s22] =	ssyncadd.s32 s5;
	_ =	sdelay $0x1  }
0xa7: {  	s23 =	simm.s32 $0x1B8B  }
0xa8: {  	_ =	swait.ge [sflag:s23], $0x1  }
0xa9: {  	[sflag:s23] =	ssyncset.done $0x0  }
0xaa: {  	s25 =	simm.s32 $0x1B8E;
	s24 =	sld [smem:$0x3FFE];
	[sflag:s23] =	ssyncadd.s32 $0xFFFFFFFF  }
0xab: {  	s26 =	simm.s32 $execute0_lowered;
	[smem:$0x3FD2] =	sst s25  }
0xac: {  	s6 =	sshll.u32 s26, $0x1;
	_ =	strace $0x8000004C;
	[dreg:$0x1] =	wrdreg $0xFFFFFFFF  }
0xad: {  	s28 =	simm.s32 $_size_execute0_lowered;
	s4 =	sadd.s32 s4, s6;
	[dreg:$0x0] =	wrdreg $0x0  }
0xae: {  	s6 =	sshll.u32 s28, $0x1;
	[dreg:$0x2] =	wrdreg s4  }
0xaf: {  	[dreg:$0x3] =	wrdreg s6  }
0xb0: {  	[dreg:$0x4] =	wrdreg $0xC0  }
0xb1: {  	_ =	task [dreg:s8], $0x5FFFF  }
0xb2: {  	[dreg:$0x1] =	wrdreg $0xFFFFFFFF  }
0xb3: {  	[dreg:$0x0] =	wrdreg $0x60  }
0xb4: {  	[dreg:$0x2] =	wrdreg s17  }
0xb5: {  	[dreg:$0x3] =	wrdreg s16  }
0xb6: {  	[dreg:$0x4] =	wrdreg s24  }
0xb7: {  	[dreg:$0x5] =	wrdreg $0xB0000  }
0xb8: {  	[dreg:$0x6] =	wrdreg $0x9  }
0xb9: {  	_ =	task.clear_ibuf [dreg:s8], $0x7FFFF;
	_ =	strace $0x9000004C  }
0xba: {  	s29 =	simm.s32 $0x9;
	_ =	strace $0x8000004E  }
0xbb: {  	_ =	swait.ge [sflag:s29], $0x1  }
0xbc: {  	[sflag:s29] =	ssyncadd.s32 $0xFFFFFFFF  }
0xbd: {  	_ =	strace $0x9000004E  }
0xbe: {  	_ =	sfence  }
0xbf: {  	s30 =	sld [smem:$0x0];
	_ =	sdelay $0x2  }
0xc0: {  	s31 =	sshll.u32 s1, $0xD;
	s1 =	sshrl.u32 s1, $0x2  }
0xc1: {  	s3 =	sand.u32 $0x4000, s31;
	s1 =	sadd.s32 s1, s30  }
0xc2: {  	s0 =	sor.u32 s3, s0;
	s1 =	sshll.u32 s1, $0x11  }
0xc3: {  	s0 =	sor.u32 s1, s0  }
0xc4: {  	s0 =	sadd.s32 $0x8F2B, s0  }
0xc5: {  	[sflag:s0] =	ssyncadd.remote.s32 $0x1  }
0xc6: {  	_ =	sfence.sel $0xFFFF  }
0xc7: {  	[dreg:$0x0] =	wrdreg $0xFFFFFFFF;
	(pc) =	sbr.abs _section_cstart, $3  }
0xc8: {  	[dreg:$0x1] =	wrdreg $0xFFFFFFFF  }
0xc9: {  	_ =	task.clear_ibuf [dreg:s8], $0x2FFFF;
	_ =	strace $0x9FFFFFFF  }
0xca: {  	(tm) =	ssettm $0x7FFFFFFF  }
0xcb: {  	_ =	shalt  }
tec
execute0_lowered:
.L_overlay_start_1:
0x0: {  	(tag) =	ssettag $0x1  }
0x1: {  	s1 =	rddreg [dreg:$0x0]  }
0x2: {  	s11 =	rddreg [dreg:$0x1]  }
0x3: {  	s0 =	srdreg.scid;
	s3 =	rddreg [dreg:$0x2]  }
0x4: {  	s10 =	stileid.u32;
	s4 =	rddreg [dreg:$0x3]  }
0x5: {  	s6 =	simm.s32 $0x0;
	s16 =	simm.s32 $0x7;
	s28 =	simm.s32 $0x9000  }
0x6: {  	s29 =	simm.s32 $0x2;
	s30 =	simm.s32 $0x3;
	s12 =	simm.s32 $0x2F40  }
0x7: {  	s13 =	simm.s32 $0x2F80;
	s14 =	simm.s32 $0x5;
	s5 =	smul.u32 $0x13C00, s10  }
0x8: {  	s0 =	sand.u32 $0x1, s0;
	[smem:$0x7FF] =	sst s6;
	s9 =	smul.u32 $0x4F000, s10  }
0x9: {  	s21 =	smul.u32 $0x2800, s10;
	s22 =	sshll.u32 s10, $0x6;
	s2 =	sshll.u32 s0, $0x4  }
0xa: {  	s17 =	smul.u32 $0x13C000, s0;
	_ =	strace $0x8000004D;
	s18 =	ssub.s32 $0x2, s0  }
0xb: {  	s0 =	smul.u32 $0x28000, s0;
	s15 =	sor.u32 $0x1C07, s22;
	s22 =	simm.s32 $0x1  }
0xc: {  	s2 =	sor.u32 s10, s2;
	s7 =	sshrl.u32 s5, $0x3;
	s19 =	sshrl.u32 s18, $0x1  }
0xd: {  	s20 =	sshrl.u32 s9, $0x2;
	s9 =	simm.s32 $0x2E80;
	s10 =	simm.s32 $0x2EC0  }
0xe: {  	[dreg:$0x6] =	wrdreg s15;
	s2 =	smul.u32 $0x2800, s2;
	s7 =	sadd.s32 s7, s3  }
0xf: {  	s5 =	sadd.s32 s5, s17;
	s6 =	sadd.s32 s20, s4;
	s0 =	sadd.s32 s21, s0  }
0x10: {  	s17 =	simm.s32 $0x40;
	s20 =	simm.s32 $0x5000;
	s21 =	simm.s32 $0x2C00  }
0x11: {  	s5 =	sshrl.u32 s5, $0x3;
	s7 =	sadd.s32 $0xEC00, s7;
	s25 =	sor.u32 $0x400, s0  }
0x12: {  	s0 =	sadd.s32 $0x800, s0;
	s2 =	sshrl.u32 s2, $0x3;
	[dreg:$0x5] =	wrdreg s7  }
0x13: {  	[dreg:$0xb] =	wrdreg s0;
	s31 =	sshrl.u32 s25, $0x3;
	s25 =	simm.s32 $0x7000  }
0x14: {  	s7 =	simm.s32 $0x2FC0;
	s8 =	sadd.s32 s2, s3;
	s3 =	sadd.s32 s5, s3  }
0x15: {  	s5 =	ssub.s32 s18, s19;
	s2 =	sadd.s32 s11, s2;
	s0 =	sadd.s32 s31, s11  }
0x16: {  	s18 =	simm.s32 $0x3000;
	s11 =	simm.s32 $0x2F00;
	[dreg:$0x8] =	wrdreg s2  }
.Ltmp0:
0x17: {  	s23 =	sadd.s32 $0x4C00, s8;
	[dreg:$0xc] =	wrdreg s0;
	(pc) =	sbr.rel .LBB2_1-.Ltmp0, $4  }
0x18: {  	s24 =	sadd.s32 $0x36400, s3;
	s26 =	smax.u32 s5, $0x1;
	[dreg:$0x7] =	wrdreg s23  }
0x19: {  	s5 =	sshrl.u32 s6, $0x3;
	s0 =	simm.s32 $0x4;
	[dreg:$0x9] =	wrdreg s24  }
0x1a: {  	s2 =	simm.s32 $0x6;
	s8 =	simm.s32 $0x2E40;
	[dreg:$0xa] =	wrdreg s26  }
0x1b: {  	s6 =	simm.s32 $0x0;
	s23 =	simm.s32 $0x80;
	[dreg:$0xd] =	wrdreg s5  }
.LBB2_4:
0x1c: {  	_ =	swait.ge [sflag:s30], $0x4000  }
0x1d: {  	[sflag:s30] =	ssyncset.done $0x0  }
0x1e: {  	[sflag:s30] =	ssyncadd.s32 $0xFFFFC000  }
0x1f: {  	_ =	swait.ge [sflag:s0], $0x4000  }
0x20: {  	[sflag:s0] =	ssyncset.done $0x0  }
0x21: {  	[sflag:s0] =	ssyncadd.s32 $0xFFFFC000  }
0x22: {  	[bflag:$0x0] =	sbarrier.arrive $0xFFFF  }
0x23: {  	s15 =	rddreg [dreg:$0x6]  }
0x24: {  	s3 =	rddreg [dreg:$0x9]  }
0x25: {  	s16 =	simm.s32 $0x7;
	s5 =	rddreg [dreg:$0xd]  }
0x26: {  	[hbm:s3], [sflag:s15] =	dma.local [spmem:s5], $0x2780  }
0x27: {  	_ =	swait.ge [sflag:s16], $0x2780  }
0x28: {  	s6 =	rddreg [dreg:$0xe]  }
0x29: {  	s31 =	rddreg [dreg:$0xa];
	s6 =	sadd.s32 $0x1, s6  }
0x2a: {  	p0 =	sne.s32 s6, s31  }
.Ltmp1:
0x2b: {  	_ = 	snop;
	(pc) =	sbr.rel @!p0 .LBB2_5-.Ltmp1, $3  }
0x2c: {  	_ =	sdelay $0x1  }
0x2d: {  	[sflag:s16] =	ssyncset.done $0x0  }
0x2e: {  	[sflag:s16] =	ssyncadd.s32 $0xFFFFD880  }
.LBB2_1:
0x2f: {  	[dreg:$0xe] =	wrdreg s6  }
0x30: {  	s3 =	rddreg [dreg:$0x5]  }
0x31: {  	[spmem:s5], [sflag:s15] =	dma.local [hbm:s3], $0x2780  }
0x32: {  	_ =	swait.ge [sflag:s16], $0x2780  }
0x33: {  	[sflag:s16] =	ssyncset.done $0x0  }
0x34: {  	s15 =	simm.s32 $0x0;
	s24 =	rddreg [dreg:$0x7];
	[sflag:s16] =	ssyncadd.s32 $0xFFFFD880  }
0x35: {  	[tilespmem:s15], [sflag:$0x7] =	stream.linear.gather [hbm4b:s24+s15], $0x2800, $0x38;
	[tilespmem:$0x1EC00] =	vst v63  }
0x36: {  	_ =	swait.ge [sflag:s16], $0x2800  }
0x37: {  	[sflag:s16] =	ssyncset.done $0x0  }
0x38: {  	s19 =	simm.s32 $0x2800;
	s26 =	rddreg [dreg:$0x8];
	[sflag:s16] =	ssyncadd.s32 $0xFFFFD800  }
0x39: {  	[tilespmem:s19], [sflag:$0x7] =	stream.linear.gather [hbm4b:s26+s15], $0x400, $0x38;
	[tilespmem:$0x1EC00] =	vst v63  }
0x3a: {  	_ =	swait.ge [sflag:s16], $0x400  }
0x3b: {  	[sflag:s16] =	ssyncset.done $0x0  }
0x3c: {  	[sflag:s16] =	ssyncadd.s32 $0xFFFFFC00  }
0x3d: {  	[bflag:$0x0] =	sbarrier.arrive $0xFFFF  }
0x3e: {  	[tilespmem:s18], [sflag:$0x1] =	stream.indirect.gather [hbm4b:s1+s17], $0x80, s19, s17, $0xb8;
	[tilespmem:$0x1EC00] =	vst v63  }
0x3f: {  	s6 =	simm.s32 $0x2800;
	s31 =	simm.s32 $0x2840;
	s15 =	rddreg [dreg:$0xc]  }
0x40: {  	s3 =	simm.s32 $0x0;
	s5 =	rddreg [dreg:$0xb];
	s19 =	simm.s32 $0x0  }
0x41: {  	[tilespmem:s20], [sflag:$0x1] =	stream.indirect.gather [hbm4b:s1+s17], $0x80, s31, s17, $0xb8;
	[tilespmem:$0x1EC00] =	vst v63  }
.LBB2_2:
0x42: {  	[tilespmem:s21], [sflag:$0x6] =	stream.linear.gather [hbm4b:s15+s3], $0x400, $0x38;
	[tilespmem:$0x1EC00] =	vst v63  }
0x43: {  	_ =	swait.ge [sflag:s22], $0x4000  }
0x44: {  	p0 =	seq.s32 s19, $0x0;
	[sflag:s22] =	ssyncset.done $0x0  }
0x45: {  	s24 =	sshra.s32 s19, $0x2;
	s16 =	simm.s32 @!p0 $0x4;
	[sflag:s22] =	ssyncadd.s32 $0xFFFFC000  }
0x46: {  	[spmem:s4] =	stream.indirect.scatter.add.f32 [tilespmem:s18], [sflag:$0x3], $0x80, s24, s23, $0xb8;
	[tilespmem:$0x1EC00] =	vst v63  }
0x47: {  	_ =	swait.ge @!p0 [sflag:s16], $0x4000  }
0x48: {  	[sflag:s16] =	ssyncset.done @!p0 $0x0  }
0x49: {  	s31 =	simm.s32 $0x2880;
	[sflag:s16] =	ssyncadd.s32 @!p0 $0xFFFFC000  }
0x4a: {  	[tilespmem:s25], [sflag:$0x2] =	stream.indirect.gather [hbm4b:s1+s17], $0x80, s31, s17, $0xb8;
	[tilespmem:$0x1EC00] =	vst v63  }
0x4b: {  	s26 =	simm.s32 $0x28C0  }
0x4c: {  	[tilespmem:s28], [sflag:$0x2] =	stream.indirect.gather [hbm4b:s1+s17], $0x80, s26, s17, $0xb8;
	[tilespmem:$0x1EC00] =	vst v63  }
0x4d: {  	_ =	swait.ge [sflag:s29], $0x4000  }
0x4e: {  	[sflag:s29] =	ssyncset.done $0x0  }
0x4f: {  	s31 =	sadd.s32 $0x80, s24;
	[sflag:s29] =	ssyncadd.s32 $0xFFFFC000  }
0x50: {  	[spmem:s4] =	stream.indirect.scatter.add.f32 [tilespmem:s25], [sflag:$0x4], $0x80, s31, s23, $0xb8;
	[tilespmem:$0x1EC00] =	vst v63  }
0x51: {  	_ =	swait.ge [sflag:s30], $0x4000  }
0x52: {  	[sflag:s30] =	ssyncset.done $0x0  }
0x53: {  	s26 =	simm.s32 $0x2900;
	[sflag:s30] =	ssyncadd.s32 $0xFFFFC000  }
0x54: {  	[tilespmem:s18], [sflag:$0x1] =	stream.indirect.gather [hbm4b:s1+s17], $0x80, s26, s17, $0xb8;
	[tilespmem:$0x1EC00] =	vst v63  }
0x55: {  	s31 =	simm.s32 $0x2940  }
0x56: {  	[tilespmem:s20], [sflag:$0x1] =	stream.indirect.gather [hbm4b:s1+s17], $0x80, s31, s17, $0xb8;
	[tilespmem:$0x1EC00] =	vst v63  }
0x57: {  	_ =	swait.ge [sflag:s22], $0x4000  }
0x58: {  	[sflag:s22] =	ssyncset.done $0x0  }
0x59: {  	s26 =	sadd.s32 $0x100, s24;
	[sflag:s22] =	ssyncadd.s32 $0xFFFFC000  }
0x5a: {  	[spmem:s4] =	stream.indirect.scatter.add.f32 [tilespmem:s18], [sflag:$0x3], $0x80, s26, s23, $0xb8;
	[tilespmem:$0x1EC00] =	vst v63  }
0x5b: {  	_ =	swait.ge [sflag:s0], $0x4000  }
0x5c: {  	[sflag:s0] =	ssyncset.done $0x0  }
0x5d: {  	s31 =	simm.s32 $0x2980;
	[sflag:s0] =	ssyncadd.s32 $0xFFFFC000  }
0x5e: {  	[tilespmem:s25], [sflag:$0x2] =	stream.indirect.gather [hbm4b:s1+s17], $0x80, s31, s17, $0xb8;
	[tilespmem:$0x1EC00] =	vst v63  }
0x5f: {  	s26 =	simm.s32 $0x29C0  }
0x60: {  	[tilespmem:s28], [sflag:$0x2] =	stream.indirect.gather [hbm4b:s1+s17], $0x80, s26, s17, $0xb8;
	[tilespmem:$0x1EC00] =	vst v63  }
0x61: {  	_ =	swait.ge [sflag:s29], $0x4000  }
0x62: {  	[sflag:s29] =	ssyncset.done $0x0  }
0x63: {  	s31 =	sadd.s32 $0x180, s24;
	[sflag:s29] =	ssyncadd.s32 $0xFFFFC000  }
0x64: {  	[spmem:s4] =	stream.indirect.scatter.add.f32 [tilespmem:s25], [sflag:$0x4], $0x80, s31, s23, $0xb8;
	[tilespmem:$0x1EC00] =	vst v63  }
0x65: {  	_ =	swait.ge [sflag:s30], $0x4000  }
0x66: {  	[sflag:s30] =	ssyncset.done $0x0  }
0x67: {  	s26 =	simm.s32 $0x2A00;
	[sflag:s30] =	ssyncadd.s32 $0xFFFFC000  }
0x68: {  	[tilespmem:s18], [sflag:$0x1] =	stream.indirect.gather [hbm4b:s1+s17], $0x80, s26, s17, $0xb8;
	[tilespmem:$0x1EC00] =	vst v63  }
0x69: {  	s31 =	simm.s32 $0x2A40  }
0x6a: {  	[tilespmem:s20], [sflag:$0x1] =	stream.indirect.gather [hbm4b:s1+s17], $0x80, s31, s17, $0xb8;
	[tilespmem:$0x1EC00] =	vst v63  }
0x6b: {  	_ =	swait.ge [sflag:s22], $0x4000  }
0x6c: {  	[sflag:s22] =	ssyncset.done $0x0  }
0x6d: {  	s26 =	sadd.s32 $0x200, s24;
	[sflag:s22] =	ssyncadd.s32 $0xFFFFC000  }
0x6e: {  	[spmem:s4] =	stream.indirect.scatter.add.f32 [tilespmem:s18], [sflag:$0x3], $0x80, s26, s23, $0xb8;
	[tilespmem:$0x1EC00] =	vst v63  }
0x6f: {  	_ =	swait.ge [sflag:s0], $0x4000  }
0x70: {  	[sflag:s0] =	ssyncset.done $0x0  }
0x71: {  	s31 =	simm.s32 $0x2A80;
	[sflag:s0] =	ssyncadd.s32 $0xFFFFC000  }
0x72: {  	[tilespmem:s25], [sflag:$0x2] =	stream.indirect.gather [hbm4b:s1+s17], $0x80, s31, s17, $0xb8;
	[tilespmem:$0x1EC00] =	vst v63  }
0x73: {  	s26 =	simm.s32 $0x2AC0  }
0x74: {  	[tilespmem:s28], [sflag:$0x2] =	stream.indirect.gather [hbm4b:s1+s17], $0x80, s26, s17, $0xb8;
	[tilespmem:$0x1EC00] =	vst v63  }
0x75: {  	_ =	swait.ge [sflag:s29], $0x4000  }
0x76: {  	[sflag:s29] =	ssyncset.done $0x0  }
0x77: {  	s31 =	sadd.s32 $0x280, s24;
	[sflag:s29] =	ssyncadd.s32 $0xFFFFC000  }
0x78: {  	[spmem:s4] =	stream.indirect.scatter.add.f32 [tilespmem:s25], [sflag:$0x4], $0x80, s31, s23, $0xb8;
	[tilespmem:$0x1EC00] =	vst v63  }
0x79: {  	_ =	swait.ge [sflag:s30], $0x4000  }
0x7a: {  	[sflag:s30] =	ssyncset.done $0x0  }
0x7b: {  	s26 =	simm.s32 $0x2B00;
	[sflag:s30] =	ssyncadd.s32 $0xFFFFC000  }
0x7c: {  	[tilespmem:s18], [sflag:$0x1] =	stream.indirect.gather [hbm4b:s1+s17], $0x80, s26, s17, $0xb8;
	[tilespmem:$0x1EC00] =	vst v63  }
0x7d: {  	s31 =	simm.s32 $0x2B40  }
0x7e: {  	[tilespmem:s20], [sflag:$0x1] =	stream.indirect.gather [hbm4b:s1+s17], $0x80, s31, s17, $0xb8;
	[tilespmem:$0x1EC00] =	vst v63  }
0x7f: {  	_ =	swait.ge [sflag:s22], $0x4000  }
0x80: {  	[sflag:s22] =	ssyncset.done $0x0  }
0x81: {  	s26 =	sadd.s32 $0x300, s24;
	[sflag:s22] =	ssyncadd.s32 $0xFFFFC000  }
0x82: {  	[spmem:s4] =	stream.indirect.scatter.add.f32 [tilespmem:s18], [sflag:$0x3], $0x80, s26, s23, $0xb8;
	[tilespmem:$0x1EC00] =	vst v63  }
0x83: {  	_ =	swait.ge [sflag:s0], $0x4000  }
0x84: {  	[sflag:s0] =	ssyncset.done $0x0  }
0x85: {  	s31 =	simm.s32 $0x2B80;
	[sflag:s0] =	ssyncadd.s32 $0xFFFFC000  }
0x86: {  	[tilespmem:s25], [sflag:$0x2] =	stream.indirect.gather [hbm4b:s1+s17], $0x80, s31, s17, $0xb8;
	[tilespmem:$0x1EC00] =	vst v63  }
0x87: {  	s26 =	simm.s32 $0x2BC0  }
0x88: {  	[tilespmem:s28], [sflag:$0x2] =	stream.indirect.gather [hbm4b:s1+s17], $0x80, s26, s17, $0xb8;
	[tilespmem:$0x1EC00] =	vst v63  }
0x89: {  	_ =	swait.ge [sflag:s29], $0x4000  }
0x8a: {  	[sflag:s29] =	ssyncset.done $0x0  }
0x8b: {  	s31 =	sadd.s32 $0x380, s24;
	[sflag:s29] =	ssyncadd.s32 $0xFFFFC000  }
0x8c: {  	[spmem:s4] =	stream.indirect.scatter.add.f32 [tilespmem:s25], [sflag:$0x4], $0x80, s31, s23, $0xb8;
	[tilespmem:$0x1EC00] =	vst v63  }
0x8d: {  	_ =	swait.ge [sflag:s2], $0x400  }
0x8e: {  	[sflag:s2] =	ssyncset.done $0x0  }
0x8f: {  	[sflag:s2] =	ssyncadd.s32 $0xFFFFFC00  }
0x90: {  	_ =	swait.ge [sflag:s30], $0x4000  }
0x91: {  	[sflag:s30] =	ssyncset.done $0x0  }
0x92: {  	[sflag:s30] =	ssyncadd.s32 $0xFFFFC000  }
0x93: {  	[tilespmem:s18], [sflag:$0x1] =	stream.indirect.gather [hbm4b:s1+s17], $0x80, s21, s17, $0xb8;
	[tilespmem:$0x1EC00] =	vst v63  }
0x94: {  	p0 =	seq.s32 s19, $0x8000;
	s26 =	simm.s32 $0x2C40  }
0x95: {  	[tilespmem:s20], [sflag:$0x1] =	stream.indirect.gather [hbm4b:s1+s17], $0x80, s26, s17, $0xb8;
	[tilespmem:$0x1EC00] =	vst v63  }
0x96: {  	s16 =	sshrl.u32 @!p0 s5, $0x3;
	s26 =	rddreg [dreg:$0x1]  }
0x97: {  	s31 =	simm.s32 @!p0 $0x2800;
	s16 =	sadd.s32 @!p0 s26, s16;
	s26 =	simm.s32 @!p0 $0x0  }
0x98: {  	[tilespmem:s31], [sflag:$0x5] =	stream.linear.gather @!p0 [hbm4b:s16+s26], $0x400, $0x38;
	[tilespmem:$0x1EC00] =	vst v63  }
0x99: {  	_ =	swait.ge [sflag:s22], $0x4000  }
0x9a: {  	[sflag:s22] =	ssyncset.done $0x0  }
0x9b: {  	s31 =	sadd.s32 $0x400, s24;
	[sflag:s22] =	ssyncadd.s32 $0xFFFFC000  }
0x9c: {  	[spmem:s4] =	stream.indirect.scatter.add.f32 [tilespmem:s18], [sflag:$0x3], $0x80, s31, s23, $0xb8;
	[tilespmem:$0x1EC00] =	vst v63  }
0x9d: {  	_ =	swait.ge [sflag:s0], $0x4000  }
0x9e: {  	[sflag:s0] =	ssyncset.done $0x0  }
0x9f: {  	s26 =	simm.s32 $0x2C80;
	[sflag:s0] =	ssyncadd.s32 $0xFFFFC000  }
0xa0: {  	[tilespmem:s25], [sflag:$0x2] =	stream.indirect.gather [hbm4b:s1+s17], $0x80, s26, s17, $0xb8;
	[tilespmem:$0x1EC00] =	vst v63  }
0xa1: {  	s31 =	simm.s32 $0x2CC0  }
0xa2: {  	[tilespmem:s28], [sflag:$0x2] =	stream.indirect.gather [hbm4b:s1+s17], $0x80, s31, s17, $0xb8;
	[tilespmem:$0x1EC00] =	vst v63  }
0xa3: {  	_ =	swait.ge [sflag:s29], $0x4000  }
0xa4: {  	[sflag:s29] =	ssyncset.done $0x0  }
0xa5: {  	s26 =	sadd.s32 $0x480, s24;
	[sflag:s29] =	ssyncadd.s32 $0xFFFFC000  }
0xa6: {  	[spmem:s4] =	stream.indirect.scatter.add.f32 [tilespmem:s25], [sflag:$0x4], $0x80, s26, s23, $0xb8;
	[tilespmem:$0x1EC00] =	vst v63  }
0xa7: {  	_ =	swait.ge [sflag:s30], $0x4000  }
0xa8: {  	[sflag:s30] =	ssyncset.done $0x0  }
0xa9: {  	s31 =	simm.s32 $0x2D00;
	[sflag:s30] =	ssyncadd.s32 $0xFFFFC000  }
0xaa: {  	[tilespmem:s18], [sflag:$0x1] =	stream.indirect.gather [hbm4b:s1+s17], $0x80, s31, s17, $0xb8;
	[tilespmem:$0x1EC00] =	vst v63  }
0xab: {  	s26 =	simm.s32 $0x2D40  }
0xac: {  	[tilespmem:s20], [sflag:$0x1] =	stream.indirect.gather [hbm4b:s1+s17], $0x80, s26, s17, $0xb8;
	[tilespmem:$0x1EC00] =	vst v63  }
0xad: {  	_ =	swait.ge [sflag:s22], $0x4000  }
0xae: {  	[sflag:s22] =	ssyncset.done $0x0  }
0xaf: {  	s31 =	sadd.s32 $0x500, s24;
	[sflag:s22] =	ssyncadd.s32 $0xFFFFC000  }
0xb0: {  	[spmem:s4] =	stream.indirect.scatter.add.f32 [tilespmem:s18], [sflag:$0x3], $0x80, s31, s23, $0xb8;
	[tilespmem:$0x1EC00] =	vst v63  }
0xb1: {  	_ =	swait.ge [sflag:s0], $0x4000  }
0xb2: {  	[sflag:s0] =	ssyncset.done $0x0  }
0xb3: {  	s26 =	simm.s32 $0x2D80;
	[sflag:s0] =	ssyncadd.s32 $0xFFFFC000  }
0xb4: {  	[tilespmem:s25], [sflag:$0x2] =	stream.indirect.gather [hbm4b:s1+s17], $0x80, s26, s17, $0xb8;
	[tilespmem:$0x1EC00] =	vst v63  }
0xb5: {  	s31 =	simm.s32 $0x2DC0  }
0xb6: {  	[tilespmem:s28], [sflag:$0x2] =	stream.indirect.gather [hbm4b:s1+s17], $0x80, s31, s17, $0xb8;
	[tilespmem:$0x1EC00] =	vst v63  }
0xb7: {  	_ =	swait.ge [sflag:s29], $0x4000  }
0xb8: {  	[sflag:s29] =	ssyncset.done $0x0  }
0xb9: {  	s26 =	sadd.s32 $0x580, s24;
	[sflag:s29] =	ssyncadd.s32 $0xFFFFC000  }
0xba: {  	[spmem:s4] =	stream.indirect.scatter.add.f32 [tilespmem:s25], [sflag:$0x4], $0x80, s26, s23, $0xb8;
	[tilespmem:$0x1EC00] =	vst v63  }
0xbb: {  	_ =	swait.ge [sflag:s30], $0x4000  }
0xbc: {  	[sflag:s30] =	ssyncset.done $0x0  }
0xbd: {  	s31 =	simm.s32 $0x2E00;
	[sflag:s30] =	ssyncadd.s32 $0xFFFFC000  }
0xbe: {  	[tilespmem:s18], [sflag:$0x1] =	stream.indirect.gather [hbm4b:s1+s17], $0x80, s31, s17, $0xb8;
	[tilespmem:$0x1EC00] =	vst v63  }
0xbf: {  	_ = 	snop  }
0xc0: {  	[tilespmem:s20], [sflag:$0x1] =	stream.indirect.gather [hbm4b:s1+s17], $0x80, s8, s17, $0xb8;
	[tilespmem:$0x1EC00] =	vst v63  }
0xc1: {  	_ =	swait.ge [sflag:s22], $0x4000  }
0xc2: {  	[sflag:s22] =	ssyncset.done $0x0  }
0xc3: {  	s26 =	sadd.s32 $0x600, s24;
	[sflag:s22] =	ssyncadd.s32 $0xFFFFC000  }
0xc4: {  	[spmem:s4] =	stream.indirect.scatter.add.f32 [tilespmem:s18], [sflag:$0x3], $0x80, s26, s23, $0xb8;
	[tilespmem:$0x1EC00] =	vst v63  }
0xc5: {  	_ =	swait.ge [sflag:s0], $0x4000  }
0xc6: {  	[sflag:s0] =	ssyncset.done $0x0  }
0xc7: {  	[sflag:s0] =	ssyncadd.s32 $0xFFFFC000  }
0xc8: {  	[tilespmem:s25], [sflag:$0x2] =	stream.indirect.gather [hbm4b:s1+s17], $0x80, s9, s17, $0xb8;
	[tilespmem:$0x1EC00] =	vst v63  }
0xc9: {  	_ = 	snop  }
0xca: {  	[tilespmem:s28], [sflag:$0x2] =	stream.indirect.gather [hbm4b:s1+s17], $0x80, s10, s17, $0xb8;
	[tilespmem:$0x1EC00] =	vst v63  }
0xcb: {  	_ =	swait.ge [sflag:s29], $0x4000  }
0xcc: {  	[sflag:s29] =	ssyncset.done $0x0  }
0xcd: {  	s31 =	sadd.s32 $0x680, s24;
	[sflag:s29] =	ssyncadd.s32 $0xFFFFC000  }
0xce: {  	[spmem:s4] =	stream.indirect.scatter.add.f32 [tilespmem:s25], [sflag:$0x4], $0x80, s31, s23, $0xb8;
	[tilespmem:$0x1EC00] =	vst v63  }
0xcf: {  	_ =	swait.ge [sflag:s30], $0x4000  }
0xd0: {  	[sflag:s30] =	ssyncset.done $0x0  }
0xd1: {  	[sflag:s30] =	ssyncadd.s32 $0xFFFFC000  }
0xd2: {  	[tilespmem:s18], [sflag:$0x1] =	stream.indirect.gather [hbm4b:s1+s17], $0x80, s11, s17, $0xb8;
	[tilespmem:$0x1EC00] =	vst v63  }
0xd3: {  	_ = 	snop  }
0xd4: {  	[tilespmem:s20], [sflag:$0x1] =	stream.indirect.gather [hbm4b:s1+s17], $0x80, s12, s17, $0xb8;
	[tilespmem:$0x1EC00] =	vst v63  }
0xd5: {  	_ =	swait.ge [sflag:s22], $0x4000  }
0xd6: {  	[sflag:s22] =	ssyncset.done $0x0  }
0xd7: {  	s26 =	sadd.s32 $0x700, s24;
	[sflag:s22] =	ssyncadd.s32 $0xFFFFC000  }
0xd8: {  	[spmem:s4] =	stream.indirect.scatter.add.f32 [tilespmem:s18], [sflag:$0x3], $0x80, s26, s23, $0xb8;
	[tilespmem:$0x1EC00] =	vst v63  }
0xd9: {  	_ =	swait.ge [sflag:s0], $0x4000  }
0xda: {  	[sflag:s0] =	ssyncset.done $0x0  }
0xdb: {  	[sflag:s0] =	ssyncadd.s32 $0xFFFFC000  }
0xdc: {  	[tilespmem:s25], [sflag:$0x2] =	stream.indirect.gather [hbm4b:s1+s17], $0x80, s13, s17, $0xb8;
	[tilespmem:$0x1EC00] =	vst v63  }
0xdd: {  	_ = 	snop  }
0xde: {  	[tilespmem:s28], [sflag:$0x2] =	stream.indirect.gather [hbm4b:s1+s17], $0x80, s7, s17, $0xb8;
	[tilespmem:$0x1EC00] =	vst v63  }
.Ltmp2:
0xdf: {  	_ = 	snop;
	(pc) =	sbr.rel @p0 .LBB2_4-.Ltmp2, $4  }
0xe0: {  	_ =	swait.ge [sflag:s29], $0x4000  }
0xe1: {  	[sflag:s29] =	ssyncset.done $0x0  }
0xe2: {  	s31 =	sadd.s32 $0x780, s24;
	[sflag:s29] =	ssyncadd.s32 $0xFFFFC000  }
0xe3: {  	[spmem:s4] =	stream.indirect.scatter.add.f32 [tilespmem:s25], [sflag:$0x4], $0x80, s31, s23, $0xb8;
	[tilespmem:$0x1EC00] =	vst v63  }
0xe4: {  	_ =	swait.ge [sflag:s14], $0x400  }
0xe5: {  	[sflag:s14] =	ssyncset.done $0x0  }
0xe6: {  	[sflag:s14] =	ssyncadd.s32 $0xFFFFFC00  }
0xe7: {  	_ =	swait.ge [sflag:s30], $0x4000  }
.Ltmp3:
0xe8: {  	[sflag:s30] =	ssyncset.done $0x0;
	(pc) =	sbr.rel .LBB2_2-.Ltmp3, $4  }
0xe9: {  	s16 =	simm.s32 $0x2840;
	[sflag:s30] =	ssyncadd.s32 $0xFFFFC000  }
0xea: {  	[tilespmem:s18], [sflag:$0x1] =	stream.indirect.gather [hbm4b:s1+s17], $0x80, s6, s17, $0xb8;
	[tilespmem:$0x1EC00] =	vst v63  }
0xeb: {  	s19 =	sadd.s32 $0x2000, s19;
	s5 =	sadd.s32 $0x800, s5;
	s15 =	sadd.s32 $0x100, s15  }
0xec: {  	[tilespmem:s20], [sflag:$0x1] =	stream.indirect.gather [hbm4b:s1+s17], $0x80, s16, s17, $0xb8;
	[tilespmem:$0x1EC00] =	vst v63  }
.LBB2_5:
0xed: {  	_ =	sfence.sel $0x180000  }
0xee: {  	[bflag:$0x0] =	sbarrier.arrive $0xFFFF  }
0xef: {  	_ =	strace $0x9000004D  }
0xf0: {  	s0 =	stileid.u32;
	[bflag:$0x2] =	sbarrier.arrive $0xFFFF  }
0xf1: {  	p0 =	sne.s32 s0, $0x0;
	s0 =	rddreg [dreg:$0x4]  }
0xf2: {  	s0 =	sadd.s32 @!p0 $0x100000, s0  }
0xf3: {  	[sflag:s0] =	ssyncadd.tile.s32 @!p0 $0x1;
	_ =	shalt  }
.Lfunc_end2:
_tile_overlayer_lowered:
.L_overlay_start_2:
0xf4: {  	(tag) =	ssettag $0x2  }
0xf5: {  	s0 =	rddreg [dreg:$0x0];
	s2 =	stileid.u32  }
0xf6: {  	s1 =	rddreg [dreg:$0x1];
	p0 =	sne.s32 s2, $0x0  }
0xf7: {  	s3 =	rddreg [dreg:$0x2];
	[bflag:$0x3] =	sbarrier.arrive $0xFFFF;
	s2 =	simm.s32 @!p0 $0x1C07  }
0xf8: {  	[timem:s3], [sflag:s2] =	dma.local @!p0 [hbm:s0], s1  }
0xf9: {  	s0 =	simm.s32 @!p0 $0x7  }
0xfa: {  	_ =	swait.ge @!p0 [sflag:s0], s1  }
0xfb: {  	s1 =	ssub.s32 @!p0 $0x0, s1;
	[sflag:s0] =	ssyncset.done @!p0 $0x0  }
0xfc: {  	[sflag:s0] =	ssyncadd.s32 @!p0 s1  }
0xfd: {  	[bflag:$0x3] =	sbarrier.arrive $0xFFFF  }
0xfe: {  	_ =	shalt  }

// kernel: kernel.8.cloned.1.call-start
scs
__scs_entry_jumppad:
0x0: {  	(pc) =	sbr.rel $0x88, $3  }
0x1: {  	(tag) =	ssettag $0x0;
	lr =	simm.s32 $0x1  }
0x2: {  	[smem:$0x3F89] =	sst lr;
	_ =	strace $0xD0000000  }
0x3: {  	_ = 	snop  }
0x4: {  	_ = 	snop  }
0x5: {  	_ = 	snop  }
0x6: {  	_ = 	snop  }
0x7: {  	_ = 	snop  }
__scs_overlays_trampoline_lowered:
0x8: {  	[smem:$0x3F98] =	sst s0  }
0x9: {  	[smem:$0x3F99] =	sst s1  }
0xa: {  	[smem:$0x3F9A] =	sst s2  }
0xb: {  	[smem:$0x3F9B] =	sst s3  }
0xc: {  	[smem:$0x3F9C] =	sst s4  }
0xd: {  	[smem:$0x3F9D] =	sst s5  }
0xe: {  	[smem:$0x3F9E] =	sst s6  }
0xf: {  	[smem:$0x3F9F] =	sst s7  }
0x10: {  	[smem:$0x3FA0] =	sst s8  }
0x11: {  	[smem:$0x3FA1] =	sst s9;
	s0 =	simm.s32 @!p0 $0x0  }
0x12: {  	s1 =	sld [smem:$0x3F87];
	s0 =	simm.s32 @p0 $0x1  }
0x13: {  	[smem:$0x3FA2] =	sst s0;
	s0 =	simm.s32 @!p1 $0x0  }
0x14: {  	s2 =	sld [smem:$0x3F86];
	s0 =	simm.s32 @p1 $0x1  }
0x15: {  	[smem:$0x3FA3] =	sst s0;
	s0 =	simm.s32 @!p2 $0x0  }
0x16: {  	s3 =	sld [smem:$0x3FDB];
	s0 =	simm.s32 @p2 $0x1  }
0x17: {  	s4 =	simm.s32 $0x1BF5;
	[smem:$0x3FA5] =	sst s0  }
0x18: {  	s0 =	sld [smem:$0x3F88];
	_ =	swait.ge [sflag:s4], $0x0  }
0x19: {  	s7 =	sld [smem:$0x3F89]  }
0x1a: {  	s8 =	sadd.s32 $0xFFFFE003, lr  }
0x1b: {  	s9 =	sadd.s32 $0xFFFFFEF7, lr;
	s5 =	simm.s32 $0xFFFFFFFF;
	p2 =	slt.u32 s8, $0xFFFFF086  }
0x1c: {  	p1 =	slt.u32 s9, $0xF7A;
	s5 =	simm.s32 @!p2 $0x0  }
0x1d: {  	s5 =	simm.s32 @p1 $0x1;
	p0 =	seq.s32 s7, s2  }
0x1e: {  	s7 =	smul.u32 @!p0 $0xF7A, s2;
	p2 =	seq.s32 @!p0 s5, $0x0  }
0x1f: {  	s9 =	smul.u32 $0xF7A, s1;
	s8 =	simm.s32 @!p0 $0x1BF5;
	p2 =	por !p2, p0  }
0x20: {  	[sflag:s8] =	ssyncset.s32 @!p0 $0xFFFFF086;
	s6 =	sadd.s32 @!p0 s3, s7;
	s7 =	simm.s32 @!p0 $0x108  }
0x21: {  	s3 =	sadd.s32 s3, s9;
	s6 =	sadd.s32 @!p0 $0x88, s6;
	s7 =	simm.s32 @p2 $0x1082  }
0x22: {  	[simem:s7], [sflag:s8] =	dma.local @!p0 [hbm:s6], $0xF7A  }
0x23: {  	s9 =	sor.u32 $0xD0000000, s2;
	s6 =	simm.s32 $0x108;
	_ =	swait.ge @!p0 [sflag:s8], $0x0  }
0x24: {  	s3 =	sadd.s32 $0x88, s3;
	s6 =	simm.s32 @!p1 $0x1082;
	[sflag:s4] =	ssyncset.s32 $0xFFFFF086  }
0x25: {  	[simem:s6], [sflag:s4] =	dma.local [hbm:s3], $0xF7A  }
0x26: {  	[smem:$0x3F89] =	sst s1;
	(tag) =	ssettag s2;
	_ =	strace s9  }
0x27: {  	s1 =	sld [smem:$0x3F99]  }
0x28: {  	s2 =	sld [smem:$0x3F9A]  }
0x29: {  	s4 =	sld [smem:$0x3F9C]  }
0x2a: {  	p0 =	seq.s32 s5, $0x0;
	s5 =	sld [smem:$0x3F9D]  }
0x2b: {  	s6 =	sld [smem:$0x3F9E]  }
0x2c: {  	s7 =	sld [smem:$0x3F9F]  }
0x2d: {  	s3 =	simm.s32 $0x108;
	s8 =	sld [smem:$0x3FA0]  }
0x2e: {  	s3 =	simm.s32 @!p0 $0x1082;
	s9 =	sld [smem:$0x3FA1]  }
0x2f: {  	lr =	sadd.s32 s0, s3;
	s0 =	sld [smem:$0x3F98]  }
0x30: {  	s3 =	sld [smem:$0x3F9B]  }
0x31: {  	[smem:$0x3FA4] =	sst s10  }
0x32: {  	s10 =	sld [smem:$0x3FA2];
	_ =	sdelay $0x3  }
0x33: {  	p0 =	seq.s32 s10, $0x1;
	s10 =	sld [smem:$0x3FA4];
	_ =	sdelay $0x3  }
0x34: {  	[smem:$0x3FA4] =	sst s10  }
0x35: {  	s10 =	sld [smem:$0x3FA3];
	_ =	sdelay $0x3  }
0x36: {  	p1 =	seq.s32 s10, $0x1;
	s10 =	sld [smem:$0x3FA4];
	_ =	sdelay $0x3  }
0x37: {  	[smem:$0x3FA4] =	sst s10  }
0x38: {  	s10 =	sld [smem:$0x3FA5]  }
0x39: {  	_ = 	snop;
	(pc) =	sbr.ind lr, $3  }
0x3a: {  	_ = 	snop  }
0x3b: {  	_ = 	snop  }
0x3c: {  	p2 =	seq.s32 s10, $0x1;
	s10 =	sld [smem:$0x3FA4]  }
0x3d: {  	_ =	shalt  }
0x3e: {  	_ =	shalt  }
0x3f: {  	_ =	shalt  }
0x40: {  	_ =	shalt  }
0x41: {  	_ =	shalt  }
0x42: {  	_ =	shalt  }
0x43: {  	_ =	shalt  }
0x44: {  	_ =	shalt  }
0x45: {  	_ =	shalt  }
0x46: {  	_ =	shalt  }
0x47: {  	_ =	shalt  }
0x48: {  	_ =	shalt  }
0x49: {  	_ =	shalt  }
0x4a: {  	_ =	shalt  }
0x4b: {  	_ =	shalt  }
0x4c: {  	_ =	shalt  }
0x4d: {  	_ =	shalt  }
0x4e: {  	_ =	shalt  }
0x4f: {  	_ =	shalt  }
0x50: {  	_ =	shalt  }
0x51: {  	_ =	shalt  }
0x52: {  	_ =	shalt  }
0x53: {  	_ =	shalt  }
0x54: {  	_ =	shalt  }
0x55: {  	_ =	shalt  }
0x56: {  	_ =	shalt  }
0x57: {  	_ =	shalt  }
0x58: {  	_ =	shalt  }
0x59: {  	_ =	shalt  }
0x5a: {  	_ =	shalt  }
0x5b: {  	_ =	shalt  }
0x5c: {  	_ =	shalt  }
0x5d: {  	_ =	shalt  }
0x5e: {  	_ =	shalt  }
0x5f: {  	_ =	shalt  }
0x60: {  	_ =	shalt  }
0x61: {  	_ =	shalt  }
0x62: {  	_ =	shalt  }
0x63: {  	_ =	shalt  }
0x64: {  	_ =	shalt  }
0x65: {  	_ =	shalt  }
0x66: {  	_ =	shalt  }
0x67: {  	_ =	shalt  }
0x68: {  	_ =	shalt  }
0x69: {  	_ =	shalt  }
0x6a: {  	_ =	shalt  }
0x6b: {  	_ =	shalt  }
0x6c: {  	_ =	shalt  }
0x6d: {  	_ =	shalt  }
0x6e: {  	_ =	shalt  }
0x6f: {  	_ =	shalt  }
0x70: {  	_ =	shalt  }
0x71: {  	_ =	shalt  }
0x72: {  	_ =	shalt  }
0x73: {  	_ =	shalt  }
0x74: {  	_ =	shalt  }
0x75: {  	_ =	shalt  }
0x76: {  	_ =	shalt  }
0x77: {  	_ =	shalt  }
0x78: {  	_ =	shalt  }
0x79: {  	_ =	shalt  }
0x7a: {  	_ =	shalt  }
0x7b: {  	_ =	shalt  }
0x7c: {  	_ =	shalt  }
0x7d: {  	_ =	shalt  }
0x7e: {  	_ =	shalt  }
0x7f: {  	_ =	shalt  }
0x80: {  	_ =	shalt  }
0x81: {  	_ =	shalt  }
0x82: {  	_ =	shalt  }
0x83: {  	_ =	shalt  }
0x84: {  	_ =	shalt  }
0x85: {  	_ =	shalt  }
0x86: {  	_ =	shalt  }
0x87: {  	_ =	shalt  }
.Lfunc_end0:
.L_simem_size_0:
called_computation_lowered:
.L_overlay_start_0:
0x88: {  	s2 =	sld [smem:$0x3FD9]  }
0x89: {  	s3 =	sld [smem:$0x3FFE];
	_ =	sdelay $0x1  }
0x8a: {  	s1 =	srdreg.scid  }
0x8b: {  	s0 =	sand.u32 $0x1, s1  }
0x8c: {  	s14 =	sshll.u32 s0, $0xA;
	s2 =	sadd.s32 s3, s2  }
0x8d: {  	s2 =	sadd.s32 s2, s14  }
0x8e: {  	[smem:$0x3FB0] =	sst s2  }
0x8f: {  	_ = 	snop  }
0x90: {  	s2 =	sld [smem:$0x3FD0];
	_ =	sdelay $0x2  }
0x91: {  	s4 =	simm.s32 $0xA;
	s5 =	simm.s32 $0x10;
	s15 =	sld [smem:$0x3FC9]  }
0x92: {  	[smem:s5], [sflag:s4] =	dma.local [hbm:s2], $0x1  }
0x93: {  	_ =	swait.eq [sflag:s4], $0x1  }
0x94: {  	[sflag:s4] =	ssyncset.done $0x0  }
0x95: {  	[sflag:s4] =	ssyncadd.s32 $0xFFFFFFFF  }
0x96: {  	s16 =	sld [smem:$0x10];
	(tm) =	ssettm $0x1  }
0x97: {  	s17 =	sld [smem:$0x3FFB];
	_ =	sdelay $0x3  }
0x98: {  	_ =	strace s17  }
0x99: {  	s4 =	sld [smem:$0x3FFC];
	_ =	sdelay $0x3  }
0x9a: {  	_ =	strace s4  }
0x9b: {  	s4 =	sld [smem:$0x3FFD];
	_ =	sdelay $0x3  }
0x9c: {  	_ =	strace s4  }
0x9d: {  	_ =	strace $0x8FFFFFFF  }
0x9e: {  	s18 =	sld [smem:$0x3FDB];
	_ =	sdelay $0x1  }
0x9f: {  	s19 =	simm.s32 $_scs_section_size  }
0xa0: {  	s6 =	simm.s32 $_size__tile_overlayer_lowered;
	s7 =	simm.s32 $_tile_overlayer_lowered  }
0xa1: {  	s22 =	simm.s32 $0x1BFF;
	s21 =	sshll.u32 s7, $0x1;
	s4 =	sadd.s32 s19, s18  }
0xa2: {  	s8 =	simm.s32 $0x0;
	s20 =	sshll.u32 s6, $0x1;
	s6 =	sadd.s32 s21, s4  }
0xa3: {  	[timem:s8], [sflag:s22] =	dma.local [hbm:s6], s20  }
0xa4: {  	_ =	swait.ge [sflag:s22], s20  }
0xa5: {  	s5 =	ssub.s32 $0x0, s20;
	[sflag:s22] =	ssyncset.done $0x0  }
0xa6: {  	[sflag:s22] =	ssyncadd.s32 s5;
	_ =	sdelay $0x1  }
0xa7: {  	s23 =	simm.s32 $0x1B8B  }
0xa8: {  	_ =	swait.ge [sflag:s23], $0x1  }
0xa9: {  	[sflag:s23] =	ssyncset.done $0x0  }
0xaa: {  	s25 =	simm.s32 $0x1B8E;
	s24 =	sld [smem:$0x3FFE];
	[sflag:s23] =	ssyncadd.s32 $0xFFFFFFFF  }
0xab: {  	s26 =	simm.s32 $execute0_lowered;
	[smem:$0x3FD2] =	sst s25  }
0xac: {  	s6 =	sshll.u32 s26, $0x1;
	_ =	strace $0x80000046;
	[dreg:$0x1] =	wrdreg $0xFFFFFFFF  }
0xad: {  	s28 =	simm.s32 $_size_execute0_lowered;
	s4 =	sadd.s32 s4, s6;
	[dreg:$0x0] =	wrdreg $0x0  }
0xae: {  	s6 =	sshll.u32 s28, $0x1;
	[dreg:$0x2] =	wrdreg s4  }
0xaf: {  	[dreg:$0x3] =	wrdreg s6  }
0xb0: {  	[dreg:$0x4] =	wrdreg $0xC0  }
0xb1: {  	_ =	task [dreg:s8], $0x5FFFF  }
0xb2: {  	[dreg:$0x1] =	wrdreg $0xFFFFFFFF  }
0xb3: {  	[dreg:$0x0] =	wrdreg $0x60  }
0xb4: {  	[dreg:$0x2] =	wrdreg s15  }
0xb5: {  	[dreg:$0x3] =	wrdreg s16  }
0xb6: {  	[dreg:$0x4] =	wrdreg s24  }
0xb7: {  	[dreg:$0x5] =	wrdreg $0xB0000  }
0xb8: {  	[dreg:$0x6] =	wrdreg $0x9  }
0xb9: {  	_ =	task.clear_ibuf [dreg:s8], $0x7FFFF;
	_ =	strace $0x90000046  }
0xba: {  	s29 =	simm.s32 $0x9;
	_ =	strace $0x80000048  }
0xbb: {  	_ =	swait.ge [sflag:s29], $0x1  }
0xbc: {  	[sflag:s29] =	ssyncadd.s32 $0xFFFFFFFF  }
0xbd: {  	_ =	strace $0x90000048  }
0xbe: {  	_ =	sfence  }
0xbf: {  	s30 =	sld [smem:$0x0];
	_ =	sdelay $0x2  }
0xc0: {  	s31 =	sshll.u32 s1, $0xD;
	s1 =	sshrl.u32 s1, $0x2  }
0xc1: {  	s3 =	sand.u32 $0x4000, s31;
	s1 =	sadd.s32 s1, s30  }
0xc2: {  	s0 =	sor.u32 s3, s0;
	s1 =	sshll.u32 s1, $0x11  }
0xc3: {  	s0 =	sor.u32 s1, s0  }
0xc4: {  	s0 =	sadd.s32 $0x8F2B, s0  }
0xc5: {  	[sflag:s0] =	ssyncadd.remote.s32 $0x1  }
0xc6: {  	_ =	sfence.sel $0xFFFF  }
0xc7: {  	[dreg:$0x0] =	wrdreg $0xFFFFFFFF;
	(pc) =	sbr.abs _section_cstart, $3  }
0xc8: {  	[dreg:$0x1] =	wrdreg $0xFFFFFFFF  }
0xc9: {  	_ =	task.clear_ibuf [dreg:s8], $0x2FFFF;
	_ =	strace $0x9FFFFFFF  }
0xca: {  	(tm) =	ssettm $0x7FFFFFFF  }
0xcb: {  	_ =	shalt  }
tec
execute0_lowered:
.L_overlay_start_1:
0x0: {  	(tag) =	ssettag $0x1  }
0x1: {  	s1 =	rddreg [dreg:$0x0]  }
0x2: {  	s11 =	rddreg [dreg:$0x1]  }
0x3: {  	s0 =	srdreg.scid;
	s3 =	rddreg [dreg:$0x2]  }
0x4: {  	s10 =	stileid.u32;
	s4 =	rddreg [dreg:$0x3]  }
0x5: {  	s6 =	simm.s32 $0x0;
	s16 =	simm.s32 $0x7;
	s28 =	simm.s32 $0x9000  }
0x6: {  	s29 =	simm.s32 $0x2;
	s30 =	simm.s32 $0x3;
	s12 =	simm.s32 $0x2F40  }
0x7: {  	s13 =	simm.s32 $0x2F80;
	s14 =	simm.s32 $0x5;
	s5 =	smul.u32 $0x13C00, s10  }
0x8: {  	s0 =	sand.u32 $0x1, s0;
	[smem:$0x7FF] =	sst s6;
	s9 =	smul.u32 $0x4F000, s10  }
0x9: {  	s21 =	smul.u32 $0x2800, s10;
	s22 =	sshll.u32 s10, $0x6;
	s2 =	sshll.u32 s0, $0x4  }
0xa: {  	s17 =	smul.u32 $0x13C000, s0;
	_ =	strace $0x80000047;
	s18 =	ssub.s32 $0x2, s0  }
0xb: {  	s0 =	smul.u32 $0x28000, s0;
	s15 =	sor.u32 $0x1C07, s22;
	s22 =	simm.s32 $0x1  }
0xc: {  	s2 =	sor.u32 s10, s2;
	s7 =	sshrl.u32 s5, $0x3;
	s19 =	sshrl.u32 s18, $0x1  }
0xd: {  	s20 =	sshrl.u32 s9, $0x2;
	s9 =	simm.s32 $0x2E80;
	s10 =	simm.s32 $0x2EC0  }
0xe: {  	[dreg:$0x6] =	wrdreg s15;
	s2 =	smul.u32 $0x2800, s2;
	s7 =	sadd.s32 s7, s3  }
0xf: {  	s5 =	sadd.s32 s5, s17;
	s6 =	sadd.s32 s20, s4;
	s0 =	sadd.s32 s21, s0  }
0x10: {  	s17 =	simm.s32 $0x40;
	s20 =	simm.s32 $0x5000;
	s21 =	simm.s32 $0x2C00  }
0x11: {  	s5 =	sshrl.u32 s5, $0x3;
	s7 =	sadd.s32 $0xEC00, s7;
	s25 =	sor.u32 $0x400, s0  }
0x12: {  	s0 =	sadd.s32 $0x800, s0;
	s2 =	sshrl.u32 s2, $0x3;
	[dreg:$0x5] =	wrdreg s7  }
0x13: {  	[dreg:$0xb] =	wrdreg s0;
	s31 =	sshrl.u32 s25, $0x3;
	s25 =	simm.s32 $0x7000  }
0x14: {  	s7 =	simm.s32 $0x2FC0;
	s8 =	sadd.s32 s2, s3;
	s3 =	sadd.s32 s5, s3  }
0x15: {  	s5 =	ssub.s32 s18, s19;
	s2 =	sadd.s32 s11, s2;
	s0 =	sadd.s32 s31, s11  }
0x16: {  	s18 =	simm.s32 $0x3000;
	s11 =	simm.s32 $0x2F00;
	[dreg:$0x8] =	wrdreg s2  }
.Ltmp0:
0x17: {  	s23 =	sadd.s32 $0x4C00, s8;
	[dreg:$0xc] =	wrdreg s0;
	(pc) =	sbr.rel .LBB2_1-.Ltmp0, $4  }
0x18: {  	s24 =	sadd.s32 $0x36400, s3;
	s26 =	smax.u32 s5, $0x1;
	[dreg:$0x7] =	wrdreg s23  }
0x19: {  	s5 =	sshrl.u32 s6, $0x3;
	s0 =	simm.s32 $0x4;
	[dreg:$0x9] =	wrdreg s24  }
0x1a: {  	s2 =	simm.s32 $0x6;
	s8 =	simm.s32 $0x2E40;
	[dreg:$0xa] =	wrdreg s26  }
0x1b: {  	s6 =	simm.s32 $0x0;
	s23 =	simm.s32 $0x80;
	[dreg:$0xd] =	wrdreg s5  }
.LBB2_4:
0x1c: {  	_ =	swait.ge [sflag:s30], $0x4000  }
0x1d: {  	[sflag:s30] =	ssyncset.done $0x0  }
0x1e: {  	[sflag:s30] =	ssyncadd.s32 $0xFFFFC000  }
0x1f: {  	_ =	swait.ge [sflag:s0], $0x4000  }
0x20: {  	[sflag:s0] =	ssyncset.done $0x0  }
0x21: {  	[sflag:s0] =	ssyncadd.s32 $0xFFFFC000  }
0x22: {  	[bflag:$0x0] =	sbarrier.arrive $0xFFFF  }
0x23: {  	s15 =	rddreg [dreg:$0x6]  }
0x24: {  	s3 =	rddreg [dreg:$0x9]  }
0x25: {  	s16 =	simm.s32 $0x7;
	s5 =	rddreg [dreg:$0xd]  }
0x26: {  	[hbm:s3], [sflag:s15] =	dma.local [spmem:s5], $0x2780  }
0x27: {  	_ =	swait.ge [sflag:s16], $0x2780  }
0x28: {  	s6 =	rddreg [dreg:$0xe]  }
0x29: {  	s31 =	rddreg [dreg:$0xa];
	s6 =	sadd.s32 $0x1, s6  }
0x2a: {  	p0 =	sne.s32 s6, s31  }
.Ltmp1:
0x2b: {  	_ = 	snop;
	(pc) =	sbr.rel @!p0 .LBB2_5-.Ltmp1, $3  }
0x2c: {  	_ =	sdelay $0x1  }
0x2d: {  	[sflag:s16] =	ssyncset.done $0x0  }
0x2e: {  	[sflag:s16] =	ssyncadd.s32 $0xFFFFD880  }
.LBB2_1:
0x2f: {  	[dreg:$0xe] =	wrdreg s6  }
0x30: {  	s3 =	rddreg [dreg:$0x5]  }
0x31: {  	[spmem:s5], [sflag:s15] =	dma.local [hbm:s3], $0x2780  }
0x32: {  	_ =	swait.ge [sflag:s16], $0x2780  }
0x33: {  	[sflag:s16] =	ssyncset.done $0x0  }
0x34: {  	s15 =	simm.s32 $0x0;
	s24 =	rddreg [dreg:$0x7];
	[sflag:s16] =	ssyncadd.s32 $0xFFFFD880  }
0x35: {  	[tilespmem:s15], [sflag:$0x7] =	stream.linear.gather [hbm4b:s24+s15], $0x2800, $0x38;
	[tilespmem:$0x1EC00] =	vst v63  }
0x36: {  	_ =	swait.ge [sflag:s16], $0x2800  }
0x37: {  	[sflag:s16] =	ssyncset.done $0x0  }
0x38: {  	s19 =	simm.s32 $0x2800;
	s26 =	rddreg [dreg:$0x8];
	[sflag:s16] =	ssyncadd.s32 $0xFFFFD800  }
0x39: {  	[tilespmem:s19], [sflag:$0x7] =	stream.linear.gather [hbm4b:s26+s15], $0x400, $0x38;
	[tilespmem:$0x1EC00] =	vst v63  }
0x3a: {  	_ =	swait.ge [sflag:s16], $0x400  }
0x3b: {  	[sflag:s16] =	ssyncset.done $0x0  }
0x3c: {  	[sflag:s16] =	ssyncadd.s32 $0xFFFFFC00  }
0x3d: {  	[bflag:$0x0] =	sbarrier.arrive $0xFFFF  }
0x3e: {  	[tilespmem:s18], [sflag:$0x1] =	stream.indirect.gather [hbm4b:s1+s17], $0x80, s19, s17, $0xb8;
	[tilespmem:$0x1EC00] =	vst v63  }
0x3f: {  	s6 =	simm.s32 $0x2800;
	s31 =	simm.s32 $0x2840;
	s15 =	rddreg [dreg:$0xc]  }
0x40: {  	s3 =	simm.s32 $0x0;
	s5 =	rddreg [dreg:$0xb];
	s19 =	simm.s32 $0x0  }
0x41: {  	[tilespmem:s20], [sflag:$0x1] =	stream.indirect.gather [hbm4b:s1+s17], $0x80, s31, s17, $0xb8;
	[tilespmem:$0x1EC00] =	vst v63  }
.LBB2_2:
0x42: {  	[tilespmem:s21], [sflag:$0x6] =	stream.linear.gather [hbm4b:s15+s3], $0x400, $0x38;
	[tilespmem:$0x1EC00] =	vst v63  }
0x43: {  	_ =	swait.ge [sflag:s22], $0x4000  }
0x44: {  	p0 =	seq.s32 s19, $0x0;
	[sflag:s22] =	ssyncset.done $0x0  }
0x45: {  	s24 =	sshra.s32 s19, $0x2;
	s16 =	simm.s32 @!p0 $0x4;
	[sflag:s22] =	ssyncadd.s32 $0xFFFFC000  }
0x46: {  	[spmem:s4] =	stream.indirect.scatter.add.f32 [tilespmem:s18], [sflag:$0x3], $0x80, s24, s23, $0xb8;
	[tilespmem:$0x1EC00] =	vst v63  }
0x47: {  	_ =	swait.ge @!p0 [sflag:s16], $0x4000  }
0x48: {  	[sflag:s16] =	ssyncset.done @!p0 $0x0  }
0x49: {  	s31 =	simm.s32 $0x2880;
	[sflag:s16] =	ssyncadd.s32 @!p0 $0xFFFFC000  }
0x4a: {  	[tilespmem:s25], [sflag:$0x2] =	stream.indirect.gather [hbm4b:s1+s17], $0x80, s31, s17, $0xb8;
	[tilespmem:$0x1EC00] =	vst v63  }
0x4b: {  	s26 =	simm.s32 $0x28C0  }
0x4c: {  	[tilespmem:s28], [sflag:$0x2] =	stream.indirect.gather [hbm4b:s1+s17], $0x80, s26, s17, $0xb8;
	[tilespmem:$0x1EC00] =	vst v63  }
0x4d: {  	_ =	swait.ge [sflag:s29], $0x4000  }
0x4e: {  	[sflag:s29] =	ssyncset.done $0x0  }
0x4f: {  	s31 =	sadd.s32 $0x80, s24;
	[sflag:s29] =	ssyncadd.s32 $0xFFFFC000  }
0x50: {  	[spmem:s4] =	stream.indirect.scatter.add.f32 [tilespmem:s25], [sflag:$0x4], $0x80, s31, s23, $0xb8;
	[tilespmem:$0x1EC00] =	vst v63  }
0x51: {  	_ =	swait.ge [sflag:s30], $0x4000  }
0x52: {  	[sflag:s30] =	ssyncset.done $0x0  }
0x53: {  	s26 =	simm.s32 $0x2900;
	[sflag:s30] =	ssyncadd.s32 $0xFFFFC000  }
0x54: {  	[tilespmem:s18], [sflag:$0x1] =	stream.indirect.gather [hbm4b:s1+s17], $0x80, s26, s17, $0xb8;
	[tilespmem:$0x1EC00] =	vst v63  }
0x55: {  	s31 =	simm.s32 $0x2940  }
0x56: {  	[tilespmem:s20], [sflag:$0x1] =	stream.indirect.gather [hbm4b:s1+s17], $0x80, s31, s17, $0xb8;
	[tilespmem:$0x1EC00] =	vst v63  }
0x57: {  	_ =	swait.ge [sflag:s22], $0x4000  }
0x58: {  	[sflag:s22] =	ssyncset.done $0x0  }
0x59: {  	s26 =	sadd.s32 $0x100, s24;
	[sflag:s22] =	ssyncadd.s32 $0xFFFFC000  }
0x5a: {  	[spmem:s4] =	stream.indirect.scatter.add.f32 [tilespmem:s18], [sflag:$0x3], $0x80, s26, s23, $0xb8;
	[tilespmem:$0x1EC00] =	vst v63  }
0x5b: {  	_ =	swait.ge [sflag:s0], $0x4000  }
0x5c: {  	[sflag:s0] =	ssyncset.done $0x0  }
0x5d: {  	s31 =	simm.s32 $0x2980;
	[sflag:s0] =	ssyncadd.s32 $0xFFFFC000  }
0x5e: {  	[tilespmem:s25], [sflag:$0x2] =	stream.indirect.gather [hbm4b:s1+s17], $0x80, s31, s17, $0xb8;
	[tilespmem:$0x1EC00] =	vst v63  }
0x5f: {  	s26 =	simm.s32 $0x29C0  }
0x60: {  	[tilespmem:s28], [sflag:$0x2] =	stream.indirect.gather [hbm4b:s1+s17], $0x80, s26, s17, $0xb8;
	[tilespmem:$0x1EC00] =	vst v63  }
0x61: {  	_ =	swait.ge [sflag:s29], $0x4000  }
0x62: {  	[sflag:s29] =	ssyncset.done $0x0  }
0x63: {  	s31 =	sadd.s32 $0x180, s24;
	[sflag:s29] =	ssyncadd.s32 $0xFFFFC000  }
0x64: {  	[spmem:s4] =	stream.indirect.scatter.add.f32 [tilespmem:s25], [sflag:$0x4], $0x80, s31, s23, $0xb8;
	[tilespmem:$0x1EC00] =	vst v63  }
0x65: {  	_ =	swait.ge [sflag:s30], $0x4000  }
0x66: {  	[sflag:s30] =	ssyncset.done $0x0  }
0x67: {  	s26 =	simm.s32 $0x2A00;
	[sflag:s30] =	ssyncadd.s32 $0xFFFFC000  }
0x68: {  	[tilespmem:s18], [sflag:$0x1] =	stream.indirect.gather [hbm4b:s1+s17], $0x80, s26, s17, $0xb8;
	[tilespmem:$0x1EC00] =	vst v63  }
0x69: {  	s31 =	simm.s32 $0x2A40  }
0x6a: {  	[tilespmem:s20], [sflag:$0x1] =	stream.indirect.gather [hbm4b:s1+s17], $0x80, s31, s17, $0xb8;
	[tilespmem:$0x1EC00] =	vst v63  }
0x6b: {  	_ =	swait.ge [sflag:s22], $0x4000  }
0x6c: {  	[sflag:s22] =	ssyncset.done $0x0  }
0x6d: {  	s26 =	sadd.s32 $0x200, s24;
	[sflag:s22] =	ssyncadd.s32 $0xFFFFC000  }
0x6e: {  	[spmem:s4] =	stream.indirect.scatter.add.f32 [tilespmem:s18], [sflag:$0x3], $0x80, s26, s23, $0xb8;
	[tilespmem:$0x1EC00] =	vst v63  }
0x6f: {  	_ =	swait.ge [sflag:s0], $0x4000  }
0x70: {  	[sflag:s0] =	ssyncset.done $0x0  }
0x71: {  	s31 =	simm.s32 $0x2A80;
	[sflag:s0] =	ssyncadd.s32 $0xFFFFC000  }
0x72: {  	[tilespmem:s25], [sflag:$0x2] =	stream.indirect.gather [hbm4b:s1+s17], $0x80, s31, s17, $0xb8;
	[tilespmem:$0x1EC00] =	vst v63  }
0x73: {  	s26 =	simm.s32 $0x2AC0  }
0x74: {  	[tilespmem:s28], [sflag:$0x2] =	stream.indirect.gather [hbm4b:s1+s17], $0x80, s26, s17, $0xb8;
	[tilespmem:$0x1EC00] =	vst v63  }
0x75: {  	_ =	swait.ge [sflag:s29], $0x4000  }
0x76: {  	[sflag:s29] =	ssyncset.done $0x0  }
0x77: {  	s31 =	sadd.s32 $0x280, s24;
	[sflag:s29] =	ssyncadd.s32 $0xFFFFC000  }
0x78: {  	[spmem:s4] =	stream.indirect.scatter.add.f32 [tilespmem:s25], [sflag:$0x4], $0x80, s31, s23, $0xb8;
	[tilespmem:$0x1EC00] =	vst v63  }
0x79: {  	_ =	swait.ge [sflag:s30], $0x4000  }
0x7a: {  	[sflag:s30] =	ssyncset.done $0x0  }
0x7b: {  	s26 =	simm.s32 $0x2B00;
	[sflag:s30] =	ssyncadd.s32 $0xFFFFC000  }
0x7c: {  	[tilespmem:s18], [sflag:$0x1] =	stream.indirect.gather [hbm4b:s1+s17], $0x80, s26, s17, $0xb8;
	[tilespmem:$0x1EC00] =	vst v63  }
0x7d: {  	s31 =	simm.s32 $0x2B40  }
0x7e: {  	[tilespmem:s20], [sflag:$0x1] =	stream.indirect.gather [hbm4b:s1+s17], $0x80, s31, s17, $0xb8;
	[tilespmem:$0x1EC00] =	vst v63  }
0x7f: {  	_ =	swait.ge [sflag:s22], $0x4000  }
0x80: {  	[sflag:s22] =	ssyncset.done $0x0  }
0x81: {  	s26 =	sadd.s32 $0x300, s24;
	[sflag:s22] =	ssyncadd.s32 $0xFFFFC000  }
0x82: {  	[spmem:s4] =	stream.indirect.scatter.add.f32 [tilespmem:s18], [sflag:$0x3], $0x80, s26, s23, $0xb8;
	[tilespmem:$0x1EC00] =	vst v63  }
0x83: {  	_ =	swait.ge [sflag:s0], $0x4000  }
0x84: {  	[sflag:s0] =	ssyncset.done $0x0  }
0x85: {  	s31 =	simm.s32 $0x2B80;
	[sflag:s0] =	ssyncadd.s32 $0xFFFFC000  }
0x86: {  	[tilespmem:s25], [sflag:$0x2] =	stream.indirect.gather [hbm4b:s1+s17], $0x80, s31, s17, $0xb8;
	[tilespmem:$0x1EC00] =	vst v63  }
0x87: {  	s26 =	simm.s32 $0x2BC0  }
0x88: {  	[tilespmem:s28], [sflag:$0x2] =	stream.indirect.gather [hbm4b:s1+s17], $0x80, s26, s17, $0xb8;
	[tilespmem:$0x1EC00] =	vst v63  }
0x89: {  	_ =	swait.ge [sflag:s29], $0x4000  }
0x8a: {  	[sflag:s29] =	ssyncset.done $0x0  }
0x8b: {  	s31 =	sadd.s32 $0x380, s24;
	[sflag:s29] =	ssyncadd.s32 $0xFFFFC000  }
0x8c: {  	[spmem:s4] =	stream.indirect.scatter.add.f32 [tilespmem:s25], [sflag:$0x4], $0x80, s31, s23, $0xb8;
	[tilespmem:$0x1EC00] =	vst v63  }
0x8d: {  	_ =	swait.ge [sflag:s2], $0x400  }
0x8e: {  	[sflag:s2] =	ssyncset.done $0x0  }
0x8f: {  	[sflag:s2] =	ssyncadd.s32 $0xFFFFFC00  }
0x90: {  	_ =	swait.ge [sflag:s30], $0x4000  }
0x91: {  	[sflag:s30] =	ssyncset.done $0x0  }
0x92: {  	[sflag:s30] =	ssyncadd.s32 $0xFFFFC000  }
0x93: {  	[tilespmem:s18], [sflag:$0x1] =	stream.indirect.gather [hbm4b:s1+s17], $0x80, s21, s17, $0xb8;
	[tilespmem:$0x1EC00] =	vst v63  }
0x94: {  	p0 =	seq.s32 s19, $0x8000;
	s26 =	simm.s32 $0x2C40  }
0x95: {  	[tilespmem:s20], [sflag:$0x1] =	stream.indirect.gather [hbm4b:s1+s17], $0x80, s26, s17, $0xb8;
	[tilespmem:$0x1EC00] =	vst v63  }
0x96: {  	s16 =	sshrl.u32 @!p0 s5, $0x3;
	s26 =	rddreg [dreg:$0x1]  }
0x97: {  	s31 =	simm.s32 @!p0 $0x2800;
	s16 =	sadd.s32 @!p0 s26, s16;
	s26 =	simm.s32 @!p0 $0x0  }
0x98: {  	[tilespmem:s31], [sflag:$0x5] =	stream.linear.gather @!p0 [hbm4b:s16+s26], $0x400, $0x38;
	[tilespmem:$0x1EC00] =	vst v63  }
0x99: {  	_ =	swait.ge [sflag:s22], $0x4000  }
0x9a: {  	[sflag:s22] =	ssyncset.done $0x0  }
0x9b: {  	s31 =	sadd.s32 $0x400, s24;
	[sflag:s22] =	ssyncadd.s32 $0xFFFFC000  }
0x9c: {  	[spmem:s4] =	stream.indirect.scatter.add.f32 [tilespmem:s18], [sflag:$0x3], $0x80, s31, s23, $0xb8;
	[tilespmem:$0x1EC00] =	vst v63  }
0x9d: {  	_ =	swait.ge [sflag:s0], $0x4000  }
0x9e: {  	[sflag:s0] =	ssyncset.done $0x0  }
0x9f: {  	s26 =	simm.s32 $0x2C80;
	[sflag:s0] =	ssyncadd.s32 $0xFFFFC000  }
0xa0: {  	[tilespmem:s25], [sflag:$0x2] =	stream.indirect.gather [hbm4b:s1+s17], $0x80, s26, s17, $0xb8;
	[tilespmem:$0x1EC00] =	vst v63  }
0xa1: {  	s31 =	simm.s32 $0x2CC0  }
0xa2: {  	[tilespmem:s28], [sflag:$0x2] =	stream.indirect.gather [hbm4b:s1+s17], $0x80, s31, s17, $0xb8;
	[tilespmem:$0x1EC00] =	vst v63  }
0xa3: {  	_ =	swait.ge [sflag:s29], $0x4000  }
0xa4: {  	[sflag:s29] =	ssyncset.done $0x0  }
0xa5: {  	s26 =	sadd.s32 $0x480, s24;
	[sflag:s29] =	ssyncadd.s32 $0xFFFFC000  }
0xa6: {  	[spmem:s4] =	stream.indirect.scatter.add.f32 [tilespmem:s25], [sflag:$0x4], $0x80, s26, s23, $0xb8;
	[tilespmem:$0x1EC00] =	vst v63  }
0xa7: {  	_ =	swait.ge [sflag:s30], $0x4000  }
0xa8: {  	[sflag:s30] =	ssyncset.done $0x0  }
0xa9: {  	s31 =	simm.s32 $0x2D00;
	[sflag:s30] =	ssyncadd.s32 $0xFFFFC000  }
0xaa: {  	[tilespmem:s18], [sflag:$0x1] =	stream.indirect.gather [hbm4b:s1+s17], $0x80, s31, s17, $0xb8;
	[tilespmem:$0x1EC00] =	vst v63  }
0xab: {  	s26 =	simm.s32 $0x2D40  }
0xac: {  	[tilespmem:s20], [sflag:$0x1] =	stream.indirect.gather [hbm4b:s1+s17], $0x80, s26, s17, $0xb8;
	[tilespmem:$0x1EC00] =	vst v63  }
0xad: {  	_ =	swait.ge [sflag:s22], $0x4000  }
0xae: {  	[sflag:s22] =	ssyncset.done $0x0  }
0xaf: {  	s31 =	sadd.s32 $0x500, s24;
	[sflag:s22] =	ssyncadd.s32 $0xFFFFC000  }
0xb0: {  	[spmem:s4] =	stream.indirect.scatter.add.f32 [tilespmem:s18], [sflag:$0x3], $0x80, s31, s23, $0xb8;
	[tilespmem:$0x1EC00] =	vst v63  }
0xb1: {  	_ =	swait.ge [sflag:s0], $0x4000  }
0xb2: {  	[sflag:s0] =	ssyncset.done $0x0  }
0xb3: {  	s26 =	simm.s32 $0x2D80;
	[sflag:s0] =	ssyncadd.s32 $0xFFFFC000  }
0xb4: {  	[tilespmem:s25], [sflag:$0x2] =	stream.indirect.gather [hbm4b:s1+s17], $0x80, s26, s17, $0xb8;
	[tilespmem:$0x1EC00] =	vst v63  }
0xb5: {  	s31 =	simm.s32 $0x2DC0  }
0xb6: {  	[tilespmem:s28], [sflag:$0x2] =	stream.indirect.gather [hbm4b:s1+s17], $0x80, s31, s17, $0xb8;
	[tilespmem:$0x1EC00] =	vst v63  }
0xb7: {  	_ =	swait.ge [sflag:s29], $0x4000  }
0xb8: {  	[sflag:s29] =	ssyncset.done $0x0  }
0xb9: {  	s26 =	sadd.s32 $0x580, s24;
	[sflag:s29] =	ssyncadd.s32 $0xFFFFC000  }
0xba: {  	[spmem:s4] =	stream.indirect.scatter.add.f32 [tilespmem:s25], [sflag:$0x4], $0x80, s26, s23, $0xb8;
	[tilespmem:$0x1EC00] =	vst v63  }
0xbb: {  	_ =	swait.ge [sflag:s30], $0x4000  }
0xbc: {  	[sflag:s30] =	ssyncset.done $0x0  }
0xbd: {  	s31 =	simm.s32 $0x2E00;
	[sflag:s30] =	ssyncadd.s32 $0xFFFFC000  }
0xbe: {  	[tilespmem:s18], [sflag:$0x1] =	stream.indirect.gather [hbm4b:s1+s17], $0x80, s31, s17, $0xb8;
	[tilespmem:$0x1EC00] =	vst v63  }
0xbf: {  	_ = 	snop  }
0xc0: {  	[tilespmem:s20], [sflag:$0x1] =	stream.indirect.gather [hbm4b:s1+s17], $0x80, s8, s17, $0xb8;
	[tilespmem:$0x1EC00] =	vst v63  }
0xc1: {  	_ =	swait.ge [sflag:s22], $0x4000  }
0xc2: {  	[sflag:s22] =	ssyncset.done $0x0  }
0xc3: {  	s26 =	sadd.s32 $0x600, s24;
	[sflag:s22] =	ssyncadd.s32 $0xFFFFC000  }
0xc4: {  	[spmem:s4] =	stream.indirect.scatter.add.f32 [tilespmem:s18], [sflag:$0x3], $0x80, s26, s23, $0xb8;
	[tilespmem:$0x1EC00] =	vst v63  }
0xc5: {  	_ =	swait.ge [sflag:s0], $0x4000  }
0xc6: {  	[sflag:s0] =	ssyncset.done $0x0  }
0xc7: {  	[sflag:s0] =	ssyncadd.s32 $0xFFFFC000  }
0xc8: {  	[tilespmem:s25], [sflag:$0x2] =	stream.indirect.gather [hbm4b:s1+s17], $0x80, s9, s17, $0xb8;
	[tilespmem:$0x1EC00] =	vst v63  }
0xc9: {  	_ = 	snop  }
0xca: {  	[tilespmem:s28], [sflag:$0x2] =	stream.indirect.gather [hbm4b:s1+s17], $0x80, s10, s17, $0xb8;
	[tilespmem:$0x1EC00] =	vst v63  }
0xcb: {  	_ =	swait.ge [sflag:s29], $0x4000  }
0xcc: {  	[sflag:s29] =	ssyncset.done $0x0  }
0xcd: {  	s31 =	sadd.s32 $0x680, s24;
	[sflag:s29] =	ssyncadd.s32 $0xFFFFC000  }
0xce: {  	[spmem:s4] =	stream.indirect.scatter.add.f32 [tilespmem:s25], [sflag:$0x4], $0x80, s31, s23, $0xb8;
	[tilespmem:$0x1EC00] =	vst v63  }
0xcf: {  	_ =	swait.ge [sflag:s30], $0x4000  }
0xd0: {  	[sflag:s30] =	ssyncset.done $0x0  }
0xd1: {  	[sflag:s30] =	ssyncadd.s32 $0xFFFFC000  }
0xd2: {  	[tilespmem:s18], [sflag:$0x1] =	stream.indirect.gather [hbm4b:s1+s17], $0x80, s11, s17, $0xb8;
	[tilespmem:$0x1EC00] =	vst v63  }
0xd3: {  	_ = 	snop  }
0xd4: {  	[tilespmem:s20], [sflag:$0x1] =	stream.indirect.gather [hbm4b:s1+s17], $0x80, s12, s17, $0xb8;
	[tilespmem:$0x1EC00] =	vst v63  }
0xd5: {  	_ =	swait.ge [sflag:s22], $0x4000  }
0xd6: {  	[sflag:s22] =	ssyncset.done $0x0  }
0xd7: {  	s26 =	sadd.s32 $0x700, s24;
	[sflag:s22] =	ssyncadd.s32 $0xFFFFC000  }
0xd8: {  	[spmem:s4] =	stream.indirect.scatter.add.f32 [tilespmem:s18], [sflag:$0x3], $0x80, s26, s23, $0xb8;
	[tilespmem:$0x1EC00] =	vst v63  }
0xd9: {  	_ =	swait.ge [sflag:s0], $0x4000  }
0xda: {  	[sflag:s0] =	ssyncset.done $0x0  }
0xdb: {  	[sflag:s0] =	ssyncadd.s32 $0xFFFFC000  }
0xdc: {  	[tilespmem:s25], [sflag:$0x2] =	stream.indirect.gather [hbm4b:s1+s17], $0x80, s13, s17, $0xb8;
	[tilespmem:$0x1EC00] =	vst v63  }
0xdd: {  	_ = 	snop  }
0xde: {  	[tilespmem:s28], [sflag:$0x2] =	stream.indirect.gather [hbm4b:s1+s17], $0x80, s7, s17, $0xb8;
	[tilespmem:$0x1EC00] =	vst v63  }
.Ltmp2:
0xdf: {  	_ = 	snop;
	(pc) =	sbr.rel @p0 .LBB2_4-.Ltmp2, $4  }
0xe0: {  	_ =	swait.ge [sflag:s29], $0x4000  }
0xe1: {  	[sflag:s29] =	ssyncset.done $0x0  }
0xe2: {  	s31 =	sadd.s32 $0x780, s24;
	[sflag:s29] =	ssyncadd.s32 $0xFFFFC000  }
0xe3: {  	[spmem:s4] =	stream.indirect.scatter.add.f32 [tilespmem:s25], [sflag:$0x4], $0x80, s31, s23, $0xb8;
	[tilespmem:$0x1EC00] =	vst v63  }
0xe4: {  	_ =	swait.ge [sflag:s14], $0x400  }
0xe5: {  	[sflag:s14] =	ssyncset.done $0x0  }
0xe6: {  	[sflag:s14] =	ssyncadd.s32 $0xFFFFFC00  }
0xe7: {  	_ =	swait.ge [sflag:s30], $0x4000  }
.Ltmp3:
0xe8: {  	[sflag:s30] =	ssyncset.done $0x0;
	(pc) =	sbr.rel .LBB2_2-.Ltmp3, $4  }
0xe9: {  	s16 =	simm.s32 $0x2840;
	[sflag:s30] =	ssyncadd.s32 $0xFFFFC000  }
0xea: {  	[tilespmem:s18], [sflag:$0x1] =	stream.indirect.gather [hbm4b:s1+s17], $0x80, s6, s17, $0xb8;
	[tilespmem:$0x1EC00] =	vst v63  }
0xeb: {  	s19 =	sadd.s32 $0x2000, s19;
	s5 =	sadd.s32 $0x800, s5;
	s15 =	sadd.s32 $0x100, s15  }
0xec: {  	[tilespmem:s20], [sflag:$0x1] =	stream.indirect.gather [hbm4b:s1+s17], $0x80, s16, s17, $0xb8;
	[tilespmem:$0x1EC00] =	vst v63  }
.LBB2_5:
0xed: {  	_ =	sfence.sel $0x180000  }
0xee: {  	[bflag:$0x0] =	sbarrier.arrive $0xFFFF  }
0xef: {  	_ =	strace $0x90000047  }
0xf0: {  	s0 =	stileid.u32;
	[bflag:$0x2] =	sbarrier.arrive $0xFFFF  }
0xf1: {  	p0 =	sne.s32 s0, $0x0;
	s0 =	rddreg [dreg:$0x4]  }
0xf2: {  	s0 =	sadd.s32 @!p0 $0x100000, s0  }
0xf3: {  	[sflag:s0] =	ssyncadd.tile.s32 @!p0 $0x1;
	_ =	shalt  }
.Lfunc_end2:
_tile_overlayer_lowered:
.L_overlay_start_2:
0xf4: {  	(tag) =	ssettag $0x2  }
0xf5: {  	s0 =	rddreg [dreg:$0x0];
	s2 =	stileid.u32  }
0xf6: {  	s1 =	rddreg [dreg:$0x1];
	p0 =	sne.s32 s2, $0x0  }
0xf7: {  	s3 =	rddreg [dreg:$0x2];
	[bflag:$0x3] =	sbarrier.arrive $0xFFFF;
	s2 =	simm.s32 @!p0 $0x1C07  }
0xf8: {  	[timem:s3], [sflag:s2] =	dma.local @!p0 [hbm:s0], s1  }
0xf9: {  	s0 =	simm.s32 @!p0 $0x7  }
0xfa: {  	_ =	swait.ge @!p0 [sflag:s0], s1  }
0xfb: {  	s1 =	ssub.s32 @!p0 $0x0, s1;
	[sflag:s0] =	ssyncset.done @!p0 $0x0  }
0xfc: {  	[sflag:s0] =	ssyncadd.s32 @!p0 s1  }
0xfd: {  	[bflag:$0x3] =	sbarrier.arrive $0xFFFF  }
0xfe: {  	_ =	shalt  }

</sc_bundles>
